<compile_context>
chip_gen: v7x
topology: tpu7x:2x2x1
jax: 0.10.2.dev20260603
libtpu: 0.0.44.dev20260713+nightly
codegen_flags: <defaults>
</compile_context>

<pallas_src>
import functools

import jax
import jax.numpy as jnp
from jax import lax
from jax.experimental import pallas as pl
from jax.experimental.pallas import tpu as pltpu
from jax.experimental.pallas import tpu_sc as plsc

C = 10
D = 1000
B = 4096
THRESHOLD = 0.95

NC, NS = 2, 16
NW = NC * NS
RPW = B // NW
NBLK = RPW // 16
DFULL = D // 16
DTAIL = D - DFULL * 16
HROWS = C + 1
LN2 = 0.6931471805599453
STRIDE = 2 * C + 1

_mesh = plsc.VectorSubcoreMesh(
    core_axis_name="c", subcore_axis_name="s", num_cores=NC, num_subcores=NS
)


def _ln(x):
    bits = plsc.bitcast(x, jnp.int32)
    y = bits.astype(jnp.float32) * (LN2 * 2.0**-23) - 126.94269504 * LN2
    y = y + x * jnp.exp(-y) - 1.0
    return y


@functools.partial(
    pl.kernel,
    out_type=jax.ShapeDtypeStruct((NW, 16), jnp.float32),
    mesh=_mesh,
    compiler_params=pltpu.CompilerParams(needs_layout_passes=False),
    scratch_types=[
        pltpu.VMEM((RPW * STRIDE,), jnp.float32),
        pltpu.VMEM((RPW,), jnp.int32),
        pltpu.VMEM((DFULL * 16 + 16,), jnp.int32),
        pltpu.VMEM((DFULL * 16 + 16,), jnp.int32),
        pltpu.VMEM((C, C), jnp.float32),
        pltpu.VMEM((HROWS * 16,), jnp.float32),
        pltpu.VMEM((C * 16,), jnp.float32),
        pltpu.VMEM((16,), jnp.float32),
        pltpu.VMEM((16,), jnp.float32),
        pltpu.SemaphoreType.DMA,
    ],
)
def _sc_loss(lg_hbm, yn_hbm, yh_hbm, yt_hbm, t_hbm, out_hbm,
             lg_v, yn_v, yh_v, yt_v, t_v, hist_v, alpha_v, gamma_v,
             acc_v, sem):
    w = lax.axis_index("s") * NC + lax.axis_index("c")
    rbase = w * RPW
    cp_yh = pltpu.async_copy(yh_hbm, yh_v.at[pl.ds(0, D)], sem)
    cp_yt = pltpu.async_copy(yt_hbm, yt_v.at[pl.ds(0, D)], sem)
    cp_t = pltpu.async_copy(t_hbm, t_v, sem)
    cp_lg = pltpu.async_copy(lg_hbm.at[pl.ds(rbase * STRIDE, RPW * STRIDE)],
                             lg_v, sem)
    cp_yn = pltpu.async_copy(yn_hbm.at[pl.ds(rbase, RPW)], yn_v, sem)

    zeros16 = jnp.zeros((16,), jnp.float32)
    ones16 = jnp.ones((16,), jnp.float32)
    iota = lax.iota(jnp.int32, 16)

    for j in range(HROWS):
        hist_v[pl.ds(j * 16, 16)] = zeros16
    cp_yh.wait()
    cp_yt.wait()
    for i in range(DFULL + 1):
        yh = yh_v[pl.ds(i * 16, 16)]
        yt = yt_v[pl.ds(i * 16, 16)]
        if i < DFULL:
            plsc.addupdate_scatter(hist_v, [yh * 16 + yt], ones16)
        else:
            plsc.addupdate_scatter(hist_v, [yh * 16 + yt], ones16,
                                   mask=iota < DTAIL)

    h_rows = [hist_v[pl.ds(i * 16, 16)] for i in range(HROWS)]
    p_vec = h_rows[0]
    for i in range(1, HROWS):
        p_vec = p_vec + h_rows[i]
    p_vec = p_vec * (1.0 / D)
    add_term = (h_rows[C] + p_vec) * p_vec

    s_vec = jnp.full((16,), 1.0, jnp.float32)
    r_vec = zeros16
    m_rows = []
    for i in range(C):
        m_i = h_rows[i] + add_term
        m_rows.append(m_i)
        s_vec = jnp.where(iota == i, jnp.sum(m_i), s_vec)
        r_vec = jnp.where(iota == i, jnp.sum(h_rows[i]), r_vec)
    r_vec = jnp.where(iota == C, jnp.sum(h_rows[C]), r_vec)

    beta = r_vec / jnp.max(r_vec)
    gamma_v[...] = (THRESHOLD * beta) / (2.0 - beta)

    cp_t.wait()
    col9 = jnp.minimum(iota, C - 1)
    for i in range(C):
        t_i = plsc.load_gather(t_v, [jnp.full((16,), i, jnp.int32), col9])
        m_safe = jnp.where(iota < C, m_rows[i], 1.0)
        alpha_v[pl.ds(i * 16, 16)] = t_i * s_vec / m_safe

    cp_lg.wait()
    cp_yn.wait()

    acc = zeros16
    for k in range(NBLK):
        base = k * 16
        yn = yn_v[pl.ds(base, 16)]
        rows21 = (base + iota) * STRIDE
        lw = [plsc.load_gather(lg_v, [rows21 + c]) for c in range(C)]
        mw = lw[0]
        for c in range(1, C):
            mw = jnp.maximum(mw, lw[c])
        q0 = jnp.exp(lw[0] - mw) * plsc.load_gather(alpha_v, [yn])
        q_best, t_best, q_sum = q0, jnp.zeros((16,), jnp.int32), q0
        for c in range(1, C):
            q = jnp.exp(lw[c] - mw) * plsc.load_gather(alpha_v, [yn + c * 16])
            gt = q > q_best
            q_best = jnp.where(gt, q, q_best)
            t_best = jnp.where(gt, c, t_best)
            q_sum = q_sum + q
        max_p = q_best / q_sum
        msk = max_p > plsc.load_gather(gamma_v, [t_best])

        ls = [plsc.load_gather(lg_v, [rows21 + (C + c)]) for c in range(C)]
        ms = ls[0]
        for c in range(1, C):
            ms = jnp.maximum(ms, ls[c])
        se = jnp.exp(ls[0] - ms)
        for c in range(1, C):
            se = se + jnp.exp(ls[c] - ms)
        ls_t = plsc.load_gather(lg_v, [rows21 + C + t_best])
        ce = ms + _ln(se) - ls_t
        acc = acc + jnp.where(msk, ce, 0.0)

    acc_v[...] = acc
    pltpu.sync_copy(acc_v, out_hbm.at[w])


def kernel(logits_s, logits_w, y_noisy, idx, y_hat_state, y_tilde, T, P_y):
    del idx
    del P_y
    lg = jnp.pad(jnp.concatenate([logits_w, logits_s], axis=1),
                 ((0, 0), (0, 1))).reshape(-1)
    out = _sc_loss(lg, y_noisy, y_hat_state, y_tilde, T)
    return jnp.sum(out) / B

# --- scband reference (transcript-rebuilt; emitter-appended) ---
"""Pipeline reference for scband-noisy-flex-match-cross-entropy-63969242907263 (READ-ONLY COPY).

The authoritative reference and input builder live on the scoring server;
editing this copy changes nothing except your own understanding.
"""

import jax, jax.numpy as jnp
import numpy as np

C = 10
D = 1000
B = 4096
THRESHOLD = 0.95
TEMPERATURE = 1.0

def setup_inputs(seed: int = 0) -> dict:
    key = jax.random.key(seed)
    k1, k2, k3, k4 = jax.random.split(key, 4)
    logits_s = jax.random.normal(k1, (B, C), dtype=jnp.float32)
    logits_w = jax.random.normal(k2, (B, C), dtype=jnp.float32)
    y_noisy = jax.random.randint(k3, (B,), 0, C, dtype=jnp.int32)
    idx = jax.random.randint(k4, (B,), 0, D, dtype=jnp.int32)
    # constructor-held state/buffers
    y_tilde = jnp.tile(jnp.arange(C, dtype=jnp.int32), D // C)  # dataset noisy labels, matches init ỹ
    T = jnp.full((C, C), 0.01, dtype=jnp.float32) + 0.9 * jnp.eye(C, dtype=jnp.float32)
    P_y = jnp.bincount(y_tilde, length=C).astype(jnp.float32) / D
    y_hat_state = jnp.full((D,), C, dtype=jnp.int32)  # self.ŷ initialised to class C (unlabeled)
    return {"logits_s": logits_s, "logits_w": logits_w, "y_noisy": y_noisy, "idx": idx,
            "y_hat_state": y_hat_state, "y_tilde": y_tilde, "T": T, "P_y": P_y}

def reference(logits_s, logits_w, y_noisy, idx, y_hat_state, y_tilde, T, P_y):
    # M = zeros(C+1, C); M.index_put_((ŷ, ỹ), 1, accumulate=True)
    M = jnp.zeros((C + 1, C), dtype=jnp.float32).at[y_hat_state, y_tilde].add(1.0)
    M = M[:-1] + (M[-1] + P_y) * P_y
    M = M / M.sum(axis=1)  # broadcast over last dim, same as torch
    alpha = T / M
    probs = jax.nn.softmax(logits_w / TEMPERATURE, axis=-1)
    probs = probs * alpha[:, y_noisy].T
    probs = probs / probs.sum(axis=-1, keepdims=True)
    max_probs = probs.max(axis=-1)
    targets = probs.argmax(axis=-1)
    beta = jnp.bincount(y_hat_state, length=C + 1).astype(jnp.float32)
    beta = beta / beta.max()
    beta = beta / (2.0 - beta)
    masks = max_probs > THRESHOLD * beta[targets]
    log_probs = jax.nn.log_softmax(logits_s, axis=-1)
    ce = -jnp.take_along_axis(log_probs, targets[:, None], axis=1)[:, 0]
    loss = ce * masks.astype(jnp.float32)
    # state update self.ŷ[i[ŷ!=-1]] = ŷ[ŷ!=-1] is a side effect; torch forward returns only the loss
    return loss.mean()

if __name__ == "__main__":
    import jax
    _d = setup_inputs()
    print(jax.jit(kernel)(*tuple(_d.values())))

</pallas_src>

<mosaic_0001>
#map = affine_map<(d0, d1) -> (0)>
#map1 = affine_map<(d0, d1) -> (0, 0)>
module attributes {stable_mosaic.version = 14 : i64} {
  func.func @_sc_loss(%arg0: i32, %arg1: i32, %arg2: memref<86016xf32, #tpu.memory_space<hbm>>, %arg3: memref<4096xi32, #tpu.memory_space<hbm>>, %arg4: memref<1000xi32, #tpu.memory_space<hbm>>, %arg5: memref<1000xi32, #tpu.memory_space<hbm>>, %arg6: memref<10x10xf32, #tpu.memory_space<hbm>>, %arg7: memref<32x16xf32, #tpu.memory_space<hbm>>, %arg8: memref<2688xf32, #tpu.memory_space<vmem>>, %arg9: memref<128xi32, #tpu.memory_space<vmem>>, %arg10: memref<1008xi32, #tpu.memory_space<vmem>>, %arg11: memref<1008xi32, #tpu.memory_space<vmem>>, %arg12: memref<10x10xf32, #tpu.memory_space<vmem>>, %arg13: memref<176xf32, #tpu.memory_space<vmem>>, %arg14: memref<160xf32, #tpu.memory_space<vmem>>, %arg15: memref<16xf32, #tpu.memory_space<vmem>>, %arg16: memref<16xf32, #tpu.memory_space<vmem>>, %arg17: memref<!tpu.dma_semaphore, #tpu.memory_space<semaphore_mem>>) attributes {dimension_semantics = [#tpu.dimension_semantics<core_parallel>, #tpu.dimension_semantics<subcore_parallel>], iteration_bounds = array<i64: 2, 16>, scalar_prefetch = 0 : i64, scratch_operands = 10 : i64, tpu.core_type = #tpu.core_type<sc_vector_subcore>, window_params = [{transform_indices = #map}, {transform_indices = #map}, {transform_indices = #map}, {transform_indices = #map}, {transform_indices = #map1}, {transform_indices = #map1}]} {
    %mul3A = arith.constant 2 : i32
    %mul3A_0 = arith.muli %arg1, %mul3A : i32
    %add3A = arith.addi %mul3A_0, %arg0 : i32
    %mul3A_1 = arith.constant 128 : i32
    %mul3A_2 = arith.muli %add3A, %mul3A_1 : i32
    %dma_start3A = arith.constant 0 : i32
    %dma_start3A_3 = tpu.memref_slice %arg10[%dma_start3A] : memref<1008xi32, #tpu.memory_space<vmem>> -> memref<1000xi32, #tpu.memory_space<vmem>>
    %dma_start3A_4 = arith.constant 0 : i32
    %dma_start3A_5 = tpu.memref_slice %arg10[%dma_start3A_4] : memref<1008xi32, #tpu.memory_space<vmem>> -> memref<1000xi32, #tpu.memory_space<vmem>>
    tpu.enqueue_dma source(%arg4 : memref<1000xi32, #tpu.memory_space<hbm>>) target(%dma_start3A_5 : memref<1000xi32, #tpu.memory_space<vmem>>) target_semaphore(%arg17 : memref<!tpu.dma_semaphore, #tpu.memory_space<semaphore_mem>>)
    %dma_start3A_6 = arith.constant 0 : i32
    %dma_start3A_7 = tpu.memref_slice %arg11[%dma_start3A_6] : memref<1008xi32, #tpu.memory_space<vmem>> -> memref<1000xi32, #tpu.memory_space<vmem>>
    %dma_start3A_8 = arith.constant 0 : i32
    %dma_start3A_9 = tpu.memref_slice %arg11[%dma_start3A_8] : memref<1008xi32, #tpu.memory_space<vmem>> -> memref<1000xi32, #tpu.memory_space<vmem>>
    tpu.enqueue_dma source(%arg5 : memref<1000xi32, #tpu.memory_space<hbm>>) target(%dma_start3A_9 : memref<1000xi32, #tpu.memory_space<vmem>>) target_semaphore(%arg17 : memref<!tpu.dma_semaphore, #tpu.memory_space<semaphore_mem>>)
    tpu.enqueue_dma source(%arg6 : memref<10x10xf32, #tpu.memory_space<hbm>>) target(%arg12 : memref<10x10xf32, #tpu.memory_space<vmem>>) target_semaphore(%arg17 : memref<!tpu.dma_semaphore, #tpu.memory_space<semaphore_mem>>)
    %mul3A_10 = arith.constant 21 : i32
    %mul3A_11 = arith.muli %mul3A_2, %mul3A_10 : i32
    %dma_start3A_12 = tpu.memref_slice %arg2[%mul3A_11] : memref<86016xf32, #tpu.memory_space<hbm>> -> memref<2688xf32, #tpu.memory_space<hbm>>
    %dma_start3A_13 = tpu.memref_slice %arg2[%mul3A_11] : memref<86016xf32, #tpu.memory_space<hbm>> -> memref<2688xf32, #tpu.memory_space<hbm>>
    tpu.enqueue_dma source(%dma_start3A_13 : memref<2688xf32, #tpu.memory_space<hbm>>) target(%arg8 : memref<2688xf32, #tpu.memory_space<vmem>>) target_semaphore(%arg17 : memref<!tpu.dma_semaphore, #tpu.memory_space<semaphore_mem>>)
    %dma_start3A_14 = tpu.memref_slice %arg3[%mul3A_2] : memref<4096xi32, #tpu.memory_space<hbm>> -> memref<128xi32, #tpu.memory_space<hbm>>
    %dma_start3A_15 = tpu.memref_slice %arg3[%mul3A_2] : memref<4096xi32, #tpu.memory_space<hbm>> -> memref<128xi32, #tpu.memory_space<hbm>>
    tpu.enqueue_dma source(%dma_start3A_15 : memref<128xi32, #tpu.memory_space<hbm>>) target(%arg9 : memref<128xi32, #tpu.memory_space<vmem>>) target_semaphore(%arg17 : memref<!tpu.dma_semaphore, #tpu.memory_space<semaphore_mem>>)
    %broadcast_in_dim3A = arith.constant 0.000000e+00 : f32
    %broadcast_in_dim3A_16 = vector.broadcast %broadcast_in_dim3A : f32 to vector<16xf32>
    %broadcast_in_dim3A_17 = arith.constant 1.000000e+00 : f32
    %broadcast_in_dim3A_18 = vector.broadcast %broadcast_in_dim3A_17 : f32 to vector<16xf32>
    %iota3A = tpu.iota {dimensions = array<i32: 0>} : vector<16xi32>
    %swap3A = arith.constant 0 : index
    %swap3A_19 = tpu.vector_load %arg13[%swap3A] {strides = array<i32>} : memref<176xf32, #tpu.memory_space<vmem>>, vector<16xf32>,
    tpu.vector_store %arg13[%swap3A], %broadcast_in_dim3A_16 {strides = array<i32>} : memref<176xf32, #tpu.memory_space<vmem>>, vector<16xf32>,
    %swap3A_20 = arith.constant 16 : index
    %swap3A_21 = tpu.vector_load %arg13[%swap3A_20] {strides = array<i32>} : memref<176xf32, #tpu.memory_space<vmem>>, vector<16xf32>,
    tpu.vector_store %arg13[%swap3A_20], %broadcast_in_dim3A_16 {strides = array<i32>} : memref<176xf32, #tpu.memory_space<vmem>>, vector<16xf32>,
    %swap3A_22 = arith.constant 32 : index
    %swap3A_23 = tpu.vector_load %arg13[%swap3A_22] {strides = array<i32>} : memref<176xf32, #tpu.memory_space<vmem>>, vector<16xf32>,
    tpu.vector_store %arg13[%swap3A_22], %broadcast_in_dim3A_16 {strides = array<i32>} : memref<176xf32, #tpu.memory_space<vmem>>, vector<16xf32>,
    %swap3A_24 = arith.constant 48 : index
    %swap3A_25 = tpu.vector_load %arg13[%swap3A_24] {strides = array<i32>} : memref<176xf32, #tpu.memory_space<vmem>>, vector<16xf32>,
    tpu.vector_store %arg13[%swap3A_24], %broadcast_in_dim3A_16 {strides = array<i32>} : memref<176xf32, #tpu.memory_space<vmem>>, vector<16xf32>,
    %swap3A_26 = arith.constant 64 : index
    %swap3A_27 = tpu.vector_load %arg13[%swap3A_26] {strides = array<i32>} : memref<176xf32, #tpu.memory_space<vmem>>, vector<16xf32>,
    tpu.vector_store %arg13[%swap3A_26], %broadcast_in_dim3A_16 {strides = array<i32>} : memref<176xf32, #tpu.memory_space<vmem>>, vector<16xf32>,
    %swap3A_28 = arith.constant 80 : index
    %swap3A_29 = tpu.vector_load %arg13[%swap3A_28] {strides = array<i32>} : memref<176xf32, #tpu.memory_space<vmem>>, vector<16xf32>,
    tpu.vector_store %arg13[%swap3A_28], %broadcast_in_dim3A_16 {strides = array<i32>} : memref<176xf32, #tpu.memory_space<vmem>>, vector<16xf32>,
    %swap3A_30 = arith.constant 96 : index
    %swap3A_31 = tpu.vector_load %arg13[%swap3A_30] {strides = array<i32>} : memref<176xf32, #tpu.memory_space<vmem>>, vector<16xf32>,
    tpu.vector_store %arg13[%swap3A_30], %broadcast_in_dim3A_16 {strides = array<i32>} : memref<176xf32, #tpu.memory_space<vmem>>, vector<16xf32>,
    %swap3A_32 = arith.constant 112 : index
    %swap3A_33 = tpu.vector_load %arg13[%swap3A_32] {strides = array<i32>} : memref<176xf32, #tpu.memory_space<vmem>>, vector<16xf32>,
    tpu.vector_store %arg13[%swap3A_32], %broadcast_in_dim3A_16 {strides = array<i32>} : memref<176xf32, #tpu.memory_space<vmem>>, vector<16xf32>,
    %swap3A_34 = arith.constant 128 : index
    %swap3A_35 = tpu.vector_load %arg13[%swap3A_34] {strides = array<i32>} : memref<176xf32, #tpu.memory_space<vmem>>, vector<16xf32>,
    tpu.vector_store %arg13[%swap3A_34], %broadcast_in_dim3A_16 {strides = array<i32>} : memref<176xf32, #tpu.memory_space<vmem>>, vector<16xf32>,
    %swap3A_36 = arith.constant 144 : index
    %swap3A_37 = tpu.vector_load %arg13[%swap3A_36] {strides = array<i32>} : memref<176xf32, #tpu.memory_space<vmem>>, vector<16xf32>,
    tpu.vector_store %arg13[%swap3A_36], %broadcast_in_dim3A_16 {strides = array<i32>} : memref<176xf32, #tpu.memory_space<vmem>>, vector<16xf32>,
    %swap3A_38 = arith.constant 160 : index
    %swap3A_39 = tpu.vector_load %arg13[%swap3A_38] {strides = array<i32>} : memref<176xf32, #tpu.memory_space<vmem>>, vector<16xf32>,
    tpu.vector_store %arg13[%swap3A_38], %broadcast_in_dim3A_16 {strides = array<i32>} : memref<176xf32, #tpu.memory_space<vmem>>, vector<16xf32>,
    %dma_wait3A = arith.constant 0 : i32
    %dma_wait3A_40 = tpu.memref_slice %arg10[%dma_wait3A] : memref<1008xi32, #tpu.memory_space<vmem>> -> memref<1000xi32, #tpu.memory_space<vmem>>
    %dma_wait3A_41 = arith.constant 0 : i32
    %dma_wait3A_42 = tpu.memref_slice %arg10[%dma_wait3A_41] : memref<1008xi32, #tpu.memory_space<vmem>> -> memref<1000xi32, #tpu.memory_space<vmem>>
    tpu.wait_dma2 semaphore(%arg17 : memref<!tpu.dma_semaphore, #tpu.memory_space<semaphore_mem>>) src(%arg4 : memref<1000xi32, #tpu.memory_space<hbm>>) dst(%dma_wait3A_42 : memref<1000xi32, #tpu.memory_space<vmem>>)
    %dma_wait3A_43 = arith.constant 0 : i32
    %dma_wait3A_44 = tpu.memref_slice %arg11[%dma_wait3A_43] : memref<1008xi32, #tpu.memory_space<vmem>> -> memref<1000xi32, #tpu.memory_space<vmem>>
    %dma_wait3A_45 = arith.constant 0 : i32
    %dma_wait3A_46 = tpu.memref_slice %arg11[%dma_wait3A_45] : memref<1008xi32, #tpu.memory_space<vmem>> -> memref<1000xi32, #tpu.memory_space<vmem>>
    tpu.wait_dma2 semaphore(%arg17 : memref<!tpu.dma_semaphore, #tpu.memory_space<semaphore_mem>>) src(%arg5 : memref<1000xi32, #tpu.memory_space<hbm>>) dst(%dma_wait3A_46 : memref<1000xi32, #tpu.memory_space<vmem>>)
    %get3A = arith.constant 0 : index
    %get3A_47 = tpu.vector_load %arg10[%get3A] {strides = array<i32>} : memref<1008xi32, #tpu.memory_space<vmem>>, vector<16xi32>,
    %get3A_48 = arith.constant 0 : index
    %get3A_49 = tpu.vector_load %arg11[%get3A_48] {strides = array<i32>} : memref<1008xi32, #tpu.memory_space<vmem>>, vector<16xi32>,
    %mul3A_50 = arith.constant 16 : i32
    %mul3A_51 = vector.broadcast %mul3A_50 : i32 to vector<16xi32>
    %mul3A_52 = arith.muli %get3A_47, %mul3A_51 : vector<16xi32>
    %add3A_53 = arith.addi %mul3A_52, %get3A_49 : vector<16xi32>
    tpu.vector_store_idx %arg13[%add3A_53], %broadcast_in_dim3A_18 {add = true} : memref<176xf32, #tpu.memory_space<vmem>>[vector<16xi32>], vector<16xf32>,
    %get3A_54 = arith.constant 16 : index
    %get3A_55 = tpu.vector_load %arg10[%get3A_54] {strides = array<i32>} : memref<1008xi32, #tpu.memory_space<vmem>>, vector<16xi32>,
    %get3A_56 = arith.constant 16 : index
    %get3A_57 = tpu.vector_load %arg11[%get3A_56] {strides = array<i32>} : memref<1008xi32, #tpu.memory_space<vmem>>, vector<16xi32>,
    %mul3A_58 = arith.constant 16 : i32
    %mul3A_59 = vector.broadcast %mul3A_58 : i32 to vector<16xi32>
    %mul3A_60 = arith.muli %get3A_55, %mul3A_59 : vector<16xi32>
    %add3A_61 = arith.addi %mul3A_60, %get3A_57 : vector<16xi32>
    tpu.vector_store_idx %arg13[%add3A_61], %broadcast_in_dim3A_18 {add = true} : memref<176xf32, #tpu.memory_space<vmem>>[vector<16xi32>], vector<16xf32>,
    %get3A_62 = arith.constant 32 : index
    %get3A_63 = tpu.vector_load %arg10[%get3A_62] {strides = array<i32>} : memref<1008xi32, #tpu.memory_space<vmem>>, vector<16xi32>,
    %get3A_64 = arith.constant 32 : index
    %get3A_65 = tpu.vector_load %arg11[%get3A_64] {strides = array<i32>} : memref<1008xi32, #tpu.memory_space<vmem>>, vector<16xi32>,
    %mul3A_66 = arith.constant 16 : i32
    %mul3A_67 = vector.broadcast %mul3A_66 : i32 to vector<16xi32>
    %mul3A_68 = arith.muli %get3A_63, %mul3A_67 : vector<16xi32>
    %add3A_69 = arith.addi %mul3A_68, %get3A_65 : vector<16xi32>
    tpu.vector_store_idx %arg13[%add3A_69], %broadcast_in_dim3A_18 {add = true} : memref<176xf32, #tpu.memory_space<vmem>>[vector<16xi32>], vector<16xf32>,
    %get3A_70 = arith.constant 48 : index
    %get3A_71 = tpu.vector_load %arg10[%get3A_70] {strides = array<i32>} : memref<1008xi32, #tpu.memory_space<vmem>>, vector<16xi32>,
    %get3A_72 = arith.constant 48 : index
    %get3A_73 = tpu.vector_load %arg11[%get3A_72] {strides = array<i32>} : memref<1008xi32, #tpu.memory_space<vmem>>, vector<16xi32>,
    %mul3A_74 = arith.constant 16 : i32
    %mul3A_75 = vector.broadcast %mul3A_74 : i32 to vector<16xi32>
    %mul3A_76 = arith.muli %get3A_71, %mul3A_75 : vector<16xi32>
    %add3A_77 = arith.addi %mul3A_76, %get3A_73 : vector<16xi32>
    tpu.vector_store_idx %arg13[%add3A_77], %broadcast_in_dim3A_18 {add = true} : memref<176xf32, #tpu.memory_space<vmem>>[vector<16xi32>], vector<16xf32>,
    %get3A_78 = arith.constant 64 : index
    %get3A_79 = tpu.vector_load %arg10[%get3A_78] {strides = array<i32>} : memref<1008xi32, #tpu.memory_space<vmem>>, vector<16xi32>,
    %get3A_80 = arith.constant 64 : index
    %get3A_81 = tpu.vector_load %arg11[%get3A_80] {strides = array<i32>} : memref<1008xi32, #tpu.memory_space<vmem>>, vector<16xi32>,
    %mul3A_82 = arith.constant 16 : i32
    %mul3A_83 = vector.broadcast %mul3A_82 : i32 to vector<16xi32>
    %mul3A_84 = arith.muli %get3A_79, %mul3A_83 : vector<16xi32>
    %add3A_85 = arith.addi %mul3A_84, %get3A_81 : vector<16xi32>
    tpu.vector_store_idx %arg13[%add3A_85], %broadcast_in_dim3A_18 {add = true} : memref<176xf32, #tpu.memory_space<vmem>>[vector<16xi32>], vector<16xf32>,
    %get3A_86 = arith.constant 80 : index
    %get3A_87 = tpu.vector_load %arg10[%get3A_86] {strides = array<i32>} : memref<1008xi32, #tpu.memory_space<vmem>>, vector<16xi32>,
    %get3A_88 = arith.constant 80 : index
    %get3A_89 = tpu.vector_load %arg11[%get3A_88] {strides = array<i32>} : memref<1008xi32, #tpu.memory_space<vmem>>, vector<16xi32>,
    %mul3A_90 = arith.constant 16 : i32
    %mul3A_91 = vector.broadcast %mul3A_90 : i32 to vector<16xi32>
    %mul3A_92 = arith.muli %get3A_87, %mul3A_91 : vector<16xi32>
    %add3A_93 = arith.addi %mul3A_92, %get3A_89 : vector<16xi32>
    tpu.vector_store_idx %arg13[%add3A_93], %broadcast_in_dim3A_18 {add = true} : memref<176xf32, #tpu.memory_space<vmem>>[vector<16xi32>], vector<16xf32>,
    %get3A_94 = arith.constant 96 : index
    %get3A_95 = tpu.vector_load %arg10[%get3A_94] {strides = array<i32>} : memref<1008xi32, #tpu.memory_space<vmem>>, vector<16xi32>,
    %get3A_96 = arith.constant 96 : index
    %get3A_97 = tpu.vector_load %arg11[%get3A_96] {strides = array<i32>} : memref<1008xi32, #tpu.memory_space<vmem>>, vector<16xi32>,
    %mul3A_98 = arith.constant 16 : i32
    %mul3A_99 = vector.broadcast %mul3A_98 : i32 to vector<16xi32>
    %mul3A_100 = arith.muli %get3A_95, %mul3A_99 : vector<16xi32>
    %add3A_101 = arith.addi %mul3A_100, %get3A_97 : vector<16xi32>
    tpu.vector_store_idx %arg13[%add3A_101], %broadcast_in_dim3A_18 {add = true} : memref<176xf32, #tpu.memory_space<vmem>>[vector<16xi32>], vector<16xf32>,
    %get3A_102 = arith.constant 112 : index
    %get3A_103 = tpu.vector_load %arg10[%get3A_102] {strides = array<i32>} : memref<1008xi32, #tpu.memory_space<vmem>>, vector<16xi32>,
    %get3A_104 = arith.constant 112 : index
    %get3A_105 = tpu.vector_load %arg11[%get3A_104] {strides = array<i32>} : memref<1008xi32, #tpu.memory_space<vmem>>, vector<16xi32>,
    %mul3A_106 = arith.constant 16 : i32
    %mul3A_107 = vector.broadcast %mul3A_106 : i32 to vector<16xi32>
    %mul3A_108 = arith.muli %get3A_103, %mul3A_107 : vector<16xi32>
    %add3A_109 = arith.addi %mul3A_108, %get3A_105 : vector<16xi32>
    tpu.vector_store_idx %arg13[%add3A_109], %broadcast_in_dim3A_18 {add = true} : memref<176xf32, #tpu.memory_space<vmem>>[vector<16xi32>], vector<16xf32>,
    %get3A_110 = arith.constant 128 : index
    %get3A_111 = tpu.vector_load %arg10[%get3A_110] {strides = array<i32>} : memref<1008xi32, #tpu.memory_space<vmem>>, vector<16xi32>,
    %get3A_112 = arith.constant 128 : index
    %get3A_113 = tpu.vector_load %arg11[%get3A_112] {strides = array<i32>} : memref<1008xi32, #tpu.memory_space<vmem>>, vector<16xi32>,
    %mul3A_114 = arith.constant 16 : i32
    %mul3A_115 = vector.broadcast %mul3A_114 : i32 to vector<16xi32>
    %mul3A_116 = arith.muli %get3A_111, %mul3A_115 : vector<16xi32>
    %add3A_117 = arith.addi %mul3A_116, %get3A_113 : vector<16xi32>
    tpu.vector_store_idx %arg13[%add3A_117], %broadcast_in_dim3A_18 {add = true} : memref<176xf32, #tpu.memory_space<vmem>>[vector<16xi32>], vector<16xf32>,
    %get3A_118 = arith.constant 144 : index
    %get3A_119 = tpu.vector_load %arg10[%get3A_118] {strides = array<i32>} : memref<1008xi32, #tpu.memory_space<vmem>>, vector<16xi32>,
    %get3A_120 = arith.constant 144 : index
    %get3A_121 = tpu.vector_load %arg11[%get3A_120] {strides = array<i32>} : memref<1008xi32, #tpu.memory_space<vmem>>, vector<16xi32>,
    %mul3A_122 = arith.constant 16 : i32
    %mul3A_123 = vector.broadcast %mul3A_122 : i32 to vector<16xi32>
    %mul3A_124 = arith.muli %get3A_119, %mul3A_123 : vector<16xi32>
    %add3A_125 = arith.addi %mul3A_124, %get3A_121 : vector<16xi32>
    tpu.vector_store_idx %arg13[%add3A_125], %broadcast_in_dim3A_18 {add = true} : memref<176xf32, #tpu.memory_space<vmem>>[vector<16xi32>], vector<16xf32>,
    %get3A_126 = arith.constant 160 : index
    %get3A_127 = tpu.vector_load %arg10[%get3A_126] {strides = array<i32>} : memref<1008xi32, #tpu.memory_space<vmem>>, vector<16xi32>,
    %get3A_128 = arith.constant 160 : index
    %get3A_129 = tpu.vector_load %arg11[%get3A_128] {strides = array<i32>} : memref<1008xi32, #tpu.memory_space<vmem>>, vector<16xi32>,
    %mul3A_130 = arith.constant 16 : i32
    %mul3A_131 = vector.broadcast %mul3A_130 : i32 to vector<16xi32>
    %mul3A_132 = arith.muli %get3A_127, %mul3A_131 : vector<16xi32>
    %add3A_133 = arith.addi %mul3A_132, %get3A_129 : vector<16xi32>
    tpu.vector_store_idx %arg13[%add3A_133], %broadcast_in_dim3A_18 {add = true} : memref<176xf32, #tpu.memory_space<vmem>>[vector<16xi32>], vector<16xf32>,
    %get3A_134 = arith.constant 176 : index
    %get3A_135 = tpu.vector_load %arg10[%get3A_134] {strides = array<i32>} : memref<1008xi32, #tpu.memory_space<vmem>>, vector<16xi32>,
    %get3A_136 = arith.constant 176 : index
    %get3A_137 = tpu.vector_load %arg11[%get3A_136] {strides = array<i32>} : memref<1008xi32, #tpu.memory_space<vmem>>, vector<16xi32>,
    %mul3A_138 = arith.constant 16 : i32
    %mul3A_139 = vector.broadcast %mul3A_138 : i32 to vector<16xi32>
    %mul3A_140 = arith.muli %get3A_135, %mul3A_139 : vector<16xi32>
    %add3A_141 = arith.addi %mul3A_140, %get3A_137 : vector<16xi32>
    tpu.vector_store_idx %arg13[%add3A_141], %broadcast_in_dim3A_18 {add = true} : memref<176xf32, #tpu.memory_space<vmem>>[vector<16xi32>], vector<16xf32>,
    %get3A_142 = arith.constant 192 : index
    %get3A_143 = tpu.vector_load %arg10[%get3A_142] {strides = array<i32>} : memref<1008xi32, #tpu.memory_space<vmem>>, vector<16xi32>,
    %get3A_144 = arith.constant 192 : index
    %get3A_145 = tpu.vector_load %arg11[%get3A_144] {strides = array<i32>} : memref<1008xi32, #tpu.memory_space<vmem>>, vector<16xi32>,
    %mul3A_146 = arith.constant 16 : i32
    %mul3A_147 = vector.broadcast %mul3A_146 : i32 to vector<16xi32>
    %mul3A_148 = arith.muli %get3A_143, %mul3A_147 : vector<16xi32>
    %add3A_149 = arith.addi %mul3A_148, %get3A_145 : vector<16xi32>
    tpu.vector_store_idx %arg13[%add3A_149], %broadcast_in_dim3A_18 {add = true} : memref<176xf32, #tpu.memory_space<vmem>>[vector<16xi32>], vector<16xf32>,
    %get3A_150 = arith.constant 208 : index
    %get3A_151 = tpu.vector_load %arg10[%get3A_150] {strides = array<i32>} : memref<1008xi32, #tpu.memory_space<vmem>>, vector<16xi32>,
    %get3A_152 = arith.constant 208 : index
    %get3A_153 = tpu.vector_load %arg11[%get3A_152] {strides = array<i32>} : memref<1008xi32, #tpu.memory_space<vmem>>, vector<16xi32>,
    %mul3A_154 = arith.constant 16 : i32
    %mul3A_155 = vector.broadcast %mul3A_154 : i32 to vector<16xi32>
    %mul3A_156 = arith.muli %get3A_151, %mul3A_155 : vector<16xi32>
    %add3A_157 = arith.addi %mul3A_156, %get3A_153 : vector<16xi32>
    tpu.vector_store_idx %arg13[%add3A_157], %broadcast_in_dim3A_18 {add = true} : memref<176xf32, #tpu.memory_space<vmem>>[vector<16xi32>], vector<16xf32>,
    %get3A_158 = arith.constant 224 : index
    %get3A_159 = tpu.vector_load %arg10[%get3A_158] {strides = array<i32>} : memref<1008xi32, #tpu.memory_space<vmem>>, vector<16xi32>,
    %get3A_160 = arith.constant 224 : index
    %get3A_161 = tpu.vector_load %arg11[%get3A_160] {strides = array<i32>} : memref<1008xi32, #tpu.memory_space<vmem>>, vector<16xi32>,
    %mul3A_162 = arith.constant 16 : i32
    %mul3A_163 = vector.broadcast %mul3A_162 : i32 to vector<16xi32>
    %mul3A_164 = arith.muli %get3A_159, %mul3A_163 : vector<16xi32>
    %add3A_165 = arith.addi %mul3A_164, %get3A_161 : vector<16xi32>
    tpu.vector_store_idx %arg13[%add3A_165], %broadcast_in_dim3A_18 {add = true} : memref<176xf32, #tpu.memory_space<vmem>>[vector<16xi32>], vector<16xf32>,
    %get3A_166 = arith.constant 240 : index
    %get3A_167 = tpu.vector_load %arg10[%get3A_166] {strides = array<i32>} : memref<1008xi32, #tpu.memory_space<vmem>>, vector<16xi32>,
    %get3A_168 = arith.constant 240 : index
    %get3A_169 = tpu.vector_load %arg11[%get3A_168] {strides = array<i32>} : memref<1008xi32, #tpu.memory_space<vmem>>, vector<16xi32>,
    %mul3A_170 = arith.constant 16 : i32
    %mul3A_171 = vector.broadcast %mul3A_170 : i32 to vector<16xi32>
    %mul3A_172 = arith.muli %get3A_167, %mul3A_171 : vector<16xi32>
    %add3A_173 = arith.addi %mul3A_172, %get3A_169 : vector<16xi32>
    tpu.vector_store_idx %arg13[%add3A_173], %broadcast_in_dim3A_18 {add = true} : memref<176xf32, #tpu.memory_space<vmem>>[vector<16xi32>], vector<16xf32>,
    %get3A_174 = arith.constant 256 : index
    %get3A_175 = tpu.vector_load %arg10[%get3A_174] {strides = array<i32>} : memref<1008xi32, #tpu.memory_space<vmem>>, vector<16xi32>,
    %get3A_176 = arith.constant 256 : index
    %get3A_177 = tpu.vector_load %arg11[%get3A_176] {strides = array<i32>} : memref<1008xi32, #tpu.memory_space<vmem>>, vector<16xi32>,
    %mul3A_178 = arith.constant 16 : i32
    %mul3A_179 = vector.broadcast %mul3A_178 : i32 to vector<16xi32>
    %mul3A_180 = arith.muli %get3A_175, %mul3A_179 : vector<16xi32>
    %add3A_181 = arith.addi %mul3A_180, %get3A_177 : vector<16xi32>
    tpu.vector_store_idx %arg13[%add3A_181], %broadcast_in_dim3A_18 {add = true} : memref<176xf32, #tpu.memory_space<vmem>>[vector<16xi32>], vector<16xf32>,
    %get3A_182 = arith.constant 272 : index
    %get3A_183 = tpu.vector_load %arg10[%get3A_182] {strides = array<i32>} : memref<1008xi32, #tpu.memory_space<vmem>>, vector<16xi32>,
    %get3A_184 = arith.constant 272 : index
    %get3A_185 = tpu.vector_load %arg11[%get3A_184] {strides = array<i32>} : memref<1008xi32, #tpu.memory_space<vmem>>, vector<16xi32>,
    %mul3A_186 = arith.constant 16 : i32
    %mul3A_187 = vector.broadcast %mul3A_186 : i32 to vector<16xi32>
    %mul3A_188 = arith.muli %get3A_183, %mul3A_187 : vector<16xi32>
    %add3A_189 = arith.addi %mul3A_188, %get3A_185 : vector<16xi32>
    tpu.vector_store_idx %arg13[%add3A_189], %broadcast_in_dim3A_18 {add = true} : memref<176xf32, #tpu.memory_space<vmem>>[vector<16xi32>], vector<16xf32>,
    %get3A_190 = arith.constant 288 : index
    %get3A_191 = tpu.vector_load %arg10[%get3A_190] {strides = array<i32>} : memref<1008xi32, #tpu.memory_space<vmem>>, vector<16xi32>,
    %get3A_192 = arith.constant 288 : index
    %get3A_193 = tpu.vector_load %arg11[%get3A_192] {strides = array<i32>} : memref<1008xi32, #tpu.memory_space<vmem>>, vector<16xi32>,
    %mul3A_194 = arith.constant 16 : i32
    %mul3A_195 = vector.broadcast %mul3A_194 : i32 to vector<16xi32>
    %mul3A_196 = arith.muli %get3A_191, %mul3A_195 : vector<16xi32>
    %add3A_197 = arith.addi %mul3A_196, %get3A_193 : vector<16xi32>
    tpu.vector_store_idx %arg13[%add3A_197], %broadcast_in_dim3A_18 {add = true} : memref<176xf32, #tpu.memory_space<vmem>>[vector<16xi32>], vector<16xf32>,
    %get3A_198 = arith.constant 304 : index
    %get3A_199 = tpu.vector_load %arg10[%get3A_198] {strides = array<i32>} : memref<1008xi32, #tpu.memory_space<vmem>>, vector<16xi32>,
    %get3A_200 = arith.constant 304 : index
    %get3A_201 = tpu.vector_load %arg11[%get3A_200] {strides = array<i32>} : memref<1008xi32, #tpu.memory_space<vmem>>, vector<16xi32>,
    %mul3A_202 = arith.constant 16 : i32
    %mul3A_203 = vector.broadcast %mul3A_202 : i32 to vector<16xi32>
    %mul3A_204 = arith.muli %get3A_199, %mul3A_203 : vector<16xi32>
    %add3A_205 = arith.addi %mul3A_204, %get3A_201 : vector<16xi32>
    tpu.vector_store_idx %arg13[%add3A_205], %broadcast_in_dim3A_18 {add = true} : memref<176xf32, #tpu.memory_space<vmem>>[vector<16xi32>], vector<16xf32>,
    %get3A_206 = arith.constant 320 : index
    %get3A_207 = tpu.vector_load %arg10[%get3A_206] {strides = array<i32>} : memref<1008xi32, #tpu.memory_space<vmem>>, vector<16xi32>,
    %get3A_208 = arith.constant 320 : index
    %get3A_209 = tpu.vector_load %arg11[%get3A_208] {strides = array<i32>} : memref<1008xi32, #tpu.memory_space<vmem>>, vector<16xi32>,
    %mul3A_210 = arith.constant 16 : i32
    %mul3A_211 = vector.broadcast %mul3A_210 : i32 to vector<16xi32>
    %mul3A_212 = arith.muli %get3A_207, %mul3A_211 : vector<16xi32>
    %add3A_213 = arith.addi %mul3A_212, %get3A_209 : vector<16xi32>
    tpu.vector_store_idx %arg13[%add3A_213], %broadcast_in_dim3A_18 {add = true} : memref<176xf32, #tpu.memory_space<vmem>>[vector<16xi32>], vector<16xf32>,
    %get3A_214 = arith.constant 336 : index
    %get3A_215 = tpu.vector_load %arg10[%get3A_214] {strides = array<i32>} : memref<1008xi32, #tpu.memory_space<vmem>>, vector<16xi32>,
    %get3A_216 = arith.constant 336 : index
    %get3A_217 = tpu.vector_load %arg11[%get3A_216] {strides = array<i32>} : memref<1008xi32, #tpu.memory_space<vmem>>, vector<16xi32>,
    %mul3A_218 = arith.constant 16 : i32
    %mul3A_219 = vector.broadcast %mul3A_218 : i32 to vector<16xi32>
    %mul3A_220 = arith.muli %get3A_215, %mul3A_219 : vector<16xi32>
    %add3A_221 = arith.addi %mul3A_220, %get3A_217 : vector<16xi32>
    tpu.vector_store_idx %arg13[%add3A_221], %broadcast_in_dim3A_18 {add = true} : memref<176xf32, #tpu.memory_space<vmem>>[vector<16xi32>], vector<16xf32>,
    %get3A_222 = arith.constant 352 : index
    %get3A_223 = tpu.vector_load %arg10[%get3A_222] {strides = array<i32>} : memref<1008xi32, #tpu.memory_space<vmem>>, vector<16xi32>,
    %get3A_224 = arith.constant 352 : index
    %get3A_225 = tpu.vector_load %arg11[%get3A_224] {strides = array<i32>} : memref<1008xi32, #tpu.memory_space<vmem>>, vector<16xi32>,
    %mul3A_226 = arith.constant 16 : i32
    %mul3A_227 = vector.broadcast %mul3A_226 : i32 to vector<16xi32>
    %mul3A_228 = arith.muli %get3A_223, %mul3A_227 : vector<16xi32>
    %add3A_229 = arith.addi %mul3A_228, %get3A_225 : vector<16xi32>
    tpu.vector_store_idx %arg13[%add3A_229], %broadcast_in_dim3A_18 {add = true} : memref<176xf32, #tpu.memory_space<vmem>>[vector<16xi32>], vector<16xf32>,
    %get3A_230 = arith.constant 368 : index
    %get3A_231 = tpu.vector_load %arg10[%get3A_230] {strides = array<i32>} : memref<1008xi32, #tpu.memory_space<vmem>>, vector<16xi32>,
    %get3A_232 = arith.constant 368 : index
    %get3A_233 = tpu.vector_load %arg11[%get3A_232] {strides = array<i32>} : memref<1008xi32, #tpu.memory_space<vmem>>, vector<16xi32>,
    %mul3A_234 = arith.constant 16 : i32
    %mul3A_235 = vector.broadcast %mul3A_234 : i32 to vector<16xi32>
    %mul3A_236 = arith.muli %get3A_231, %mul3A_235 : vector<16xi32>
    %add3A_237 = arith.addi %mul3A_236, %get3A_233 : vector<16xi32>
    tpu.vector_store_idx %arg13[%add3A_237], %broadcast_in_dim3A_18 {add = true} : memref<176xf32, #tpu.memory_space<vmem>>[vector<16xi32>], vector<16xf32>,
    %get3A_238 = arith.constant 384 : index
    %get3A_239 = tpu.vector_load %arg10[%get3A_238] {strides = array<i32>} : memref<1008xi32, #tpu.memory_space<vmem>>, vector<16xi32>,
    %get3A_240 = arith.constant 384 : index
    %get3A_241 = tpu.vector_load %arg11[%get3A_240] {strides = array<i32>} : memref<1008xi32, #tpu.memory_space<vmem>>, vector<16xi32>,
    %mul3A_242 = arith.constant 16 : i32
    %mul3A_243 = vector.broadcast %mul3A_242 : i32 to vector<16xi32>
    %mul3A_244 = arith.muli %get3A_239, %mul3A_243 : vector<16xi32>
    %add3A_245 = arith.addi %mul3A_244, %get3A_241 : vector<16xi32>
    tpu.vector_store_idx %arg13[%add3A_245], %broadcast_in_dim3A_18 {add = true} : memref<176xf32, #tpu.memory_space<vmem>>[vector<16xi32>], vector<16xf32>,
    %get3A_246 = arith.constant 400 : index
    %get3A_247 = tpu.vector_load %arg10[%get3A_246] {strides = array<i32>} : memref<1008xi32, #tpu.memory_space<vmem>>, vector<16xi32>,
    %get3A_248 = arith.constant 400 : index
    %get3A_249 = tpu.vector_load %arg11[%get3A_248] {strides = array<i32>} : memref<1008xi32, #tpu.memory_space<vmem>>, vector<16xi32>,
    %mul3A_250 = arith.constant 16 : i32
    %mul3A_251 = vector.broadcast %mul3A_250 : i32 to vector<16xi32>
    %mul3A_252 = arith.muli %get3A_247, %mul3A_251 : vector<16xi32>
    %add3A_253 = arith.addi %mul3A_252, %get3A_249 : vector<16xi32>
    tpu.vector_store_idx %arg13[%add3A_253], %broadcast_in_dim3A_18 {add = true} : memref<176xf32, #tpu.memory_space<vmem>>[vector<16xi32>], vector<16xf32>,
    %get3A_254 = arith.constant 416 : index
    %get3A_255 = tpu.vector_load %arg10[%get3A_254] {strides = array<i32>} : memref<1008xi32, #tpu.memory_space<vmem>>, vector<16xi32>,
    %get3A_256 = arith.constant 416 : index
    %get3A_257 = tpu.vector_load %arg11[%get3A_256] {strides = array<i32>} : memref<1008xi32, #tpu.memory_space<vmem>>, vector<16xi32>,
    %mul3A_258 = arith.constant 16 : i32
    %mul3A_259 = vector.broadcast %mul3A_258 : i32 to vector<16xi32>
    %mul3A_260 = arith.muli %get3A_255, %mul3A_259 : vector<16xi32>
    %add3A_261 = arith.addi %mul3A_260, %get3A_257 : vector<16xi32>
    tpu.vector_store_idx %arg13[%add3A_261], %broadcast_in_dim3A_18 {add = true} : memref<176xf32, #tpu.memory_space<vmem>>[vector<16xi32>], vector<16xf32>,
    %get3A_262 = arith.constant 432 : index
    %get3A_263 = tpu.vector_load %arg10[%get3A_262] {strides = array<i32>} : memref<1008xi32, #tpu.memory_space<vmem>>, vector<16xi32>,
    %get3A_264 = arith.constant 432 : index
    %get3A_265 = tpu.vector_load %arg11[%get3A_264] {strides = array<i32>} : memref<1008xi32, #tpu.memory_space<vmem>>, vector<16xi32>,
    %mul3A_266 = arith.constant 16 : i32
    %mul3A_267 = vector.broadcast %mul3A_266 : i32 to vector<16xi32>
    %mul3A_268 = arith.muli %get3A_263, %mul3A_267 : vector<16xi32>
    %add3A_269 = arith.addi %mul3A_268, %get3A_265 : vector<16xi32>
    tpu.vector_store_idx %arg13[%add3A_269], %broadcast_in_dim3A_18 {add = true} : memref<176xf32, #tpu.memory_space<vmem>>[vector<16xi32>], vector<16xf32>,
    %get3A_270 = arith.constant 448 : index
    %get3A_271 = tpu.vector_load %arg10[%get3A_270] {strides = array<i32>} : memref<1008xi32, #tpu.memory_space<vmem>>, vector<16xi32>,
    %get3A_272 = arith.constant 448 : index
    %get3A_273 = tpu.vector_load %arg11[%get3A_272] {strides = array<i32>} : memref<1008xi32, #tpu.memory_space<vmem>>, vector<16xi32>,
    %mul3A_274 = arith.constant 16 : i32
    %mul3A_275 = vector.broadcast %mul3A_274 : i32 to vector<16xi32>
    %mul3A_276 = arith.muli %get3A_271, %mul3A_275 : vector<16xi32>
    %add3A_277 = arith.addi %mul3A_276, %get3A_273 : vector<16xi32>
    tpu.vector_store_idx %arg13[%add3A_277], %broadcast_in_dim3A_18 {add = true} : memref<176xf32, #tpu.memory_space<vmem>>[vector<16xi32>], vector<16xf32>,
    %get3A_278 = arith.constant 464 : index
    %get3A_279 = tpu.vector_load %arg10[%get3A_278] {strides = array<i32>} : memref<1008xi32, #tpu.memory_space<vmem>>, vector<16xi32>,
    %get3A_280 = arith.constant 464 : index
    %get3A_281 = tpu.vector_load %arg11[%get3A_280] {strides = array<i32>} : memref<1008xi32, #tpu.memory_space<vmem>>, vector<16xi32>,
    %mul3A_282 = arith.constant 16 : i32
    %mul3A_283 = vector.broadcast %mul3A_282 : i32 to vector<16xi32>
    %mul3A_284 = arith.muli %get3A_279, %mul3A_283 : vector<16xi32>
    %add3A_285 = arith.addi %mul3A_284, %get3A_281 : vector<16xi32>
    tpu.vector_store_idx %arg13[%add3A_285], %broadcast_in_dim3A_18 {add = true} : memref<176xf32, #tpu.memory_space<vmem>>[vector<16xi32>], vector<16xf32>,
    %get3A_286 = arith.constant 480 : index
    %get3A_287 = tpu.vector_load %arg10[%get3A_286] {strides = array<i32>} : memref<1008xi32, #tpu.memory_space<vmem>>, vector<16xi32>,
    %get3A_288 = arith.constant 480 : index
    %get3A_289 = tpu.vector_load %arg11[%get3A_288] {strides = array<i32>} : memref<1008xi32, #tpu.memory_space<vmem>>, vector<16xi32>,
    %mul3A_290 = arith.constant 16 : i32
    %mul3A_291 = vector.broadcast %mul3A_290 : i32 to vector<16xi32>
    %mul3A_292 = arith.muli %get3A_287, %mul3A_291 : vector<16xi32>
    %add3A_293 = arith.addi %mul3A_292, %get3A_289 : vector<16xi32>
    tpu.vector_store_idx %arg13[%add3A_293], %broadcast_in_dim3A_18 {add = true} : memref<176xf32, #tpu.memory_space<vmem>>[vector<16xi32>], vector<16xf32>,
    %get3A_294 = arith.constant 496 : index
    %get3A_295 = tpu.vector_load %arg10[%get3A_294] {strides = array<i32>} : memref<1008xi32, #tpu.memory_space<vmem>>, vector<16xi32>,
    %get3A_296 = arith.constant 496 : index
    %get3A_297 = tpu.vector_load %arg11[%get3A_296] {strides = array<i32>} : memref<1008xi32, #tpu.memory_space<vmem>>, vector<16xi32>,
    %mul3A_298 = arith.constant 16 : i32
    %mul3A_299 = vector.broadcast %mul3A_298 : i32 to vector<16xi32>
    %mul3A_300 = arith.muli %get3A_295, %mul3A_299 : vector<16xi32>
    %add3A_301 = arith.addi %mul3A_300, %get3A_297 : vector<16xi32>
    tpu.vector_store_idx %arg13[%add3A_301], %broadcast_in_dim3A_18 {add = true} : memref<176xf32, #tpu.memory_space<vmem>>[vector<16xi32>], vector<16xf32>,
    %get3A_302 = arith.constant 512 : index
    %get3A_303 = tpu.vector_load %arg10[%get3A_302] {strides = array<i32>} : memref<1008xi32, #tpu.memory_space<vmem>>, vector<16xi32>,
    %get3A_304 = arith.constant 512 : index
    %get3A_305 = tpu.vector_load %arg11[%get3A_304] {strides = array<i32>} : memref<1008xi32, #tpu.memory_space<vmem>>, vector<16xi32>,
    %mul3A_306 = arith.constant 16 : i32
    %mul3A_307 = vector.broadcast %mul3A_306 : i32 to vector<16xi32>
    %mul3A_308 = arith.muli %get3A_303, %mul3A_307 : vector<16xi32>
    %add3A_309 = arith.addi %mul3A_308, %get3A_305 : vector<16xi32>
    tpu.vector_store_idx %arg13[%add3A_309], %broadcast_in_dim3A_18 {add = true} : memref<176xf32, #tpu.memory_space<vmem>>[vector<16xi32>], vector<16xf32>,
    %get3A_310 = arith.constant 528 : index
    %get3A_311 = tpu.vector_load %arg10[%get3A_310] {strides = array<i32>} : memref<1008xi32, #tpu.memory_space<vmem>>, vector<16xi32>,
    %get3A_312 = arith.constant 528 : index
    %get3A_313 = tpu.vector_load %arg11[%get3A_312] {strides = array<i32>} : memref<1008xi32, #tpu.memory_space<vmem>>, vector<16xi32>,
    %mul3A_314 = arith.constant 16 : i32
    %mul3A_315 = vector.broadcast %mul3A_314 : i32 to vector<16xi32>
    %mul3A_316 = arith.muli %get3A_311, %mul3A_315 : vector<16xi32>
    %add3A_317 = arith.addi %mul3A_316, %get3A_313 : vector<16xi32>
    tpu.vector_store_idx %arg13[%add3A_317], %broadcast_in_dim3A_18 {add = true} : memref<176xf32, #tpu.memory_space<vmem>>[vector<16xi32>], vector<16xf32>,
    %get3A_318 = arith.constant 544 : index
    %get3A_319 = tpu.vector_load %arg10[%get3A_318] {strides = array<i32>} : memref<1008xi32, #tpu.memory_space<vmem>>, vector<16xi32>,
    %get3A_320 = arith.constant 544 : index
    %get3A_321 = tpu.vector_load %arg11[%get3A_320] {strides = array<i32>} : memref<1008xi32, #tpu.memory_space<vmem>>, vector<16xi32>,
    %mul3A_322 = arith.constant 16 : i32
    %mul3A_323 = vector.broadcast %mul3A_322 : i32 to vector<16xi32>
    %mul3A_324 = arith.muli %get3A_319, %mul3A_323 : vector<16xi32>
    %add3A_325 = arith.addi %mul3A_324, %get3A_321 : vector<16xi32>
    tpu.vector_store_idx %arg13[%add3A_325], %broadcast_in_dim3A_18 {add = true} : memref<176xf32, #tpu.memory_space<vmem>>[vector<16xi32>], vector<16xf32>,
    %get3A_326 = arith.constant 560 : index
    %get3A_327 = tpu.vector_load %arg10[%get3A_326] {strides = array<i32>} : memref<1008xi32, #tpu.memory_space<vmem>>, vector<16xi32>,
    %get3A_328 = arith.constant 560 : index
    %get3A_329 = tpu.vector_load %arg11[%get3A_328] {strides = array<i32>} : memref<1008xi32, #tpu.memory_space<vmem>>, vector<16xi32>,
    %mul3A_330 = arith.constant 16 : i32
    %mul3A_331 = vector.broadcast %mul3A_330 : i32 to vector<16xi32>
    %mul3A_332 = arith.muli %get3A_327, %mul3A_331 : vector<16xi32>
    %add3A_333 = arith.addi %mul3A_332, %get3A_329 : vector<16xi32>
    tpu.vector_store_idx %arg13[%add3A_333], %broadcast_in_dim3A_18 {add = true} : memref<176xf32, #tpu.memory_space<vmem>>[vector<16xi32>], vector<16xf32>,
    %get3A_334 = arith.constant 576 : index
    %get3A_335 = tpu.vector_load %arg10[%get3A_334] {strides = array<i32>} : memref<1008xi32, #tpu.memory_space<vmem>>, vector<16xi32>,
    %get3A_336 = arith.constant 576 : index
    %get3A_337 = tpu.vector_load %arg11[%get3A_336] {strides = array<i32>} : memref<1008xi32, #tpu.memory_space<vmem>>, vector<16xi32>,
    %mul3A_338 = arith.constant 16 : i32
    %mul3A_339 = vector.broadcast %mul3A_338 : i32 to vector<16xi32>
    %mul3A_340 = arith.muli %get3A_335, %mul3A_339 : vector<16xi32>
    %add3A_341 = arith.addi %mul3A_340, %get3A_337 : vector<16xi32>
    tpu.vector_store_idx %arg13[%add3A_341], %broadcast_in_dim3A_18 {add = true} : memref<176xf32, #tpu.memory_space<vmem>>[vector<16xi32>], vector<16xf32>,
    %get3A_342 = arith.constant 592 : index
    %get3A_343 = tpu.vector_load %arg10[%get3A_342] {strides = array<i32>} : memref<1008xi32, #tpu.memory_space<vmem>>, vector<16xi32>,
    %get3A_344 = arith.constant 592 : index
    %get3A_345 = tpu.vector_load %arg11[%get3A_344] {strides = array<i32>} : memref<1008xi32, #tpu.memory_space<vmem>>, vector<16xi32>,
    %mul3A_346 = arith.constant 16 : i32
    %mul3A_347 = vector.broadcast %mul3A_346 : i32 to vector<16xi32>
    %mul3A_348 = arith.muli %get3A_343, %mul3A_347 : vector<16xi32>
    %add3A_349 = arith.addi %mul3A_348, %get3A_345 : vector<16xi32>
    tpu.vector_store_idx %arg13[%add3A_349], %broadcast_in_dim3A_18 {add = true} : memref<176xf32, #tpu.memory_space<vmem>>[vector<16xi32>], vector<16xf32>,
    %get3A_350 = arith.constant 608 : index
    %get3A_351 = tpu.vector_load %arg10[%get3A_350] {strides = array<i32>} : memref<1008xi32, #tpu.memory_space<vmem>>, vector<16xi32>,
    %get3A_352 = arith.constant 608 : index
    %get3A_353 = tpu.vector_load %arg11[%get3A_352] {strides = array<i32>} : memref<1008xi32, #tpu.memory_space<vmem>>, vector<16xi32>,
    %mul3A_354 = arith.constant 16 : i32
    %mul3A_355 = vector.broadcast %mul3A_354 : i32 to vector<16xi32>
    %mul3A_356 = arith.muli %get3A_351, %mul3A_355 : vector<16xi32>
    %add3A_357 = arith.addi %mul3A_356, %get3A_353 : vector<16xi32>
    tpu.vector_store_idx %arg13[%add3A_357], %broadcast_in_dim3A_18 {add = true} : memref<176xf32, #tpu.memory_space<vmem>>[vector<16xi32>], vector<16xf32>,
    %get3A_358 = arith.constant 624 : index
    %get3A_359 = tpu.vector_load %arg10[%get3A_358] {strides = array<i32>} : memref<1008xi32, #tpu.memory_space<vmem>>, vector<16xi32>,
    %get3A_360 = arith.constant 624 : index
    %get3A_361 = tpu.vector_load %arg11[%get3A_360] {strides = array<i32>} : memref<1008xi32, #tpu.memory_space<vmem>>, vector<16xi32>,
    %mul3A_362 = arith.constant 16 : i32
    %mul3A_363 = vector.broadcast %mul3A_362 : i32 to vector<16xi32>
    %mul3A_364 = arith.muli %get3A_359, %mul3A_363 : vector<16xi32>
    %add3A_365 = arith.addi %mul3A_364, %get3A_361 : vector<16xi32>
    tpu.vector_store_idx %arg13[%add3A_365], %broadcast_in_dim3A_18 {add = true} : memref<176xf32, #tpu.memory_space<vmem>>[vector<16xi32>], vector<16xf32>,
    %get3A_366 = arith.constant 640 : index
    %get3A_367 = tpu.vector_load %arg10[%get3A_366] {strides = array<i32>} : memref<1008xi32, #tpu.memory_space<vmem>>, vector<16xi32>,
    %get3A_368 = arith.constant 640 : index
    %get3A_369 = tpu.vector_load %arg11[%get3A_368] {strides = array<i32>} : memref<1008xi32, #tpu.memory_space<vmem>>, vector<16xi32>,
    %mul3A_370 = arith.constant 16 : i32
    %mul3A_371 = vector.broadcast %mul3A_370 : i32 to vector<16xi32>
    %mul3A_372 = arith.muli %get3A_367, %mul3A_371 : vector<16xi32>
    %add3A_373 = arith.addi %mul3A_372, %get3A_369 : vector<16xi32>
    tpu.vector_store_idx %arg13[%add3A_373], %broadcast_in_dim3A_18 {add = true} : memref<176xf32, #tpu.memory_space<vmem>>[vector<16xi32>], vector<16xf32>,
    %get3A_374 = arith.constant 656 : index
    %get3A_375 = tpu.vector_load %arg10[%get3A_374] {strides = array<i32>} : memref<1008xi32, #tpu.memory_space<vmem>>, vector<16xi32>,
    %get3A_376 = arith.constant 656 : index
    %get3A_377 = tpu.vector_load %arg11[%get3A_376] {strides = array<i32>} : memref<1008xi32, #tpu.memory_space<vmem>>, vector<16xi32>,
    %mul3A_378 = arith.constant 16 : i32
    %mul3A_379 = vector.broadcast %mul3A_378 : i32 to vector<16xi32>
    %mul3A_380 = arith.muli %get3A_375, %mul3A_379 : vector<16xi32>
    %add3A_381 = arith.addi %mul3A_380, %get3A_377 : vector<16xi32>
    tpu.vector_store_idx %arg13[%add3A_381], %broadcast_in_dim3A_18 {add = true} : memref<176xf32, #tpu.memory_space<vmem>>[vector<16xi32>], vector<16xf32>,
    %get3A_382 = arith.constant 672 : index
    %get3A_383 = tpu.vector_load %arg10[%get3A_382] {strides = array<i32>} : memref<1008xi32, #tpu.memory_space<vmem>>, vector<16xi32>,
    %get3A_384 = arith.constant 672 : index
    %get3A_385 = tpu.vector_load %arg11[%get3A_384] {strides = array<i32>} : memref<1008xi32, #tpu.memory_space<vmem>>, vector<16xi32>,
    %mul3A_386 = arith.constant 16 : i32
    %mul3A_387 = vector.broadcast %mul3A_386 : i32 to vector<16xi32>
    %mul3A_388 = arith.muli %get3A_383, %mul3A_387 : vector<16xi32>
    %add3A_389 = arith.addi %mul3A_388, %get3A_385 : vector<16xi32>
    tpu.vector_store_idx %arg13[%add3A_389], %broadcast_in_dim3A_18 {add = true} : memref<176xf32, #tpu.memory_space<vmem>>[vector<16xi32>], vector<16xf32>,
    %get3A_390 = arith.constant 688 : index
    %get3A_391 = tpu.vector_load %arg10[%get3A_390] {strides = array<i32>} : memref<1008xi32, #tpu.memory_space<vmem>>, vector<16xi32>,
    %get3A_392 = arith.constant 688 : index
    %get3A_393 = tpu.vector_load %arg11[%get3A_392] {strides = array<i32>} : memref<1008xi32, #tpu.memory_space<vmem>>, vector<16xi32>,
    %mul3A_394 = arith.constant 16 : i32
    %mul3A_395 = vector.broadcast %mul3A_394 : i32 to vector<16xi32>
    %mul3A_396 = arith.muli %get3A_391, %mul3A_395 : vector<16xi32>
    %add3A_397 = arith.addi %mul3A_396, %get3A_393 : vector<16xi32>
    tpu.vector_store_idx %arg13[%add3A_397], %broadcast_in_dim3A_18 {add = true} : memref<176xf32, #tpu.memory_space<vmem>>[vector<16xi32>], vector<16xf32>,
    %get3A_398 = arith.constant 704 : index
    %get3A_399 = tpu.vector_load %arg10[%get3A_398] {strides = array<i32>} : memref<1008xi32, #tpu.memory_space<vmem>>, vector<16xi32>,
    %get3A_400 = arith.constant 704 : index
    %get3A_401 = tpu.vector_load %arg11[%get3A_400] {strides = array<i32>} : memref<1008xi32, #tpu.memory_space<vmem>>, vector<16xi32>,
    %mul3A_402 = arith.constant 16 : i32
    %mul3A_403 = vector.broadcast %mul3A_402 : i32 to vector<16xi32>
    %mul3A_404 = arith.muli %get3A_399, %mul3A_403 : vector<16xi32>
    %add3A_405 = arith.addi %mul3A_404, %get3A_401 : vector<16xi32>
    tpu.vector_store_idx %arg13[%add3A_405], %broadcast_in_dim3A_18 {add = true} : memref<176xf32, #tpu.memory_space<vmem>>[vector<16xi32>], vector<16xf32>,
    %get3A_406 = arith.constant 720 : index
    %get3A_407 = tpu.vector_load %arg10[%get3A_406] {strides = array<i32>} : memref<1008xi32, #tpu.memory_space<vmem>>, vector<16xi32>,
    %get3A_408 = arith.constant 720 : index
    %get3A_409 = tpu.vector_load %arg11[%get3A_408] {strides = array<i32>} : memref<1008xi32, #tpu.memory_space<vmem>>, vector<16xi32>,
    %mul3A_410 = arith.constant 16 : i32
    %mul3A_411 = vector.broadcast %mul3A_410 : i32 to vector<16xi32>
    %mul3A_412 = arith.muli %get3A_407, %mul3A_411 : vector<16xi32>
    %add3A_413 = arith.addi %mul3A_412, %get3A_409 : vector<16xi32>
    tpu.vector_store_idx %arg13[%add3A_413], %broadcast_in_dim3A_18 {add = true} : memref<176xf32, #tpu.memory_space<vmem>>[vector<16xi32>], vector<16xf32>,
    %get3A_414 = arith.constant 736 : index
    %get3A_415 = tpu.vector_load %arg10[%get3A_414] {strides = array<i32>} : memref<1008xi32, #tpu.memory_space<vmem>>, vector<16xi32>,
    %get3A_416 = arith.constant 736 : index
    %get3A_417 = tpu.vector_load %arg11[%get3A_416] {strides = array<i32>} : memref<1008xi32, #tpu.memory_space<vmem>>, vector<16xi32>,
    %mul3A_418 = arith.constant 16 : i32
    %mul3A_419 = vector.broadcast %mul3A_418 : i32 to vector<16xi32>
    %mul3A_420 = arith.muli %get3A_415, %mul3A_419 : vector<16xi32>
    %add3A_421 = arith.addi %mul3A_420, %get3A_417 : vector<16xi32>
    tpu.vector_store_idx %arg13[%add3A_421], %broadcast_in_dim3A_18 {add = true} : memref<176xf32, #tpu.memory_space<vmem>>[vector<16xi32>], vector<16xf32>,
    %get3A_422 = arith.constant 752 : index
    %get3A_423 = tpu.vector_load %arg10[%get3A_422] {strides = array<i32>} : memref<1008xi32, #tpu.memory_space<vmem>>, vector<16xi32>,
    %get3A_424 = arith.constant 752 : index
    %get3A_425 = tpu.vector_load %arg11[%get3A_424] {strides = array<i32>} : memref<1008xi32, #tpu.memory_space<vmem>>, vector<16xi32>,
    %mul3A_426 = arith.constant 16 : i32
    %mul3A_427 = vector.broadcast %mul3A_426 : i32 to vector<16xi32>
    %mul3A_428 = arith.muli %get3A_423, %mul3A_427 : vector<16xi32>
    %add3A_429 = arith.addi %mul3A_428, %get3A_425 : vector<16xi32>
    tpu.vector_store_idx %arg13[%add3A_429], %broadcast_in_dim3A_18 {add = true} : memref<176xf32, #tpu.memory_space<vmem>>[vector<16xi32>], vector<16xf32>,
    %get3A_430 = arith.constant 768 : index
    %get3A_431 = tpu.vector_load %arg10[%get3A_430] {strides = array<i32>} : memref<1008xi32, #tpu.memory_space<vmem>>, vector<16xi32>,
    %get3A_432 = arith.constant 768 : index
    %get3A_433 = tpu.vector_load %arg11[%get3A_432] {strides = array<i32>} : memref<1008xi32, #tpu.memory_space<vmem>>, vector<16xi32>,
    %mul3A_434 = arith.constant 16 : i32
    %mul3A_435 = vector.broadcast %mul3A_434 : i32 to vector<16xi32>
    %mul3A_436 = arith.muli %get3A_431, %mul3A_435 : vector<16xi32>
    %add3A_437 = arith.addi %mul3A_436, %get3A_433 : vector<16xi32>
    tpu.vector_store_idx %arg13[%add3A_437], %broadcast_in_dim3A_18 {add = true} : memref<176xf32, #tpu.memory_space<vmem>>[vector<16xi32>], vector<16xf32>,
    %get3A_438 = arith.constant 784 : index
    %get3A_439 = tpu.vector_load %arg10[%get3A_438] {strides = array<i32>} : memref<1008xi32, #tpu.memory_space<vmem>>, vector<16xi32>,
    %get3A_440 = arith.constant 784 : index
    %get3A_441 = tpu.vector_load %arg11[%get3A_440] {strides = array<i32>} : memref<1008xi32, #tpu.memory_space<vmem>>, vector<16xi32>,
    %mul3A_442 = arith.constant 16 : i32
    %mul3A_443 = vector.broadcast %mul3A_442 : i32 to vector<16xi32>
    %mul3A_444 = arith.muli %get3A_439, %mul3A_443 : vector<16xi32>
    %add3A_445 = arith.addi %mul3A_444, %get3A_441 : vector<16xi32>
    tpu.vector_store_idx %arg13[%add3A_445], %broadcast_in_dim3A_18 {add = true} : memref<176xf32, #tpu.memory_space<vmem>>[vector<16xi32>], vector<16xf32>,
    %get3A_446 = arith.constant 800 : index
    %get3A_447 = tpu.vector_load %arg10[%get3A_446] {strides = array<i32>} : memref<1008xi32, #tpu.memory_space<vmem>>, vector<16xi32>,
    %get3A_448 = arith.constant 800 : index
    %get3A_449 = tpu.vector_load %arg11[%get3A_448] {strides = array<i32>} : memref<1008xi32, #tpu.memory_space<vmem>>, vector<16xi32>,
    %mul3A_450 = arith.constant 16 : i32
    %mul3A_451 = vector.broadcast %mul3A_450 : i32 to vector<16xi32>
    %mul3A_452 = arith.muli %get3A_447, %mul3A_451 : vector<16xi32>
    %add3A_453 = arith.addi %mul3A_452, %get3A_449 : vector<16xi32>
    tpu.vector_store_idx %arg13[%add3A_453], %broadcast_in_dim3A_18 {add = true} : memref<176xf32, #tpu.memory_space<vmem>>[vector<16xi32>], vector<16xf32>,
    %get3A_454 = arith.constant 816 : index
    %get3A_455 = tpu.vector_load %arg10[%get3A_454] {strides = array<i32>} : memref<1008xi32, #tpu.memory_space<vmem>>, vector<16xi32>,
    %get3A_456 = arith.constant 816 : index
    %get3A_457 = tpu.vector_load %arg11[%get3A_456] {strides = array<i32>} : memref<1008xi32, #tpu.memory_space<vmem>>, vector<16xi32>,
    %mul3A_458 = arith.constant 16 : i32
    %mul3A_459 = vector.broadcast %mul3A_458 : i32 to vector<16xi32>
    %mul3A_460 = arith.muli %get3A_455, %mul3A_459 : vector<16xi32>
    %add3A_461 = arith.addi %mul3A_460, %get3A_457 : vector<16xi32>
    tpu.vector_store_idx %arg13[%add3A_461], %broadcast_in_dim3A_18 {add = true} : memref<176xf32, #tpu.memory_space<vmem>>[vector<16xi32>], vector<16xf32>,
    %get3A_462 = arith.constant 832 : index
    %get3A_463 = tpu.vector_load %arg10[%get3A_462] {strides = array<i32>} : memref<1008xi32, #tpu.memory_space<vmem>>, vector<16xi32>,
    %get3A_464 = arith.constant 832 : index
    %get3A_465 = tpu.vector_load %arg11[%get3A_464] {strides = array<i32>} : memref<1008xi32, #tpu.memory_space<vmem>>, vector<16xi32>,
    %mul3A_466 = arith.constant 16 : i32
    %mul3A_467 = vector.broadcast %mul3A_466 : i32 to vector<16xi32>
    %mul3A_468 = arith.muli %get3A_463, %mul3A_467 : vector<16xi32>
    %add3A_469 = arith.addi %mul3A_468, %get3A_465 : vector<16xi32>
    tpu.vector_store_idx %arg13[%add3A_469], %broadcast_in_dim3A_18 {add = true} : memref<176xf32, #tpu.memory_space<vmem>>[vector<16xi32>], vector<16xf32>,
    %get3A_470 = arith.constant 848 : index
    %get3A_471 = tpu.vector_load %arg10[%get3A_470] {strides = array<i32>} : memref<1008xi32, #tpu.memory_space<vmem>>, vector<16xi32>,
    %get3A_472 = arith.constant 848 : index
    %get3A_473 = tpu.vector_load %arg11[%get3A_472] {strides = array<i32>} : memref<1008xi32, #tpu.memory_space<vmem>>, vector<16xi32>,
    %mul3A_474 = arith.constant 16 : i32
    %mul3A_475 = vector.broadcast %mul3A_474 : i32 to vector<16xi32>
    %mul3A_476 = arith.muli %get3A_471, %mul3A_475 : vector<16xi32>
    %add3A_477 = arith.addi %mul3A_476, %get3A_473 : vector<16xi32>
    tpu.vector_store_idx %arg13[%add3A_477], %broadcast_in_dim3A_18 {add = true} : memref<176xf32, #tpu.memory_space<vmem>>[vector<16xi32>], vector<16xf32>,
    %get3A_478 = arith.constant 864 : index
    %get3A_479 = tpu.vector_load %arg10[%get3A_478] {strides = array<i32>} : memref<1008xi32, #tpu.memory_space<vmem>>, vector<16xi32>,
    %get3A_480 = arith.constant 864 : index
    %get3A_481 = tpu.vector_load %arg11[%get3A_480] {strides = array<i32>} : memref<1008xi32, #tpu.memory_space<vmem>>, vector<16xi32>,
    %mul3A_482 = arith.constant 16 : i32
    %mul3A_483 = vector.broadcast %mul3A_482 : i32 to vector<16xi32>
    %mul3A_484 = arith.muli %get3A_479, %mul3A_483 : vector<16xi32>
    %add3A_485 = arith.addi %mul3A_484, %get3A_481 : vector<16xi32>
    tpu.vector_store_idx %arg13[%add3A_485], %broadcast_in_dim3A_18 {add = true} : memref<176xf32, #tpu.memory_space<vmem>>[vector<16xi32>], vector<16xf32>,
    %get3A_486 = arith.constant 880 : index
    %get3A_487 = tpu.vector_load %arg10[%get3A_486] {strides = array<i32>} : memref<1008xi32, #tpu.memory_space<vmem>>, vector<16xi32>,
    %get3A_488 = arith.constant 880 : index
    %get3A_489 = tpu.vector_load %arg11[%get3A_488] {strides = array<i32>} : memref<1008xi32, #tpu.memory_space<vmem>>, vector<16xi32>,
    %mul3A_490 = arith.constant 16 : i32
    %mul3A_491 = vector.broadcast %mul3A_490 : i32 to vector<16xi32>
    %mul3A_492 = arith.muli %get3A_487, %mul3A_491 : vector<16xi32>
    %add3A_493 = arith.addi %mul3A_492, %get3A_489 : vector<16xi32>
    tpu.vector_store_idx %arg13[%add3A_493], %broadcast_in_dim3A_18 {add = true} : memref<176xf32, #tpu.memory_space<vmem>>[vector<16xi32>], vector<16xf32>,
    %get3A_494 = arith.constant 896 : index
    %get3A_495 = tpu.vector_load %arg10[%get3A_494] {strides = array<i32>} : memref<1008xi32, #tpu.memory_space<vmem>>, vector<16xi32>,
    %get3A_496 = arith.constant 896 : index
    %get3A_497 = tpu.vector_load %arg11[%get3A_496] {strides = array<i32>} : memref<1008xi32, #tpu.memory_space<vmem>>, vector<16xi32>,
    %mul3A_498 = arith.constant 16 : i32
    %mul3A_499 = vector.broadcast %mul3A_498 : i32 to vector<16xi32>
    %mul3A_500 = arith.muli %get3A_495, %mul3A_499 : vector<16xi32>
    %add3A_501 = arith.addi %mul3A_500, %get3A_497 : vector<16xi32>
    tpu.vector_store_idx %arg13[%add3A_501], %broadcast_in_dim3A_18 {add = true} : memref<176xf32, #tpu.memory_space<vmem>>[vector<16xi32>], vector<16xf32>,
    %get3A_502 = arith.constant 912 : index
    %get3A_503 = tpu.vector_load %arg10[%get3A_502] {strides = array<i32>} : memref<1008xi32, #tpu.memory_space<vmem>>, vector<16xi32>,
    %get3A_504 = arith.constant 912 : index
    %get3A_505 = tpu.vector_load %arg11[%get3A_504] {strides = array<i32>} : memref<1008xi32, #tpu.memory_space<vmem>>, vector<16xi32>,
    %mul3A_506 = arith.constant 16 : i32
    %mul3A_507 = vector.broadcast %mul3A_506 : i32 to vector<16xi32>
    %mul3A_508 = arith.muli %get3A_503, %mul3A_507 : vector<16xi32>
    %add3A_509 = arith.addi %mul3A_508, %get3A_505 : vector<16xi32>
    tpu.vector_store_idx %arg13[%add3A_509], %broadcast_in_dim3A_18 {add = true} : memref<176xf32, #tpu.memory_space<vmem>>[vector<16xi32>], vector<16xf32>,
    %get3A_510 = arith.constant 928 : index
    %get3A_511 = tpu.vector_load %arg10[%get3A_510] {strides = array<i32>} : memref<1008xi32, #tpu.memory_space<vmem>>, vector<16xi32>,
    %get3A_512 = arith.constant 928 : index
    %get3A_513 = tpu.vector_load %arg11[%get3A_512] {strides = array<i32>} : memref<1008xi32, #tpu.memory_space<vmem>>, vector<16xi32>,
    %mul3A_514 = arith.constant 16 : i32
    %mul3A_515 = vector.broadcast %mul3A_514 : i32 to vector<16xi32>
    %mul3A_516 = arith.muli %get3A_511, %mul3A_515 : vector<16xi32>
    %add3A_517 = arith.addi %mul3A_516, %get3A_513 : vector<16xi32>
    tpu.vector_store_idx %arg13[%add3A_517], %broadcast_in_dim3A_18 {add = true} : memref<176xf32, #tpu.memory_space<vmem>>[vector<16xi32>], vector<16xf32>,
    %get3A_518 = arith.constant 944 : index
    %get3A_519 = tpu.vector_load %arg10[%get3A_518] {strides = array<i32>} : memref<1008xi32, #tpu.memory_space<vmem>>, vector<16xi32>,
    %get3A_520 = arith.constant 944 : index
    %get3A_521 = tpu.vector_load %arg11[%get3A_520] {strides = array<i32>} : memref<1008xi32, #tpu.memory_space<vmem>>, vector<16xi32>,
    %mul3A_522 = arith.constant 16 : i32
    %mul3A_523 = vector.broadcast %mul3A_522 : i32 to vector<16xi32>
    %mul3A_524 = arith.muli %get3A_519, %mul3A_523 : vector<16xi32>
    %add3A_525 = arith.addi %mul3A_524, %get3A_521 : vector<16xi32>
    tpu.vector_store_idx %arg13[%add3A_525], %broadcast_in_dim3A_18 {add = true} : memref<176xf32, #tpu.memory_space<vmem>>[vector<16xi32>], vector<16xf32>,
    %get3A_526 = arith.constant 960 : index
    %get3A_527 = tpu.vector_load %arg10[%get3A_526] {strides = array<i32>} : memref<1008xi32, #tpu.memory_space<vmem>>, vector<16xi32>,
    %get3A_528 = arith.constant 960 : index
    %get3A_529 = tpu.vector_load %arg11[%get3A_528] {strides = array<i32>} : memref<1008xi32, #tpu.memory_space<vmem>>, vector<16xi32>,
    %mul3A_530 = arith.constant 16 : i32
    %mul3A_531 = vector.broadcast %mul3A_530 : i32 to vector<16xi32>
    %mul3A_532 = arith.muli %get3A_527, %mul3A_531 : vector<16xi32>
    %add3A_533 = arith.addi %mul3A_532, %get3A_529 : vector<16xi32>
    tpu.vector_store_idx %arg13[%add3A_533], %broadcast_in_dim3A_18 {add = true} : memref<176xf32, #tpu.memory_space<vmem>>[vector<16xi32>], vector<16xf32>,
    %get3A_534 = arith.constant 976 : index
    %get3A_535 = tpu.vector_load %arg10[%get3A_534] {strides = array<i32>} : memref<1008xi32, #tpu.memory_space<vmem>>, vector<16xi32>,
    %get3A_536 = arith.constant 976 : index
    %get3A_537 = tpu.vector_load %arg11[%get3A_536] {strides = array<i32>} : memref<1008xi32, #tpu.memory_space<vmem>>, vector<16xi32>,
    %mul3A_538 = arith.constant 16 : i32
    %mul3A_539 = vector.broadcast %mul3A_538 : i32 to vector<16xi32>
    %mul3A_540 = arith.muli %get3A_535, %mul3A_539 : vector<16xi32>
    %add3A_541 = arith.addi %mul3A_540, %get3A_537 : vector<16xi32>
    tpu.vector_store_idx %arg13[%add3A_541], %broadcast_in_dim3A_18 {add = true} : memref<176xf32, #tpu.memory_space<vmem>>[vector<16xi32>], vector<16xf32>,
    %get3A_542 = arith.constant 992 : index
    %get3A_543 = tpu.vector_load %arg10[%get3A_542] {strides = array<i32>} : memref<1008xi32, #tpu.memory_space<vmem>>, vector<16xi32>,
    %get3A_544 = arith.constant 992 : index
    %get3A_545 = tpu.vector_load %arg11[%get3A_544] {strides = array<i32>} : memref<1008xi32, #tpu.memory_space<vmem>>, vector<16xi32>,
    %mul3A_546 = arith.constant 16 : i32
    %mul3A_547 = vector.broadcast %mul3A_546 : i32 to vector<16xi32>
    %mul3A_548 = arith.muli %get3A_543, %mul3A_547 : vector<16xi32>
    %add3A_549 = arith.addi %mul3A_548, %get3A_545 : vector<16xi32>
    %lt3A = arith.constant 8 : i32
    %lt3A_550 = vector.broadcast %lt3A : i32 to vector<16xi32>
    %lt3A_551 = arith.cmpi slt, %iota3A, %lt3A_550 : vector<16xi32>
    tpu.vector_store_idx %arg13[%add3A_549], %broadcast_in_dim3A_18 masked %lt3A_551 {add = true} : memref<176xf32, #tpu.memory_space<vmem>>[vector<16xi32>], vector<16xf32>, vector<16xi1>
    %get3A_552 = arith.constant 0 : index
    %get3A_553 = tpu.vector_load %arg13[%get3A_552] {strides = array<i32>} : memref<176xf32, #tpu.memory_space<vmem>>, vector<16xf32>,
    %get3A_554 = arith.constant 16 : index
    %get3A_555 = tpu.vector_load %arg13[%get3A_554] {strides = array<i32>} : memref<176xf32, #tpu.memory_space<vmem>>, vector<16xf32>,
    %get3A_556 = arith.constant 32 : index
    %get3A_557 = tpu.vector_load %arg13[%get3A_556] {strides = array<i32>} : memref<176xf32, #tpu.memory_space<vmem>>, vector<16xf32>,
    %get3A_558 = arith.constant 48 : index
    %get3A_559 = tpu.vector_load %arg13[%get3A_558] {strides = array<i32>} : memref<176xf32, #tpu.memory_space<vmem>>, vector<16xf32>,
    %get3A_560 = arith.constant 64 : index
    %get3A_561 = tpu.vector_load %arg13[%get3A_560] {strides = array<i32>} : memref<176xf32, #tpu.memory_space<vmem>>, vector<16xf32>,
    %get3A_562 = arith.constant 80 : index
    %get3A_563 = tpu.vector_load %arg13[%get3A_562] {strides = array<i32>} : memref<176xf32, #tpu.memory_space<vmem>>, vector<16xf32>,
    %get3A_564 = arith.constant 96 : index
    %get3A_565 = tpu.vector_load %arg13[%get3A_564] {strides = array<i32>} : memref<176xf32, #tpu.memory_space<vmem>>, vector<16xf32>,
    %get3A_566 = arith.constant 112 : index
    %get3A_567 = tpu.vector_load %arg13[%get3A_566] {strides = array<i32>} : memref<176xf32, #tpu.memory_space<vmem>>, vector<16xf32>,
    %get3A_568 = arith.constant 128 : index
    %get3A_569 = tpu.vector_load %arg13[%get3A_568] {strides = array<i32>} : memref<176xf32, #tpu.memory_space<vmem>>, vector<16xf32>,
    %get3A_570 = arith.constant 144 : index
    %get3A_571 = tpu.vector_load %arg13[%get3A_570] {strides = array<i32>} : memref<176xf32, #tpu.memory_space<vmem>>, vector<16xf32>,
    %get3A_572 = arith.constant 160 : index
    %get3A_573 = tpu.vector_load %arg13[%get3A_572] {strides = array<i32>} : memref<176xf32, #tpu.memory_space<vmem>>, vector<16xf32>,
    %add3A_574 = arith.addf %get3A_553, %get3A_555 : vector<16xf32>
    %add3A_575 = arith.addf %add3A_574, %get3A_557 : vector<16xf32>
    %add3A_576 = arith.addf %add3A_575, %get3A_559 : vector<16xf32>
    %add3A_577 = arith.addf %add3A_576, %get3A_561 : vector<16xf32>
    %add3A_578 = arith.addf %add3A_577, %get3A_563 : vector<16xf32>
    %add3A_579 = arith.addf %add3A_578, %get3A_565 : vector<16xf32>
    %add3A_580 = arith.addf %add3A_579, %get3A_567 : vector<16xf32>
    %add3A_581 = arith.addf %add3A_580, %get3A_569 : vector<16xf32>
    %add3A_582 = arith.addf %add3A_581, %get3A_571 : vector<16xf32>
    %add3A_583 = arith.addf %add3A_582, %get3A_573 : vector<16xf32>
    %mul3A_584 = arith.constant 1.000000e-03 : f32
    %mul3A_585 = vector.broadcast %mul3A_584 : f32 to vector<16xf32>
    %mul3A_586 = arith.mulf %add3A_583, %mul3A_585 : vector<16xf32>
    %add3A_587 = arith.addf %get3A_573, %mul3A_586 : vector<16xf32>
    %mul3A_588 = arith.mulf %add3A_587, %mul3A_586 : vector<16xf32>
    %broadcast_in_dim3A_589 = arith.constant 1.000000e+00 : f32
    %broadcast_in_dim3A_590 = vector.broadcast %broadcast_in_dim3A_589 : f32 to vector<16xf32>
    %add3A_591 = arith.addf %get3A_553, %mul3A_588 : vector<16xf32>
    %eq3A = arith.constant 0 : i32
    %eq3A_592 = vector.broadcast %eq3A : i32 to vector<16xi32>
    %eq3A_593 = arith.cmpi eq, %iota3A, %eq3A_592 : vector<16xi32>
    %reduce_sum3A = arith.constant true
    %reduce_sum3A_594 = vector.broadcast %reduce_sum3A : i1 to vector<16xi1>
    %reduce_sum3A_595 = tpu.scan <sum>, %add3A_591 masked %reduce_sum3A_594 : vector<16xf32>, vector<16xi1> -> vector<16xf32>
    %reduce_sum3A_596 = vector.extract %reduce_sum3A_595[15] : f32 from vector<16xf32>
    %broadcast_in_dim3A_597 = vector.broadcast %reduce_sum3A_596 : f32 to vector<16xf32>
    %select_n3A = arith.select %eq3A_593, %broadcast_in_dim3A_597, %broadcast_in_dim3A_590 : vector<16xi1>, vector<16xf32>
    %eq3A_598 = arith.constant 0 : i32
    %eq3A_599 = vector.broadcast %eq3A_598 : i32 to vector<16xi32>
    %eq3A_600 = arith.cmpi eq, %iota3A, %eq3A_599 : vector<16xi32>
    %reduce_sum3A_601 = arith.constant true
    %reduce_sum3A_602 = vector.broadcast %reduce_sum3A_601 : i1 to vector<16xi1>
    %reduce_sum3A_603 = tpu.scan <sum>, %get3A_553 masked %reduce_sum3A_602 : vector<16xf32>, vector<16xi1> -> vector<16xf32>
    %reduce_sum3A_604 = vector.extract %reduce_sum3A_603[15] : f32 from vector<16xf32>
    %broadcast_in_dim3A_605 = vector.broadcast %reduce_sum3A_604 : f32 to vector<16xf32>
    %select_n3A_606 = arith.select %eq3A_600, %broadcast_in_dim3A_605, %broadcast_in_dim3A_16 : vector<16xi1>, vector<16xf32>
    %add3A_607 = arith.addf %get3A_555, %mul3A_588 : vector<16xf32>
    %eq3A_608 = arith.constant 1 : i32
    %eq3A_609 = vector.broadcast %eq3A_608 : i32 to vector<16xi32>
    %eq3A_610 = arith.cmpi eq, %iota3A, %eq3A_609 : vector<16xi32>
    %reduce_sum3A_611 = arith.constant true
    %reduce_sum3A_612 = vector.broadcast %reduce_sum3A_611 : i1 to vector<16xi1>
    %reduce_sum3A_613 = tpu.scan <sum>, %add3A_607 masked %reduce_sum3A_612 : vector<16xf32>, vector<16xi1> -> vector<16xf32>
    %reduce_sum3A_614 = vector.extract %reduce_sum3A_613[15] : f32 from vector<16xf32>
    %broadcast_in_dim3A_615 = vector.broadcast %reduce_sum3A_614 : f32 to vector<16xf32>
    %select_n3A_616 = arith.select %eq3A_610, %broadcast_in_dim3A_615, %select_n3A : vector<16xi1>, vector<16xf32>
    %eq3A_617 = arith.constant 1 : i32
    %eq3A_618 = vector.broadcast %eq3A_617 : i32 to vector<16xi32>
    %eq3A_619 = arith.cmpi eq, %iota3A, %eq3A_618 : vector<16xi32>
    %reduce_sum3A_620 = arith.constant true
    %reduce_sum3A_621 = vector.broadcast %reduce_sum3A_620 : i1 to vector<16xi1>
    %reduce_sum3A_622 = tpu.scan <sum>, %get3A_555 masked %reduce_sum3A_621 : vector<16xf32>, vector<16xi1> -> vector<16xf32>
    %reduce_sum3A_623 = vector.extract %reduce_sum3A_622[15] : f32 from vector<16xf32>
    %broadcast_in_dim3A_624 = vector.broadcast %reduce_sum3A_623 : f32 to vector<16xf32>
    %select_n3A_625 = arith.select %eq3A_619, %broadcast_in_dim3A_624, %select_n3A_606 : vector<16xi1>, vector<16xf32>
    %add3A_626 = arith.addf %get3A_557, %mul3A_588 : vector<16xf32>
    %eq3A_627 = arith.constant 2 : i32
    %eq3A_628 = vector.broadcast %eq3A_627 : i32 to vector<16xi32>
    %eq3A_629 = arith.cmpi eq, %iota3A, %eq3A_628 : vector<16xi32>
    %reduce_sum3A_630 = arith.constant true
    %reduce_sum3A_631 = vector.broadcast %reduce_sum3A_630 : i1 to vector<16xi1>
    %reduce_sum3A_632 = tpu.scan <sum>, %add3A_626 masked %reduce_sum3A_631 : vector<16xf32>, vector<16xi1> -> vector<16xf32>
    %reduce_sum3A_633 = vector.extract %reduce_sum3A_632[15] : f32 from vector<16xf32>
    %broadcast_in_dim3A_634 = vector.broadcast %reduce_sum3A_633 : f32 to vector<16xf32>
    %select_n3A_635 = arith.select %eq3A_629, %broadcast_in_dim3A_634, %select_n3A_616 : vector<16xi1>, vector<16xf32>
    %eq3A_636 = arith.constant 2 : i32
    %eq3A_637 = vector.broadcast %eq3A_636 : i32 to vector<16xi32>
    %eq3A_638 = arith.cmpi eq, %iota3A, %eq3A_637 : vector<16xi32>
    %reduce_sum3A_639 = arith.constant true
    %reduce_sum3A_640 = vector.broadcast %reduce_sum3A_639 : i1 to vector<16xi1>
    %reduce_sum3A_641 = tpu.scan <sum>, %get3A_557 masked %reduce_sum3A_640 : vector<16xf32>, vector<16xi1> -> vector<16xf32>
    %reduce_sum3A_642 = vector.extract %reduce_sum3A_641[15] : f32 from vector<16xf32>
    %broadcast_in_dim3A_643 = vector.broadcast %reduce_sum3A_642 : f32 to vector<16xf32>
    %select_n3A_644 = arith.select %eq3A_638, %broadcast_in_dim3A_643, %select_n3A_625 : vector<16xi1>, vector<16xf32>
    %add3A_645 = arith.addf %get3A_559, %mul3A_588 : vector<16xf32>
    %eq3A_646 = arith.constant 3 : i32
    %eq3A_647 = vector.broadcast %eq3A_646 : i32 to vector<16xi32>
    %eq3A_648 = arith.cmpi eq, %iota3A, %eq3A_647 : vector<16xi32>
    %reduce_sum3A_649 = arith.constant true
    %reduce_sum3A_650 = vector.broadcast %reduce_sum3A_649 : i1 to vector<16xi1>
    %reduce_sum3A_651 = tpu.scan <sum>, %add3A_645 masked %reduce_sum3A_650 : vector<16xf32>, vector<16xi1> -> vector<16xf32>
    %reduce_sum3A_652 = vector.extract %reduce_sum3A_651[15] : f32 from vector<16xf32>
    %broadcast_in_dim3A_653 = vector.broadcast %reduce_sum3A_652 : f32 to vector<16xf32>
    %select_n3A_654 = arith.select %eq3A_648, %broadcast_in_dim3A_653, %select_n3A_635 : vector<16xi1>, vector<16xf32>
    %eq3A_655 = arith.constant 3 : i32
    %eq3A_656 = vector.broadcast %eq3A_655 : i32 to vector<16xi32>
    %eq3A_657 = arith.cmpi eq, %iota3A, %eq3A_656 : vector<16xi32>
    %reduce_sum3A_658 = arith.constant true
    %reduce_sum3A_659 = vector.broadcast %reduce_sum3A_658 : i1 to vector<16xi1>
    %reduce_sum3A_660 = tpu.scan <sum>, %get3A_559 masked %reduce_sum3A_659 : vector<16xf32>, vector<16xi1> -> vector<16xf32>
    %reduce_sum3A_661 = vector.extract %reduce_sum3A_660[15] : f32 from vector<16xf32>
    %broadcast_in_dim3A_662 = vector.broadcast %reduce_sum3A_661 : f32 to vector<16xf32>
    %select_n3A_663 = arith.select %eq3A_657, %broadcast_in_dim3A_662, %select_n3A_644 : vector<16xi1>, vector<16xf32>
    %add3A_664 = arith.addf %get3A_561, %mul3A_588 : vector<16xf32>
    %eq3A_665 = arith.constant 4 : i32
    %eq3A_666 = vector.broadcast %eq3A_665 : i32 to vector<16xi32>
    %eq3A_667 = arith.cmpi eq, %iota3A, %eq3A_666 : vector<16xi32>
    %reduce_sum3A_668 = arith.constant true
    %reduce_sum3A_669 = vector.broadcast %reduce_sum3A_668 : i1 to vector<16xi1>
    %reduce_sum3A_670 = tpu.scan <sum>, %add3A_664 masked %reduce_sum3A_669 : vector<16xf32>, vector<16xi1> -> vector<16xf32>
    %reduce_sum3A_671 = vector.extract %reduce_sum3A_670[15] : f32 from vector<16xf32>
    %broadcast_in_dim3A_672 = vector.broadcast %reduce_sum3A_671 : f32 to vector<16xf32>
    %select_n3A_673 = arith.select %eq3A_667, %broadcast_in_dim3A_672, %select_n3A_654 : vector<16xi1>, vector<16xf32>
    %eq3A_674 = arith.constant 4 : i32
    %eq3A_675 = vector.broadcast %eq3A_674 : i32 to vector<16xi32>
    %eq3A_676 = arith.cmpi eq, %iota3A, %eq3A_675 : vector<16xi32>
    %reduce_sum3A_677 = arith.constant true
    %reduce_sum3A_678 = vector.broadcast %reduce_sum3A_677 : i1 to vector<16xi1>
    %reduce_sum3A_679 = tpu.scan <sum>, %get3A_561 masked %reduce_sum3A_678 : vector<16xf32>, vector<16xi1> -> vector<16xf32>
    %reduce_sum3A_680 = vector.extract %reduce_sum3A_679[15] : f32 from vector<16xf32>
    %broadcast_in_dim3A_681 = vector.broadcast %reduce_sum3A_680 : f32 to vector<16xf32>
    %select_n3A_682 = arith.select %eq3A_676, %broadcast_in_dim3A_681, %select_n3A_663 : vector<16xi1>, vector<16xf32>
    %add3A_683 = arith.addf %get3A_563, %mul3A_588 : vector<16xf32>
    %eq3A_684 = arith.constant 5 : i32
    %eq3A_685 = vector.broadcast %eq3A_684 : i32 to vector<16xi32>
    %eq3A_686 = arith.cmpi eq, %iota3A, %eq3A_685 : vector<16xi32>
    %reduce_sum3A_687 = arith.constant true
    %reduce_sum3A_688 = vector.broadcast %reduce_sum3A_687 : i1 to vector<16xi1>
    %reduce_sum3A_689 = tpu.scan <sum>, %add3A_683 masked %reduce_sum3A_688 : vector<16xf32>, vector<16xi1> -> vector<16xf32>
    %reduce_sum3A_690 = vector.extract %reduce_sum3A_689[15] : f32 from vector<16xf32>
    %broadcast_in_dim3A_691 = vector.broadcast %reduce_sum3A_690 : f32 to vector<16xf32>
    %select_n3A_692 = arith.select %eq3A_686, %broadcast_in_dim3A_691, %select_n3A_673 : vector<16xi1>, vector<16xf32>
    %eq3A_693 = arith.constant 5 : i32
    %eq3A_694 = vector.broadcast %eq3A_693 : i32 to vector<16xi32>
    %eq3A_695 = arith.cmpi eq, %iota3A, %eq3A_694 : vector<16xi32>
    %reduce_sum3A_696 = arith.constant true
    %reduce_sum3A_697 = vector.broadcast %reduce_sum3A_696 : i1 to vector<16xi1>
    %reduce_sum3A_698 = tpu.scan <sum>, %get3A_563 masked %reduce_sum3A_697 : vector<16xf32>, vector<16xi1> -> vector<16xf32>
    %reduce_sum3A_699 = vector.extract %reduce_sum3A_698[15] : f32 from vector<16xf32>
    %broadcast_in_dim3A_700 = vector.broadcast %reduce_sum3A_699 : f32 to vector<16xf32>
    %select_n3A_701 = arith.select %eq3A_695, %broadcast_in_dim3A_700, %select_n3A_682 : vector<16xi1>, vector<16xf32>
    %add3A_702 = arith.addf %get3A_565, %mul3A_588 : vector<16xf32>
    %eq3A_703 = arith.constant 6 : i32
    %eq3A_704 = vector.broadcast %eq3A_703 : i32 to vector<16xi32>
    %eq3A_705 = arith.cmpi eq, %iota3A, %eq3A_704 : vector<16xi32>
    %reduce_sum3A_706 = arith.constant true
    %reduce_sum3A_707 = vector.broadcast %reduce_sum3A_706 : i1 to vector<16xi1>
    %reduce_sum3A_708 = tpu.scan <sum>, %add3A_702 masked %reduce_sum3A_707 : vector<16xf32>, vector<16xi1> -> vector<16xf32>
    %reduce_sum3A_709 = vector.extract %reduce_sum3A_708[15] : f32 from vector<16xf32>
    %broadcast_in_dim3A_710 = vector.broadcast %reduce_sum3A_709 : f32 to vector<16xf32>
    %select_n3A_711 = arith.select %eq3A_705, %broadcast_in_dim3A_710, %select_n3A_692 : vector<16xi1>, vector<16xf32>
    %eq3A_712 = arith.constant 6 : i32
    %eq3A_713 = vector.broadcast %eq3A_712 : i32 to vector<16xi32>
    %eq3A_714 = arith.cmpi eq, %iota3A, %eq3A_713 : vector<16xi32>
    %reduce_sum3A_715 = arith.constant true
    %reduce_sum3A_716 = vector.broadcast %reduce_sum3A_715 : i1 to vector<16xi1>
    %reduce_sum3A_717 = tpu.scan <sum>, %get3A_565 masked %reduce_sum3A_716 : vector<16xf32>, vector<16xi1> -> vector<16xf32>
    %reduce_sum3A_718 = vector.extract %reduce_sum3A_717[15] : f32 from vector<16xf32>
    %broadcast_in_dim3A_719 = vector.broadcast %reduce_sum3A_718 : f32 to vector<16xf32>
    %select_n3A_720 = arith.select %eq3A_714, %broadcast_in_dim3A_719, %select_n3A_701 : vector<16xi1>, vector<16xf32>
    %add3A_721 = arith.addf %get3A_567, %mul3A_588 : vector<16xf32>
    %eq3A_722 = arith.constant 7 : i32
    %eq3A_723 = vector.broadcast %eq3A_722 : i32 to vector<16xi32>
    %eq3A_724 = arith.cmpi eq, %iota3A, %eq3A_723 : vector<16xi32>
    %reduce_sum3A_725 = arith.constant true
    %reduce_sum3A_726 = vector.broadcast %reduce_sum3A_725 : i1 to vector<16xi1>
    %reduce_sum3A_727 = tpu.scan <sum>, %add3A_721 masked %reduce_sum3A_726 : vector<16xf32>, vector<16xi1> -> vector<16xf32>
    %reduce_sum3A_728 = vector.extract %reduce_sum3A_727[15] : f32 from vector<16xf32>
    %broadcast_in_dim3A_729 = vector.broadcast %reduce_sum3A_728 : f32 to vector<16xf32>
    %select_n3A_730 = arith.select %eq3A_724, %broadcast_in_dim3A_729, %select_n3A_711 : vector<16xi1>, vector<16xf32>
    %eq3A_731 = arith.constant 7 : i32
    %eq3A_732 = vector.broadcast %eq3A_731 : i32 to vector<16xi32>
    %eq3A_733 = arith.cmpi eq, %iota3A, %eq3A_732 : vector<16xi32>
    %reduce_sum3A_734 = arith.constant true
    %reduce_sum3A_735 = vector.broadcast %reduce_sum3A_734 : i1 to vector<16xi1>
    %reduce_sum3A_736 = tpu.scan <sum>, %get3A_567 masked %reduce_sum3A_735 : vector<16xf32>, vector<16xi1> -> vector<16xf32>
    %reduce_sum3A_737 = vector.extract %reduce_sum3A_736[15] : f32 from vector<16xf32>
    %broadcast_in_dim3A_738 = vector.broadcast %reduce_sum3A_737 : f32 to vector<16xf32>
    %select_n3A_739 = arith.select %eq3A_733, %broadcast_in_dim3A_738, %select_n3A_720 : vector<16xi1>, vector<16xf32>
    %add3A_740 = arith.addf %get3A_569, %mul3A_588 : vector<16xf32>
    %eq3A_741 = arith.constant 8 : i32
    %eq3A_742 = vector.broadcast %eq3A_741 : i32 to vector<16xi32>
    %eq3A_743 = arith.cmpi eq, %iota3A, %eq3A_742 : vector<16xi32>
    %reduce_sum3A_744 = arith.constant true
    %reduce_sum3A_745 = vector.broadcast %reduce_sum3A_744 : i1 to vector<16xi1>
    %reduce_sum3A_746 = tpu.scan <sum>, %add3A_740 masked %reduce_sum3A_745 : vector<16xf32>, vector<16xi1> -> vector<16xf32>
    %reduce_sum3A_747 = vector.extract %reduce_sum3A_746[15] : f32 from vector<16xf32>
    %broadcast_in_dim3A_748 = vector.broadcast %reduce_sum3A_747 : f32 to vector<16xf32>
    %select_n3A_749 = arith.select %eq3A_743, %broadcast_in_dim3A_748, %select_n3A_730 : vector<16xi1>, vector<16xf32>
    %eq3A_750 = arith.constant 8 : i32
    %eq3A_751 = vector.broadcast %eq3A_750 : i32 to vector<16xi32>
    %eq3A_752 = arith.cmpi eq, %iota3A, %eq3A_751 : vector<16xi32>
    %reduce_sum3A_753 = arith.constant true
    %reduce_sum3A_754 = vector.broadcast %reduce_sum3A_753 : i1 to vector<16xi1>
    %reduce_sum3A_755 = tpu.scan <sum>, %get3A_569 masked %reduce_sum3A_754 : vector<16xf32>, vector<16xi1> -> vector<16xf32>
    %reduce_sum3A_756 = vector.extract %reduce_sum3A_755[15] : f32 from vector<16xf32>
    %broadcast_in_dim3A_757 = vector.broadcast %reduce_sum3A_756 : f32 to vector<16xf32>
    %select_n3A_758 = arith.select %eq3A_752, %broadcast_in_dim3A_757, %select_n3A_739 : vector<16xi1>, vector<16xf32>
    %add3A_759 = arith.addf %get3A_571, %mul3A_588 : vector<16xf32>
    %eq3A_760 = arith.constant 9 : i32
    %eq3A_761 = vector.broadcast %eq3A_760 : i32 to vector<16xi32>
    %eq3A_762 = arith.cmpi eq, %iota3A, %eq3A_761 : vector<16xi32>
    %reduce_sum3A_763 = arith.constant true
    %reduce_sum3A_764 = vector.broadcast %reduce_sum3A_763 : i1 to vector<16xi1>
    %reduce_sum3A_765 = tpu.scan <sum>, %add3A_759 masked %reduce_sum3A_764 : vector<16xf32>, vector<16xi1> -> vector<16xf32>
    %reduce_sum3A_766 = vector.extract %reduce_sum3A_765[15] : f32 from vector<16xf32>
    %broadcast_in_dim3A_767 = vector.broadcast %reduce_sum3A_766 : f32 to vector<16xf32>
    %select_n3A_768 = arith.select %eq3A_762, %broadcast_in_dim3A_767, %select_n3A_749 : vector<16xi1>, vector<16xf32>
    %eq3A_769 = arith.constant 9 : i32
    %eq3A_770 = vector.broadcast %eq3A_769 : i32 to vector<16xi32>
    %eq3A_771 = arith.cmpi eq, %iota3A, %eq3A_770 : vector<16xi32>
    %reduce_sum3A_772 = arith.constant true
    %reduce_sum3A_773 = vector.broadcast %reduce_sum3A_772 : i1 to vector<16xi1>
    %reduce_sum3A_774 = tpu.scan <sum>, %get3A_571 masked %reduce_sum3A_773 : vector<16xf32>, vector<16xi1> -> vector<16xf32>
    %reduce_sum3A_775 = vector.extract %reduce_sum3A_774[15] : f32 from vector<16xf32>
    %broadcast_in_dim3A_776 = vector.broadcast %reduce_sum3A_775 : f32 to vector<16xf32>
    %select_n3A_777 = arith.select %eq3A_771, %broadcast_in_dim3A_776, %select_n3A_758 : vector<16xi1>, vector<16xf32>
    %eq3A_778 = arith.constant 10 : i32
    %eq3A_779 = vector.broadcast %eq3A_778 : i32 to vector<16xi32>
    %eq3A_780 = arith.cmpi eq, %iota3A, %eq3A_779 : vector<16xi32>
    %reduce_sum3A_781 = arith.constant true
    %reduce_sum3A_782 = vector.broadcast %reduce_sum3A_781 : i1 to vector<16xi1>
    %reduce_sum3A_783 = tpu.scan <sum>, %get3A_573 masked %reduce_sum3A_782 : vector<16xf32>, vector<16xi1> -> vector<16xf32>
    %reduce_sum3A_784 = vector.extract %reduce_sum3A_783[15] : f32 from vector<16xf32>
    %broadcast_in_dim3A_785 = vector.broadcast %reduce_sum3A_784 : f32 to vector<16xf32>
    %select_n3A_786 = arith.select %eq3A_780, %broadcast_in_dim3A_785, %select_n3A_777 : vector<16xi1>, vector<16xf32>
    %reduce_max3A = arith.constant true
    %reduce_max3A_787 = vector.broadcast %reduce_max3A : i1 to vector<16xi1>
    %reduce_max3A_788 = tpu.scan <max>, %select_n3A_786 masked %reduce_max3A_787 : vector<16xf32>, vector<16xi1> -> vector<16xf32>
    %reduce_max3A_789 = vector.extract %reduce_max3A_788[15] : f32 from vector<16xf32>
    %div3A = vector.broadcast %reduce_max3A_789 : f32 to vector<16xf32>
    %div3A_790 = arith.divf %select_n3A_786, %div3A : vector<16xf32>
    %mul3A_791 = arith.constant 0.949999988 : f32
    %mul3A_792 = vector.broadcast %mul3A_791 : f32 to vector<16xf32>
    %mul3A_793 = arith.mulf %mul3A_792, %div3A_790 : vector<16xf32>
    %sub3A = arith.constant 2.000000e+00 : f32
    %sub3A_794 = vector.broadcast %sub3A : f32 to vector<16xf32>
    %sub3A_795 = arith.subf %sub3A_794, %div3A_790 : vector<16xf32>
    %div3A_796 = arith.divf %mul3A_793, %sub3A_795 : vector<16xf32>
    %swap3A_797 = arith.constant 0 : index
    %swap3A_798 = tpu.vector_load %arg15[%swap3A_797] {strides = array<i32>} : memref<16xf32, #tpu.memory_space<vmem>>, vector<16xf32>,
    tpu.vector_store %arg15[%swap3A_797], %div3A_796 {strides = array<i32>} : memref<16xf32, #tpu.memory_space<vmem>>, vector<16xf32>,
    tpu.wait_dma2 semaphore(%arg17 : memref<!tpu.dma_semaphore, #tpu.memory_space<semaphore_mem>>) src(%arg6 : memref<10x10xf32, #tpu.memory_space<hbm>>) dst(%arg12 : memref<10x10xf32, #tpu.memory_space<vmem>>)
    %min3A = arith.constant 9 : i32
    %min3A_799 = vector.broadcast %min3A : i32 to vector<16xi32>
    %min3A_800 = arith.minsi %iota3A, %min3A_799 : vector<16xi32>
    %broadcast_in_dim3A_801 = arith.constant 0 : i32
    %broadcast_in_dim3A_802 = vector.broadcast %broadcast_in_dim3A_801 : i32 to vector<16xi32>
    %gather3A = tpu.vector_load_idx %arg12[%broadcast_in_dim3A_802, %min3A_800] : memref<10x10xf32, #tpu.memory_space<vmem>>[vector<16xi32>, vector<16xi32>], vector<16xf32>,
    %lt3A_803 = arith.constant 10 : i32
    %lt3A_804 = vector.broadcast %lt3A_803 : i32 to vector<16xi32>
    %lt3A_805 = arith.cmpi slt, %iota3A, %lt3A_804 : vector<16xi32>
    %jit3A = arith.constant 1.000000e+00 : f32
    %broadcast_in_dim3A_806 = vector.broadcast %jit3A : f32 to vector<16xf32>
    %select_n3A_807 = arith.select %lt3A_805, %add3A_591, %broadcast_in_dim3A_806 : vector<16xi1>, vector<16xf32>
    %mul3A_808 = arith.mulf %gather3A, %select_n3A_768 : vector<16xf32>
    %div3A_809 = arith.divf %mul3A_808, %select_n3A_807 : vector<16xf32>
    %swap3A_810 = arith.constant 0 : index
    %swap3A_811 = tpu.vector_load %arg14[%swap3A_810] {strides = array<i32>} : memref<160xf32, #tpu.memory_space<vmem>>, vector<16xf32>,
    tpu.vector_store %arg14[%swap3A_810], %div3A_809 {strides = array<i32>} : memref<160xf32, #tpu.memory_space<vmem>>, vector<16xf32>,
    %broadcast_in_dim3A_812 = arith.constant 1 : i32
    %broadcast_in_dim3A_813 = vector.broadcast %broadcast_in_dim3A_812 : i32 to vector<16xi32>
    %gather3A_814 = tpu.vector_load_idx %arg12[%broadcast_in_dim3A_813, %min3A_800] : memref<10x10xf32, #tpu.memory_space<vmem>>[vector<16xi32>, vector<16xi32>], vector<16xf32>,
    %lt3A_815 = arith.constant 10 : i32
    %lt3A_816 = vector.broadcast %lt3A_815 : i32 to vector<16xi32>
    %lt3A_817 = arith.cmpi slt, %iota3A, %lt3A_816 : vector<16xi32>
    %jit3A_818 = arith.constant 1.000000e+00 : f32
    %broadcast_in_dim3A_819 = vector.broadcast %jit3A_818 : f32 to vector<16xf32>
    %select_n3A_820 = arith.select %lt3A_817, %add3A_607, %broadcast_in_dim3A_819 : vector<16xi1>, vector<16xf32>
    %mul3A_821 = arith.mulf %gather3A_814, %select_n3A_768 : vector<16xf32>
    %div3A_822 = arith.divf %mul3A_821, %select_n3A_820 : vector<16xf32>
    %swap3A_823 = arith.constant 16 : index
    %swap3A_824 = tpu.vector_load %arg14[%swap3A_823] {strides = array<i32>} : memref<160xf32, #tpu.memory_space<vmem>>, vector<16xf32>,
    tpu.vector_store %arg14[%swap3A_823], %div3A_822 {strides = array<i32>} : memref<160xf32, #tpu.memory_space<vmem>>, vector<16xf32>,
    %broadcast_in_dim3A_825 = arith.constant 2 : i32
    %broadcast_in_dim3A_826 = vector.broadcast %broadcast_in_dim3A_825 : i32 to vector<16xi32>
    %gather3A_827 = tpu.vector_load_idx %arg12[%broadcast_in_dim3A_826, %min3A_800] : memref<10x10xf32, #tpu.memory_space<vmem>>[vector<16xi32>, vector<16xi32>], vector<16xf32>,
    %lt3A_828 = arith.constant 10 : i32
    %lt3A_829 = vector.broadcast %lt3A_828 : i32 to vector<16xi32>
    %lt3A_830 = arith.cmpi slt, %iota3A, %lt3A_829 : vector<16xi32>
    %jit3A_831 = arith.constant 1.000000e+00 : f32
    %broadcast_in_dim3A_832 = vector.broadcast %jit3A_831 : f32 to vector<16xf32>
    %select_n3A_833 = arith.select %lt3A_830, %add3A_626, %broadcast_in_dim3A_832 : vector<16xi1>, vector<16xf32>
    %mul3A_834 = arith.mulf %gather3A_827, %select_n3A_768 : vector<16xf32>
    %div3A_835 = arith.divf %mul3A_834, %select_n3A_833 : vector<16xf32>
    %swap3A_836 = arith.constant 32 : index
    %swap3A_837 = tpu.vector_load %arg14[%swap3A_836] {strides = array<i32>} : memref<160xf32, #tpu.memory_space<vmem>>, vector<16xf32>,
    tpu.vector_store %arg14[%swap3A_836], %div3A_835 {strides = array<i32>} : memref<160xf32, #tpu.memory_space<vmem>>, vector<16xf32>,
    %broadcast_in_dim3A_838 = arith.constant 3 : i32
    %broadcast_in_dim3A_839 = vector.broadcast %broadcast_in_dim3A_838 : i32 to vector<16xi32>
    %gather3A_840 = tpu.vector_load_idx %arg12[%broadcast_in_dim3A_839, %min3A_800] : memref<10x10xf32, #tpu.memory_space<vmem>>[vector<16xi32>, vector<16xi32>], vector<16xf32>,
    %lt3A_841 = arith.constant 10 : i32
    %lt3A_842 = vector.broadcast %lt3A_841 : i32 to vector<16xi32>
    %lt3A_843 = arith.cmpi slt, %iota3A, %lt3A_842 : vector<16xi32>
    %jit3A_844 = arith.constant 1.000000e+00 : f32
    %broadcast_in_dim3A_845 = vector.broadcast %jit3A_844 : f32 to vector<16xf32>
    %select_n3A_846 = arith.select %lt3A_843, %add3A_645, %broadcast_in_dim3A_845 : vector<16xi1>, vector<16xf32>
    %mul3A_847 = arith.mulf %gather3A_840, %select_n3A_768 : vector<16xf32>
    %div3A_848 = arith.divf %mul3A_847, %select_n3A_846 : vector<16xf32>
    %swap3A_849 = arith.constant 48 : index
    %swap3A_850 = tpu.vector_load %arg14[%swap3A_849] {strides = array<i32>} : memref<160xf32, #tpu.memory_space<vmem>>, vector<16xf32>,
    tpu.vector_store %arg14[%swap3A_849], %div3A_848 {strides = array<i32>} : memref<160xf32, #tpu.memory_space<vmem>>, vector<16xf32>,
    %broadcast_in_dim3A_851 = arith.constant 4 : i32
    %broadcast_in_dim3A_852 = vector.broadcast %broadcast_in_dim3A_851 : i32 to vector<16xi32>
    %gather3A_853 = tpu.vector_load_idx %arg12[%broadcast_in_dim3A_852, %min3A_800] : memref<10x10xf32, #tpu.memory_space<vmem>>[vector<16xi32>, vector<16xi32>], vector<16xf32>,
    %lt3A_854 = arith.constant 10 : i32
    %lt3A_855 = vector.broadcast %lt3A_854 : i32 to vector<16xi32>
    %lt3A_856 = arith.cmpi slt, %iota3A, %lt3A_855 : vector<16xi32>
    %jit3A_857 = arith.constant 1.000000e+00 : f32
    %broadcast_in_dim3A_858 = vector.broadcast %jit3A_857 : f32 to vector<16xf32>
    %select_n3A_859 = arith.select %lt3A_856, %add3A_664, %broadcast_in_dim3A_858 : vector<16xi1>, vector<16xf32>
    %mul3A_860 = arith.mulf %gather3A_853, %select_n3A_768 : vector<16xf32>
    %div3A_861 = arith.divf %mul3A_860, %select_n3A_859 : vector<16xf32>
    %swap3A_862 = arith.constant 64 : index
    %swap3A_863 = tpu.vector_load %arg14[%swap3A_862] {strides = array<i32>} : memref<160xf32, #tpu.memory_space<vmem>>, vector<16xf32>,
    tpu.vector_store %arg14[%swap3A_862], %div3A_861 {strides = array<i32>} : memref<160xf32, #tpu.memory_space<vmem>>, vector<16xf32>,
    %broadcast_in_dim3A_864 = arith.constant 5 : i32
    %broadcast_in_dim3A_865 = vector.broadcast %broadcast_in_dim3A_864 : i32 to vector<16xi32>
    %gather3A_866 = tpu.vector_load_idx %arg12[%broadcast_in_dim3A_865, %min3A_800] : memref<10x10xf32, #tpu.memory_space<vmem>>[vector<16xi32>, vector<16xi32>], vector<16xf32>,
    %lt3A_867 = arith.constant 10 : i32
    %lt3A_868 = vector.broadcast %lt3A_867 : i32 to vector<16xi32>
    %lt3A_869 = arith.cmpi slt, %iota3A, %lt3A_868 : vector<16xi32>
    %jit3A_870 = arith.constant 1.000000e+00 : f32
    %broadcast_in_dim3A_871 = vector.broadcast %jit3A_870 : f32 to vector<16xf32>
    %select_n3A_872 = arith.select %lt3A_869, %add3A_683, %broadcast_in_dim3A_871 : vector<16xi1>, vector<16xf32>
    %mul3A_873 = arith.mulf %gather3A_866, %select_n3A_768 : vector<16xf32>
    %div3A_874 = arith.divf %mul3A_873, %select_n3A_872 : vector<16xf32>
    %swap3A_875 = arith.constant 80 : index
    %swap3A_876 = tpu.vector_load %arg14[%swap3A_875] {strides = array<i32>} : memref<160xf32, #tpu.memory_space<vmem>>, vector<16xf32>,
    tpu.vector_store %arg14[%swap3A_875], %div3A_874 {strides = array<i32>} : memref<160xf32, #tpu.memory_space<vmem>>, vector<16xf32>,
    %broadcast_in_dim3A_877 = arith.constant 6 : i32
    %broadcast_in_dim3A_878 = vector.broadcast %broadcast_in_dim3A_877 : i32 to vector<16xi32>
    %gather3A_879 = tpu.vector_load_idx %arg12[%broadcast_in_dim3A_878, %min3A_800] : memref<10x10xf32, #tpu.memory_space<vmem>>[vector<16xi32>, vector<16xi32>], vector<16xf32>,
    %lt3A_880 = arith.constant 10 : i32
    %lt3A_881 = vector.broadcast %lt3A_880 : i32 to vector<16xi32>
    %lt3A_882 = arith.cmpi slt, %iota3A, %lt3A_881 : vector<16xi32>
    %jit3A_883 = arith.constant 1.000000e+00 : f32
    %broadcast_in_dim3A_884 = vector.broadcast %jit3A_883 : f32 to vector<16xf32>
    %select_n3A_885 = arith.select %lt3A_882, %add3A_702, %broadcast_in_dim3A_884 : vector<16xi1>, vector<16xf32>
    %mul3A_886 = arith.mulf %gather3A_879, %select_n3A_768 : vector<16xf32>
    %div3A_887 = arith.divf %mul3A_886, %select_n3A_885 : vector<16xf32>
    %swap3A_888 = arith.constant 96 : index
    %swap3A_889 = tpu.vector_load %arg14[%swap3A_888] {strides = array<i32>} : memref<160xf32, #tpu.memory_space<vmem>>, vector<16xf32>,
    tpu.vector_store %arg14[%swap3A_888], %div3A_887 {strides = array<i32>} : memref<160xf32, #tpu.memory_space<vmem>>, vector<16xf32>,
    %broadcast_in_dim3A_890 = arith.constant 7 : i32
    %broadcast_in_dim3A_891 = vector.broadcast %broadcast_in_dim3A_890 : i32 to vector<16xi32>
    %gather3A_892 = tpu.vector_load_idx %arg12[%broadcast_in_dim3A_891, %min3A_800] : memref<10x10xf32, #tpu.memory_space<vmem>>[vector<16xi32>, vector<16xi32>], vector<16xf32>,
    %lt3A_893 = arith.constant 10 : i32
    %lt3A_894 = vector.broadcast %lt3A_893 : i32 to vector<16xi32>
    %lt3A_895 = arith.cmpi slt, %iota3A, %lt3A_894 : vector<16xi32>
    %jit3A_896 = arith.constant 1.000000e+00 : f32
    %broadcast_in_dim3A_897 = vector.broadcast %jit3A_896 : f32 to vector<16xf32>
    %select_n3A_898 = arith.select %lt3A_895, %add3A_721, %broadcast_in_dim3A_897 : vector<16xi1>, vector<16xf32>
    %mul3A_899 = arith.mulf %gather3A_892, %select_n3A_768 : vector<16xf32>
    %div3A_900 = arith.divf %mul3A_899, %select_n3A_898 : vector<16xf32>
    %swap3A_901 = arith.constant 112 : index
    %swap3A_902 = tpu.vector_load %arg14[%swap3A_901] {strides = array<i32>} : memref<160xf32, #tpu.memory_space<vmem>>, vector<16xf32>,
    tpu.vector_store %arg14[%swap3A_901], %div3A_900 {strides = array<i32>} : memref<160xf32, #tpu.memory_space<vmem>>, vector<16xf32>,
    %broadcast_in_dim3A_903 = arith.constant 8 : i32
    %broadcast_in_dim3A_904 = vector.broadcast %broadcast_in_dim3A_903 : i32 to vector<16xi32>
    %gather3A_905 = tpu.vector_load_idx %arg12[%broadcast_in_dim3A_904, %min3A_800] : memref<10x10xf32, #tpu.memory_space<vmem>>[vector<16xi32>, vector<16xi32>], vector<16xf32>,
    %lt3A_906 = arith.constant 10 : i32
    %lt3A_907 = vector.broadcast %lt3A_906 : i32 to vector<16xi32>
    %lt3A_908 = arith.cmpi slt, %iota3A, %lt3A_907 : vector<16xi32>
    %jit3A_909 = arith.constant 1.000000e+00 : f32
    %broadcast_in_dim3A_910 = vector.broadcast %jit3A_909 : f32 to vector<16xf32>
    %select_n3A_911 = arith.select %lt3A_908, %add3A_740, %broadcast_in_dim3A_910 : vector<16xi1>, vector<16xf32>
    %mul3A_912 = arith.mulf %gather3A_905, %select_n3A_768 : vector<16xf32>
    %div3A_913 = arith.divf %mul3A_912, %select_n3A_911 : vector<16xf32>
    %swap3A_914 = arith.constant 128 : index
    %swap3A_915 = tpu.vector_load %arg14[%swap3A_914] {strides = array<i32>} : memref<160xf32, #tpu.memory_space<vmem>>, vector<16xf32>,
    tpu.vector_store %arg14[%swap3A_914], %div3A_913 {strides = array<i32>} : memref<160xf32, #tpu.memory_space<vmem>>, vector<16xf32>,
    %broadcast_in_dim3A_916 = arith.constant 9 : i32
    %broadcast_in_dim3A_917 = vector.broadcast %broadcast_in_dim3A_916 : i32 to vector<16xi32>
    %gather3A_918 = tpu.vector_load_idx %arg12[%broadcast_in_dim3A_917, %min3A_800] : memref<10x10xf32, #tpu.memory_space<vmem>>[vector<16xi32>, vector<16xi32>], vector<16xf32>,
    %lt3A_919 = arith.constant 10 : i32
    %lt3A_920 = vector.broadcast %lt3A_919 : i32 to vector<16xi32>
    %lt3A_921 = arith.cmpi slt, %iota3A, %lt3A_920 : vector<16xi32>
    %jit3A_922 = arith.constant 1.000000e+00 : f32
    %broadcast_in_dim3A_923 = vector.broadcast %jit3A_922 : f32 to vector<16xf32>
    %select_n3A_924 = arith.select %lt3A_921, %add3A_759, %broadcast_in_dim3A_923 : vector<16xi1>, vector<16xf32>
    %mul3A_925 = arith.mulf %gather3A_918, %select_n3A_768 : vector<16xf32>
    %div3A_926 = arith.divf %mul3A_925, %select_n3A_924 : vector<16xf32>
    %swap3A_927 = arith.constant 144 : index
    %swap3A_928 = tpu.vector_load %arg14[%swap3A_927] {strides = array<i32>} : memref<160xf32, #tpu.memory_space<vmem>>, vector<16xf32>,
    tpu.vector_store %arg14[%swap3A_927], %div3A_926 {strides = array<i32>} : memref<160xf32, #tpu.memory_space<vmem>>, vector<16xf32>,
    %dma_wait3A_929 = tpu.memref_slice %arg2[%mul3A_11] : memref<86016xf32, #tpu.memory_space<hbm>> -> memref<2688xf32, #tpu.memory_space<hbm>>
    %dma_wait3A_930 = tpu.memref_slice %arg2[%mul3A_11] : memref<86016xf32, #tpu.memory_space<hbm>> -> memref<2688xf32, #tpu.memory_space<hbm>>
    tpu.wait_dma2 semaphore(%arg17 : memref<!tpu.dma_semaphore, #tpu.memory_space<semaphore_mem>>) src(%dma_wait3A_930 : memref<2688xf32, #tpu.memory_space<hbm>>) dst(%arg8 : memref<2688xf32, #tpu.memory_space<vmem>>)
    %dma_wait3A_931 = tpu.memref_slice %arg3[%mul3A_2] : memref<4096xi32, #tpu.memory_space<hbm>> -> memref<128xi32, #tpu.memory_space<hbm>>
    %dma_wait3A_932 = tpu.memref_slice %arg3[%mul3A_2] : memref<4096xi32, #tpu.memory_space<hbm>> -> memref<128xi32, #tpu.memory_space<hbm>>
    tpu.wait_dma2 semaphore(%arg17 : memref<!tpu.dma_semaphore, #tpu.memory_space<semaphore_mem>>) src(%dma_wait3A_932 : memref<128xi32, #tpu.memory_space<hbm>>) dst(%arg9 : memref<128xi32, #tpu.memory_space<vmem>>)
    %get3A_933 = arith.constant 0 : index
    %get3A_934 = tpu.vector_load %arg9[%get3A_933] {strides = array<i32>} : memref<128xi32, #tpu.memory_space<vmem>>, vector<16xi32>,
    %add3A_935 = arith.constant 0 : i32
    %add3A_936 = vector.broadcast %add3A_935 : i32 to vector<16xi32>
    %add3A_937 = arith.addi %add3A_936, %iota3A : vector<16xi32>
    %mul3A_938 = arith.constant 21 : i32
    %mul3A_939 = vector.broadcast %mul3A_938 : i32 to vector<16xi32>
    %mul3A_940 = arith.muli %add3A_937, %mul3A_939 : vector<16xi32>
    %add3A_941 = arith.constant 0 : i32
    %add3A_942 = vector.broadcast %add3A_941 : i32 to vector<16xi32>
    %add3A_943 = arith.addi %mul3A_940, %add3A_942 : vector<16xi32>
    %gather3A_944 = tpu.vector_load_idx %arg8[%add3A_943] : memref<2688xf32, #tpu.memory_space<vmem>>[vector<16xi32>], vector<16xf32>,
    %add3A_945 = arith.constant 1 : i32
    %add3A_946 = vector.broadcast %add3A_945 : i32 to vector<16xi32>
    %add3A_947 = arith.addi %mul3A_940, %add3A_946 : vector<16xi32>
    %gather3A_948 = tpu.vector_load_idx %arg8[%add3A_947] : memref<2688xf32, #tpu.memory_space<vmem>>[vector<16xi32>], vector<16xf32>,
    %add3A_949 = arith.constant 2 : i32
    %add3A_950 = vector.broadcast %add3A_949 : i32 to vector<16xi32>
    %add3A_951 = arith.addi %mul3A_940, %add3A_950 : vector<16xi32>
    %gather3A_952 = tpu.vector_load_idx %arg8[%add3A_951] : memref<2688xf32, #tpu.memory_space<vmem>>[vector<16xi32>], vector<16xf32>,
    %add3A_953 = arith.constant 3 : i32
    %add3A_954 = vector.broadcast %add3A_953 : i32 to vector<16xi32>
    %add3A_955 = arith.addi %mul3A_940, %add3A_954 : vector<16xi32>
    %gather3A_956 = tpu.vector_load_idx %arg8[%add3A_955] : memref<2688xf32, #tpu.memory_space<vmem>>[vector<16xi32>], vector<16xf32>,
    %add3A_957 = arith.constant 4 : i32
    %add3A_958 = vector.broadcast %add3A_957 : i32 to vector<16xi32>
    %add3A_959 = arith.addi %mul3A_940, %add3A_958 : vector<16xi32>
    %gather3A_960 = tpu.vector_load_idx %arg8[%add3A_959] : memref<2688xf32, #tpu.memory_space<vmem>>[vector<16xi32>], vector<16xf32>,
    %add3A_961 = arith.constant 5 : i32
    %add3A_962 = vector.broadcast %add3A_961 : i32 to vector<16xi32>
    %add3A_963 = arith.addi %mul3A_940, %add3A_962 : vector<16xi32>
    %gather3A_964 = tpu.vector_load_idx %arg8[%add3A_963] : memref<2688xf32, #tpu.memory_space<vmem>>[vector<16xi32>], vector<16xf32>,
    %add3A_965 = arith.constant 6 : i32
    %add3A_966 = vector.broadcast %add3A_965 : i32 to vector<16xi32>
    %add3A_967 = arith.addi %mul3A_940, %add3A_966 : vector<16xi32>
    %gather3A_968 = tpu.vector_load_idx %arg8[%add3A_967] : memref<2688xf32, #tpu.memory_space<vmem>>[vector<16xi32>], vector<16xf32>,
    %add3A_969 = arith.constant 7 : i32
    %add3A_970 = vector.broadcast %add3A_969 : i32 to vector<16xi32>
    %add3A_971 = arith.addi %mul3A_940, %add3A_970 : vector<16xi32>
    %gather3A_972 = tpu.vector_load_idx %arg8[%add3A_971] : memref<2688xf32, #tpu.memory_space<vmem>>[vector<16xi32>], vector<16xf32>,
    %add3A_973 = arith.constant 8 : i32
    %add3A_974 = vector.broadcast %add3A_973 : i32 to vector<16xi32>
    %add3A_975 = arith.addi %mul3A_940, %add3A_974 : vector<16xi32>
    %gather3A_976 = tpu.vector_load_idx %arg8[%add3A_975] : memref<2688xf32, #tpu.memory_space<vmem>>[vector<16xi32>], vector<16xf32>,
    %add3A_977 = arith.constant 9 : i32
    %add3A_978 = vector.broadcast %add3A_977 : i32 to vector<16xi32>
    %add3A_979 = arith.addi %mul3A_940, %add3A_978 : vector<16xi32>
    %gather3A_980 = tpu.vector_load_idx %arg8[%add3A_979] : memref<2688xf32, #tpu.memory_space<vmem>>[vector<16xi32>], vector<16xf32>,
    %max3A = arith.maximumf %gather3A_944, %gather3A_948 : vector<16xf32>
    %max3A_981 = arith.maximumf %max3A, %gather3A_952 : vector<16xf32>
    %max3A_982 = arith.maximumf %max3A_981, %gather3A_956 : vector<16xf32>
    %max3A_983 = arith.maximumf %max3A_982, %gather3A_960 : vector<16xf32>
    %max3A_984 = arith.maximumf %max3A_983, %gather3A_964 : vector<16xf32>
    %max3A_985 = arith.maximumf %max3A_984, %gather3A_968 : vector<16xf32>
    %max3A_986 = arith.maximumf %max3A_985, %gather3A_972 : vector<16xf32>
    %max3A_987 = arith.maximumf %max3A_986, %gather3A_976 : vector<16xf32>
    %max3A_988 = arith.maximumf %max3A_987, %gather3A_980 : vector<16xf32>
    %sub3A_989 = arith.subf %gather3A_944, %max3A_988 : vector<16xf32>
    %exp3A = math.exp %sub3A_989 : vector<16xf32>
    %gather3A_990 = tpu.vector_load_idx %arg14[%get3A_934] : memref<160xf32, #tpu.memory_space<vmem>>[vector<16xi32>], vector<16xf32>,
    %mul3A_991 = arith.mulf %exp3A, %gather3A_990 : vector<16xf32>
    %broadcast_in_dim3A_992 = arith.constant 0 : i32
    %broadcast_in_dim3A_993 = vector.broadcast %broadcast_in_dim3A_992 : i32 to vector<16xi32>
    %sub3A_994 = arith.subf %gather3A_948, %max3A_988 : vector<16xf32>
    %exp3A_995 = math.exp %sub3A_994 : vector<16xf32>
    %add3A_996 = arith.constant 16 : i32
    %add3A_997 = vector.broadcast %add3A_996 : i32 to vector<16xi32>
    %add3A_998 = arith.addi %get3A_934, %add3A_997 : vector<16xi32>
    %gather3A_999 = tpu.vector_load_idx %arg14[%add3A_998] : memref<160xf32, #tpu.memory_space<vmem>>[vector<16xi32>], vector<16xf32>,
    %mul3A_1000 = arith.mulf %exp3A_995, %gather3A_999 : vector<16xf32>
    %gt3A = arith.cmpf ogt, %mul3A_1000, %mul3A_991 : vector<16xf32>
    %select_n3A_1001 = arith.select %gt3A, %mul3A_1000, %mul3A_991 : vector<16xi1>, vector<16xf32>
    %jit3A_1002 = arith.constant 1 : i32
    %broadcast_in_dim3A_1003 = vector.broadcast %jit3A_1002 : i32 to vector<16xi32>
    %select_n3A_1004 = arith.select %gt3A, %broadcast_in_dim3A_1003, %broadcast_in_dim3A_993 : vector<16xi1>, vector<16xi32>
    %add3A_1005 = arith.addf %mul3A_991, %mul3A_1000 : vector<16xf32>
    %sub3A_1006 = arith.subf %gather3A_952, %max3A_988 : vector<16xf32>
    %exp3A_1007 = math.exp %sub3A_1006 : vector<16xf32>
    %add3A_1008 = arith.constant 32 : i32
    %add3A_1009 = vector.broadcast %add3A_1008 : i32 to vector<16xi32>
    %add3A_1010 = arith.addi %get3A_934, %add3A_1009 : vector<16xi32>
    %gather3A_1011 = tpu.vector_load_idx %arg14[%add3A_1010] : memref<160xf32, #tpu.memory_space<vmem>>[vector<16xi32>], vector<16xf32>,
    %mul3A_1012 = arith.mulf %exp3A_1007, %gather3A_1011 : vector<16xf32>
    %gt3A_1013 = arith.cmpf ogt, %mul3A_1012, %select_n3A_1001 : vector<16xf32>
    %select_n3A_1014 = arith.select %gt3A_1013, %mul3A_1012, %select_n3A_1001 : vector<16xi1>, vector<16xf32>
    %jit3A_1015 = arith.constant 2 : i32
    %broadcast_in_dim3A_1016 = vector.broadcast %jit3A_1015 : i32 to vector<16xi32>
    %select_n3A_1017 = arith.select %gt3A_1013, %broadcast_in_dim3A_1016, %select_n3A_1004 : vector<16xi1>, vector<16xi32>
    %add3A_1018 = arith.addf %add3A_1005, %mul3A_1012 : vector<16xf32>
    %sub3A_1019 = arith.subf %gather3A_956, %max3A_988 : vector<16xf32>
    %exp3A_1020 = math.exp %sub3A_1019 : vector<16xf32>
    %add3A_1021 = arith.constant 48 : i32
    %add3A_1022 = vector.broadcast %add3A_1021 : i32 to vector<16xi32>
    %add3A_1023 = arith.addi %get3A_934, %add3A_1022 : vector<16xi32>
    %gather3A_1024 = tpu.vector_load_idx %arg14[%add3A_1023] : memref<160xf32, #tpu.memory_space<vmem>>[vector<16xi32>], vector<16xf32>,
    %mul3A_1025 = arith.mulf %exp3A_1020, %gather3A_1024 : vector<16xf32>
    %gt3A_1026 = arith.cmpf ogt, %mul3A_1025, %select_n3A_1014 : vector<16xf32>
    %select_n3A_1027 = arith.select %gt3A_1026, %mul3A_1025, %select_n3A_1014 : vector<16xi1>, vector<16xf32>
    %jit3A_1028 = arith.constant 3 : i32
    %broadcast_in_dim3A_1029 = vector.broadcast %jit3A_1028 : i32 to vector<16xi32>
    %select_n3A_1030 = arith.select %gt3A_1026, %broadcast_in_dim3A_1029, %select_n3A_1017 : vector<16xi1>, vector<16xi32>
    %add3A_1031 = arith.addf %add3A_1018, %mul3A_1025 : vector<16xf32>
    %sub3A_1032 = arith.subf %gather3A_960, %max3A_988 : vector<16xf32>
    %exp3A_1033 = math.exp %sub3A_1032 : vector<16xf32>
    %add3A_1034 = arith.constant 64 : i32
    %add3A_1035 = vector.broadcast %add3A_1034 : i32 to vector<16xi32>
    %add3A_1036 = arith.addi %get3A_934, %add3A_1035 : vector<16xi32>
    %gather3A_1037 = tpu.vector_load_idx %arg14[%add3A_1036] : memref<160xf32, #tpu.memory_space<vmem>>[vector<16xi32>], vector<16xf32>,
    %mul3A_1038 = arith.mulf %exp3A_1033, %gather3A_1037 : vector<16xf32>
    %gt3A_1039 = arith.cmpf ogt, %mul3A_1038, %select_n3A_1027 : vector<16xf32>
    %select_n3A_1040 = arith.select %gt3A_1039, %mul3A_1038, %select_n3A_1027 : vector<16xi1>, vector<16xf32>
    %jit3A_1041 = arith.constant 4 : i32
    %broadcast_in_dim3A_1042 = vector.broadcast %jit3A_1041 : i32 to vector<16xi32>
    %select_n3A_1043 = arith.select %gt3A_1039, %broadcast_in_dim3A_1042, %select_n3A_1030 : vector<16xi1>, vector<16xi32>
    %add3A_1044 = arith.addf %add3A_1031, %mul3A_1038 : vector<16xf32>
    %sub3A_1045 = arith.subf %gather3A_964, %max3A_988 : vector<16xf32>
    %exp3A_1046 = math.exp %sub3A_1045 : vector<16xf32>
    %add3A_1047 = arith.constant 80 : i32
    %add3A_1048 = vector.broadcast %add3A_1047 : i32 to vector<16xi32>
    %add3A_1049 = arith.addi %get3A_934, %add3A_1048 : vector<16xi32>
    %gather3A_1050 = tpu.vector_load_idx %arg14[%add3A_1049] : memref<160xf32, #tpu.memory_space<vmem>>[vector<16xi32>], vector<16xf32>,
    %mul3A_1051 = arith.mulf %exp3A_1046, %gather3A_1050 : vector<16xf32>
    %gt3A_1052 = arith.cmpf ogt, %mul3A_1051, %select_n3A_1040 : vector<16xf32>
    %select_n3A_1053 = arith.select %gt3A_1052, %mul3A_1051, %select_n3A_1040 : vector<16xi1>, vector<16xf32>
    %jit3A_1054 = arith.constant 5 : i32
    %broadcast_in_dim3A_1055 = vector.broadcast %jit3A_1054 : i32 to vector<16xi32>
    %select_n3A_1056 = arith.select %gt3A_1052, %broadcast_in_dim3A_1055, %select_n3A_1043 : vector<16xi1>, vector<16xi32>
    %add3A_1057 = arith.addf %add3A_1044, %mul3A_1051 : vector<16xf32>
    %sub3A_1058 = arith.subf %gather3A_968, %max3A_988 : vector<16xf32>
    %exp3A_1059 = math.exp %sub3A_1058 : vector<16xf32>
    %add3A_1060 = arith.constant 96 : i32
    %add3A_1061 = vector.broadcast %add3A_1060 : i32 to vector<16xi32>
    %add3A_1062 = arith.addi %get3A_934, %add3A_1061 : vector<16xi32>
    %gather3A_1063 = tpu.vector_load_idx %arg14[%add3A_1062] : memref<160xf32, #tpu.memory_space<vmem>>[vector<16xi32>], vector<16xf32>,
    %mul3A_1064 = arith.mulf %exp3A_1059, %gather3A_1063 : vector<16xf32>
    %gt3A_1065 = arith.cmpf ogt, %mul3A_1064, %select_n3A_1053 : vector<16xf32>
    %select_n3A_1066 = arith.select %gt3A_1065, %mul3A_1064, %select_n3A_1053 : vector<16xi1>, vector<16xf32>
    %jit3A_1067 = arith.constant 6 : i32
    %broadcast_in_dim3A_1068 = vector.broadcast %jit3A_1067 : i32 to vector<16xi32>
    %select_n3A_1069 = arith.select %gt3A_1065, %broadcast_in_dim3A_1068, %select_n3A_1056 : vector<16xi1>, vector<16xi32>
    %add3A_1070 = arith.addf %add3A_1057, %mul3A_1064 : vector<16xf32>
    %sub3A_1071 = arith.subf %gather3A_972, %max3A_988 : vector<16xf32>
    %exp3A_1072 = math.exp %sub3A_1071 : vector<16xf32>
    %add3A_1073 = arith.constant 112 : i32
    %add3A_1074 = vector.broadcast %add3A_1073 : i32 to vector<16xi32>
    %add3A_1075 = arith.addi %get3A_934, %add3A_1074 : vector<16xi32>
    %gather3A_1076 = tpu.vector_load_idx %arg14[%add3A_1075] : memref<160xf32, #tpu.memory_space<vmem>>[vector<16xi32>], vector<16xf32>,
    %mul3A_1077 = arith.mulf %exp3A_1072, %gather3A_1076 : vector<16xf32>
    %gt3A_1078 = arith.cmpf ogt, %mul3A_1077, %select_n3A_1066 : vector<16xf32>
    %select_n3A_1079 = arith.select %gt3A_1078, %mul3A_1077, %select_n3A_1066 : vector<16xi1>, vector<16xf32>
    %jit3A_1080 = arith.constant 7 : i32
    %broadcast_in_dim3A_1081 = vector.broadcast %jit3A_1080 : i32 to vector<16xi32>
    %select_n3A_1082 = arith.select %gt3A_1078, %broadcast_in_dim3A_1081, %select_n3A_1069 : vector<16xi1>, vector<16xi32>
    %add3A_1083 = arith.addf %add3A_1070, %mul3A_1077 : vector<16xf32>
    %sub3A_1084 = arith.subf %gather3A_976, %max3A_988 : vector<16xf32>
    %exp3A_1085 = math.exp %sub3A_1084 : vector<16xf32>
    %add3A_1086 = arith.constant 128 : i32
    %add3A_1087 = vector.broadcast %add3A_1086 : i32 to vector<16xi32>
    %add3A_1088 = arith.addi %get3A_934, %add3A_1087 : vector<16xi32>
    %gather3A_1089 = tpu.vector_load_idx %arg14[%add3A_1088] : memref<160xf32, #tpu.memory_space<vmem>>[vector<16xi32>], vector<16xf32>,
    %mul3A_1090 = arith.mulf %exp3A_1085, %gather3A_1089 : vector<16xf32>
    %gt3A_1091 = arith.cmpf ogt, %mul3A_1090, %select_n3A_1079 : vector<16xf32>
    %select_n3A_1092 = arith.select %gt3A_1091, %mul3A_1090, %select_n3A_1079 : vector<16xi1>, vector<16xf32>
    %jit3A_1093 = arith.constant 8 : i32
    %broadcast_in_dim3A_1094 = vector.broadcast %jit3A_1093 : i32 to vector<16xi32>
    %select_n3A_1095 = arith.select %gt3A_1091, %broadcast_in_dim3A_1094, %select_n3A_1082 : vector<16xi1>, vector<16xi32>
    %add3A_1096 = arith.addf %add3A_1083, %mul3A_1090 : vector<16xf32>
    %sub3A_1097 = arith.subf %gather3A_980, %max3A_988 : vector<16xf32>
    %exp3A_1098 = math.exp %sub3A_1097 : vector<16xf32>
    %add3A_1099 = arith.constant 144 : i32
    %add3A_1100 = vector.broadcast %add3A_1099 : i32 to vector<16xi32>
    %add3A_1101 = arith.addi %get3A_934, %add3A_1100 : vector<16xi32>
    %gather3A_1102 = tpu.vector_load_idx %arg14[%add3A_1101] : memref<160xf32, #tpu.memory_space<vmem>>[vector<16xi32>], vector<16xf32>,
    %mul3A_1103 = arith.mulf %exp3A_1098, %gather3A_1102 : vector<16xf32>
    %gt3A_1104 = arith.cmpf ogt, %mul3A_1103, %select_n3A_1092 : vector<16xf32>
    %select_n3A_1105 = arith.select %gt3A_1104, %mul3A_1103, %select_n3A_1092 : vector<16xi1>, vector<16xf32>
    %jit3A_1106 = arith.constant 9 : i32
    %broadcast_in_dim3A_1107 = vector.broadcast %jit3A_1106 : i32 to vector<16xi32>
    %select_n3A_1108 = arith.select %gt3A_1104, %broadcast_in_dim3A_1107, %select_n3A_1095 : vector<16xi1>, vector<16xi32>
    %add3A_1109 = arith.addf %add3A_1096, %mul3A_1103 : vector<16xf32>
    %div3A_1110 = arith.divf %select_n3A_1105, %add3A_1109 : vector<16xf32>
    %gather3A_1111 = tpu.vector_load_idx %arg15[%select_n3A_1108] : memref<16xf32, #tpu.memory_space<vmem>>[vector<16xi32>], vector<16xf32>,
    %gt3A_1112 = arith.cmpf ogt, %div3A_1110, %gather3A_1111 : vector<16xf32>
    %add3A_1113 = arith.constant 10 : i32
    %add3A_1114 = vector.broadcast %add3A_1113 : i32 to vector<16xi32>
    %add3A_1115 = arith.addi %mul3A_940, %add3A_1114 : vector<16xi32>
    %gather3A_1116 = tpu.vector_load_idx %arg8[%add3A_1115] : memref<2688xf32, #tpu.memory_space<vmem>>[vector<16xi32>], vector<16xf32>,
    %add3A_1117 = arith.constant 11 : i32
    %add3A_1118 = vector.broadcast %add3A_1117 : i32 to vector<16xi32>
    %add3A_1119 = arith.addi %mul3A_940, %add3A_1118 : vector<16xi32>
    %gather3A_1120 = tpu.vector_load_idx %arg8[%add3A_1119] : memref<2688xf32, #tpu.memory_space<vmem>>[vector<16xi32>], vector<16xf32>,
    %add3A_1121 = arith.constant 12 : i32
    %add3A_1122 = vector.broadcast %add3A_1121 : i32 to vector<16xi32>
    %add3A_1123 = arith.addi %mul3A_940, %add3A_1122 : vector<16xi32>
    %gather3A_1124 = tpu.vector_load_idx %arg8[%add3A_1123] : memref<2688xf32, #tpu.memory_space<vmem>>[vector<16xi32>], vector<16xf32>,
    %add3A_1125 = arith.constant 13 : i32
    %add3A_1126 = vector.broadcast %add3A_1125 : i32 to vector<16xi32>
    %add3A_1127 = arith.addi %mul3A_940, %add3A_1126 : vector<16xi32>
    %gather3A_1128 = tpu.vector_load_idx %arg8[%add3A_1127] : memref<2688xf32, #tpu.memory_space<vmem>>[vector<16xi32>], vector<16xf32>,
    %add3A_1129 = arith.constant 14 : i32
    %add3A_1130 = vector.broadcast %add3A_1129 : i32 to vector<16xi32>
    %add3A_1131 = arith.addi %mul3A_940, %add3A_1130 : vector<16xi32>
    %gather3A_1132 = tpu.vector_load_idx %arg8[%add3A_1131] : memref<2688xf32, #tpu.memory_space<vmem>>[vector<16xi32>], vector<16xf32>,
    %add3A_1133 = arith.constant 15 : i32
    %add3A_1134 = vector.broadcast %add3A_1133 : i32 to vector<16xi32>
    %add3A_1135 = arith.addi %mul3A_940, %add3A_1134 : vector<16xi32>
    %gather3A_1136 = tpu.vector_load_idx %arg8[%add3A_1135] : memref<2688xf32, #tpu.memory_space<vmem>>[vector<16xi32>], vector<16xf32>,
    %add3A_1137 = arith.constant 16 : i32
    %add3A_1138 = vector.broadcast %add3A_1137 : i32 to vector<16xi32>
    %add3A_1139 = arith.addi %mul3A_940, %add3A_1138 : vector<16xi32>
    %gather3A_1140 = tpu.vector_load_idx %arg8[%add3A_1139] : memref<2688xf32, #tpu.memory_space<vmem>>[vector<16xi32>], vector<16xf32>,
    %add3A_1141 = arith.constant 17 : i32
    %add3A_1142 = vector.broadcast %add3A_1141 : i32 to vector<16xi32>
    %add3A_1143 = arith.addi %mul3A_940, %add3A_1142 : vector<16xi32>
    %gather3A_1144 = tpu.vector_load_idx %arg8[%add3A_1143] : memref<2688xf32, #tpu.memory_space<vmem>>[vector<16xi32>], vector<16xf32>,
    %add3A_1145 = arith.constant 18 : i32
    %add3A_1146 = vector.broadcast %add3A_1145 : i32 to vector<16xi32>
    %add3A_1147 = arith.addi %mul3A_940, %add3A_1146 : vector<16xi32>
    %gather3A_1148 = tpu.vector_load_idx %arg8[%add3A_1147] : memref<2688xf32, #tpu.memory_space<vmem>>[vector<16xi32>], vector<16xf32>,
    %add3A_1149 = arith.constant 19 : i32
    %add3A_1150 = vector.broadcast %add3A_1149 : i32 to vector<16xi32>
    %add3A_1151 = arith.addi %mul3A_940, %add3A_1150 : vector<16xi32>
    %gather3A_1152 = tpu.vector_load_idx %arg8[%add3A_1151] : memref<2688xf32, #tpu.memory_space<vmem>>[vector<16xi32>], vector<16xf32>,
    %max3A_1153 = arith.maximumf %gather3A_1116, %gather3A_1120 : vector<16xf32>
    %max3A_1154 = arith.maximumf %max3A_1153, %gather3A_1124 : vector<16xf32>
    %max3A_1155 = arith.maximumf %max3A_1154, %gather3A_1128 : vector<16xf32>
    %max3A_1156 = arith.maximumf %max3A_1155, %gather3A_1132 : vector<16xf32>
    %max3A_1157 = arith.maximumf %max3A_1156, %gather3A_1136 : vector<16xf32>
    %max3A_1158 = arith.maximumf %max3A_1157, %gather3A_1140 : vector<16xf32>
    %max3A_1159 = arith.maximumf %max3A_1158, %gather3A_1144 : vector<16xf32>
    %max3A_1160 = arith.maximumf %max3A_1159, %gather3A_1148 : vector<16xf32>
    %max3A_1161 = arith.maximumf %max3A_1160, %gather3A_1152 : vector<16xf32>
    %sub3A_1162 = arith.subf %gather3A_1116, %max3A_1161 : vector<16xf32>
    %exp3A_1163 = math.exp %sub3A_1162 : vector<16xf32>
    %sub3A_1164 = arith.subf %gather3A_1120, %max3A_1161 : vector<16xf32>
    %exp3A_1165 = math.exp %sub3A_1164 : vector<16xf32>
    %add3A_1166 = arith.addf %exp3A_1163, %exp3A_1165 : vector<16xf32>
    %sub3A_1167 = arith.subf %gather3A_1124, %max3A_1161 : vector<16xf32>
    %exp3A_1168 = math.exp %sub3A_1167 : vector<16xf32>
    %add3A_1169 = arith.addf %add3A_1166, %exp3A_1168 : vector<16xf32>
    %sub3A_1170 = arith.subf %gather3A_1128, %max3A_1161 : vector<16xf32>
    %exp3A_1171 = math.exp %sub3A_1170 : vector<16xf32>
    %add3A_1172 = arith.addf %add3A_1169, %exp3A_1171 : vector<16xf32>
    %sub3A_1173 = arith.subf %gather3A_1132, %max3A_1161 : vector<16xf32>
    %exp3A_1174 = math.exp %sub3A_1173 : vector<16xf32>
    %add3A_1175 = arith.addf %add3A_1172, %exp3A_1174 : vector<16xf32>
    %sub3A_1176 = arith.subf %gather3A_1136, %max3A_1161 : vector<16xf32>
    %exp3A_1177 = math.exp %sub3A_1176 : vector<16xf32>
    %add3A_1178 = arith.addf %add3A_1175, %exp3A_1177 : vector<16xf32>
    %sub3A_1179 = arith.subf %gather3A_1140, %max3A_1161 : vector<16xf32>
    %exp3A_1180 = math.exp %sub3A_1179 : vector<16xf32>
    %add3A_1181 = arith.addf %add3A_1178, %exp3A_1180 : vector<16xf32>
    %sub3A_1182 = arith.subf %gather3A_1144, %max3A_1161 : vector<16xf32>
    %exp3A_1183 = math.exp %sub3A_1182 : vector<16xf32>
    %add3A_1184 = arith.addf %add3A_1181, %exp3A_1183 : vector<16xf32>
    %sub3A_1185 = arith.subf %gather3A_1148, %max3A_1161 : vector<16xf32>
    %exp3A_1186 = math.exp %sub3A_1185 : vector<16xf32>
    %add3A_1187 = arith.addf %add3A_1184, %exp3A_1186 : vector<16xf32>
    %sub3A_1188 = arith.subf %gather3A_1152, %max3A_1161 : vector<16xf32>
    %exp3A_1189 = math.exp %sub3A_1188 : vector<16xf32>
    %add3A_1190 = arith.addf %add3A_1187, %exp3A_1189 : vector<16xf32>
    %add3A_1191 = arith.constant 10 : i32
    %add3A_1192 = vector.broadcast %add3A_1191 : i32 to vector<16xi32>
    %add3A_1193 = arith.addi %mul3A_940, %add3A_1192 : vector<16xi32>
    %add3A_1194 = arith.addi %add3A_1193, %select_n3A_1108 : vector<16xi32>
    %gather3A_1195 = tpu.vector_load_idx %arg8[%add3A_1194] : memref<2688xf32, #tpu.memory_space<vmem>>[vector<16xi32>], vector<16xf32>,
    %bitcast3A = vector.bitcast %add3A_1190 : vector<16xf32> to vector<16xi32>
    %convert_element_type3A = arith.sitofp %bitcast3A : vector<16xi32> to vector<16xf32>
    %mul3A_1196 = arith.constant 8.26295832E-8 : f32
    %mul3A_1197 = vector.broadcast %mul3A_1196 : f32 to vector<16xf32>
    %mul3A_1198 = arith.mulf %convert_element_type3A, %mul3A_1197 : vector<16xf32>
    %sub3A_1199 = arith.constant 87.9899673 : f32
    %sub3A_1200 = vector.broadcast %sub3A_1199 : f32 to vector<16xf32>
    %sub3A_1201 = arith.subf %mul3A_1198, %sub3A_1200 : vector<16xf32>
    %neg3A = arith.constant 0.000000e+00 : f32
    %neg3A_1202 = vector.broadcast %neg3A : f32 to vector<16xf32>
    %neg3A_1203 = arith.subf %neg3A_1202, %sub3A_1201 : vector<16xf32>
    %exp3A_1204 = math.exp %neg3A_1203 : vector<16xf32>
    %mul3A_1205 = arith.mulf %add3A_1190, %exp3A_1204 : vector<16xf32>
    %add3A_1206 = arith.addf %sub3A_1201, %mul3A_1205 : vector<16xf32>
    %sub3A_1207 = arith.constant 1.000000e+00 : f32
    %sub3A_1208 = vector.broadcast %sub3A_1207 : f32 to vector<16xf32>
    %sub3A_1209 = arith.subf %add3A_1206, %sub3A_1208 : vector<16xf32>
    %add3A_1210 = arith.addf %max3A_1161, %sub3A_1209 : vector<16xf32>
    %sub3A_1211 = arith.subf %add3A_1210, %gather3A_1195 : vector<16xf32>
    %jit3A_1212 = arith.constant 0.000000e+00 : f32
    %broadcast_in_dim3A_1213 = vector.broadcast %jit3A_1212 : f32 to vector<16xf32>
    %select_n3A_1214 = arith.select %gt3A_1112, %sub3A_1211, %broadcast_in_dim3A_1213 : vector<16xi1>, vector<16xf32>
    %add3A_1215 = arith.addf %broadcast_in_dim3A_16, %select_n3A_1214 : vector<16xf32>
    %get3A_1216 = arith.constant 16 : index
    %get3A_1217 = tpu.vector_load %arg9[%get3A_1216] {strides = array<i32>} : memref<128xi32, #tpu.memory_space<vmem>>, vector<16xi32>,
    %add3A_1218 = arith.constant 16 : i32
    %add3A_1219 = vector.broadcast %add3A_1218 : i32 to vector<16xi32>
    %add3A_1220 = arith.addi %add3A_1219, %iota3A : vector<16xi32>
    %mul3A_1221 = arith.constant 21 : i32
    %mul3A_1222 = vector.broadcast %mul3A_1221 : i32 to vector<16xi32>
    %mul3A_1223 = arith.muli %add3A_1220, %mul3A_1222 : vector<16xi32>
    %add3A_1224 = arith.constant 0 : i32
    %add3A_1225 = vector.broadcast %add3A_1224 : i32 to vector<16xi32>
    %add3A_1226 = arith.addi %mul3A_1223, %add3A_1225 : vector<16xi32>
    %gather3A_1227 = tpu.vector_load_idx %arg8[%add3A_1226] : memref<2688xf32, #tpu.memory_space<vmem>>[vector<16xi32>], vector<16xf32>,
    %add3A_1228 = arith.constant 1 : i32
    %add3A_1229 = vector.broadcast %add3A_1228 : i32 to vector<16xi32>
    %add3A_1230 = arith.addi %mul3A_1223, %add3A_1229 : vector<16xi32>
    %gather3A_1231 = tpu.vector_load_idx %arg8[%add3A_1230] : memref<2688xf32, #tpu.memory_space<vmem>>[vector<16xi32>], vector<16xf32>,
    %add3A_1232 = arith.constant 2 : i32
    %add3A_1233 = vector.broadcast %add3A_1232 : i32 to vector<16xi32>
    %add3A_1234 = arith.addi %mul3A_1223, %add3A_1233 : vector<16xi32>
    %gather3A_1235 = tpu.vector_load_idx %arg8[%add3A_1234] : memref<2688xf32, #tpu.memory_space<vmem>>[vector<16xi32>], vector<16xf32>,
    %add3A_1236 = arith.constant 3 : i32
    %add3A_1237 = vector.broadcast %add3A_1236 : i32 to vector<16xi32>
    %add3A_1238 = arith.addi %mul3A_1223, %add3A_1237 : vector<16xi32>
    %gather3A_1239 = tpu.vector_load_idx %arg8[%add3A_1238] : memref<2688xf32, #tpu.memory_space<vmem>>[vector<16xi32>], vector<16xf32>,
    %add3A_1240 = arith.constant 4 : i32
    %add3A_1241 = vector.broadcast %add3A_1240 : i32 to vector<16xi32>
    %add3A_1242 = arith.addi %mul3A_1223, %add3A_1241 : vector<16xi32>
    %gather3A_1243 = tpu.vector_load_idx %arg8[%add3A_1242] : memref<2688xf32, #tpu.memory_space<vmem>>[vector<16xi32>], vector<16xf32>,
    %add3A_1244 = arith.constant 5 : i32
    %add3A_1245 = vector.broadcast %add3A_1244 : i32 to vector<16xi32>
    %add3A_1246 = arith.addi %mul3A_1223, %add3A_1245 : vector<16xi32>
    %gather3A_1247 = tpu.vector_load_idx %arg8[%add3A_1246] : memref<2688xf32, #tpu.memory_space<vmem>>[vector<16xi32>], vector<16xf32>,
    %add3A_1248 = arith.constant 6 : i32
    %add3A_1249 = vector.broadcast %add3A_1248 : i32 to vector<16xi32>
    %add3A_1250 = arith.addi %mul3A_1223, %add3A_1249 : vector<16xi32>
    %gather3A_1251 = tpu.vector_load_idx %arg8[%add3A_1250] : memref<2688xf32, #tpu.memory_space<vmem>>[vector<16xi32>], vector<16xf32>,
    %add3A_1252 = arith.constant 7 : i32
    %add3A_1253 = vector.broadcast %add3A_1252 : i32 to vector<16xi32>
    %add3A_1254 = arith.addi %mul3A_1223, %add3A_1253 : vector<16xi32>
    %gather3A_1255 = tpu.vector_load_idx %arg8[%add3A_1254] : memref<2688xf32, #tpu.memory_space<vmem>>[vector<16xi32>], vector<16xf32>,
    %add3A_1256 = arith.constant 8 : i32
    %add3A_1257 = vector.broadcast %add3A_1256 : i32 to vector<16xi32>
    %add3A_1258 = arith.addi %mul3A_1223, %add3A_1257 : vector<16xi32>
    %gather3A_1259 = tpu.vector_load_idx %arg8[%add3A_1258] : memref<2688xf32, #tpu.memory_space<vmem>>[vector<16xi32>], vector<16xf32>,
    %add3A_1260 = arith.constant 9 : i32
    %add3A_1261 = vector.broadcast %add3A_1260 : i32 to vector<16xi32>
    %add3A_1262 = arith.addi %mul3A_1223, %add3A_1261 : vector<16xi32>
    %gather3A_1263 = tpu.vector_load_idx %arg8[%add3A_1262] : memref<2688xf32, #tpu.memory_space<vmem>>[vector<16xi32>], vector<16xf32>,
    %max3A_1264 = arith.maximumf %gather3A_1227, %gather3A_1231 : vector<16xf32>
    %max3A_1265 = arith.maximumf %max3A_1264, %gather3A_1235 : vector<16xf32>
    %max3A_1266 = arith.maximumf %max3A_1265, %gather3A_1239 : vector<16xf32>
    %max3A_1267 = arith.maximumf %max3A_1266, %gather3A_1243 : vector<16xf32>
    %max3A_1268 = arith.maximumf %max3A_1267, %gather3A_1247 : vector<16xf32>
    %max3A_1269 = arith.maximumf %max3A_1268, %gather3A_1251 : vector<16xf32>
    %max3A_1270 = arith.maximumf %max3A_1269, %gather3A_1255 : vector<16xf32>
    %max3A_1271 = arith.maximumf %max3A_1270, %gather3A_1259 : vector<16xf32>
    %max3A_1272 = arith.maximumf %max3A_1271, %gather3A_1263 : vector<16xf32>
    %sub3A_1273 = arith.subf %gather3A_1227, %max3A_1272 : vector<16xf32>
    %exp3A_1274 = math.exp %sub3A_1273 : vector<16xf32>
    %gather3A_1275 = tpu.vector_load_idx %arg14[%get3A_1217] : memref<160xf32, #tpu.memory_space<vmem>>[vector<16xi32>], vector<16xf32>,
    %mul3A_1276 = arith.mulf %exp3A_1274, %gather3A_1275 : vector<16xf32>
    %broadcast_in_dim3A_1277 = arith.constant 0 : i32
    %broadcast_in_dim3A_1278 = vector.broadcast %broadcast_in_dim3A_1277 : i32 to vector<16xi32>
    %sub3A_1279 = arith.subf %gather3A_1231, %max3A_1272 : vector<16xf32>
    %exp3A_1280 = math.exp %sub3A_1279 : vector<16xf32>
    %add3A_1281 = arith.constant 16 : i32
    %add3A_1282 = vector.broadcast %add3A_1281 : i32 to vector<16xi32>
    %add3A_1283 = arith.addi %get3A_1217, %add3A_1282 : vector<16xi32>
    %gather3A_1284 = tpu.vector_load_idx %arg14[%add3A_1283] : memref<160xf32, #tpu.memory_space<vmem>>[vector<16xi32>], vector<16xf32>,
    %mul3A_1285 = arith.mulf %exp3A_1280, %gather3A_1284 : vector<16xf32>
    %gt3A_1286 = arith.cmpf ogt, %mul3A_1285, %mul3A_1276 : vector<16xf32>
    %select_n3A_1287 = arith.select %gt3A_1286, %mul3A_1285, %mul3A_1276 : vector<16xi1>, vector<16xf32>
    %jit3A_1288 = arith.constant 1 : i32
    %broadcast_in_dim3A_1289 = vector.broadcast %jit3A_1288 : i32 to vector<16xi32>
    %select_n3A_1290 = arith.select %gt3A_1286, %broadcast_in_dim3A_1289, %broadcast_in_dim3A_1278 : vector<16xi1>, vector<16xi32>
    %add3A_1291 = arith.addf %mul3A_1276, %mul3A_1285 : vector<16xf32>
    %sub3A_1292 = arith.subf %gather3A_1235, %max3A_1272 : vector<16xf32>
    %exp3A_1293 = math.exp %sub3A_1292 : vector<16xf32>
    %add3A_1294 = arith.constant 32 : i32
    %add3A_1295 = vector.broadcast %add3A_1294 : i32 to vector<16xi32>
    %add3A_1296 = arith.addi %get3A_1217, %add3A_1295 : vector<16xi32>
    %gather3A_1297 = tpu.vector_load_idx %arg14[%add3A_1296] : memref<160xf32, #tpu.memory_space<vmem>>[vector<16xi32>], vector<16xf32>,
    %mul3A_1298 = arith.mulf %exp3A_1293, %gather3A_1297 : vector<16xf32>
    %gt3A_1299 = arith.cmpf ogt, %mul3A_1298, %select_n3A_1287 : vector<16xf32>
    %select_n3A_1300 = arith.select %gt3A_1299, %mul3A_1298, %select_n3A_1287 : vector<16xi1>, vector<16xf32>
    %jit3A_1301 = arith.constant 2 : i32
    %broadcast_in_dim3A_1302 = vector.broadcast %jit3A_1301 : i32 to vector<16xi32>
    %select_n3A_1303 = arith.select %gt3A_1299, %broadcast_in_dim3A_1302, %select_n3A_1290 : vector<16xi1>, vector<16xi32>
    %add3A_1304 = arith.addf %add3A_1291, %mul3A_1298 : vector<16xf32>
    %sub3A_1305 = arith.subf %gather3A_1239, %max3A_1272 : vector<16xf32>
    %exp3A_1306 = math.exp %sub3A_1305 : vector<16xf32>
    %add3A_1307 = arith.constant 48 : i32
    %add3A_1308 = vector.broadcast %add3A_1307 : i32 to vector<16xi32>
    %add3A_1309 = arith.addi %get3A_1217, %add3A_1308 : vector<16xi32>
    %gather3A_1310 = tpu.vector_load_idx %arg14[%add3A_1309] : memref<160xf32, #tpu.memory_space<vmem>>[vector<16xi32>], vector<16xf32>,
    %mul3A_1311 = arith.mulf %exp3A_1306, %gather3A_1310 : vector<16xf32>
    %gt3A_1312 = arith.cmpf ogt, %mul3A_1311, %select_n3A_1300 : vector<16xf32>
    %select_n3A_1313 = arith.select %gt3A_1312, %mul3A_1311, %select_n3A_1300 : vector<16xi1>, vector<16xf32>
    %jit3A_1314 = arith.constant 3 : i32
    %broadcast_in_dim3A_1315 = vector.broadcast %jit3A_1314 : i32 to vector<16xi32>
    %select_n3A_1316 = arith.select %gt3A_1312, %broadcast_in_dim3A_1315, %select_n3A_1303 : vector<16xi1>, vector<16xi32>
    %add3A_1317 = arith.addf %add3A_1304, %mul3A_1311 : vector<16xf32>
    %sub3A_1318 = arith.subf %gather3A_1243, %max3A_1272 : vector<16xf32>
    %exp3A_1319 = math.exp %sub3A_1318 : vector<16xf32>
    %add3A_1320 = arith.constant 64 : i32
    %add3A_1321 = vector.broadcast %add3A_1320 : i32 to vector<16xi32>
    %add3A_1322 = arith.addi %get3A_1217, %add3A_1321 : vector<16xi32>
    %gather3A_1323 = tpu.vector_load_idx %arg14[%add3A_1322] : memref<160xf32, #tpu.memory_space<vmem>>[vector<16xi32>], vector<16xf32>,
    %mul3A_1324 = arith.mulf %exp3A_1319, %gather3A_1323 : vector<16xf32>
    %gt3A_1325 = arith.cmpf ogt, %mul3A_1324, %select_n3A_1313 : vector<16xf32>
    %select_n3A_1326 = arith.select %gt3A_1325, %mul3A_1324, %select_n3A_1313 : vector<16xi1>, vector<16xf32>
    %jit3A_1327 = arith.constant 4 : i32
    %broadcast_in_dim3A_1328 = vector.broadcast %jit3A_1327 : i32 to vector<16xi32>
    %select_n3A_1329 = arith.select %gt3A_1325, %broadcast_in_dim3A_1328, %select_n3A_1316 : vector<16xi1>, vector<16xi32>
    %add3A_1330 = arith.addf %add3A_1317, %mul3A_1324 : vector<16xf32>
    %sub3A_1331 = arith.subf %gather3A_1247, %max3A_1272 : vector<16xf32>
    %exp3A_1332 = math.exp %sub3A_1331 : vector<16xf32>
    %add3A_1333 = arith.constant 80 : i32
    %add3A_1334 = vector.broadcast %add3A_1333 : i32 to vector<16xi32>
    %add3A_1335 = arith.addi %get3A_1217, %add3A_1334 : vector<16xi32>
    %gather3A_1336 = tpu.vector_load_idx %arg14[%add3A_1335] : memref<160xf32, #tpu.memory_space<vmem>>[vector<16xi32>], vector<16xf32>,
    %mul3A_1337 = arith.mulf %exp3A_1332, %gather3A_1336 : vector<16xf32>
    %gt3A_1338 = arith.cmpf ogt, %mul3A_1337, %select_n3A_1326 : vector<16xf32>
    %select_n3A_1339 = arith.select %gt3A_1338, %mul3A_1337, %select_n3A_1326 : vector<16xi1>, vector<16xf32>
    %jit3A_1340 = arith.constant 5 : i32
    %broadcast_in_dim3A_1341 = vector.broadcast %jit3A_1340 : i32 to vector<16xi32>
    %select_n3A_1342 = arith.select %gt3A_1338, %broadcast_in_dim3A_1341, %select_n3A_1329 : vector<16xi1>, vector<16xi32>
    %add3A_1343 = arith.addf %add3A_1330, %mul3A_1337 : vector<16xf32>
    %sub3A_1344 = arith.subf %gather3A_1251, %max3A_1272 : vector<16xf32>
    %exp3A_1345 = math.exp %sub3A_1344 : vector<16xf32>
    %add3A_1346 = arith.constant 96 : i32
    %add3A_1347 = vector.broadcast %add3A_1346 : i32 to vector<16xi32>
    %add3A_1348 = arith.addi %get3A_1217, %add3A_1347 : vector<16xi32>
    %gather3A_1349 = tpu.vector_load_idx %arg14[%add3A_1348] : memref<160xf32, #tpu.memory_space<vmem>>[vector<16xi32>], vector<16xf32>,
    %mul3A_1350 = arith.mulf %exp3A_1345, %gather3A_1349 : vector<16xf32>
    %gt3A_1351 = arith.cmpf ogt, %mul3A_1350, %select_n3A_1339 : vector<16xf32>
    %select_n3A_1352 = arith.select %gt3A_1351, %mul3A_1350, %select_n3A_1339 : vector<16xi1>, vector<16xf32>
    %jit3A_1353 = arith.constant 6 : i32
    %broadcast_in_dim3A_1354 = vector.broadcast %jit3A_1353 : i32 to vector<16xi32>
    %select_n3A_1355 = arith.select %gt3A_1351, %broadcast_in_dim3A_1354, %select_n3A_1342 : vector<16xi1>, vector<16xi32>
    %add3A_1356 = arith.addf %add3A_1343, %mul3A_1350 : vector<16xf32>
    %sub3A_1357 = arith.subf %gather3A_1255, %max3A_1272 : vector<16xf32>
    %exp3A_1358 = math.exp %sub3A_1357 : vector<16xf32>
    %add3A_1359 = arith.constant 112 : i32
    %add3A_1360 = vector.broadcast %add3A_1359 : i32 to vector<16xi32>
    %add3A_1361 = arith.addi %get3A_1217, %add3A_1360 : vector<16xi32>
    %gather3A_1362 = tpu.vector_load_idx %arg14[%add3A_1361] : memref<160xf32, #tpu.memory_space<vmem>>[vector<16xi32>], vector<16xf32>,
    %mul3A_1363 = arith.mulf %exp3A_1358, %gather3A_1362 : vector<16xf32>
    %gt3A_1364 = arith.cmpf ogt, %mul3A_1363, %select_n3A_1352 : vector<16xf32>
    %select_n3A_1365 = arith.select %gt3A_1364, %mul3A_1363, %select_n3A_1352 : vector<16xi1>, vector<16xf32>
    %jit3A_1366 = arith.constant 7 : i32
    %broadcast_in_dim3A_1367 = vector.broadcast %jit3A_1366 : i32 to vector<16xi32>
    %select_n3A_1368 = arith.select %gt3A_1364, %broadcast_in_dim3A_1367, %select_n3A_1355 : vector<16xi1>, vector<16xi32>
    %add3A_1369 = arith.addf %add3A_1356, %mul3A_1363 : vector<16xf32>
    %sub3A_1370 = arith.subf %gather3A_1259, %max3A_1272 : vector<16xf32>
    %exp3A_1371 = math.exp %sub3A_1370 : vector<16xf32>
    %add3A_1372 = arith.constant 128 : i32
    %add3A_1373 = vector.broadcast %add3A_1372 : i32 to vector<16xi32>
    %add3A_1374 = arith.addi %get3A_1217, %add3A_1373 : vector<16xi32>
    %gather3A_1375 = tpu.vector_load_idx %arg14[%add3A_1374] : memref<160xf32, #tpu.memory_space<vmem>>[vector<16xi32>], vector<16xf32>,
    %mul3A_1376 = arith.mulf %exp3A_1371, %gather3A_1375 : vector<16xf32>
    %gt3A_1377 = arith.cmpf ogt, %mul3A_1376, %select_n3A_1365 : vector<16xf32>
    %select_n3A_1378 = arith.select %gt3A_1377, %mul3A_1376, %select_n3A_1365 : vector<16xi1>, vector<16xf32>
    %jit3A_1379 = arith.constant 8 : i32
    %broadcast_in_dim3A_1380 = vector.broadcast %jit3A_1379 : i32 to vector<16xi32>
    %select_n3A_1381 = arith.select %gt3A_1377, %broadcast_in_dim3A_1380, %select_n3A_1368 : vector<16xi1>, vector<16xi32>
    %add3A_1382 = arith.addf %add3A_1369, %mul3A_1376 : vector<16xf32>
    %sub3A_1383 = arith.subf %gather3A_1263, %max3A_1272 : vector<16xf32>
    %exp3A_1384 = math.exp %sub3A_1383 : vector<16xf32>
    %add3A_1385 = arith.constant 144 : i32
    %add3A_1386 = vector.broadcast %add3A_1385 : i32 to vector<16xi32>
    %add3A_1387 = arith.addi %get3A_1217, %add3A_1386 : vector<16xi32>
    %gather3A_1388 = tpu.vector_load_idx %arg14[%add3A_1387] : memref<160xf32, #tpu.memory_space<vmem>>[vector<16xi32>], vector<16xf32>,
    %mul3A_1389 = arith.mulf %exp3A_1384, %gather3A_1388 : vector<16xf32>
    %gt3A_1390 = arith.cmpf ogt, %mul3A_1389, %select_n3A_1378 : vector<16xf32>
    %select_n3A_1391 = arith.select %gt3A_1390, %mul3A_1389, %select_n3A_1378 : vector<16xi1>, vector<16xf32>
    %jit3A_1392 = arith.constant 9 : i32
    %broadcast_in_dim3A_1393 = vector.broadcast %jit3A_1392 : i32 to vector<16xi32>
    %select_n3A_1394 = arith.select %gt3A_1390, %broadcast_in_dim3A_1393, %select_n3A_1381 : vector<16xi1>, vector<16xi32>
    %add3A_1395 = arith.addf %add3A_1382, %mul3A_1389 : vector<16xf32>
    %div3A_1396 = arith.divf %select_n3A_1391, %add3A_1395 : vector<16xf32>
    %gather3A_1397 = tpu.vector_load_idx %arg15[%select_n3A_1394] : memref<16xf32, #tpu.memory_space<vmem>>[vector<16xi32>], vector<16xf32>,
    %gt3A_1398 = arith.cmpf ogt, %div3A_1396, %gather3A_1397 : vector<16xf32>
    %add3A_1399 = arith.constant 10 : i32
    %add3A_1400 = vector.broadcast %add3A_1399 : i32 to vector<16xi32>
    %add3A_1401 = arith.addi %mul3A_1223, %add3A_1400 : vector<16xi32>
    %gather3A_1402 = tpu.vector_load_idx %arg8[%add3A_1401] : memref<2688xf32, #tpu.memory_space<vmem>>[vector<16xi32>], vector<16xf32>,
    %add3A_1403 = arith.constant 11 : i32
    %add3A_1404 = vector.broadcast %add3A_1403 : i32 to vector<16xi32>
    %add3A_1405 = arith.addi %mul3A_1223, %add3A_1404 : vector<16xi32>
    %gather3A_1406 = tpu.vector_load_idx %arg8[%add3A_1405] : memref<2688xf32, #tpu.memory_space<vmem>>[vector<16xi32>], vector<16xf32>,
    %add3A_1407 = arith.constant 12 : i32
    %add3A_1408 = vector.broadcast %add3A_1407 : i32 to vector<16xi32>
    %add3A_1409 = arith.addi %mul3A_1223, %add3A_1408 : vector<16xi32>
    %gather3A_1410 = tpu.vector_load_idx %arg8[%add3A_1409] : memref<2688xf32, #tpu.memory_space<vmem>>[vector<16xi32>], vector<16xf32>,
    %add3A_1411 = arith.constant 13 : i32
    %add3A_1412 = vector.broadcast %add3A_1411 : i32 to vector<16xi32>
    %add3A_1413 = arith.addi %mul3A_1223, %add3A_1412 : vector<16xi32>
    %gather3A_1414 = tpu.vector_load_idx %arg8[%add3A_1413] : memref<2688xf32, #tpu.memory_space<vmem>>[vector<16xi32>], vector<16xf32>,
    %add3A_1415 = arith.constant 14 : i32
    %add3A_1416 = vector.broadcast %add3A_1415 : i32 to vector<16xi32>
    %add3A_1417 = arith.addi %mul3A_1223, %add3A_1416 : vector<16xi32>
    %gather3A_1418 = tpu.vector_load_idx %arg8[%add3A_1417] : memref<2688xf32, #tpu.memory_space<vmem>>[vector<16xi32>], vector<16xf32>,
    %add3A_1419 = arith.constant 15 : i32
    %add3A_1420 = vector.broadcast %add3A_1419 : i32 to vector<16xi32>
    %add3A_1421 = arith.addi %mul3A_1223, %add3A_1420 : vector<16xi32>
    %gather3A_1422 = tpu.vector_load_idx %arg8[%add3A_1421] : memref<2688xf32, #tpu.memory_space<vmem>>[vector<16xi32>], vector<16xf32>,
    %add3A_1423 = arith.constant 16 : i32
    %add3A_1424 = vector.broadcast %add3A_1423 : i32 to vector<16xi32>
    %add3A_1425 = arith.addi %mul3A_1223, %add3A_1424 : vector<16xi32>
    %gather3A_1426 = tpu.vector_load_idx %arg8[%add3A_1425] : memref<2688xf32, #tpu.memory_space<vmem>>[vector<16xi32>], vector<16xf32>,
    %add3A_1427 = arith.constant 17 : i32
    %add3A_1428 = vector.broadcast %add3A_1427 : i32 to vector<16xi32>
    %add3A_1429 = arith.addi %mul3A_1223, %add3A_1428 : vector<16xi32>
    %gather3A_1430 = tpu.vector_load_idx %arg8[%add3A_1429] : memref<2688xf32, #tpu.memory_space<vmem>>[vector<16xi32>], vector<16xf32>,
    %add3A_1431 = arith.constant 18 : i32
    %add3A_1432 = vector.broadcast %add3A_1431 : i32 to vector<16xi32>
    %add3A_1433 = arith.addi %mul3A_1223, %add3A_1432 : vector<16xi32>
    %gather3A_1434 = tpu.vector_load_idx %arg8[%add3A_1433] : memref<2688xf32, #tpu.memory_space<vmem>>[vector<16xi32>], vector<16xf32>,
    %add3A_1435 = arith.constant 19 : i32
    %add3A_1436 = vector.broadcast %add3A_1435 : i32 to vector<16xi32>
    %add3A_1437 = arith.addi %mul3A_1223, %add3A_1436 : vector<16xi32>
    %gather3A_1438 = tpu.vector_load_idx %arg8[%add3A_1437] : memref<2688xf32, #tpu.memory_space<vmem>>[vector<16xi32>], vector<16xf32>,
    %max3A_1439 = arith.maximumf %gather3A_1402, %gather3A_1406 : vector<16xf32>
    %max3A_1440 = arith.maximumf %max3A_1439, %gather3A_1410 : vector<16xf32>
    %max3A_1441 = arith.maximumf %max3A_1440, %gather3A_1414 : vector<16xf32>
    %max3A_1442 = arith.maximumf %max3A_1441, %gather3A_1418 : vector<16xf32>
    %max3A_1443 = arith.maximumf %max3A_1442, %gather3A_1422 : vector<16xf32>
    %max3A_1444 = arith.maximumf %max3A_1443, %gather3A_1426 : vector<16xf32>
    %max3A_1445 = arith.maximumf %max3A_1444, %gather3A_1430 : vector<16xf32>
    %max3A_1446 = arith.maximumf %max3A_1445, %gather3A_1434 : vector<16xf32>
    %max3A_1447 = arith.maximumf %max3A_1446, %gather3A_1438 : vector<16xf32>
    %sub3A_1448 = arith.subf %gather3A_1402, %max3A_1447 : vector<16xf32>
    %exp3A_1449 = math.exp %sub3A_1448 : vector<16xf32>
    %sub3A_1450 = arith.subf %gather3A_1406, %max3A_1447 : vector<16xf32>
    %exp3A_1451 = math.exp %sub3A_1450 : vector<16xf32>
    %add3A_1452 = arith.addf %exp3A_1449, %exp3A_1451 : vector<16xf32>
    %sub3A_1453 = arith.subf %gather3A_1410, %max3A_1447 : vector<16xf32>
    %exp3A_1454 = math.exp %sub3A_1453 : vector<16xf32>
    %add3A_1455 = arith.addf %add3A_1452, %exp3A_1454 : vector<16xf32>
    %sub3A_1456 = arith.subf %gather3A_1414, %max3A_1447 : vector<16xf32>
    %exp3A_1457 = math.exp %sub3A_1456 : vector<16xf32>
    %add3A_1458 = arith.addf %add3A_1455, %exp3A_1457 : vector<16xf32>
    %sub3A_1459 = arith.subf %gather3A_1418, %max3A_1447 : vector<16xf32>
    %exp3A_1460 = math.exp %sub3A_1459 : vector<16xf32>
    %add3A_1461 = arith.addf %add3A_1458, %exp3A_1460 : vector<16xf32>
    %sub3A_1462 = arith.subf %gather3A_1422, %max3A_1447 : vector<16xf32>
    %exp3A_1463 = math.exp %sub3A_1462 : vector<16xf32>
    %add3A_1464 = arith.addf %add3A_1461, %exp3A_1463 : vector<16xf32>
    %sub3A_1465 = arith.subf %gather3A_1426, %max3A_1447 : vector<16xf32>
    %exp3A_1466 = math.exp %sub3A_1465 : vector<16xf32>
    %add3A_1467 = arith.addf %add3A_1464, %exp3A_1466 : vector<16xf32>
    %sub3A_1468 = arith.subf %gather3A_1430, %max3A_1447 : vector<16xf32>
    %exp3A_1469 = math.exp %sub3A_1468 : vector<16xf32>
    %add3A_1470 = arith.addf %add3A_1467, %exp3A_1469 : vector<16xf32>
    %sub3A_1471 = arith.subf %gather3A_1434, %max3A_1447 : vector<16xf32>
    %exp3A_1472 = math.exp %sub3A_1471 : vector<16xf32>
    %add3A_1473 = arith.addf %add3A_1470, %exp3A_1472 : vector<16xf32>
    %sub3A_1474 = arith.subf %gather3A_1438, %max3A_1447 : vector<16xf32>
    %exp3A_1475 = math.exp %sub3A_1474 : vector<16xf32>
    %add3A_1476 = arith.addf %add3A_1473, %exp3A_1475 : vector<16xf32>
    %add3A_1477 = arith.constant 10 : i32
    %add3A_1478 = vector.broadcast %add3A_1477 : i32 to vector<16xi32>
    %add3A_1479 = arith.addi %mul3A_1223, %add3A_1478 : vector<16xi32>
    %add3A_1480 = arith.addi %add3A_1479, %select_n3A_1394 : vector<16xi32>
    %gather3A_1481 = tpu.vector_load_idx %arg8[%add3A_1480] : memref<2688xf32, #tpu.memory_space<vmem>>[vector<16xi32>], vector<16xf32>,
    %bitcast3A_1482 = vector.bitcast %add3A_1476 : vector<16xf32> to vector<16xi32>
    %convert_element_type3A_1483 = arith.sitofp %bitcast3A_1482 : vector<16xi32> to vector<16xf32>
    %mul3A_1484 = arith.constant 8.26295832E-8 : f32
    %mul3A_1485 = vector.broadcast %mul3A_1484 : f32 to vector<16xf32>
    %mul3A_1486 = arith.mulf %convert_element_type3A_1483, %mul3A_1485 : vector<16xf32>
    %sub3A_1487 = arith.constant 87.9899673 : f32
    %sub3A_1488 = vector.broadcast %sub3A_1487 : f32 to vector<16xf32>
    %sub3A_1489 = arith.subf %mul3A_1486, %sub3A_1488 : vector<16xf32>
    %neg3A_1490 = arith.constant 0.000000e+00 : f32
    %neg3A_1491 = vector.broadcast %neg3A_1490 : f32 to vector<16xf32>
    %neg3A_1492 = arith.subf %neg3A_1491, %sub3A_1489 : vector<16xf32>
    %exp3A_1493 = math.exp %neg3A_1492 : vector<16xf32>
    %mul3A_1494 = arith.mulf %add3A_1476, %exp3A_1493 : vector<16xf32>
    %add3A_1495 = arith.addf %sub3A_1489, %mul3A_1494 : vector<16xf32>
    %sub3A_1496 = arith.constant 1.000000e+00 : f32
    %sub3A_1497 = vector.broadcast %sub3A_1496 : f32 to vector<16xf32>
    %sub3A_1498 = arith.subf %add3A_1495, %sub3A_1497 : vector<16xf32>
    %add3A_1499 = arith.addf %max3A_1447, %sub3A_1498 : vector<16xf32>
    %sub3A_1500 = arith.subf %add3A_1499, %gather3A_1481 : vector<16xf32>
    %jit3A_1501 = arith.constant 0.000000e+00 : f32
    %broadcast_in_dim3A_1502 = vector.broadcast %jit3A_1501 : f32 to vector<16xf32>
    %select_n3A_1503 = arith.select %gt3A_1398, %sub3A_1500, %broadcast_in_dim3A_1502 : vector<16xi1>, vector<16xf32>
    %add3A_1504 = arith.addf %add3A_1215, %select_n3A_1503 : vector<16xf32>
    %get3A_1505 = arith.constant 32 : index
    %get3A_1506 = tpu.vector_load %arg9[%get3A_1505] {strides = array<i32>} : memref<128xi32, #tpu.memory_space<vmem>>, vector<16xi32>,
    %add3A_1507 = arith.constant 32 : i32
    %add3A_1508 = vector.broadcast %add3A_1507 : i32 to vector<16xi32>
    %add3A_1509 = arith.addi %add3A_1508, %iota3A : vector<16xi32>
    %mul3A_1510 = arith.constant 21 : i32
    %mul3A_1511 = vector.broadcast %mul3A_1510 : i32 to vector<16xi32>
    %mul3A_1512 = arith.muli %add3A_1509, %mul3A_1511 : vector<16xi32>
    %add3A_1513 = arith.constant 0 : i32
    %add3A_1514 = vector.broadcast %add3A_1513 : i32 to vector<16xi32>
    %add3A_1515 = arith.addi %mul3A_1512, %add3A_1514 : vector<16xi32>
    %gather3A_1516 = tpu.vector_load_idx %arg8[%add3A_1515] : memref<2688xf32, #tpu.memory_space<vmem>>[vector<16xi32>], vector<16xf32>,
    %add3A_1517 = arith.constant 1 : i32
    %add3A_1518 = vector.broadcast %add3A_1517 : i32 to vector<16xi32>
    %add3A_1519 = arith.addi %mul3A_1512, %add3A_1518 : vector<16xi32>
    %gather3A_1520 = tpu.vector_load_idx %arg8[%add3A_1519] : memref<2688xf32, #tpu.memory_space<vmem>>[vector<16xi32>], vector<16xf32>,
    %add3A_1521 = arith.constant 2 : i32
    %add3A_1522 = vector.broadcast %add3A_1521 : i32 to vector<16xi32>
    %add3A_1523 = arith.addi %mul3A_1512, %add3A_1522 : vector<16xi32>
    %gather3A_1524 = tpu.vector_load_idx %arg8[%add3A_1523] : memref<2688xf32, #tpu.memory_space<vmem>>[vector<16xi32>], vector<16xf32>,
    %add3A_1525 = arith.constant 3 : i32
    %add3A_1526 = vector.broadcast %add3A_1525 : i32 to vector<16xi32>
    %add3A_1527 = arith.addi %mul3A_1512, %add3A_1526 : vector<16xi32>
    %gather3A_1528 = tpu.vector_load_idx %arg8[%add3A_1527] : memref<2688xf32, #tpu.memory_space<vmem>>[vector<16xi32>], vector<16xf32>,
    %add3A_1529 = arith.constant 4 : i32
    %add3A_1530 = vector.broadcast %add3A_1529 : i32 to vector<16xi32>
    %add3A_1531 = arith.addi %mul3A_1512, %add3A_1530 : vector<16xi32>
    %gather3A_1532 = tpu.vector_load_idx %arg8[%add3A_1531] : memref<2688xf32, #tpu.memory_space<vmem>>[vector<16xi32>], vector<16xf32>,
    %add3A_1533 = arith.constant 5 : i32
    %add3A_1534 = vector.broadcast %add3A_1533 : i32 to vector<16xi32>
    %add3A_1535 = arith.addi %mul3A_1512, %add3A_1534 : vector<16xi32>
    %gather3A_1536 = tpu.vector_load_idx %arg8[%add3A_1535] : memref<2688xf32, #tpu.memory_space<vmem>>[vector<16xi32>], vector<16xf32>,
    %add3A_1537 = arith.constant 6 : i32
    %add3A_1538 = vector.broadcast %add3A_1537 : i32 to vector<16xi32>
    %add3A_1539 = arith.addi %mul3A_1512, %add3A_1538 : vector<16xi32>
    %gather3A_1540 = tpu.vector_load_idx %arg8[%add3A_1539] : memref<2688xf32, #tpu.memory_space<vmem>>[vector<16xi32>], vector<16xf32>,
    %add3A_1541 = arith.constant 7 : i32
    %add3A_1542 = vector.broadcast %add3A_1541 : i32 to vector<16xi32>
    %add3A_1543 = arith.addi %mul3A_1512, %add3A_1542 : vector<16xi32>
    %gather3A_1544 = tpu.vector_load_idx %arg8[%add3A_1543] : memref<2688xf32, #tpu.memory_space<vmem>>[vector<16xi32>], vector<16xf32>,
    %add3A_1545 = arith.constant 8 : i32
    %add3A_1546 = vector.broadcast %add3A_1545 : i32 to vector<16xi32>
    %add3A_1547 = arith.addi %mul3A_1512, %add3A_1546 : vector<16xi32>
    %gather3A_1548 = tpu.vector_load_idx %arg8[%add3A_1547] : memref<2688xf32, #tpu.memory_space<vmem>>[vector<16xi32>], vector<16xf32>,
    %add3A_1549 = arith.constant 9 : i32
    %add3A_1550 = vector.broadcast %add3A_1549 : i32 to vector<16xi32>
    %add3A_1551 = arith.addi %mul3A_1512, %add3A_1550 : vector<16xi32>
    %gather3A_1552 = tpu.vector_load_idx %arg8[%add3A_1551] : memref<2688xf32, #tpu.memory_space<vmem>>[vector<16xi32>], vector<16xf32>,
    %max3A_1553 = arith.maximumf %gather3A_1516, %gather3A_1520 : vector<16xf32>
    %max3A_1554 = arith.maximumf %max3A_1553, %gather3A_1524 : vector<16xf32>
    %max3A_1555 = arith.maximumf %max3A_1554, %gather3A_1528 : vector<16xf32>
    %max3A_1556 = arith.maximumf %max3A_1555, %gather3A_1532 : vector<16xf32>
    %max3A_1557 = arith.maximumf %max3A_1556, %gather3A_1536 : vector<16xf32>
    %max3A_1558 = arith.maximumf %max3A_1557, %gather3A_1540 : vector<16xf32>
    %max3A_1559 = arith.maximumf %max3A_1558, %gather3A_1544 : vector<16xf32>
    %max3A_1560 = arith.maximumf %max3A_1559, %gather3A_1548 : vector<16xf32>
    %max3A_1561 = arith.maximumf %max3A_1560, %gather3A_1552 : vector<16xf32>
    %sub3A_1562 = arith.subf %gather3A_1516, %max3A_1561 : vector<16xf32>
    %exp3A_1563 = math.exp %sub3A_1562 : vector<16xf32>
    %gather3A_1564 = tpu.vector_load_idx %arg14[%get3A_1506] : memref<160xf32, #tpu.memory_space<vmem>>[vector<16xi32>], vector<16xf32>,
    %mul3A_1565 = arith.mulf %exp3A_1563, %gather3A_1564 : vector<16xf32>
    %broadcast_in_dim3A_1566 = arith.constant 0 : i32
    %broadcast_in_dim3A_1567 = vector.broadcast %broadcast_in_dim3A_1566 : i32 to vector<16xi32>
    %sub3A_1568 = arith.subf %gather3A_1520, %max3A_1561 : vector<16xf32>
    %exp3A_1569 = math.exp %sub3A_1568 : vector<16xf32>
    %add3A_1570 = arith.constant 16 : i32
    %add3A_1571 = vector.broadcast %add3A_1570 : i32 to vector<16xi32>
    %add3A_1572 = arith.addi %get3A_1506, %add3A_1571 : vector<16xi32>
    %gather3A_1573 = tpu.vector_load_idx %arg14[%add3A_1572] : memref<160xf32, #tpu.memory_space<vmem>>[vector<16xi32>], vector<16xf32>,
    %mul3A_1574 = arith.mulf %exp3A_1569, %gather3A_1573 : vector<16xf32>
    %gt3A_1575 = arith.cmpf ogt, %mul3A_1574, %mul3A_1565 : vector<16xf32>
    %select_n3A_1576 = arith.select %gt3A_1575, %mul3A_1574, %mul3A_1565 : vector<16xi1>, vector<16xf32>
    %jit3A_1577 = arith.constant 1 : i32
    %broadcast_in_dim3A_1578 = vector.broadcast %jit3A_1577 : i32 to vector<16xi32>
    %select_n3A_1579 = arith.select %gt3A_1575, %broadcast_in_dim3A_1578, %broadcast_in_dim3A_1567 : vector<16xi1>, vector<16xi32>
    %add3A_1580 = arith.addf %mul3A_1565, %mul3A_1574 : vector<16xf32>
    %sub3A_1581 = arith.subf %gather3A_1524, %max3A_1561 : vector<16xf32>
    %exp3A_1582 = math.exp %sub3A_1581 : vector<16xf32>
    %add3A_1583 = arith.constant 32 : i32
    %add3A_1584 = vector.broadcast %add3A_1583 : i32 to vector<16xi32>
    %add3A_1585 = arith.addi %get3A_1506, %add3A_1584 : vector<16xi32>
    %gather3A_1586 = tpu.vector_load_idx %arg14[%add3A_1585] : memref<160xf32, #tpu.memory_space<vmem>>[vector<16xi32>], vector<16xf32>,
    %mul3A_1587 = arith.mulf %exp3A_1582, %gather3A_1586 : vector<16xf32>
    %gt3A_1588 = arith.cmpf ogt, %mul3A_1587, %select_n3A_1576 : vector<16xf32>
    %select_n3A_1589 = arith.select %gt3A_1588, %mul3A_1587, %select_n3A_1576 : vector<16xi1>, vector<16xf32>
    %jit3A_1590 = arith.constant 2 : i32
    %broadcast_in_dim3A_1591 = vector.broadcast %jit3A_1590 : i32 to vector<16xi32>
    %select_n3A_1592 = arith.select %gt3A_1588, %broadcast_in_dim3A_1591, %select_n3A_1579 : vector<16xi1>, vector<16xi32>
    %add3A_1593 = arith.addf %add3A_1580, %mul3A_1587 : vector<16xf32>
    %sub3A_1594 = arith.subf %gather3A_1528, %max3A_1561 : vector<16xf32>
    %exp3A_1595 = math.exp %sub3A_1594 : vector<16xf32>
    %add3A_1596 = arith.constant 48 : i32
    %add3A_1597 = vector.broadcast %add3A_1596 : i32 to vector<16xi32>
    %add3A_1598 = arith.addi %get3A_1506, %add3A_1597 : vector<16xi32>
    %gather3A_1599 = tpu.vector_load_idx %arg14[%add3A_1598] : memref<160xf32, #tpu.memory_space<vmem>>[vector<16xi32>], vector<16xf32>,
    %mul3A_1600 = arith.mulf %exp3A_1595, %gather3A_1599 : vector<16xf32>
    %gt3A_1601 = arith.cmpf ogt, %mul3A_1600, %select_n3A_1589 : vector<16xf32>
    %select_n3A_1602 = arith.select %gt3A_1601, %mul3A_1600, %select_n3A_1589 : vector<16xi1>, vector<16xf32>
    %jit3A_1603 = arith.constant 3 : i32
    %broadcast_in_dim3A_1604 = vector.broadcast %jit3A_1603 : i32 to vector<16xi32>
    %select_n3A_1605 = arith.select %gt3A_1601, %broadcast_in_dim3A_1604, %select_n3A_1592 : vector<16xi1>, vector<16xi32>
    %add3A_1606 = arith.addf %add3A_1593, %mul3A_1600 : vector<16xf32>
    %sub3A_1607 = arith.subf %gather3A_1532, %max3A_1561 : vector<16xf32>
    %exp3A_1608 = math.exp %sub3A_1607 : vector<16xf32>
    %add3A_1609 = arith.constant 64 : i32
    %add3A_1610 = vector.broadcast %add3A_1609 : i32 to vector<16xi32>
    %add3A_1611 = arith.addi %get3A_1506, %add3A_1610 : vector<16xi32>
    %gather3A_1612 = tpu.vector_load_idx %arg14[%add3A_1611] : memref<160xf32, #tpu.memory_space<vmem>>[vector<16xi32>], vector<16xf32>,
    %mul3A_1613 = arith.mulf %exp3A_1608, %gather3A_1612 : vector<16xf32>
    %gt3A_1614 = arith.cmpf ogt, %mul3A_1613, %select_n3A_1602 : vector<16xf32>
    %select_n3A_1615 = arith.select %gt3A_1614, %mul3A_1613, %select_n3A_1602 : vector<16xi1>, vector<16xf32>
    %jit3A_1616 = arith.constant 4 : i32
    %broadcast_in_dim3A_1617 = vector.broadcast %jit3A_1616 : i32 to vector<16xi32>
    %select_n3A_1618 = arith.select %gt3A_1614, %broadcast_in_dim3A_1617, %select_n3A_1605 : vector<16xi1>, vector<16xi32>
    %add3A_1619 = arith.addf %add3A_1606, %mul3A_1613 : vector<16xf32>
    %sub3A_1620 = arith.subf %gather3A_1536, %max3A_1561 : vector<16xf32>
    %exp3A_1621 = math.exp %sub3A_1620 : vector<16xf32>
    %add3A_1622 = arith.constant 80 : i32
    %add3A_1623 = vector.broadcast %add3A_1622 : i32 to vector<16xi32>
    %add3A_1624 = arith.addi %get3A_1506, %add3A_1623 : vector<16xi32>
    %gather3A_1625 = tpu.vector_load_idx %arg14[%add3A_1624] : memref<160xf32, #tpu.memory_space<vmem>>[vector<16xi32>], vector<16xf32>,
    %mul3A_1626 = arith.mulf %exp3A_1621, %gather3A_1625 : vector<16xf32>
    %gt3A_1627 = arith.cmpf ogt, %mul3A_1626, %select_n3A_1615 : vector<16xf32>
    %select_n3A_1628 = arith.select %gt3A_1627, %mul3A_1626, %select_n3A_1615 : vector<16xi1>, vector<16xf32>
    %jit3A_1629 = arith.constant 5 : i32
    %broadcast_in_dim3A_1630 = vector.broadcast %jit3A_1629 : i32 to vector<16xi32>
    %select_n3A_1631 = arith.select %gt3A_1627, %broadcast_in_dim3A_1630, %select_n3A_1618 : vector<16xi1>, vector<16xi32>
    %add3A_1632 = arith.addf %add3A_1619, %mul3A_1626 : vector<16xf32>
    %sub3A_1633 = arith.subf %gather3A_1540, %max3A_1561 : vector<16xf32>
    %exp3A_1634 = math.exp %sub3A_1633 : vector<16xf32>
    %add3A_1635 = arith.constant 96 : i32
    %add3A_1636 = vector.broadcast %add3A_1635 : i32 to vector<16xi32>
    %add3A_1637 = arith.addi %get3A_1506, %add3A_1636 : vector<16xi32>
    %gather3A_1638 = tpu.vector_load_idx %arg14[%add3A_1637] : memref<160xf32, #tpu.memory_space<vmem>>[vector<16xi32>], vector<16xf32>,
    %mul3A_1639 = arith.mulf %exp3A_1634, %gather3A_1638 : vector<16xf32>
    %gt3A_1640 = arith.cmpf ogt, %mul3A_1639, %select_n3A_1628 : vector<16xf32>
    %select_n3A_1641 = arith.select %gt3A_1640, %mul3A_1639, %select_n3A_1628 : vector<16xi1>, vector<16xf32>
    %jit3A_1642 = arith.constant 6 : i32
    %broadcast_in_dim3A_1643 = vector.broadcast %jit3A_1642 : i32 to vector<16xi32>
    %select_n3A_1644 = arith.select %gt3A_1640, %broadcast_in_dim3A_1643, %select_n3A_1631 : vector<16xi1>, vector<16xi32>
    %add3A_1645 = arith.addf %add3A_1632, %mul3A_1639 : vector<16xf32>
    %sub3A_1646 = arith.subf %gather3A_1544, %max3A_1561 : vector<16xf32>
    %exp3A_1647 = math.exp %sub3A_1646 : vector<16xf32>
    %add3A_1648 = arith.constant 112 : i32
    %add3A_1649 = vector.broadcast %add3A_1648 : i32 to vector<16xi32>
    %add3A_1650 = arith.addi %get3A_1506, %add3A_1649 : vector<16xi32>
    %gather3A_1651 = tpu.vector_load_idx %arg14[%add3A_1650] : memref<160xf32, #tpu.memory_space<vmem>>[vector<16xi32>], vector<16xf32>,
    %mul3A_1652 = arith.mulf %exp3A_1647, %gather3A_1651 : vector<16xf32>
    %gt3A_1653 = arith.cmpf ogt, %mul3A_1652, %select_n3A_1641 : vector<16xf32>
    %select_n3A_1654 = arith.select %gt3A_1653, %mul3A_1652, %select_n3A_1641 : vector<16xi1>, vector<16xf32>
    %jit3A_1655 = arith.constant 7 : i32
    %broadcast_in_dim3A_1656 = vector.broadcast %jit3A_1655 : i32 to vector<16xi32>
    %select_n3A_1657 = arith.select %gt3A_1653, %broadcast_in_dim3A_1656, %select_n3A_1644 : vector<16xi1>, vector<16xi32>
    %add3A_1658 = arith.addf %add3A_1645, %mul3A_1652 : vector<16xf32>
    %sub3A_1659 = arith.subf %gather3A_1548, %max3A_1561 : vector<16xf32>
    %exp3A_1660 = math.exp %sub3A_1659 : vector<16xf32>
    %add3A_1661 = arith.constant 128 : i32
    %add3A_1662 = vector.broadcast %add3A_1661 : i32 to vector<16xi32>
    %add3A_1663 = arith.addi %get3A_1506, %add3A_1662 : vector<16xi32>
    %gather3A_1664 = tpu.vector_load_idx %arg14[%add3A_1663] : memref<160xf32, #tpu.memory_space<vmem>>[vector<16xi32>], vector<16xf32>,
    %mul3A_1665 = arith.mulf %exp3A_1660, %gather3A_1664 : vector<16xf32>
    %gt3A_1666 = arith.cmpf ogt, %mul3A_1665, %select_n3A_1654 : vector<16xf32>
    %select_n3A_1667 = arith.select %gt3A_1666, %mul3A_1665, %select_n3A_1654 : vector<16xi1>, vector<16xf32>
    %jit3A_1668 = arith.constant 8 : i32
    %broadcast_in_dim3A_1669 = vector.broadcast %jit3A_1668 : i32 to vector<16xi32>
    %select_n3A_1670 = arith.select %gt3A_1666, %broadcast_in_dim3A_1669, %select_n3A_1657 : vector<16xi1>, vector<16xi32>
    %add3A_1671 = arith.addf %add3A_1658, %mul3A_1665 : vector<16xf32>
    %sub3A_1672 = arith.subf %gather3A_1552, %max3A_1561 : vector<16xf32>
    %exp3A_1673 = math.exp %sub3A_1672 : vector<16xf32>
    %add3A_1674 = arith.constant 144 : i32
    %add3A_1675 = vector.broadcast %add3A_1674 : i32 to vector<16xi32>
    %add3A_1676 = arith.addi %get3A_1506, %add3A_1675 : vector<16xi32>
    %gather3A_1677 = tpu.vector_load_idx %arg14[%add3A_1676] : memref<160xf32, #tpu.memory_space<vmem>>[vector<16xi32>], vector<16xf32>,
    %mul3A_1678 = arith.mulf %exp3A_1673, %gather3A_1677 : vector<16xf32>
    %gt3A_1679 = arith.cmpf ogt, %mul3A_1678, %select_n3A_1667 : vector<16xf32>
    %select_n3A_1680 = arith.select %gt3A_1679, %mul3A_1678, %select_n3A_1667 : vector<16xi1>, vector<16xf32>
    %jit3A_1681 = arith.constant 9 : i32
    %broadcast_in_dim3A_1682 = vector.broadcast %jit3A_1681 : i32 to vector<16xi32>
    %select_n3A_1683 = arith.select %gt3A_1679, %broadcast_in_dim3A_1682, %select_n3A_1670 : vector<16xi1>, vector<16xi32>
    %add3A_1684 = arith.addf %add3A_1671, %mul3A_1678 : vector<16xf32>
    %div3A_1685 = arith.divf %select_n3A_1680, %add3A_1684 : vector<16xf32>
    %gather3A_1686 = tpu.vector_load_idx %arg15[%select_n3A_1683] : memref<16xf32, #tpu.memory_space<vmem>>[vector<16xi32>], vector<16xf32>,
    %gt3A_1687 = arith.cmpf ogt, %div3A_1685, %gather3A_1686 : vector<16xf32>
    %add3A_1688 = arith.constant 10 : i32
    %add3A_1689 = vector.broadcast %add3A_1688 : i32 to vector<16xi32>
    %add3A_1690 = arith.addi %mul3A_1512, %add3A_1689 : vector<16xi32>
    %gather3A_1691 = tpu.vector_load_idx %arg8[%add3A_1690] : memref<2688xf32, #tpu.memory_space<vmem>>[vector<16xi32>], vector<16xf32>,
    %add3A_1692 = arith.constant 11 : i32
    %add3A_1693 = vector.broadcast %add3A_1692 : i32 to vector<16xi32>
    %add3A_1694 = arith.addi %mul3A_1512, %add3A_1693 : vector<16xi32>
    %gather3A_1695 = tpu.vector_load_idx %arg8[%add3A_1694] : memref<2688xf32, #tpu.memory_space<vmem>>[vector<16xi32>], vector<16xf32>,
    %add3A_1696 = arith.constant 12 : i32
    %add3A_1697 = vector.broadcast %add3A_1696 : i32 to vector<16xi32>
    %add3A_1698 = arith.addi %mul3A_1512, %add3A_1697 : vector<16xi32>
    %gather3A_1699 = tpu.vector_load_idx %arg8[%add3A_1698] : memref<2688xf32, #tpu.memory_space<vmem>>[vector<16xi32>], vector<16xf32>,
    %add3A_1700 = arith.constant 13 : i32
    %add3A_1701 = vector.broadcast %add3A_1700 : i32 to vector<16xi32>
    %add3A_1702 = arith.addi %mul3A_1512, %add3A_1701 : vector<16xi32>
    %gather3A_1703 = tpu.vector_load_idx %arg8[%add3A_1702] : memref<2688xf32, #tpu.memory_space<vmem>>[vector<16xi32>], vector<16xf32>,
    %add3A_1704 = arith.constant 14 : i32
    %add3A_1705 = vector.broadcast %add3A_1704 : i32 to vector<16xi32>
    %add3A_1706 = arith.addi %mul3A_1512, %add3A_1705 : vector<16xi32>
    %gather3A_1707 = tpu.vector_load_idx %arg8[%add3A_1706] : memref<2688xf32, #tpu.memory_space<vmem>>[vector<16xi32>], vector<16xf32>,
    %add3A_1708 = arith.constant 15 : i32
    %add3A_1709 = vector.broadcast %add3A_1708 : i32 to vector<16xi32>
    %add3A_1710 = arith.addi %mul3A_1512, %add3A_1709 : vector<16xi32>
    %gather3A_1711 = tpu.vector_load_idx %arg8[%add3A_1710] : memref<2688xf32, #tpu.memory_space<vmem>>[vector<16xi32>], vector<16xf32>,
    %add3A_1712 = arith.constant 16 : i32
    %add3A_1713 = vector.broadcast %add3A_1712 : i32 to vector<16xi32>
    %add3A_1714 = arith.addi %mul3A_1512, %add3A_1713 : vector<16xi32>
    %gather3A_1715 = tpu.vector_load_idx %arg8[%add3A_1714] : memref<2688xf32, #tpu.memory_space<vmem>>[vector<16xi32>], vector<16xf32>,
    %add3A_1716 = arith.constant 17 : i32
    %add3A_1717 = vector.broadcast %add3A_1716 : i32 to vector<16xi32>
    %add3A_1718 = arith.addi %mul3A_1512, %add3A_1717 : vector<16xi32>
    %gather3A_1719 = tpu.vector_load_idx %arg8[%add3A_1718] : memref<2688xf32, #tpu.memory_space<vmem>>[vector<16xi32>], vector<16xf32>,
    %add3A_1720 = arith.constant 18 : i32
    %add3A_1721 = vector.broadcast %add3A_1720 : i32 to vector<16xi32>
    %add3A_1722 = arith.addi %mul3A_1512, %add3A_1721 : vector<16xi32>
    %gather3A_1723 = tpu.vector_load_idx %arg8[%add3A_1722] : memref<2688xf32, #tpu.memory_space<vmem>>[vector<16xi32>], vector<16xf32>,
    %add3A_1724 = arith.constant 19 : i32
    %add3A_1725 = vector.broadcast %add3A_1724 : i32 to vector<16xi32>
    %add3A_1726 = arith.addi %mul3A_1512, %add3A_1725 : vector<16xi32>
    %gather3A_1727 = tpu.vector_load_idx %arg8[%add3A_1726] : memref<2688xf32, #tpu.memory_space<vmem>>[vector<16xi32>], vector<16xf32>,
    %max3A_1728 = arith.maximumf %gather3A_1691, %gather3A_1695 : vector<16xf32>
    %max3A_1729 = arith.maximumf %max3A_1728, %gather3A_1699 : vector<16xf32>
    %max3A_1730 = arith.maximumf %max3A_1729, %gather3A_1703 : vector<16xf32>
    %max3A_1731 = arith.maximumf %max3A_1730, %gather3A_1707 : vector<16xf32>
    %max3A_1732 = arith.maximumf %max3A_1731, %gather3A_1711 : vector<16xf32>
    %max3A_1733 = arith.maximumf %max3A_1732, %gather3A_1715 : vector<16xf32>
    %max3A_1734 = arith.maximumf %max3A_1733, %gather3A_1719 : vector<16xf32>
    %max3A_1735 = arith.maximumf %max3A_1734, %gather3A_1723 : vector<16xf32>
    %max3A_1736 = arith.maximumf %max3A_1735, %gather3A_1727 : vector<16xf32>
    %sub3A_1737 = arith.subf %gather3A_1691, %max3A_1736 : vector<16xf32>
    %exp3A_1738 = math.exp %sub3A_1737 : vector<16xf32>
    %sub3A_1739 = arith.subf %gather3A_1695, %max3A_1736 : vector<16xf32>
    %exp3A_1740 = math.exp %sub3A_1739 : vector<16xf32>
    %add3A_1741 = arith.addf %exp3A_1738, %exp3A_1740 : vector<16xf32>
    %sub3A_1742 = arith.subf %gather3A_1699, %max3A_1736 : vector<16xf32>
    %exp3A_1743 = math.exp %sub3A_1742 : vector<16xf32>
    %add3A_1744 = arith.addf %add3A_1741, %exp3A_1743 : vector<16xf32>
    %sub3A_1745 = arith.subf %gather3A_1703, %max3A_1736 : vector<16xf32>
    %exp3A_1746 = math.exp %sub3A_1745 : vector<16xf32>
    %add3A_1747 = arith.addf %add3A_1744, %exp3A_1746 : vector<16xf32>
    %sub3A_1748 = arith.subf %gather3A_1707, %max3A_1736 : vector<16xf32>
    %exp3A_1749 = math.exp %sub3A_1748 : vector<16xf32>
    %add3A_1750 = arith.addf %add3A_1747, %exp3A_1749 : vector<16xf32>
    %sub3A_1751 = arith.subf %gather3A_1711, %max3A_1736 : vector<16xf32>
    %exp3A_1752 = math.exp %sub3A_1751 : vector<16xf32>
    %add3A_1753 = arith.addf %add3A_1750, %exp3A_1752 : vector<16xf32>
    %sub3A_1754 = arith.subf %gather3A_1715, %max3A_1736 : vector<16xf32>
    %exp3A_1755 = math.exp %sub3A_1754 : vector<16xf32>
    %add3A_1756 = arith.addf %add3A_1753, %exp3A_1755 : vector<16xf32>
    %sub3A_1757 = arith.subf %gather3A_1719, %max3A_1736 : vector<16xf32>
    %exp3A_1758 = math.exp %sub3A_1757 : vector<16xf32>
    %add3A_1759 = arith.addf %add3A_1756, %exp3A_1758 : vector<16xf32>
    %sub3A_1760 = arith.subf %gather3A_1723, %max3A_1736 : vector<16xf32>
    %exp3A_1761 = math.exp %sub3A_1760 : vector<16xf32>
    %add3A_1762 = arith.addf %add3A_1759, %exp3A_1761 : vector<16xf32>
    %sub3A_1763 = arith.subf %gather3A_1727, %max3A_1736 : vector<16xf32>
    %exp3A_1764 = math.exp %sub3A_1763 : vector<16xf32>
    %add3A_1765 = arith.addf %add3A_1762, %exp3A_1764 : vector<16xf32>
    %add3A_1766 = arith.constant 10 : i32
    %add3A_1767 = vector.broadcast %add3A_1766 : i32 to vector<16xi32>
    %add3A_1768 = arith.addi %mul3A_1512, %add3A_1767 : vector<16xi32>
    %add3A_1769 = arith.addi %add3A_1768, %select_n3A_1683 : vector<16xi32>
    %gather3A_1770 = tpu.vector_load_idx %arg8[%add3A_1769] : memref<2688xf32, #tpu.memory_space<vmem>>[vector<16xi32>], vector<16xf32>,
    %bitcast3A_1771 = vector.bitcast %add3A_1765 : vector<16xf32> to vector<16xi32>
    %convert_element_type3A_1772 = arith.sitofp %bitcast3A_1771 : vector<16xi32> to vector<16xf32>
    %mul3A_1773 = arith.constant 8.26295832E-8 : f32
    %mul3A_1774 = vector.broadcast %mul3A_1773 : f32 to vector<16xf32>
    %mul3A_1775 = arith.mulf %convert_element_type3A_1772, %mul3A_1774 : vector<16xf32>
    %sub3A_1776 = arith.constant 87.9899673 : f32
    %sub3A_1777 = vector.broadcast %sub3A_1776 : f32 to vector<16xf32>
    %sub3A_1778 = arith.subf %mul3A_1775, %sub3A_1777 : vector<16xf32>
    %neg3A_1779 = arith.constant 0.000000e+00 : f32
    %neg3A_1780 = vector.broadcast %neg3A_1779 : f32 to vector<16xf32>
    %neg3A_1781 = arith.subf %neg3A_1780, %sub3A_1778 : vector<16xf32>
    %exp3A_1782 = math.exp %neg3A_1781 : vector<16xf32>
    %mul3A_1783 = arith.mulf %add3A_1765, %exp3A_1782 : vector<16xf32>
    %add3A_1784 = arith.addf %sub3A_1778, %mul3A_1783 : vector<16xf32>
    %sub3A_1785 = arith.constant 1.000000e+00 : f32
    %sub3A_1786 = vector.broadcast %sub3A_1785 : f32 to vector<16xf32>
    %sub3A_1787 = arith.subf %add3A_1784, %sub3A_1786 : vector<16xf32>
    %add3A_1788 = arith.addf %max3A_1736, %sub3A_1787 : vector<16xf32>
    %sub3A_1789 = arith.subf %add3A_1788, %gather3A_1770 : vector<16xf32>
    %jit3A_1790 = arith.constant 0.000000e+00 : f32
    %broadcast_in_dim3A_1791 = vector.broadcast %jit3A_1790 : f32 to vector<16xf32>
    %select_n3A_1792 = arith.select %gt3A_1687, %sub3A_1789, %broadcast_in_dim3A_1791 : vector<16xi1>, vector<16xf32>
    %add3A_1793 = arith.addf %add3A_1504, %select_n3A_1792 : vector<16xf32>
    %get3A_1794 = arith.constant 48 : index
    %get3A_1795 = tpu.vector_load %arg9[%get3A_1794] {strides = array<i32>} : memref<128xi32, #tpu.memory_space<vmem>>, vector<16xi32>,
    %add3A_1796 = arith.constant 48 : i32
    %add3A_1797 = vector.broadcast %add3A_1796 : i32 to vector<16xi32>
    %add3A_1798 = arith.addi %add3A_1797, %iota3A : vector<16xi32>
    %mul3A_1799 = arith.constant 21 : i32
    %mul3A_1800 = vector.broadcast %mul3A_1799 : i32 to vector<16xi32>
    %mul3A_1801 = arith.muli %add3A_1798, %mul3A_1800 : vector<16xi32>
    %add3A_1802 = arith.constant 0 : i32
    %add3A_1803 = vector.broadcast %add3A_1802 : i32 to vector<16xi32>
    %add3A_1804 = arith.addi %mul3A_1801, %add3A_1803 : vector<16xi32>
    %gather3A_1805 = tpu.vector_load_idx %arg8[%add3A_1804] : memref<2688xf32, #tpu.memory_space<vmem>>[vector<16xi32>], vector<16xf32>,
    %add3A_1806 = arith.constant 1 : i32
    %add3A_1807 = vector.broadcast %add3A_1806 : i32 to vector<16xi32>
    %add3A_1808 = arith.addi %mul3A_1801, %add3A_1807 : vector<16xi32>
    %gather3A_1809 = tpu.vector_load_idx %arg8[%add3A_1808] : memref<2688xf32, #tpu.memory_space<vmem>>[vector<16xi32>], vector<16xf32>,
    %add3A_1810 = arith.constant 2 : i32
    %add3A_1811 = vector.broadcast %add3A_1810 : i32 to vector<16xi32>
    %add3A_1812 = arith.addi %mul3A_1801, %add3A_1811 : vector<16xi32>
    %gather3A_1813 = tpu.vector_load_idx %arg8[%add3A_1812] : memref<2688xf32, #tpu.memory_space<vmem>>[vector<16xi32>], vector<16xf32>,
    %add3A_1814 = arith.constant 3 : i32
    %add3A_1815 = vector.broadcast %add3A_1814 : i32 to vector<16xi32>
    %add3A_1816 = arith.addi %mul3A_1801, %add3A_1815 : vector<16xi32>
    %gather3A_1817 = tpu.vector_load_idx %arg8[%add3A_1816] : memref<2688xf32, #tpu.memory_space<vmem>>[vector<16xi32>], vector<16xf32>,
    %add3A_1818 = arith.constant 4 : i32
    %add3A_1819 = vector.broadcast %add3A_1818 : i32 to vector<16xi32>
    %add3A_1820 = arith.addi %mul3A_1801, %add3A_1819 : vector<16xi32>
    %gather3A_1821 = tpu.vector_load_idx %arg8[%add3A_1820] : memref<2688xf32, #tpu.memory_space<vmem>>[vector<16xi32>], vector<16xf32>,
    %add3A_1822 = arith.constant 5 : i32
    %add3A_1823 = vector.broadcast %add3A_1822 : i32 to vector<16xi32>
    %add3A_1824 = arith.addi %mul3A_1801, %add3A_1823 : vector<16xi32>
    %gather3A_1825 = tpu.vector_load_idx %arg8[%add3A_1824] : memref<2688xf32, #tpu.memory_space<vmem>>[vector<16xi32>], vector<16xf32>,
    %add3A_1826 = arith.constant 6 : i32
    %add3A_1827 = vector.broadcast %add3A_1826 : i32 to vector<16xi32>
    %add3A_1828 = arith.addi %mul3A_1801, %add3A_1827 : vector<16xi32>
    %gather3A_1829 = tpu.vector_load_idx %arg8[%add3A_1828] : memref<2688xf32, #tpu.memory_space<vmem>>[vector<16xi32>], vector<16xf32>,
    %add3A_1830 = arith.constant 7 : i32
    %add3A_1831 = vector.broadcast %add3A_1830 : i32 to vector<16xi32>
    %add3A_1832 = arith.addi %mul3A_1801, %add3A_1831 : vector<16xi32>
    %gather3A_1833 = tpu.vector_load_idx %arg8[%add3A_1832] : memref<2688xf32, #tpu.memory_space<vmem>>[vector<16xi32>], vector<16xf32>,
    %add3A_1834 = arith.constant 8 : i32
    %add3A_1835 = vector.broadcast %add3A_1834 : i32 to vector<16xi32>
    %add3A_1836 = arith.addi %mul3A_1801, %add3A_1835 : vector<16xi32>
    %gather3A_1837 = tpu.vector_load_idx %arg8[%add3A_1836] : memref<2688xf32, #tpu.memory_space<vmem>>[vector<16xi32>], vector<16xf32>,
    %add3A_1838 = arith.constant 9 : i32
    %add3A_1839 = vector.broadcast %add3A_1838 : i32 to vector<16xi32>
    %add3A_1840 = arith.addi %mul3A_1801, %add3A_1839 : vector<16xi32>
    %gather3A_1841 = tpu.vector_load_idx %arg8[%add3A_1840] : memref<2688xf32, #tpu.memory_space<vmem>>[vector<16xi32>], vector<16xf32>,
    %max3A_1842 = arith.maximumf %gather3A_1805, %gather3A_1809 : vector<16xf32>
    %max3A_1843 = arith.maximumf %max3A_1842, %gather3A_1813 : vector<16xf32>
    %max3A_1844 = arith.maximumf %max3A_1843, %gather3A_1817 : vector<16xf32>
    %max3A_1845 = arith.maximumf %max3A_1844, %gather3A_1821 : vector<16xf32>
    %max3A_1846 = arith.maximumf %max3A_1845, %gather3A_1825 : vector<16xf32>
    %max3A_1847 = arith.maximumf %max3A_1846, %gather3A_1829 : vector<16xf32>
    %max3A_1848 = arith.maximumf %max3A_1847, %gather3A_1833 : vector<16xf32>
    %max3A_1849 = arith.maximumf %max3A_1848, %gather3A_1837 : vector<16xf32>
    %max3A_1850 = arith.maximumf %max3A_1849, %gather3A_1841 : vector<16xf32>
    %sub3A_1851 = arith.subf %gather3A_1805, %max3A_1850 : vector<16xf32>
    %exp3A_1852 = math.exp %sub3A_1851 : vector<16xf32>
    %gather3A_1853 = tpu.vector_load_idx %arg14[%get3A_1795] : memref<160xf32, #tpu.memory_space<vmem>>[vector<16xi32>], vector<16xf32>,
    %mul3A_1854 = arith.mulf %exp3A_1852, %gather3A_1853 : vector<16xf32>
    %broadcast_in_dim3A_1855 = arith.constant 0 : i32
    %broadcast_in_dim3A_1856 = vector.broadcast %broadcast_in_dim3A_1855 : i32 to vector<16xi32>
    %sub3A_1857 = arith.subf %gather3A_1809, %max3A_1850 : vector<16xf32>
    %exp3A_1858 = math.exp %sub3A_1857 : vector<16xf32>
    %add3A_1859 = arith.constant 16 : i32
    %add3A_1860 = vector.broadcast %add3A_1859 : i32 to vector<16xi32>
    %add3A_1861 = arith.addi %get3A_1795, %add3A_1860 : vector<16xi32>
    %gather3A_1862 = tpu.vector_load_idx %arg14[%add3A_1861] : memref<160xf32, #tpu.memory_space<vmem>>[vector<16xi32>], vector<16xf32>,
    %mul3A_1863 = arith.mulf %exp3A_1858, %gather3A_1862 : vector<16xf32>
    %gt3A_1864 = arith.cmpf ogt, %mul3A_1863, %mul3A_1854 : vector<16xf32>
    %select_n3A_1865 = arith.select %gt3A_1864, %mul3A_1863, %mul3A_1854 : vector<16xi1>, vector<16xf32>
    %jit3A_1866 = arith.constant 1 : i32
    %broadcast_in_dim3A_1867 = vector.broadcast %jit3A_1866 : i32 to vector<16xi32>
    %select_n3A_1868 = arith.select %gt3A_1864, %broadcast_in_dim3A_1867, %broadcast_in_dim3A_1856 : vector<16xi1>, vector<16xi32>
    %add3A_1869 = arith.addf %mul3A_1854, %mul3A_1863 : vector<16xf32>
    %sub3A_1870 = arith.subf %gather3A_1813, %max3A_1850 : vector<16xf32>
    %exp3A_1871 = math.exp %sub3A_1870 : vector<16xf32>
    %add3A_1872 = arith.constant 32 : i32
    %add3A_1873 = vector.broadcast %add3A_1872 : i32 to vector<16xi32>
    %add3A_1874 = arith.addi %get3A_1795, %add3A_1873 : vector<16xi32>
    %gather3A_1875 = tpu.vector_load_idx %arg14[%add3A_1874] : memref<160xf32, #tpu.memory_space<vmem>>[vector<16xi32>], vector<16xf32>,
    %mul3A_1876 = arith.mulf %exp3A_1871, %gather3A_1875 : vector<16xf32>
    %gt3A_1877 = arith.cmpf ogt, %mul3A_1876, %select_n3A_1865 : vector<16xf32>
    %select_n3A_1878 = arith.select %gt3A_1877, %mul3A_1876, %select_n3A_1865 : vector<16xi1>, vector<16xf32>
    %jit3A_1879 = arith.constant 2 : i32
    %broadcast_in_dim3A_1880 = vector.broadcast %jit3A_1879 : i32 to vector<16xi32>
    %select_n3A_1881 = arith.select %gt3A_1877, %broadcast_in_dim3A_1880, %select_n3A_1868 : vector<16xi1>, vector<16xi32>
    %add3A_1882 = arith.addf %add3A_1869, %mul3A_1876 : vector<16xf32>
    %sub3A_1883 = arith.subf %gather3A_1817, %max3A_1850 : vector<16xf32>
    %exp3A_1884 = math.exp %sub3A_1883 : vector<16xf32>
    %add3A_1885 = arith.constant 48 : i32
    %add3A_1886 = vector.broadcast %add3A_1885 : i32 to vector<16xi32>
    %add3A_1887 = arith.addi %get3A_1795, %add3A_1886 : vector<16xi32>
    %gather3A_1888 = tpu.vector_load_idx %arg14[%add3A_1887] : memref<160xf32, #tpu.memory_space<vmem>>[vector<16xi32>], vector<16xf32>,
    %mul3A_1889 = arith.mulf %exp3A_1884, %gather3A_1888 : vector<16xf32>
    %gt3A_1890 = arith.cmpf ogt, %mul3A_1889, %select_n3A_1878 : vector<16xf32>
    %select_n3A_1891 = arith.select %gt3A_1890, %mul3A_1889, %select_n3A_1878 : vector<16xi1>, vector<16xf32>
    %jit3A_1892 = arith.constant 3 : i32
    %broadcast_in_dim3A_1893 = vector.broadcast %jit3A_1892 : i32 to vector<16xi32>
    %select_n3A_1894 = arith.select %gt3A_1890, %broadcast_in_dim3A_1893, %select_n3A_1881 : vector<16xi1>, vector<16xi32>
    %add3A_1895 = arith.addf %add3A_1882, %mul3A_1889 : vector<16xf32>
    %sub3A_1896 = arith.subf %gather3A_1821, %max3A_1850 : vector<16xf32>
    %exp3A_1897 = math.exp %sub3A_1896 : vector<16xf32>
    %add3A_1898 = arith.constant 64 : i32
    %add3A_1899 = vector.broadcast %add3A_1898 : i32 to vector<16xi32>
    %add3A_1900 = arith.addi %get3A_1795, %add3A_1899 : vector<16xi32>
    %gather3A_1901 = tpu.vector_load_idx %arg14[%add3A_1900] : memref<160xf32, #tpu.memory_space<vmem>>[vector<16xi32>], vector<16xf32>,
    %mul3A_1902 = arith.mulf %exp3A_1897, %gather3A_1901 : vector<16xf32>
    %gt3A_1903 = arith.cmpf ogt, %mul3A_1902, %select_n3A_1891 : vector<16xf32>
    %select_n3A_1904 = arith.select %gt3A_1903, %mul3A_1902, %select_n3A_1891 : vector<16xi1>, vector<16xf32>
    %jit3A_1905 = arith.constant 4 : i32
    %broadcast_in_dim3A_1906 = vector.broadcast %jit3A_1905 : i32 to vector<16xi32>
    %select_n3A_1907 = arith.select %gt3A_1903, %broadcast_in_dim3A_1906, %select_n3A_1894 : vector<16xi1>, vector<16xi32>
    %add3A_1908 = arith.addf %add3A_1895, %mul3A_1902 : vector<16xf32>
    %sub3A_1909 = arith.subf %gather3A_1825, %max3A_1850 : vector<16xf32>
    %exp3A_1910 = math.exp %sub3A_1909 : vector<16xf32>
    %add3A_1911 = arith.constant 80 : i32
    %add3A_1912 = vector.broadcast %add3A_1911 : i32 to vector<16xi32>
    %add3A_1913 = arith.addi %get3A_1795, %add3A_1912 : vector<16xi32>
    %gather3A_1914 = tpu.vector_load_idx %arg14[%add3A_1913] : memref<160xf32, #tpu.memory_space<vmem>>[vector<16xi32>], vector<16xf32>,
    %mul3A_1915 = arith.mulf %exp3A_1910, %gather3A_1914 : vector<16xf32>
    %gt3A_1916 = arith.cmpf ogt, %mul3A_1915, %select_n3A_1904 : vector<16xf32>
    %select_n3A_1917 = arith.select %gt3A_1916, %mul3A_1915, %select_n3A_1904 : vector<16xi1>, vector<16xf32>
    %jit3A_1918 = arith.constant 5 : i32
    %broadcast_in_dim3A_1919 = vector.broadcast %jit3A_1918 : i32 to vector<16xi32>
    %select_n3A_1920 = arith.select %gt3A_1916, %broadcast_in_dim3A_1919, %select_n3A_1907 : vector<16xi1>, vector<16xi32>
    %add3A_1921 = arith.addf %add3A_1908, %mul3A_1915 : vector<16xf32>
    %sub3A_1922 = arith.subf %gather3A_1829, %max3A_1850 : vector<16xf32>
    %exp3A_1923 = math.exp %sub3A_1922 : vector<16xf32>
    %add3A_1924 = arith.constant 96 : i32
    %add3A_1925 = vector.broadcast %add3A_1924 : i32 to vector<16xi32>
    %add3A_1926 = arith.addi %get3A_1795, %add3A_1925 : vector<16xi32>
    %gather3A_1927 = tpu.vector_load_idx %arg14[%add3A_1926] : memref<160xf32, #tpu.memory_space<vmem>>[vector<16xi32>], vector<16xf32>,
    %mul3A_1928 = arith.mulf %exp3A_1923, %gather3A_1927 : vector<16xf32>
    %gt3A_1929 = arith.cmpf ogt, %mul3A_1928, %select_n3A_1917 : vector<16xf32>
    %select_n3A_1930 = arith.select %gt3A_1929, %mul3A_1928, %select_n3A_1917 : vector<16xi1>, vector<16xf32>
    %jit3A_1931 = arith.constant 6 : i32
    %broadcast_in_dim3A_1932 = vector.broadcast %jit3A_1931 : i32 to vector<16xi32>
    %select_n3A_1933 = arith.select %gt3A_1929, %broadcast_in_dim3A_1932, %select_n3A_1920 : vector<16xi1>, vector<16xi32>
    %add3A_1934 = arith.addf %add3A_1921, %mul3A_1928 : vector<16xf32>
    %sub3A_1935 = arith.subf %gather3A_1833, %max3A_1850 : vector<16xf32>
    %exp3A_1936 = math.exp %sub3A_1935 : vector<16xf32>
    %add3A_1937 = arith.constant 112 : i32
    %add3A_1938 = vector.broadcast %add3A_1937 : i32 to vector<16xi32>
    %add3A_1939 = arith.addi %get3A_1795, %add3A_1938 : vector<16xi32>
    %gather3A_1940 = tpu.vector_load_idx %arg14[%add3A_1939] : memref<160xf32, #tpu.memory_space<vmem>>[vector<16xi32>], vector<16xf32>,
    %mul3A_1941 = arith.mulf %exp3A_1936, %gather3A_1940 : vector<16xf32>
    %gt3A_1942 = arith.cmpf ogt, %mul3A_1941, %select_n3A_1930 : vector<16xf32>
    %select_n3A_1943 = arith.select %gt3A_1942, %mul3A_1941, %select_n3A_1930 : vector<16xi1>, vector<16xf32>
    %jit3A_1944 = arith.constant 7 : i32
    %broadcast_in_dim3A_1945 = vector.broadcast %jit3A_1944 : i32 to vector<16xi32>
    %select_n3A_1946 = arith.select %gt3A_1942, %broadcast_in_dim3A_1945, %select_n3A_1933 : vector<16xi1>, vector<16xi32>
    %add3A_1947 = arith.addf %add3A_1934, %mul3A_1941 : vector<16xf32>
    %sub3A_1948 = arith.subf %gather3A_1837, %max3A_1850 : vector<16xf32>
    %exp3A_1949 = math.exp %sub3A_1948 : vector<16xf32>
    %add3A_1950 = arith.constant 128 : i32
    %add3A_1951 = vector.broadcast %add3A_1950 : i32 to vector<16xi32>
    %add3A_1952 = arith.addi %get3A_1795, %add3A_1951 : vector<16xi32>
    %gather3A_1953 = tpu.vector_load_idx %arg14[%add3A_1952] : memref<160xf32, #tpu.memory_space<vmem>>[vector<16xi32>], vector<16xf32>,
    %mul3A_1954 = arith.mulf %exp3A_1949, %gather3A_1953 : vector<16xf32>
    %gt3A_1955 = arith.cmpf ogt, %mul3A_1954, %select_n3A_1943 : vector<16xf32>
    %select_n3A_1956 = arith.select %gt3A_1955, %mul3A_1954, %select_n3A_1943 : vector<16xi1>, vector<16xf32>
    %jit3A_1957 = arith.constant 8 : i32
    %broadcast_in_dim3A_1958 = vector.broadcast %jit3A_1957 : i32 to vector<16xi32>
    %select_n3A_1959 = arith.select %gt3A_1955, %broadcast_in_dim3A_1958, %select_n3A_1946 : vector<16xi1>, vector<16xi32>
    %add3A_1960 = arith.addf %add3A_1947, %mul3A_1954 : vector<16xf32>
    %sub3A_1961 = arith.subf %gather3A_1841, %max3A_1850 : vector<16xf32>
    %exp3A_1962 = math.exp %sub3A_1961 : vector<16xf32>
    %add3A_1963 = arith.constant 144 : i32
    %add3A_1964 = vector.broadcast %add3A_1963 : i32 to vector<16xi32>
    %add3A_1965 = arith.addi %get3A_1795, %add3A_1964 : vector<16xi32>
    %gather3A_1966 = tpu.vector_load_idx %arg14[%add3A_1965] : memref<160xf32, #tpu.memory_space<vmem>>[vector<16xi32>], vector<16xf32>,
    %mul3A_1967 = arith.mulf %exp3A_1962, %gather3A_1966 : vector<16xf32>
    %gt3A_1968 = arith.cmpf ogt, %mul3A_1967, %select_n3A_1956 : vector<16xf32>
    %select_n3A_1969 = arith.select %gt3A_1968, %mul3A_1967, %select_n3A_1956 : vector<16xi1>, vector<16xf32>
    %jit3A_1970 = arith.constant 9 : i32
    %broadcast_in_dim3A_1971 = vector.broadcast %jit3A_1970 : i32 to vector<16xi32>
    %select_n3A_1972 = arith.select %gt3A_1968, %broadcast_in_dim3A_1971, %select_n3A_1959 : vector<16xi1>, vector<16xi32>
    %add3A_1973 = arith.addf %add3A_1960, %mul3A_1967 : vector<16xf32>
    %div3A_1974 = arith.divf %select_n3A_1969, %add3A_1973 : vector<16xf32>
    %gather3A_1975 = tpu.vector_load_idx %arg15[%select_n3A_1972] : memref<16xf32, #tpu.memory_space<vmem>>[vector<16xi32>], vector<16xf32>,
    %gt3A_1976 = arith.cmpf ogt, %div3A_1974, %gather3A_1975 : vector<16xf32>
    %add3A_1977 = arith.constant 10 : i32
    %add3A_1978 = vector.broadcast %add3A_1977 : i32 to vector<16xi32>
    %add3A_1979 = arith.addi %mul3A_1801, %add3A_1978 : vector<16xi32>
    %gather3A_1980 = tpu.vector_load_idx %arg8[%add3A_1979] : memref<2688xf32, #tpu.memory_space<vmem>>[vector<16xi32>], vector<16xf32>,
    %add3A_1981 = arith.constant 11 : i32
    %add3A_1982 = vector.broadcast %add3A_1981 : i32 to vector<16xi32>
    %add3A_1983 = arith.addi %mul3A_1801, %add3A_1982 : vector<16xi32>
    %gather3A_1984 = tpu.vector_load_idx %arg8[%add3A_1983] : memref<2688xf32, #tpu.memory_space<vmem>>[vector<16xi32>], vector<16xf32>,
    %add3A_1985 = arith.constant 12 : i32
    %add3A_1986 = vector.broadcast %add3A_1985 : i32 to vector<16xi32>
    %add3A_1987 = arith.addi %mul3A_1801, %add3A_1986 : vector<16xi32>
    %gather3A_1988 = tpu.vector_load_idx %arg8[%add3A_1987] : memref<2688xf32, #tpu.memory_space<vmem>>[vector<16xi32>], vector<16xf32>,
    %add3A_1989 = arith.constant 13 : i32
    %add3A_1990 = vector.broadcast %add3A_1989 : i32 to vector<16xi32>
    %add3A_1991 = arith.addi %mul3A_1801, %add3A_1990 : vector<16xi32>
    %gather3A_1992 = tpu.vector_load_idx %arg8[%add3A_1991] : memref<2688xf32, #tpu.memory_space<vmem>>[vector<16xi32>], vector<16xf32>,
    %add3A_1993 = arith.constant 14 : i32
    %add3A_1994 = vector.broadcast %add3A_1993 : i32 to vector<16xi32>
    %add3A_1995 = arith.addi %mul3A_1801, %add3A_1994 : vector<16xi32>
    %gather3A_1996 = tpu.vector_load_idx %arg8[%add3A_1995] : memref<2688xf32, #tpu.memory_space<vmem>>[vector<16xi32>], vector<16xf32>,
    %add3A_1997 = arith.constant 15 : i32
    %add3A_1998 = vector.broadcast %add3A_1997 : i32 to vector<16xi32>
    %add3A_1999 = arith.addi %mul3A_1801, %add3A_1998 : vector<16xi32>
    %gather3A_2000 = tpu.vector_load_idx %arg8[%add3A_1999] : memref<2688xf32, #tpu.memory_space<vmem>>[vector<16xi32>], vector<16xf32>,
    %add3A_2001 = arith.constant 16 : i32
    %add3A_2002 = vector.broadcast %add3A_2001 : i32 to vector<16xi32>
    %add3A_2003 = arith.addi %mul3A_1801, %add3A_2002 : vector<16xi32>
    %gather3A_2004 = tpu.vector_load_idx %arg8[%add3A_2003] : memref<2688xf32, #tpu.memory_space<vmem>>[vector<16xi32>], vector<16xf32>,
    %add3A_2005 = arith.constant 17 : i32
    %add3A_2006 = vector.broadcast %add3A_2005 : i32 to vector<16xi32>
    %add3A_2007 = arith.addi %mul3A_1801, %add3A_2006 : vector<16xi32>
    %gather3A_2008 = tpu.vector_load_idx %arg8[%add3A_2007] : memref<2688xf32, #tpu.memory_space<vmem>>[vector<16xi32>], vector<16xf32>,
    %add3A_2009 = arith.constant 18 : i32
    %add3A_2010 = vector.broadcast %add3A_2009 : i32 to vector<16xi32>
    %add3A_2011 = arith.addi %mul3A_1801, %add3A_2010 : vector<16xi32>
    %gather3A_2012 = tpu.vector_load_idx %arg8[%add3A_2011] : memref<2688xf32, #tpu.memory_space<vmem>>[vector<16xi32>], vector<16xf32>,
    %add3A_2013 = arith.constant 19 : i32
    %add3A_2014 = vector.broadcast %add3A_2013 : i32 to vector<16xi32>
    %add3A_2015 = arith.addi %mul3A_1801, %add3A_2014 : vector<16xi32>
    %gather3A_2016 = tpu.vector_load_idx %arg8[%add3A_2015] : memref<2688xf32, #tpu.memory_space<vmem>>[vector<16xi32>], vector<16xf32>,
    %max3A_2017 = arith.maximumf %gather3A_1980, %gather3A_1984 : vector<16xf32>
    %max3A_2018 = arith.maximumf %max3A_2017, %gather3A_1988 : vector<16xf32>
    %max3A_2019 = arith.maximumf %max3A_2018, %gather3A_1992 : vector<16xf32>
    %max3A_2020 = arith.maximumf %max3A_2019, %gather3A_1996 : vector<16xf32>
    %max3A_2021 = arith.maximumf %max3A_2020, %gather3A_2000 : vector<16xf32>
    %max3A_2022 = arith.maximumf %max3A_2021, %gather3A_2004 : vector<16xf32>
    %max3A_2023 = arith.maximumf %max3A_2022, %gather3A_2008 : vector<16xf32>
    %max3A_2024 = arith.maximumf %max3A_2023, %gather3A_2012 : vector<16xf32>
    %max3A_2025 = arith.maximumf %max3A_2024, %gather3A_2016 : vector<16xf32>
    %sub3A_2026 = arith.subf %gather3A_1980, %max3A_2025 : vector<16xf32>
    %exp3A_2027 = math.exp %sub3A_2026 : vector<16xf32>
    %sub3A_2028 = arith.subf %gather3A_1984, %max3A_2025 : vector<16xf32>
    %exp3A_2029 = math.exp %sub3A_2028 : vector<16xf32>
    %add3A_2030 = arith.addf %exp3A_2027, %exp3A_2029 : vector<16xf32>
    %sub3A_2031 = arith.subf %gather3A_1988, %max3A_2025 : vector<16xf32>
    %exp3A_2032 = math.exp %sub3A_2031 : vector<16xf32>
    %add3A_2033 = arith.addf %add3A_2030, %exp3A_2032 : vector<16xf32>
    %sub3A_2034 = arith.subf %gather3A_1992, %max3A_2025 : vector<16xf32>
    %exp3A_2035 = math.exp %sub3A_2034 : vector<16xf32>
    %add3A_2036 = arith.addf %add3A_2033, %exp3A_2035 : vector<16xf32>
    %sub3A_2037 = arith.subf %gather3A_1996, %max3A_2025 : vector<16xf32>
    %exp3A_2038 = math.exp %sub3A_2037 : vector<16xf32>
    %add3A_2039 = arith.addf %add3A_2036, %exp3A_2038 : vector<16xf32>
    %sub3A_2040 = arith.subf %gather3A_2000, %max3A_2025 : vector<16xf32>
    %exp3A_2041 = math.exp %sub3A_2040 : vector<16xf32>
    %add3A_2042 = arith.addf %add3A_2039, %exp3A_2041 : vector<16xf32>
    %sub3A_2043 = arith.subf %gather3A_2004, %max3A_2025 : vector<16xf32>
    %exp3A_2044 = math.exp %sub3A_2043 : vector<16xf32>
    %add3A_2045 = arith.addf %add3A_2042, %exp3A_2044 : vector<16xf32>
    %sub3A_2046 = arith.subf %gather3A_2008, %max3A_2025 : vector<16xf32>
    %exp3A_2047 = math.exp %sub3A_2046 : vector<16xf32>
    %add3A_2048 = arith.addf %add3A_2045, %exp3A_2047 : vector<16xf32>
    %sub3A_2049 = arith.subf %gather3A_2012, %max3A_2025 : vector<16xf32>
    %exp3A_2050 = math.exp %sub3A_2049 : vector<16xf32>
    %add3A_2051 = arith.addf %add3A_2048, %exp3A_2050 : vector<16xf32>
    %sub3A_2052 = arith.subf %gather3A_2016, %max3A_2025 : vector<16xf32>
    %exp3A_2053 = math.exp %sub3A_2052 : vector<16xf32>
    %add3A_2054 = arith.addf %add3A_2051, %exp3A_2053 : vector<16xf32>
    %add3A_2055 = arith.constant 10 : i32
    %add3A_2056 = vector.broadcast %add3A_2055 : i32 to vector<16xi32>
    %add3A_2057 = arith.addi %mul3A_1801, %add3A_2056 : vector<16xi32>
    %add3A_2058 = arith.addi %add3A_2057, %select_n3A_1972 : vector<16xi32>
    %gather3A_2059 = tpu.vector_load_idx %arg8[%add3A_2058] : memref<2688xf32, #tpu.memory_space<vmem>>[vector<16xi32>], vector<16xf32>,
    %bitcast3A_2060 = vector.bitcast %add3A_2054 : vector<16xf32> to vector<16xi32>
    %convert_element_type3A_2061 = arith.sitofp %bitcast3A_2060 : vector<16xi32> to vector<16xf32>
    %mul3A_2062 = arith.constant 8.26295832E-8 : f32
    %mul3A_2063 = vector.broadcast %mul3A_2062 : f32 to vector<16xf32>
    %mul3A_2064 = arith.mulf %convert_element_type3A_2061, %mul3A_2063 : vector<16xf32>
    %sub3A_2065 = arith.constant 87.9899673 : f32
    %sub3A_2066 = vector.broadcast %sub3A_2065 : f32 to vector<16xf32>
    %sub3A_2067 = arith.subf %mul3A_2064, %sub3A_2066 : vector<16xf32>
    %neg3A_2068 = arith.constant 0.000000e+00 : f32
    %neg3A_2069 = vector.broadcast %neg3A_2068 : f32 to vector<16xf32>
    %neg3A_2070 = arith.subf %neg3A_2069, %sub3A_2067 : vector<16xf32>
    %exp3A_2071 = math.exp %neg3A_2070 : vector<16xf32>
    %mul3A_2072 = arith.mulf %add3A_2054, %exp3A_2071 : vector<16xf32>
    %add3A_2073 = arith.addf %sub3A_2067, %mul3A_2072 : vector<16xf32>
    %sub3A_2074 = arith.constant 1.000000e+00 : f32
    %sub3A_2075 = vector.broadcast %sub3A_2074 : f32 to vector<16xf32>
    %sub3A_2076 = arith.subf %add3A_2073, %sub3A_2075 : vector<16xf32>
    %add3A_2077 = arith.addf %max3A_2025, %sub3A_2076 : vector<16xf32>
    %sub3A_2078 = arith.subf %add3A_2077, %gather3A_2059 : vector<16xf32>
    %jit3A_2079 = arith.constant 0.000000e+00 : f32
    %broadcast_in_dim3A_2080 = vector.broadcast %jit3A_2079 : f32 to vector<16xf32>
    %select_n3A_2081 = arith.select %gt3A_1976, %sub3A_2078, %broadcast_in_dim3A_2080 : vector<16xi1>, vector<16xf32>
    %add3A_2082 = arith.addf %add3A_1793, %select_n3A_2081 : vector<16xf32>
    %get3A_2083 = arith.constant 64 : index
    %get3A_2084 = tpu.vector_load %arg9[%get3A_2083] {strides = array<i32>} : memref<128xi32, #tpu.memory_space<vmem>>, vector<16xi32>,
    %add3A_2085 = arith.constant 64 : i32
    %add3A_2086 = vector.broadcast %add3A_2085 : i32 to vector<16xi32>
    %add3A_2087 = arith.addi %add3A_2086, %iota3A : vector<16xi32>
    %mul3A_2088 = arith.constant 21 : i32
    %mul3A_2089 = vector.broadcast %mul3A_2088 : i32 to vector<16xi32>
    %mul3A_2090 = arith.muli %add3A_2087, %mul3A_2089 : vector<16xi32>
    %add3A_2091 = arith.constant 0 : i32
    %add3A_2092 = vector.broadcast %add3A_2091 : i32 to vector<16xi32>
    %add3A_2093 = arith.addi %mul3A_2090, %add3A_2092 : vector<16xi32>
    %gather3A_2094 = tpu.vector_load_idx %arg8[%add3A_2093] : memref<2688xf32, #tpu.memory_space<vmem>>[vector<16xi32>], vector<16xf32>,
    %add3A_2095 = arith.constant 1 : i32
    %add3A_2096 = vector.broadcast %add3A_2095 : i32 to vector<16xi32>
    %add3A_2097 = arith.addi %mul3A_2090, %add3A_2096 : vector<16xi32>
    %gather3A_2098 = tpu.vector_load_idx %arg8[%add3A_2097] : memref<2688xf32, #tpu.memory_space<vmem>>[vector<16xi32>], vector<16xf32>,
    %add3A_2099 = arith.constant 2 : i32
    %add3A_2100 = vector.broadcast %add3A_2099 : i32 to vector<16xi32>
    %add3A_2101 = arith.addi %mul3A_2090, %add3A_2100 : vector<16xi32>
    %gather3A_2102 = tpu.vector_load_idx %arg8[%add3A_2101] : memref<2688xf32, #tpu.memory_space<vmem>>[vector<16xi32>], vector<16xf32>,
    %add3A_2103 = arith.constant 3 : i32
    %add3A_2104 = vector.broadcast %add3A_2103 : i32 to vector<16xi32>
    %add3A_2105 = arith.addi %mul3A_2090, %add3A_2104 : vector<16xi32>
    %gather3A_2106 = tpu.vector_load_idx %arg8[%add3A_2105] : memref<2688xf32, #tpu.memory_space<vmem>>[vector<16xi32>], vector<16xf32>,
    %add3A_2107 = arith.constant 4 : i32
    %add3A_2108 = vector.broadcast %add3A_2107 : i32 to vector<16xi32>
    %add3A_2109 = arith.addi %mul3A_2090, %add3A_2108 : vector<16xi32>
    %gather3A_2110 = tpu.vector_load_idx %arg8[%add3A_2109] : memref<2688xf32, #tpu.memory_space<vmem>>[vector<16xi32>], vector<16xf32>,
    %add3A_2111 = arith.constant 5 : i32
    %add3A_2112 = vector.broadcast %add3A_2111 : i32 to vector<16xi32>
    %add3A_2113 = arith.addi %mul3A_2090, %add3A_2112 : vector<16xi32>
    %gather3A_2114 = tpu.vector_load_idx %arg8[%add3A_2113] : memref<2688xf32, #tpu.memory_space<vmem>>[vector<16xi32>], vector<16xf32>,
    %add3A_2115 = arith.constant 6 : i32
    %add3A_2116 = vector.broadcast %add3A_2115 : i32 to vector<16xi32>
    %add3A_2117 = arith.addi %mul3A_2090, %add3A_2116 : vector<16xi32>
    %gather3A_2118 = tpu.vector_load_idx %arg8[%add3A_2117] : memref<2688xf32, #tpu.memory_space<vmem>>[vector<16xi32>], vector<16xf32>,
    %add3A_2119 = arith.constant 7 : i32
    %add3A_2120 = vector.broadcast %add3A_2119 : i32 to vector<16xi32>
    %add3A_2121 = arith.addi %mul3A_2090, %add3A_2120 : vector<16xi32>
    %gather3A_2122 = tpu.vector_load_idx %arg8[%add3A_2121] : memref<2688xf32, #tpu.memory_space<vmem>>[vector<16xi32>], vector<16xf32>,
    %add3A_2123 = arith.constant 8 : i32
    %add3A_2124 = vector.broadcast %add3A_2123 : i32 to vector<16xi32>
    %add3A_2125 = arith.addi %mul3A_2090, %add3A_2124 : vector<16xi32>
    %gather3A_2126 = tpu.vector_load_idx %arg8[%add3A_2125] : memref<2688xf32, #tpu.memory_space<vmem>>[vector<16xi32>], vector<16xf32>,
    %add3A_2127 = arith.constant 9 : i32
    %add3A_2128 = vector.broadcast %add3A_2127 : i32 to vector<16xi32>
    %add3A_2129 = arith.addi %mul3A_2090, %add3A_2128 : vector<16xi32>
    %gather3A_2130 = tpu.vector_load_idx %arg8[%add3A_2129] : memref<2688xf32, #tpu.memory_space<vmem>>[vector<16xi32>], vector<16xf32>,
    %max3A_2131 = arith.maximumf %gather3A_2094, %gather3A_2098 : vector<16xf32>
    %max3A_2132 = arith.maximumf %max3A_2131, %gather3A_2102 : vector<16xf32>
    %max3A_2133 = arith.maximumf %max3A_2132, %gather3A_2106 : vector<16xf32>
    %max3A_2134 = arith.maximumf %max3A_2133, %gather3A_2110 : vector<16xf32>
    %max3A_2135 = arith.maximumf %max3A_2134, %gather3A_2114 : vector<16xf32>
    %max3A_2136 = arith.maximumf %max3A_2135, %gather3A_2118 : vector<16xf32>
    %max3A_2137 = arith.maximumf %max3A_2136, %gather3A_2122 : vector<16xf32>
    %max3A_2138 = arith.maximumf %max3A_2137, %gather3A_2126 : vector<16xf32>
    %max3A_2139 = arith.maximumf %max3A_2138, %gather3A_2130 : vector<16xf32>
    %sub3A_2140 = arith.subf %gather3A_2094, %max3A_2139 : vector<16xf32>
    %exp3A_2141 = math.exp %sub3A_2140 : vector<16xf32>
    %gather3A_2142 = tpu.vector_load_idx %arg14[%get3A_2084] : memref<160xf32, #tpu.memory_space<vmem>>[vector<16xi32>], vector<16xf32>,
    %mul3A_2143 = arith.mulf %exp3A_2141, %gather3A_2142 : vector<16xf32>
    %broadcast_in_dim3A_2144 = arith.constant 0 : i32
    %broadcast_in_dim3A_2145 = vector.broadcast %broadcast_in_dim3A_2144 : i32 to vector<16xi32>
    %sub3A_2146 = arith.subf %gather3A_2098, %max3A_2139 : vector<16xf32>
    %exp3A_2147 = math.exp %sub3A_2146 : vector<16xf32>
    %add3A_2148 = arith.constant 16 : i32
    %add3A_2149 = vector.broadcast %add3A_2148 : i32 to vector<16xi32>
    %add3A_2150 = arith.addi %get3A_2084, %add3A_2149 : vector<16xi32>
    %gather3A_2151 = tpu.vector_load_idx %arg14[%add3A_2150] : memref<160xf32, #tpu.memory_space<vmem>>[vector<16xi32>], vector<16xf32>,
    %mul3A_2152 = arith.mulf %exp3A_2147, %gather3A_2151 : vector<16xf32>
    %gt3A_2153 = arith.cmpf ogt, %mul3A_2152, %mul3A_2143 : vector<16xf32>
    %select_n3A_2154 = arith.select %gt3A_2153, %mul3A_2152, %mul3A_2143 : vector<16xi1>, vector<16xf32>
    %jit3A_2155 = arith.constant 1 : i32
    %broadcast_in_dim3A_2156 = vector.broadcast %jit3A_2155 : i32 to vector<16xi32>
    %select_n3A_2157 = arith.select %gt3A_2153, %broadcast_in_dim3A_2156, %broadcast_in_dim3A_2145 : vector<16xi1>, vector<16xi32>
    %add3A_2158 = arith.addf %mul3A_2143, %mul3A_2152 : vector<16xf32>
    %sub3A_2159 = arith.subf %gather3A_2102, %max3A_2139 : vector<16xf32>
    %exp3A_2160 = math.exp %sub3A_2159 : vector<16xf32>
    %add3A_2161 = arith.constant 32 : i32
    %add3A_2162 = vector.broadcast %add3A_2161 : i32 to vector<16xi32>
    %add3A_2163 = arith.addi %get3A_2084, %add3A_2162 : vector<16xi32>
    %gather3A_2164 = tpu.vector_load_idx %arg14[%add3A_2163] : memref<160xf32, #tpu.memory_space<vmem>>[vector<16xi32>], vector<16xf32>,
    %mul3A_2165 = arith.mulf %exp3A_2160, %gather3A_2164 : vector<16xf32>
    %gt3A_2166 = arith.cmpf ogt, %mul3A_2165, %select_n3A_2154 : vector<16xf32>
    %select_n3A_2167 = arith.select %gt3A_2166, %mul3A_2165, %select_n3A_2154 : vector<16xi1>, vector<16xf32>
    %jit3A_2168 = arith.constant 2 : i32
    %broadcast_in_dim3A_2169 = vector.broadcast %jit3A_2168 : i32 to vector<16xi32>
    %select_n3A_2170 = arith.select %gt3A_2166, %broadcast_in_dim3A_2169, %select_n3A_2157 : vector<16xi1>, vector<16xi32>
    %add3A_2171 = arith.addf %add3A_2158, %mul3A_2165 : vector<16xf32>
    %sub3A_2172 = arith.subf %gather3A_2106, %max3A_2139 : vector<16xf32>
    %exp3A_2173 = math.exp %sub3A_2172 : vector<16xf32>
    %add3A_2174 = arith.constant 48 : i32
    %add3A_2175 = vector.broadcast %add3A_2174 : i32 to vector<16xi32>
    %add3A_2176 = arith.addi %get3A_2084, %add3A_2175 : vector<16xi32>
    %gather3A_2177 = tpu.vector_load_idx %arg14[%add3A_2176] : memref<160xf32, #tpu.memory_space<vmem>>[vector<16xi32>], vector<16xf32>,
    %mul3A_2178 = arith.mulf %exp3A_2173, %gather3A_2177 : vector<16xf32>
    %gt3A_2179 = arith.cmpf ogt, %mul3A_2178, %select_n3A_2167 : vector<16xf32>
    %select_n3A_2180 = arith.select %gt3A_2179, %mul3A_2178, %select_n3A_2167 : vector<16xi1>, vector<16xf32>
    %jit3A_2181 = arith.constant 3 : i32
    %broadcast_in_dim3A_2182 = vector.broadcast %jit3A_2181 : i32 to vector<16xi32>
    %select_n3A_2183 = arith.select %gt3A_2179, %broadcast_in_dim3A_2182, %select_n3A_2170 : vector<16xi1>, vector<16xi32>
    %add3A_2184 = arith.addf %add3A_2171, %mul3A_2178 : vector<16xf32>
    %sub3A_2185 = arith.subf %gather3A_2110, %max3A_2139 : vector<16xf32>
    %exp3A_2186 = math.exp %sub3A_2185 : vector<16xf32>
    %add3A_2187 = arith.constant 64 : i32
    %add3A_2188 = vector.broadcast %add3A_2187 : i32 to vector<16xi32>
    %add3A_2189 = arith.addi %get3A_2084, %add3A_2188 : vector<16xi32>
    %gather3A_2190 = tpu.vector_load_idx %arg14[%add3A_2189] : memref<160xf32, #tpu.memory_space<vmem>>[vector<16xi32>], vector<16xf32>,
    %mul3A_2191 = arith.mulf %exp3A_2186, %gather3A_2190 : vector<16xf32>
    %gt3A_2192 = arith.cmpf ogt, %mul3A_2191, %select_n3A_2180 : vector<16xf32>
    %select_n3A_2193 = arith.select %gt3A_2192, %mul3A_2191, %select_n3A_2180 : vector<16xi1>, vector<16xf32>
    %jit3A_2194 = arith.constant 4 : i32
    %broadcast_in_dim3A_2195 = vector.broadcast %jit3A_2194 : i32 to vector<16xi32>
    %select_n3A_2196 = arith.select %gt3A_2192, %broadcast_in_dim3A_2195, %select_n3A_2183 : vector<16xi1>, vector<16xi32>
    %add3A_2197 = arith.addf %add3A_2184, %mul3A_2191 : vector<16xf32>
    %sub3A_2198 = arith.subf %gather3A_2114, %max3A_2139 : vector<16xf32>
    %exp3A_2199 = math.exp %sub3A_2198 : vector<16xf32>
    %add3A_2200 = arith.constant 80 : i32
    %add3A_2201 = vector.broadcast %add3A_2200 : i32 to vector<16xi32>
    %add3A_2202 = arith.addi %get3A_2084, %add3A_2201 : vector<16xi32>
    %gather3A_2203 = tpu.vector_load_idx %arg14[%add3A_2202] : memref<160xf32, #tpu.memory_space<vmem>>[vector<16xi32>], vector<16xf32>,
    %mul3A_2204 = arith.mulf %exp3A_2199, %gather3A_2203 : vector<16xf32>
    %gt3A_2205 = arith.cmpf ogt, %mul3A_2204, %select_n3A_2193 : vector<16xf32>
    %select_n3A_2206 = arith.select %gt3A_2205, %mul3A_2204, %select_n3A_2193 : vector<16xi1>, vector<16xf32>
    %jit3A_2207 = arith.constant 5 : i32
    %broadcast_in_dim3A_2208 = vector.broadcast %jit3A_2207 : i32 to vector<16xi32>
    %select_n3A_2209 = arith.select %gt3A_2205, %broadcast_in_dim3A_2208, %select_n3A_2196 : vector<16xi1>, vector<16xi32>
    %add3A_2210 = arith.addf %add3A_2197, %mul3A_2204 : vector<16xf32>
    %sub3A_2211 = arith.subf %gather3A_2118, %max3A_2139 : vector<16xf32>
    %exp3A_2212 = math.exp %sub3A_2211 : vector<16xf32>
    %add3A_2213 = arith.constant 96 : i32
    %add3A_2214 = vector.broadcast %add3A_2213 : i32 to vector<16xi32>
    %add3A_2215 = arith.addi %get3A_2084, %add3A_2214 : vector<16xi32>
    %gather3A_2216 = tpu.vector_load_idx %arg14[%add3A_2215] : memref<160xf32, #tpu.memory_space<vmem>>[vector<16xi32>], vector<16xf32>,
    %mul3A_2217 = arith.mulf %exp3A_2212, %gather3A_2216 : vector<16xf32>
    %gt3A_2218 = arith.cmpf ogt, %mul3A_2217, %select_n3A_2206 : vector<16xf32>
    %select_n3A_2219 = arith.select %gt3A_2218, %mul3A_2217, %select_n3A_2206 : vector<16xi1>, vector<16xf32>
    %jit3A_2220 = arith.constant 6 : i32
    %broadcast_in_dim3A_2221 = vector.broadcast %jit3A_2220 : i32 to vector<16xi32>
    %select_n3A_2222 = arith.select %gt3A_2218, %broadcast_in_dim3A_2221, %select_n3A_2209 : vector<16xi1>, vector<16xi32>
    %add3A_2223 = arith.addf %add3A_2210, %mul3A_2217 : vector<16xf32>
    %sub3A_2224 = arith.subf %gather3A_2122, %max3A_2139 : vector<16xf32>
    %exp3A_2225 = math.exp %sub3A_2224 : vector<16xf32>
    %add3A_2226 = arith.constant 112 : i32
    %add3A_2227 = vector.broadcast %add3A_2226 : i32 to vector<16xi32>
    %add3A_2228 = arith.addi %get3A_2084, %add3A_2227 : vector<16xi32>
    %gather3A_2229 = tpu.vector_load_idx %arg14[%add3A_2228] : memref<160xf32, #tpu.memory_space<vmem>>[vector<16xi32>], vector<16xf32>,
    %mul3A_2230 = arith.mulf %exp3A_2225, %gather3A_2229 : vector<16xf32>
    %gt3A_2231 = arith.cmpf ogt, %mul3A_2230, %select_n3A_2219 : vector<16xf32>
    %select_n3A_2232 = arith.select %gt3A_2231, %mul3A_2230, %select_n3A_2219 : vector<16xi1>, vector<16xf32>
    %jit3A_2233 = arith.constant 7 : i32
    %broadcast_in_dim3A_2234 = vector.broadcast %jit3A_2233 : i32 to vector<16xi32>
    %select_n3A_2235 = arith.select %gt3A_2231, %broadcast_in_dim3A_2234, %select_n3A_2222 : vector<16xi1>, vector<16xi32>
    %add3A_2236 = arith.addf %add3A_2223, %mul3A_2230 : vector<16xf32>
    %sub3A_2237 = arith.subf %gather3A_2126, %max3A_2139 : vector<16xf32>
    %exp3A_2238 = math.exp %sub3A_2237 : vector<16xf32>
    %add3A_2239 = arith.constant 128 : i32
    %add3A_2240 = vector.broadcast %add3A_2239 : i32 to vector<16xi32>
    %add3A_2241 = arith.addi %get3A_2084, %add3A_2240 : vector<16xi32>
    %gather3A_2242 = tpu.vector_load_idx %arg14[%add3A_2241] : memref<160xf32, #tpu.memory_space<vmem>>[vector<16xi32>], vector<16xf32>,
    %mul3A_2243 = arith.mulf %exp3A_2238, %gather3A_2242 : vector<16xf32>
    %gt3A_2244 = arith.cmpf ogt, %mul3A_2243, %select_n3A_2232 : vector<16xf32>
    %select_n3A_2245 = arith.select %gt3A_2244, %mul3A_2243, %select_n3A_2232 : vector<16xi1>, vector<16xf32>
    %jit3A_2246 = arith.constant 8 : i32
    %broadcast_in_dim3A_2247 = vector.broadcast %jit3A_2246 : i32 to vector<16xi32>
    %select_n3A_2248 = arith.select %gt3A_2244, %broadcast_in_dim3A_2247, %select_n3A_2235 : vector<16xi1>, vector<16xi32>
    %add3A_2249 = arith.addf %add3A_2236, %mul3A_2243 : vector<16xf32>
    %sub3A_2250 = arith.subf %gather3A_2130, %max3A_2139 : vector<16xf32>
    %exp3A_2251 = math.exp %sub3A_2250 : vector<16xf32>
    %add3A_2252 = arith.constant 144 : i32
    %add3A_2253 = vector.broadcast %add3A_2252 : i32 to vector<16xi32>
    %add3A_2254 = arith.addi %get3A_2084, %add3A_2253 : vector<16xi32>
    %gather3A_2255 = tpu.vector_load_idx %arg14[%add3A_2254] : memref<160xf32, #tpu.memory_space<vmem>>[vector<16xi32>], vector<16xf32>,
    %mul3A_2256 = arith.mulf %exp3A_2251, %gather3A_2255 : vector<16xf32>
    %gt3A_2257 = arith.cmpf ogt, %mul3A_2256, %select_n3A_2245 : vector<16xf32>
    %select_n3A_2258 = arith.select %gt3A_2257, %mul3A_2256, %select_n3A_2245 : vector<16xi1>, vector<16xf32>
    %jit3A_2259 = arith.constant 9 : i32
    %broadcast_in_dim3A_2260 = vector.broadcast %jit3A_2259 : i32 to vector<16xi32>
    %select_n3A_2261 = arith.select %gt3A_2257, %broadcast_in_dim3A_2260, %select_n3A_2248 : vector<16xi1>, vector<16xi32>
    %add3A_2262 = arith.addf %add3A_2249, %mul3A_2256 : vector<16xf32>
    %div3A_2263 = arith.divf %select_n3A_2258, %add3A_2262 : vector<16xf32>
    %gather3A_2264 = tpu.vector_load_idx %arg15[%select_n3A_2261] : memref<16xf32, #tpu.memory_space<vmem>>[vector<16xi32>], vector<16xf32>,
    %gt3A_2265 = arith.cmpf ogt, %div3A_2263, %gather3A_2264 : vector<16xf32>
    %add3A_2266 = arith.constant 10 : i32
    %add3A_2267 = vector.broadcast %add3A_2266 : i32 to vector<16xi32>
    %add3A_2268 = arith.addi %mul3A_2090, %add3A_2267 : vector<16xi32>
    %gather3A_2269 = tpu.vector_load_idx %arg8[%add3A_2268] : memref<2688xf32, #tpu.memory_space<vmem>>[vector<16xi32>], vector<16xf32>,
    %add3A_2270 = arith.constant 11 : i32
    %add3A_2271 = vector.broadcast %add3A_2270 : i32 to vector<16xi32>
    %add3A_2272 = arith.addi %mul3A_2090, %add3A_2271 : vector<16xi32>
    %gather3A_2273 = tpu.vector_load_idx %arg8[%add3A_2272] : memref<2688xf32, #tpu.memory_space<vmem>>[vector<16xi32>], vector<16xf32>,
    %add3A_2274 = arith.constant 12 : i32
    %add3A_2275 = vector.broadcast %add3A_2274 : i32 to vector<16xi32>
    %add3A_2276 = arith.addi %mul3A_2090, %add3A_2275 : vector<16xi32>
    %gather3A_2277 = tpu.vector_load_idx %arg8[%add3A_2276] : memref<2688xf32, #tpu.memory_space<vmem>>[vector<16xi32>], vector<16xf32>,
    %add3A_2278 = arith.constant 13 : i32
    %add3A_2279 = vector.broadcast %add3A_2278 : i32 to vector<16xi32>
    %add3A_2280 = arith.addi %mul3A_2090, %add3A_2279 : vector<16xi32>
    %gather3A_2281 = tpu.vector_load_idx %arg8[%add3A_2280] : memref<2688xf32, #tpu.memory_space<vmem>>[vector<16xi32>], vector<16xf32>,
    %add3A_2282 = arith.constant 14 : i32
    %add3A_2283 = vector.broadcast %add3A_2282 : i32 to vector<16xi32>
    %add3A_2284 = arith.addi %mul3A_2090, %add3A_2283 : vector<16xi32>
    %gather3A_2285 = tpu.vector_load_idx %arg8[%add3A_2284] : memref<2688xf32, #tpu.memory_space<vmem>>[vector<16xi32>], vector<16xf32>,
    %add3A_2286 = arith.constant 15 : i32
    %add3A_2287 = vector.broadcast %add3A_2286 : i32 to vector<16xi32>
    %add3A_2288 = arith.addi %mul3A_2090, %add3A_2287 : vector<16xi32>
    %gather3A_2289 = tpu.vector_load_idx %arg8[%add3A_2288] : memref<2688xf32, #tpu.memory_space<vmem>>[vector<16xi32>], vector<16xf32>,
    %add3A_2290 = arith.constant 16 : i32
    %add3A_2291 = vector.broadcast %add3A_2290 : i32 to vector<16xi32>
    %add3A_2292 = arith.addi %mul3A_2090, %add3A_2291 : vector<16xi32>
    %gather3A_2293 = tpu.vector_load_idx %arg8[%add3A_2292] : memref<2688xf32, #tpu.memory_space<vmem>>[vector<16xi32>], vector<16xf32>,
    %add3A_2294 = arith.constant 17 : i32
    %add3A_2295 = vector.broadcast %add3A_2294 : i32 to vector<16xi32>
    %add3A_2296 = arith.addi %mul3A_2090, %add3A_2295 : vector<16xi32>
    %gather3A_2297 = tpu.vector_load_idx %arg8[%add3A_2296] : memref<2688xf32, #tpu.memory_space<vmem>>[vector<16xi32>], vector<16xf32>,
    %add3A_2298 = arith.constant 18 : i32
    %add3A_2299 = vector.broadcast %add3A_2298 : i32 to vector<16xi32>
    %add3A_2300 = arith.addi %mul3A_2090, %add3A_2299 : vector<16xi32>
    %gather3A_2301 = tpu.vector_load_idx %arg8[%add3A_2300] : memref<2688xf32, #tpu.memory_space<vmem>>[vector<16xi32>], vector<16xf32>,
    %add3A_2302 = arith.constant 19 : i32
    %add3A_2303 = vector.broadcast %add3A_2302 : i32 to vector<16xi32>
    %add3A_2304 = arith.addi %mul3A_2090, %add3A_2303 : vector<16xi32>
    %gather3A_2305 = tpu.vector_load_idx %arg8[%add3A_2304] : memref<2688xf32, #tpu.memory_space<vmem>>[vector<16xi32>], vector<16xf32>,
    %max3A_2306 = arith.maximumf %gather3A_2269, %gather3A_2273 : vector<16xf32>
    %max3A_2307 = arith.maximumf %max3A_2306, %gather3A_2277 : vector<16xf32>
    %max3A_2308 = arith.maximumf %max3A_2307, %gather3A_2281 : vector<16xf32>
    %max3A_2309 = arith.maximumf %max3A_2308, %gather3A_2285 : vector<16xf32>
    %max3A_2310 = arith.maximumf %max3A_2309, %gather3A_2289 : vector<16xf32>
    %max3A_2311 = arith.maximumf %max3A_2310, %gather3A_2293 : vector<16xf32>
    %max3A_2312 = arith.maximumf %max3A_2311, %gather3A_2297 : vector<16xf32>
    %max3A_2313 = arith.maximumf %max3A_2312, %gather3A_2301 : vector<16xf32>
    %max3A_2314 = arith.maximumf %max3A_2313, %gather3A_2305 : vector<16xf32>
    %sub3A_2315 = arith.subf %gather3A_2269, %max3A_2314 : vector<16xf32>
    %exp3A_2316 = math.exp %sub3A_2315 : vector<16xf32>
    %sub3A_2317 = arith.subf %gather3A_2273, %max3A_2314 : vector<16xf32>
    %exp3A_2318 = math.exp %sub3A_2317 : vector<16xf32>
    %add3A_2319 = arith.addf %exp3A_2316, %exp3A_2318 : vector<16xf32>
    %sub3A_2320 = arith.subf %gather3A_2277, %max3A_2314 : vector<16xf32>
    %exp3A_2321 = math.exp %sub3A_2320 : vector<16xf32>
    %add3A_2322 = arith.addf %add3A_2319, %exp3A_2321 : vector<16xf32>
    %sub3A_2323 = arith.subf %gather3A_2281, %max3A_2314 : vector<16xf32>
    %exp3A_2324 = math.exp %sub3A_2323 : vector<16xf32>
    %add3A_2325 = arith.addf %add3A_2322, %exp3A_2324 : vector<16xf32>
    %sub3A_2326 = arith.subf %gather3A_2285, %max3A_2314 : vector<16xf32>
    %exp3A_2327 = math.exp %sub3A_2326 : vector<16xf32>
    %add3A_2328 = arith.addf %add3A_2325, %exp3A_2327 : vector<16xf32>
    %sub3A_2329 = arith.subf %gather3A_2289, %max3A_2314 : vector<16xf32>
    %exp3A_2330 = math.exp %sub3A_2329 : vector<16xf32>
    %add3A_2331 = arith.addf %add3A_2328, %exp3A_2330 : vector<16xf32>
    %sub3A_2332 = arith.subf %gather3A_2293, %max3A_2314 : vector<16xf32>
    %exp3A_2333 = math.exp %sub3A_2332 : vector<16xf32>
    %add3A_2334 = arith.addf %add3A_2331, %exp3A_2333 : vector<16xf32>
    %sub3A_2335 = arith.subf %gather3A_2297, %max3A_2314 : vector<16xf32>
    %exp3A_2336 = math.exp %sub3A_2335 : vector<16xf32>
    %add3A_2337 = arith.addf %add3A_2334, %exp3A_2336 : vector<16xf32>
    %sub3A_2338 = arith.subf %gather3A_2301, %max3A_2314 : vector<16xf32>
    %exp3A_2339 = math.exp %sub3A_2338 : vector<16xf32>
    %add3A_2340 = arith.addf %add3A_2337, %exp3A_2339 : vector<16xf32>
    %sub3A_2341 = arith.subf %gather3A_2305, %max3A_2314 : vector<16xf32>
    %exp3A_2342 = math.exp %sub3A_2341 : vector<16xf32>
    %add3A_2343 = arith.addf %add3A_2340, %exp3A_2342 : vector<16xf32>
    %add3A_2344 = arith.constant 10 : i32
    %add3A_2345 = vector.broadcast %add3A_2344 : i32 to vector<16xi32>
    %add3A_2346 = arith.addi %mul3A_2090, %add3A_2345 : vector<16xi32>
    %add3A_2347 = arith.addi %add3A_2346, %select_n3A_2261 : vector<16xi32>
    %gather3A_2348 = tpu.vector_load_idx %arg8[%add3A_2347] : memref<2688xf32, #tpu.memory_space<vmem>>[vector<16xi32>], vector<16xf32>,
    %bitcast3A_2349 = vector.bitcast %add3A_2343 : vector<16xf32> to vector<16xi32>
    %convert_element_type3A_2350 = arith.sitofp %bitcast3A_2349 : vector<16xi32> to vector<16xf32>
    %mul3A_2351 = arith.constant 8.26295832E-8 : f32
    %mul3A_2352 = vector.broadcast %mul3A_2351 : f32 to vector<16xf32>
    %mul3A_2353 = arith.mulf %convert_element_type3A_2350, %mul3A_2352 : vector<16xf32>
    %sub3A_2354 = arith.constant 87.9899673 : f32
    %sub3A_2355 = vector.broadcast %sub3A_2354 : f32 to vector<16xf32>
    %sub3A_2356 = arith.subf %mul3A_2353, %sub3A_2355 : vector<16xf32>
    %neg3A_2357 = arith.constant 0.000000e+00 : f32
    %neg3A_2358 = vector.broadcast %neg3A_2357 : f32 to vector<16xf32>
    %neg3A_2359 = arith.subf %neg3A_2358, %sub3A_2356 : vector<16xf32>
    %exp3A_2360 = math.exp %neg3A_2359 : vector<16xf32>
    %mul3A_2361 = arith.mulf %add3A_2343, %exp3A_2360 : vector<16xf32>
    %add3A_2362 = arith.addf %sub3A_2356, %mul3A_2361 : vector<16xf32>
    %sub3A_2363 = arith.constant 1.000000e+00 : f32
    %sub3A_2364 = vector.broadcast %sub3A_2363 : f32 to vector<16xf32>
    %sub3A_2365 = arith.subf %add3A_2362, %sub3A_2364 : vector<16xf32>
    %add3A_2366 = arith.addf %max3A_2314, %sub3A_2365 : vector<16xf32>
    %sub3A_2367 = arith.subf %add3A_2366, %gather3A_2348 : vector<16xf32>
    %jit3A_2368 = arith.constant 0.000000e+00 : f32
    %broadcast_in_dim3A_2369 = vector.broadcast %jit3A_2368 : f32 to vector<16xf32>
    %select_n3A_2370 = arith.select %gt3A_2265, %sub3A_2367, %broadcast_in_dim3A_2369 : vector<16xi1>, vector<16xf32>
    %add3A_2371 = arith.addf %add3A_2082, %select_n3A_2370 : vector<16xf32>
    %get3A_2372 = arith.constant 80 : index
    %get3A_2373 = tpu.vector_load %arg9[%get3A_2372] {strides = array<i32>} : memref<128xi32, #tpu.memory_space<vmem>>, vector<16xi32>,
    %add3A_2374 = arith.constant 80 : i32
    %add3A_2375 = vector.broadcast %add3A_2374 : i32 to vector<16xi32>
    %add3A_2376 = arith.addi %add3A_2375, %iota3A : vector<16xi32>
    %mul3A_2377 = arith.constant 21 : i32
    %mul3A_2378 = vector.broadcast %mul3A_2377 : i32 to vector<16xi32>
    %mul3A_2379 = arith.muli %add3A_2376, %mul3A_2378 : vector<16xi32>
    %add3A_2380 = arith.constant 0 : i32
    %add3A_2381 = vector.broadcast %add3A_2380 : i32 to vector<16xi32>
    %add3A_2382 = arith.addi %mul3A_2379, %add3A_2381 : vector<16xi32>
    %gather3A_2383 = tpu.vector_load_idx %arg8[%add3A_2382] : memref<2688xf32, #tpu.memory_space<vmem>>[vector<16xi32>], vector<16xf32>,
    %add3A_2384 = arith.constant 1 : i32
    %add3A_2385 = vector.broadcast %add3A_2384 : i32 to vector<16xi32>
    %add3A_2386 = arith.addi %mul3A_2379, %add3A_2385 : vector<16xi32>
    %gather3A_2387 = tpu.vector_load_idx %arg8[%add3A_2386] : memref<2688xf32, #tpu.memory_space<vmem>>[vector<16xi32>], vector<16xf32>,
    %add3A_2388 = arith.constant 2 : i32
    %add3A_2389 = vector.broadcast %add3A_2388 : i32 to vector<16xi32>
    %add3A_2390 = arith.addi %mul3A_2379, %add3A_2389 : vector<16xi32>
    %gather3A_2391 = tpu.vector_load_idx %arg8[%add3A_2390] : memref<2688xf32, #tpu.memory_space<vmem>>[vector<16xi32>], vector<16xf32>,
    %add3A_2392 = arith.constant 3 : i32
    %add3A_2393 = vector.broadcast %add3A_2392 : i32 to vector<16xi32>
    %add3A_2394 = arith.addi %mul3A_2379, %add3A_2393 : vector<16xi32>
    %gather3A_2395 = tpu.vector_load_idx %arg8[%add3A_2394] : memref<2688xf32, #tpu.memory_space<vmem>>[vector<16xi32>], vector<16xf32>,
    %add3A_2396 = arith.constant 4 : i32
    %add3A_2397 = vector.broadcast %add3A_2396 : i32 to vector<16xi32>
    %add3A_2398 = arith.addi %mul3A_2379, %add3A_2397 : vector<16xi32>
    %gather3A_2399 = tpu.vector_load_idx %arg8[%add3A_2398] : memref<2688xf32, #tpu.memory_space<vmem>>[vector<16xi32>], vector<16xf32>,
    %add3A_2400 = arith.constant 5 : i32
    %add3A_2401 = vector.broadcast %add3A_2400 : i32 to vector<16xi32>
    %add3A_2402 = arith.addi %mul3A_2379, %add3A_2401 : vector<16xi32>
    %gather3A_2403 = tpu.vector_load_idx %arg8[%add3A_2402] : memref<2688xf32, #tpu.memory_space<vmem>>[vector<16xi32>], vector<16xf32>,
    %add3A_2404 = arith.constant 6 : i32
    %add3A_2405 = vector.broadcast %add3A_2404 : i32 to vector<16xi32>
    %add3A_2406 = arith.addi %mul3A_2379, %add3A_2405 : vector<16xi32>
    %gather3A_2407 = tpu.vector_load_idx %arg8[%add3A_2406] : memref<2688xf32, #tpu.memory_space<vmem>>[vector<16xi32>], vector<16xf32>,
    %add3A_2408 = arith.constant 7 : i32
    %add3A_2409 = vector.broadcast %add3A_2408 : i32 to vector<16xi32>
    %add3A_2410 = arith.addi %mul3A_2379, %add3A_2409 : vector<16xi32>
    %gather3A_2411 = tpu.vector_load_idx %arg8[%add3A_2410] : memref<2688xf32, #tpu.memory_space<vmem>>[vector<16xi32>], vector<16xf32>,
    %add3A_2412 = arith.constant 8 : i32
    %add3A_2413 = vector.broadcast %add3A_2412 : i32 to vector<16xi32>
    %add3A_2414 = arith.addi %mul3A_2379, %add3A_2413 : vector<16xi32>
    %gather3A_2415 = tpu.vector_load_idx %arg8[%add3A_2414] : memref<2688xf32, #tpu.memory_space<vmem>>[vector<16xi32>], vector<16xf32>,
    %add3A_2416 = arith.constant 9 : i32
    %add3A_2417 = vector.broadcast %add3A_2416 : i32 to vector<16xi32>
    %add3A_2418 = arith.addi %mul3A_2379, %add3A_2417 : vector<16xi32>
    %gather3A_2419 = tpu.vector_load_idx %arg8[%add3A_2418] : memref<2688xf32, #tpu.memory_space<vmem>>[vector<16xi32>], vector<16xf32>,
    %max3A_2420 = arith.maximumf %gather3A_2383, %gather3A_2387 : vector<16xf32>
    %max3A_2421 = arith.maximumf %max3A_2420, %gather3A_2391 : vector<16xf32>
    %max3A_2422 = arith.maximumf %max3A_2421, %gather3A_2395 : vector<16xf32>
    %max3A_2423 = arith.maximumf %max3A_2422, %gather3A_2399 : vector<16xf32>
    %max3A_2424 = arith.maximumf %max3A_2423, %gather3A_2403 : vector<16xf32>
    %max3A_2425 = arith.maximumf %max3A_2424, %gather3A_2407 : vector<16xf32>
    %max3A_2426 = arith.maximumf %max3A_2425, %gather3A_2411 : vector<16xf32>
    %max3A_2427 = arith.maximumf %max3A_2426, %gather3A_2415 : vector<16xf32>
    %max3A_2428 = arith.maximumf %max3A_2427, %gather3A_2419 : vector<16xf32>
    %sub3A_2429 = arith.subf %gather3A_2383, %max3A_2428 : vector<16xf32>
    %exp3A_2430 = math.exp %sub3A_2429 : vector<16xf32>
    %gather3A_2431 = tpu.vector_load_idx %arg14[%get3A_2373] : memref<160xf32, #tpu.memory_space<vmem>>[vector<16xi32>], vector<16xf32>,
    %mul3A_2432 = arith.mulf %exp3A_2430, %gather3A_2431 : vector<16xf32>
    %broadcast_in_dim3A_2433 = arith.constant 0 : i32
    %broadcast_in_dim3A_2434 = vector.broadcast %broadcast_in_dim3A_2433 : i32 to vector<16xi32>
    %sub3A_2435 = arith.subf %gather3A_2387, %max3A_2428 : vector<16xf32>
    %exp3A_2436 = math.exp %sub3A_2435 : vector<16xf32>
    %add3A_2437 = arith.constant 16 : i32
    %add3A_2438 = vector.broadcast %add3A_2437 : i32 to vector<16xi32>
    %add3A_2439 = arith.addi %get3A_2373, %add3A_2438 : vector<16xi32>
    %gather3A_2440 = tpu.vector_load_idx %arg14[%add3A_2439] : memref<160xf32, #tpu.memory_space<vmem>>[vector<16xi32>], vector<16xf32>,
    %mul3A_2441 = arith.mulf %exp3A_2436, %gather3A_2440 : vector<16xf32>
    %gt3A_2442 = arith.cmpf ogt, %mul3A_2441, %mul3A_2432 : vector<16xf32>
    %select_n3A_2443 = arith.select %gt3A_2442, %mul3A_2441, %mul3A_2432 : vector<16xi1>, vector<16xf32>
    %jit3A_2444 = arith.constant 1 : i32
    %broadcast_in_dim3A_2445 = vector.broadcast %jit3A_2444 : i32 to vector<16xi32>
    %select_n3A_2446 = arith.select %gt3A_2442, %broadcast_in_dim3A_2445, %broadcast_in_dim3A_2434 : vector<16xi1>, vector<16xi32>
    %add3A_2447 = arith.addf %mul3A_2432, %mul3A_2441 : vector<16xf32>
    %sub3A_2448 = arith.subf %gather3A_2391, %max3A_2428 : vector<16xf32>
    %exp3A_2449 = math.exp %sub3A_2448 : vector<16xf32>
    %add3A_2450 = arith.constant 32 : i32
    %add3A_2451 = vector.broadcast %add3A_2450 : i32 to vector<16xi32>
    %add3A_2452 = arith.addi %get3A_2373, %add3A_2451 : vector<16xi32>
    %gather3A_2453 = tpu.vector_load_idx %arg14[%add3A_2452] : memref<160xf32, #tpu.memory_space<vmem>>[vector<16xi32>], vector<16xf32>,
    %mul3A_2454 = arith.mulf %exp3A_2449, %gather3A_2453 : vector<16xf32>
    %gt3A_2455 = arith.cmpf ogt, %mul3A_2454, %select_n3A_2443 : vector<16xf32>
    %select_n3A_2456 = arith.select %gt3A_2455, %mul3A_2454, %select_n3A_2443 : vector<16xi1>, vector<16xf32>
    %jit3A_2457 = arith.constant 2 : i32
    %broadcast_in_dim3A_2458 = vector.broadcast %jit3A_2457 : i32 to vector<16xi32>
    %select_n3A_2459 = arith.select %gt3A_2455, %broadcast_in_dim3A_2458, %select_n3A_2446 : vector<16xi1>, vector<16xi32>
    %add3A_2460 = arith.addf %add3A_2447, %mul3A_2454 : vector<16xf32>
    %sub3A_2461 = arith.subf %gather3A_2395, %max3A_2428 : vector<16xf32>
    %exp3A_2462 = math.exp %sub3A_2461 : vector<16xf32>
    %add3A_2463 = arith.constant 48 : i32
    %add3A_2464 = vector.broadcast %add3A_2463 : i32 to vector<16xi32>
    %add3A_2465 = arith.addi %get3A_2373, %add3A_2464 : vector<16xi32>
    %gather3A_2466 = tpu.vector_load_idx %arg14[%add3A_2465] : memref<160xf32, #tpu.memory_space<vmem>>[vector<16xi32>], vector<16xf32>,
    %mul3A_2467 = arith.mulf %exp3A_2462, %gather3A_2466 : vector<16xf32>
    %gt3A_2468 = arith.cmpf ogt, %mul3A_2467, %select_n3A_2456 : vector<16xf32>
    %select_n3A_2469 = arith.select %gt3A_2468, %mul3A_2467, %select_n3A_2456 : vector<16xi1>, vector<16xf32>
    %jit3A_2470 = arith.constant 3 : i32
    %broadcast_in_dim3A_2471 = vector.broadcast %jit3A_2470 : i32 to vector<16xi32>
    %select_n3A_2472 = arith.select %gt3A_2468, %broadcast_in_dim3A_2471, %select_n3A_2459 : vector<16xi1>, vector<16xi32>
    %add3A_2473 = arith.addf %add3A_2460, %mul3A_2467 : vector<16xf32>
    %sub3A_2474 = arith.subf %gather3A_2399, %max3A_2428 : vector<16xf32>
    %exp3A_2475 = math.exp %sub3A_2474 : vector<16xf32>
    %add3A_2476 = arith.constant 64 : i32
    %add3A_2477 = vector.broadcast %add3A_2476 : i32 to vector<16xi32>
    %add3A_2478 = arith.addi %get3A_2373, %add3A_2477 : vector<16xi32>
    %gather3A_2479 = tpu.vector_load_idx %arg14[%add3A_2478] : memref<160xf32, #tpu.memory_space<vmem>>[vector<16xi32>], vector<16xf32>,
    %mul3A_2480 = arith.mulf %exp3A_2475, %gather3A_2479 : vector<16xf32>
    %gt3A_2481 = arith.cmpf ogt, %mul3A_2480, %select_n3A_2469 : vector<16xf32>
    %select_n3A_2482 = arith.select %gt3A_2481, %mul3A_2480, %select_n3A_2469 : vector<16xi1>, vector<16xf32>
    %jit3A_2483 = arith.constant 4 : i32
    %broadcast_in_dim3A_2484 = vector.broadcast %jit3A_2483 : i32 to vector<16xi32>
    %select_n3A_2485 = arith.select %gt3A_2481, %broadcast_in_dim3A_2484, %select_n3A_2472 : vector<16xi1>, vector<16xi32>
    %add3A_2486 = arith.addf %add3A_2473, %mul3A_2480 : vector<16xf32>
    %sub3A_2487 = arith.subf %gather3A_2403, %max3A_2428 : vector<16xf32>
    %exp3A_2488 = math.exp %sub3A_2487 : vector<16xf32>
    %add3A_2489 = arith.constant 80 : i32
    %add3A_2490 = vector.broadcast %add3A_2489 : i32 to vector<16xi32>
    %add3A_2491 = arith.addi %get3A_2373, %add3A_2490 : vector<16xi32>
    %gather3A_2492 = tpu.vector_load_idx %arg14[%add3A_2491] : memref<160xf32, #tpu.memory_space<vmem>>[vector<16xi32>], vector<16xf32>,
    %mul3A_2493 = arith.mulf %exp3A_2488, %gather3A_2492 : vector<16xf32>
    %gt3A_2494 = arith.cmpf ogt, %mul3A_2493, %select_n3A_2482 : vector<16xf32>
    %select_n3A_2495 = arith.select %gt3A_2494, %mul3A_2493, %select_n3A_2482 : vector<16xi1>, vector<16xf32>
    %jit3A_2496 = arith.constant 5 : i32
    %broadcast_in_dim3A_2497 = vector.broadcast %jit3A_2496 : i32 to vector<16xi32>
    %select_n3A_2498 = arith.select %gt3A_2494, %broadcast_in_dim3A_2497, %select_n3A_2485 : vector<16xi1>, vector<16xi32>
    %add3A_2499 = arith.addf %add3A_2486, %mul3A_2493 : vector<16xf32>
    %sub3A_2500 = arith.subf %gather3A_2407, %max3A_2428 : vector<16xf32>
    %exp3A_2501 = math.exp %sub3A_2500 : vector<16xf32>
    %add3A_2502 = arith.constant 96 : i32
    %add3A_2503 = vector.broadcast %add3A_2502 : i32 to vector<16xi32>
    %add3A_2504 = arith.addi %get3A_2373, %add3A_2503 : vector<16xi32>
    %gather3A_2505 = tpu.vector_load_idx %arg14[%add3A_2504] : memref<160xf32, #tpu.memory_space<vmem>>[vector<16xi32>], vector<16xf32>,
    %mul3A_2506 = arith.mulf %exp3A_2501, %gather3A_2505 : vector<16xf32>
    %gt3A_2507 = arith.cmpf ogt, %mul3A_2506, %select_n3A_2495 : vector<16xf32>
    %select_n3A_2508 = arith.select %gt3A_2507, %mul3A_2506, %select_n3A_2495 : vector<16xi1>, vector<16xf32>
    %jit3A_2509 = arith.constant 6 : i32
    %broadcast_in_dim3A_2510 = vector.broadcast %jit3A_2509 : i32 to vector<16xi32>
    %select_n3A_2511 = arith.select %gt3A_2507, %broadcast_in_dim3A_2510, %select_n3A_2498 : vector<16xi1>, vector<16xi32>
    %add3A_2512 = arith.addf %add3A_2499, %mul3A_2506 : vector<16xf32>
    %sub3A_2513 = arith.subf %gather3A_2411, %max3A_2428 : vector<16xf32>
    %exp3A_2514 = math.exp %sub3A_2513 : vector<16xf32>
    %add3A_2515 = arith.constant 112 : i32
    %add3A_2516 = vector.broadcast %add3A_2515 : i32 to vector<16xi32>
    %add3A_2517 = arith.addi %get3A_2373, %add3A_2516 : vector<16xi32>
    %gather3A_2518 = tpu.vector_load_idx %arg14[%add3A_2517] : memref<160xf32, #tpu.memory_space<vmem>>[vector<16xi32>], vector<16xf32>,
    %mul3A_2519 = arith.mulf %exp3A_2514, %gather3A_2518 : vector<16xf32>
    %gt3A_2520 = arith.cmpf ogt, %mul3A_2519, %select_n3A_2508 : vector<16xf32>
    %select_n3A_2521 = arith.select %gt3A_2520, %mul3A_2519, %select_n3A_2508 : vector<16xi1>, vector<16xf32>
    %jit3A_2522 = arith.constant 7 : i32
    %broadcast_in_dim3A_2523 = vector.broadcast %jit3A_2522 : i32 to vector<16xi32>
    %select_n3A_2524 = arith.select %gt3A_2520, %broadcast_in_dim3A_2523, %select_n3A_2511 : vector<16xi1>, vector<16xi32>
    %add3A_2525 = arith.addf %add3A_2512, %mul3A_2519 : vector<16xf32>
    %sub3A_2526 = arith.subf %gather3A_2415, %max3A_2428 : vector<16xf32>
    %exp3A_2527 = math.exp %sub3A_2526 : vector<16xf32>
    %add3A_2528 = arith.constant 128 : i32
    %add3A_2529 = vector.broadcast %add3A_2528 : i32 to vector<16xi32>
    %add3A_2530 = arith.addi %get3A_2373, %add3A_2529 : vector<16xi32>
    %gather3A_2531 = tpu.vector_load_idx %arg14[%add3A_2530] : memref<160xf32, #tpu.memory_space<vmem>>[vector<16xi32>], vector<16xf32>,
    %mul3A_2532 = arith.mulf %exp3A_2527, %gather3A_2531 : vector<16xf32>
    %gt3A_2533 = arith.cmpf ogt, %mul3A_2532, %select_n3A_2521 : vector<16xf32>
    %select_n3A_2534 = arith.select %gt3A_2533, %mul3A_2532, %select_n3A_2521 : vector<16xi1>, vector<16xf32>
    %jit3A_2535 = arith.constant 8 : i32
    %broadcast_in_dim3A_2536 = vector.broadcast %jit3A_2535 : i32 to vector<16xi32>
    %select_n3A_2537 = arith.select %gt3A_2533, %broadcast_in_dim3A_2536, %select_n3A_2524 : vector<16xi1>, vector<16xi32>
    %add3A_2538 = arith.addf %add3A_2525, %mul3A_2532 : vector<16xf32>
    %sub3A_2539 = arith.subf %gather3A_2419, %max3A_2428 : vector<16xf32>
    %exp3A_2540 = math.exp %sub3A_2539 : vector<16xf32>
    %add3A_2541 = arith.constant 144 : i32
    %add3A_2542 = vector.broadcast %add3A_2541 : i32 to vector<16xi32>
    %add3A_2543 = arith.addi %get3A_2373, %add3A_2542 : vector<16xi32>
    %gather3A_2544 = tpu.vector_load_idx %arg14[%add3A_2543] : memref<160xf32, #tpu.memory_space<vmem>>[vector<16xi32>], vector<16xf32>,
    %mul3A_2545 = arith.mulf %exp3A_2540, %gather3A_2544 : vector<16xf32>
    %gt3A_2546 = arith.cmpf ogt, %mul3A_2545, %select_n3A_2534 : vector<16xf32>
    %select_n3A_2547 = arith.select %gt3A_2546, %mul3A_2545, %select_n3A_2534 : vector<16xi1>, vector<16xf32>
    %jit3A_2548 = arith.constant 9 : i32
    %broadcast_in_dim3A_2549 = vector.broadcast %jit3A_2548 : i32 to vector<16xi32>
    %select_n3A_2550 = arith.select %gt3A_2546, %broadcast_in_dim3A_2549, %select_n3A_2537 : vector<16xi1>, vector<16xi32>
    %add3A_2551 = arith.addf %add3A_2538, %mul3A_2545 : vector<16xf32>
    %div3A_2552 = arith.divf %select_n3A_2547, %add3A_2551 : vector<16xf32>
    %gather3A_2553 = tpu.vector_load_idx %arg15[%select_n3A_2550] : memref<16xf32, #tpu.memory_space<vmem>>[vector<16xi32>], vector<16xf32>,
    %gt3A_2554 = arith.cmpf ogt, %div3A_2552, %gather3A_2553 : vector<16xf32>
    %add3A_2555 = arith.constant 10 : i32
    %add3A_2556 = vector.broadcast %add3A_2555 : i32 to vector<16xi32>
    %add3A_2557 = arith.addi %mul3A_2379, %add3A_2556 : vector<16xi32>
    %gather3A_2558 = tpu.vector_load_idx %arg8[%add3A_2557] : memref<2688xf32, #tpu.memory_space<vmem>>[vector<16xi32>], vector<16xf32>,
    %add3A_2559 = arith.constant 11 : i32
    %add3A_2560 = vector.broadcast %add3A_2559 : i32 to vector<16xi32>
    %add3A_2561 = arith.addi %mul3A_2379, %add3A_2560 : vector<16xi32>
    %gather3A_2562 = tpu.vector_load_idx %arg8[%add3A_2561] : memref<2688xf32, #tpu.memory_space<vmem>>[vector<16xi32>], vector<16xf32>,
    %add3A_2563 = arith.constant 12 : i32
    %add3A_2564 = vector.broadcast %add3A_2563 : i32 to vector<16xi32>
    %add3A_2565 = arith.addi %mul3A_2379, %add3A_2564 : vector<16xi32>
    %gather3A_2566 = tpu.vector_load_idx %arg8[%add3A_2565] : memref<2688xf32, #tpu.memory_space<vmem>>[vector<16xi32>], vector<16xf32>,
    %add3A_2567 = arith.constant 13 : i32
    %add3A_2568 = vector.broadcast %add3A_2567 : i32 to vector<16xi32>
    %add3A_2569 = arith.addi %mul3A_2379, %add3A_2568 : vector<16xi32>
    %gather3A_2570 = tpu.vector_load_idx %arg8[%add3A_2569] : memref<2688xf32, #tpu.memory_space<vmem>>[vector<16xi32>], vector<16xf32>,
    %add3A_2571 = arith.constant 14 : i32
    %add3A_2572 = vector.broadcast %add3A_2571 : i32 to vector<16xi32>
    %add3A_2573 = arith.addi %mul3A_2379, %add3A_2572 : vector<16xi32>
    %gather3A_2574 = tpu.vector_load_idx %arg8[%add3A_2573] : memref<2688xf32, #tpu.memory_space<vmem>>[vector<16xi32>], vector<16xf32>,
    %add3A_2575 = arith.constant 15 : i32
    %add3A_2576 = vector.broadcast %add3A_2575 : i32 to vector<16xi32>
    %add3A_2577 = arith.addi %mul3A_2379, %add3A_2576 : vector<16xi32>
    %gather3A_2578 = tpu.vector_load_idx %arg8[%add3A_2577] : memref<2688xf32, #tpu.memory_space<vmem>>[vector<16xi32>], vector<16xf32>,
    %add3A_2579 = arith.constant 16 : i32
    %add3A_2580 = vector.broadcast %add3A_2579 : i32 to vector<16xi32>
    %add3A_2581 = arith.addi %mul3A_2379, %add3A_2580 : vector<16xi32>
    %gather3A_2582 = tpu.vector_load_idx %arg8[%add3A_2581] : memref<2688xf32, #tpu.memory_space<vmem>>[vector<16xi32>], vector<16xf32>,
    %add3A_2583 = arith.constant 17 : i32
    %add3A_2584 = vector.broadcast %add3A_2583 : i32 to vector<16xi32>
    %add3A_2585 = arith.addi %mul3A_2379, %add3A_2584 : vector<16xi32>
    %gather3A_2586 = tpu.vector_load_idx %arg8[%add3A_2585] : memref<2688xf32, #tpu.memory_space<vmem>>[vector<16xi32>], vector<16xf32>,
    %add3A_2587 = arith.constant 18 : i32
    %add3A_2588 = vector.broadcast %add3A_2587 : i32 to vector<16xi32>
    %add3A_2589 = arith.addi %mul3A_2379, %add3A_2588 : vector<16xi32>
    %gather3A_2590 = tpu.vector_load_idx %arg8[%add3A_2589] : memref<2688xf32, #tpu.memory_space<vmem>>[vector<16xi32>], vector<16xf32>,
    %add3A_2591 = arith.constant 19 : i32
    %add3A_2592 = vector.broadcast %add3A_2591 : i32 to vector<16xi32>
    %add3A_2593 = arith.addi %mul3A_2379, %add3A_2592 : vector<16xi32>
    %gather3A_2594 = tpu.vector_load_idx %arg8[%add3A_2593] : memref<2688xf32, #tpu.memory_space<vmem>>[vector<16xi32>], vector<16xf32>,
    %max3A_2595 = arith.maximumf %gather3A_2558, %gather3A_2562 : vector<16xf32>
    %max3A_2596 = arith.maximumf %max3A_2595, %gather3A_2566 : vector<16xf32>
    %max3A_2597 = arith.maximumf %max3A_2596, %gather3A_2570 : vector<16xf32>
    %max3A_2598 = arith.maximumf %max3A_2597, %gather3A_2574 : vector<16xf32>
    %max3A_2599 = arith.maximumf %max3A_2598, %gather3A_2578 : vector<16xf32>
    %max3A_2600 = arith.maximumf %max3A_2599, %gather3A_2582 : vector<16xf32>
    %max3A_2601 = arith.maximumf %max3A_2600, %gather3A_2586 : vector<16xf32>
    %max3A_2602 = arith.maximumf %max3A_2601, %gather3A_2590 : vector<16xf32>
    %max3A_2603 = arith.maximumf %max3A_2602, %gather3A_2594 : vector<16xf32>
    %sub3A_2604 = arith.subf %gather3A_2558, %max3A_2603 : vector<16xf32>
    %exp3A_2605 = math.exp %sub3A_2604 : vector<16xf32>
    %sub3A_2606 = arith.subf %gather3A_2562, %max3A_2603 : vector<16xf32>
    %exp3A_2607 = math.exp %sub3A_2606 : vector<16xf32>
    %add3A_2608 = arith.addf %exp3A_2605, %exp3A_2607 : vector<16xf32>
    %sub3A_2609 = arith.subf %gather3A_2566, %max3A_2603 : vector<16xf32>
    %exp3A_2610 = math.exp %sub3A_2609 : vector<16xf32>
    %add3A_2611 = arith.addf %add3A_2608, %exp3A_2610 : vector<16xf32>
    %sub3A_2612 = arith.subf %gather3A_2570, %max3A_2603 : vector<16xf32>
    %exp3A_2613 = math.exp %sub3A_2612 : vector<16xf32>
    %add3A_2614 = arith.addf %add3A_2611, %exp3A_2613 : vector<16xf32>
    %sub3A_2615 = arith.subf %gather3A_2574, %max3A_2603 : vector<16xf32>
    %exp3A_2616 = math.exp %sub3A_2615 : vector<16xf32>
    %add3A_2617 = arith.addf %add3A_2614, %exp3A_2616 : vector<16xf32>
    %sub3A_2618 = arith.subf %gather3A_2578, %max3A_2603 : vector<16xf32>
    %exp3A_2619 = math.exp %sub3A_2618 : vector<16xf32>
    %add3A_2620 = arith.addf %add3A_2617, %exp3A_2619 : vector<16xf32>
    %sub3A_2621 = arith.subf %gather3A_2582, %max3A_2603 : vector<16xf32>
    %exp3A_2622 = math.exp %sub3A_2621 : vector<16xf32>
    %add3A_2623 = arith.addf %add3A_2620, %exp3A_2622 : vector<16xf32>
    %sub3A_2624 = arith.subf %gather3A_2586, %max3A_2603 : vector<16xf32>
    %exp3A_2625 = math.exp %sub3A_2624 : vector<16xf32>
    %add3A_2626 = arith.addf %add3A_2623, %exp3A_2625 : vector<16xf32>
    %sub3A_2627 = arith.subf %gather3A_2590, %max3A_2603 : vector<16xf32>
    %exp3A_2628 = math.exp %sub3A_2627 : vector<16xf32>
    %add3A_2629 = arith.addf %add3A_2626, %exp3A_2628 : vector<16xf32>
    %sub3A_2630 = arith.subf %gather3A_2594, %max3A_2603 : vector<16xf32>
    %exp3A_2631 = math.exp %sub3A_2630 : vector<16xf32>
    %add3A_2632 = arith.addf %add3A_2629, %exp3A_2631 : vector<16xf32>
    %add3A_2633 = arith.constant 10 : i32
    %add3A_2634 = vector.broadcast %add3A_2633 : i32 to vector<16xi32>
    %add3A_2635 = arith.addi %mul3A_2379, %add3A_2634 : vector<16xi32>
    %add3A_2636 = arith.addi %add3A_2635, %select_n3A_2550 : vector<16xi32>
    %gather3A_2637 = tpu.vector_load_idx %arg8[%add3A_2636] : memref<2688xf32, #tpu.memory_space<vmem>>[vector<16xi32>], vector<16xf32>,
    %bitcast3A_2638 = vector.bitcast %add3A_2632 : vector<16xf32> to vector<16xi32>
    %convert_element_type3A_2639 = arith.sitofp %bitcast3A_2638 : vector<16xi32> to vector<16xf32>
    %mul3A_2640 = arith.constant 8.26295832E-8 : f32
    %mul3A_2641 = vector.broadcast %mul3A_2640 : f32 to vector<16xf32>
    %mul3A_2642 = arith.mulf %convert_element_type3A_2639, %mul3A_2641 : vector<16xf32>
    %sub3A_2643 = arith.constant 87.9899673 : f32
    %sub3A_2644 = vector.broadcast %sub3A_2643 : f32 to vector<16xf32>
    %sub3A_2645 = arith.subf %mul3A_2642, %sub3A_2644 : vector<16xf32>
    %neg3A_2646 = arith.constant 0.000000e+00 : f32
    %neg3A_2647 = vector.broadcast %neg3A_2646 : f32 to vector<16xf32>
    %neg3A_2648 = arith.subf %neg3A_2647, %sub3A_2645 : vector<16xf32>
    %exp3A_2649 = math.exp %neg3A_2648 : vector<16xf32>
    %mul3A_2650 = arith.mulf %add3A_2632, %exp3A_2649 : vector<16xf32>
    %add3A_2651 = arith.addf %sub3A_2645, %mul3A_2650 : vector<16xf32>
    %sub3A_2652 = arith.constant 1.000000e+00 : f32
    %sub3A_2653 = vector.broadcast %sub3A_2652 : f32 to vector<16xf32>
    %sub3A_2654 = arith.subf %add3A_2651, %sub3A_2653 : vector<16xf32>
    %add3A_2655 = arith.addf %max3A_2603, %sub3A_2654 : vector<16xf32>
    %sub3A_2656 = arith.subf %add3A_2655, %gather3A_2637 : vector<16xf32>
    %jit3A_2657 = arith.constant 0.000000e+00 : f32
    %broadcast_in_dim3A_2658 = vector.broadcast %jit3A_2657 : f32 to vector<16xf32>
    %select_n3A_2659 = arith.select %gt3A_2554, %sub3A_2656, %broadcast_in_dim3A_2658 : vector<16xi1>, vector<16xf32>
    %add3A_2660 = arith.addf %add3A_2371, %select_n3A_2659 : vector<16xf32>
    %get3A_2661 = arith.constant 96 : index
    %get3A_2662 = tpu.vector_load %arg9[%get3A_2661] {strides = array<i32>} : memref<128xi32, #tpu.memory_space<vmem>>, vector<16xi32>,
    %add3A_2663 = arith.constant 96 : i32
    %add3A_2664 = vector.broadcast %add3A_2663 : i32 to vector<16xi32>
    %add3A_2665 = arith.addi %add3A_2664, %iota3A : vector<16xi32>
    %mul3A_2666 = arith.constant 21 : i32
    %mul3A_2667 = vector.broadcast %mul3A_2666 : i32 to vector<16xi32>
    %mul3A_2668 = arith.muli %add3A_2665, %mul3A_2667 : vector<16xi32>
    %add3A_2669 = arith.constant 0 : i32
    %add3A_2670 = vector.broadcast %add3A_2669 : i32 to vector<16xi32>
    %add3A_2671 = arith.addi %mul3A_2668, %add3A_2670 : vector<16xi32>
    %gather3A_2672 = tpu.vector_load_idx %arg8[%add3A_2671] : memref<2688xf32, #tpu.memory_space<vmem>>[vector<16xi32>], vector<16xf32>,
    %add3A_2673 = arith.constant 1 : i32
    %add3A_2674 = vector.broadcast %add3A_2673 : i32 to vector<16xi32>
    %add3A_2675 = arith.addi %mul3A_2668, %add3A_2674 : vector<16xi32>
    %gather3A_2676 = tpu.vector_load_idx %arg8[%add3A_2675] : memref<2688xf32, #tpu.memory_space<vmem>>[vector<16xi32>], vector<16xf32>,
    %add3A_2677 = arith.constant 2 : i32
    %add3A_2678 = vector.broadcast %add3A_2677 : i32 to vector<16xi32>
    %add3A_2679 = arith.addi %mul3A_2668, %add3A_2678 : vector<16xi32>
    %gather3A_2680 = tpu.vector_load_idx %arg8[%add3A_2679] : memref<2688xf32, #tpu.memory_space<vmem>>[vector<16xi32>], vector<16xf32>,
    %add3A_2681 = arith.constant 3 : i32
    %add3A_2682 = vector.broadcast %add3A_2681 : i32 to vector<16xi32>
    %add3A_2683 = arith.addi %mul3A_2668, %add3A_2682 : vector<16xi32>
    %gather3A_2684 = tpu.vector_load_idx %arg8[%add3A_2683] : memref<2688xf32, #tpu.memory_space<vmem>>[vector<16xi32>], vector<16xf32>,
    %add3A_2685 = arith.constant 4 : i32
    %add3A_2686 = vector.broadcast %add3A_2685 : i32 to vector<16xi32>
    %add3A_2687 = arith.addi %mul3A_2668, %add3A_2686 : vector<16xi32>
    %gather3A_2688 = tpu.vector_load_idx %arg8[%add3A_2687] : memref<2688xf32, #tpu.memory_space<vmem>>[vector<16xi32>], vector<16xf32>,
    %add3A_2689 = arith.constant 5 : i32
    %add3A_2690 = vector.broadcast %add3A_2689 : i32 to vector<16xi32>
    %add3A_2691 = arith.addi %mul3A_2668, %add3A_2690 : vector<16xi32>
    %gather3A_2692 = tpu.vector_load_idx %arg8[%add3A_2691] : memref<2688xf32, #tpu.memory_space<vmem>>[vector<16xi32>], vector<16xf32>,
    %add3A_2693 = arith.constant 6 : i32
    %add3A_2694 = vector.broadcast %add3A_2693 : i32 to vector<16xi32>
    %add3A_2695 = arith.addi %mul3A_2668, %add3A_2694 : vector<16xi32>
    %gather3A_2696 = tpu.vector_load_idx %arg8[%add3A_2695] : memref<2688xf32, #tpu.memory_space<vmem>>[vector<16xi32>], vector<16xf32>,
    %add3A_2697 = arith.constant 7 : i32
    %add3A_2698 = vector.broadcast %add3A_2697 : i32 to vector<16xi32>
    %add3A_2699 = arith.addi %mul3A_2668, %add3A_2698 : vector<16xi32>
    %gather3A_2700 = tpu.vector_load_idx %arg8[%add3A_2699] : memref<2688xf32, #tpu.memory_space<vmem>>[vector<16xi32>], vector<16xf32>,
    %add3A_2701 = arith.constant 8 : i32
    %add3A_2702 = vector.broadcast %add3A_2701 : i32 to vector<16xi32>
    %add3A_2703 = arith.addi %mul3A_2668, %add3A_2702 : vector<16xi32>
    %gather3A_2704 = tpu.vector_load_idx %arg8[%add3A_2703] : memref<2688xf32, #tpu.memory_space<vmem>>[vector<16xi32>], vector<16xf32>,
    %add3A_2705 = arith.constant 9 : i32
    %add3A_2706 = vector.broadcast %add3A_2705 : i32 to vector<16xi32>
    %add3A_2707 = arith.addi %mul3A_2668, %add3A_2706 : vector<16xi32>
    %gather3A_2708 = tpu.vector_load_idx %arg8[%add3A_2707] : memref<2688xf32, #tpu.memory_space<vmem>>[vector<16xi32>], vector<16xf32>,
    %max3A_2709 = arith.maximumf %gather3A_2672, %gather3A_2676 : vector<16xf32>
    %max3A_2710 = arith.maximumf %max3A_2709, %gather3A_2680 : vector<16xf32>
    %max3A_2711 = arith.maximumf %max3A_2710, %gather3A_2684 : vector<16xf32>
    %max3A_2712 = arith.maximumf %max3A_2711, %gather3A_2688 : vector<16xf32>
    %max3A_2713 = arith.maximumf %max3A_2712, %gather3A_2692 : vector<16xf32>
    %max3A_2714 = arith.maximumf %max3A_2713, %gather3A_2696 : vector<16xf32>
    %max3A_2715 = arith.maximumf %max3A_2714, %gather3A_2700 : vector<16xf32>
    %max3A_2716 = arith.maximumf %max3A_2715, %gather3A_2704 : vector<16xf32>
    %max3A_2717 = arith.maximumf %max3A_2716, %gather3A_2708 : vector<16xf32>
    %sub3A_2718 = arith.subf %gather3A_2672, %max3A_2717 : vector<16xf32>
    %exp3A_2719 = math.exp %sub3A_2718 : vector<16xf32>
    %gather3A_2720 = tpu.vector_load_idx %arg14[%get3A_2662] : memref<160xf32, #tpu.memory_space<vmem>>[vector<16xi32>], vector<16xf32>,
    %mul3A_2721 = arith.mulf %exp3A_2719, %gather3A_2720 : vector<16xf32>
    %broadcast_in_dim3A_2722 = arith.constant 0 : i32
    %broadcast_in_dim3A_2723 = vector.broadcast %broadcast_in_dim3A_2722 : i32 to vector<16xi32>
    %sub3A_2724 = arith.subf %gather3A_2676, %max3A_2717 : vector<16xf32>
    %exp3A_2725 = math.exp %sub3A_2724 : vector<16xf32>
    %add3A_2726 = arith.constant 16 : i32
    %add3A_2727 = vector.broadcast %add3A_2726 : i32 to vector<16xi32>
    %add3A_2728 = arith.addi %get3A_2662, %add3A_2727 : vector<16xi32>
    %gather3A_2729 = tpu.vector_load_idx %arg14[%add3A_2728] : memref<160xf32, #tpu.memory_space<vmem>>[vector<16xi32>], vector<16xf32>,
    %mul3A_2730 = arith.mulf %exp3A_2725, %gather3A_2729 : vector<16xf32>
    %gt3A_2731 = arith.cmpf ogt, %mul3A_2730, %mul3A_2721 : vector<16xf32>
    %select_n3A_2732 = arith.select %gt3A_2731, %mul3A_2730, %mul3A_2721 : vector<16xi1>, vector<16xf32>
    %jit3A_2733 = arith.constant 1 : i32
    %broadcast_in_dim3A_2734 = vector.broadcast %jit3A_2733 : i32 to vector<16xi32>
    %select_n3A_2735 = arith.select %gt3A_2731, %broadcast_in_dim3A_2734, %broadcast_in_dim3A_2723 : vector<16xi1>, vector<16xi32>
    %add3A_2736 = arith.addf %mul3A_2721, %mul3A_2730 : vector<16xf32>
    %sub3A_2737 = arith.subf %gather3A_2680, %max3A_2717 : vector<16xf32>
    %exp3A_2738 = math.exp %sub3A_2737 : vector<16xf32>
    %add3A_2739 = arith.constant 32 : i32
    %add3A_2740 = vector.broadcast %add3A_2739 : i32 to vector<16xi32>
    %add3A_2741 = arith.addi %get3A_2662, %add3A_2740 : vector<16xi32>
    %gather3A_2742 = tpu.vector_load_idx %arg14[%add3A_2741] : memref<160xf32, #tpu.memory_space<vmem>>[vector<16xi32>], vector<16xf32>,
    %mul3A_2743 = arith.mulf %exp3A_2738, %gather3A_2742 : vector<16xf32>
    %gt3A_2744 = arith.cmpf ogt, %mul3A_2743, %select_n3A_2732 : vector<16xf32>
    %select_n3A_2745 = arith.select %gt3A_2744, %mul3A_2743, %select_n3A_2732 : vector<16xi1>, vector<16xf32>
    %jit3A_2746 = arith.constant 2 : i32
    %broadcast_in_dim3A_2747 = vector.broadcast %jit3A_2746 : i32 to vector<16xi32>
    %select_n3A_2748 = arith.select %gt3A_2744, %broadcast_in_dim3A_2747, %select_n3A_2735 : vector<16xi1>, vector<16xi32>
    %add3A_2749 = arith.addf %add3A_2736, %mul3A_2743 : vector<16xf32>
    %sub3A_2750 = arith.subf %gather3A_2684, %max3A_2717 : vector<16xf32>
    %exp3A_2751 = math.exp %sub3A_2750 : vector<16xf32>
    %add3A_2752 = arith.constant 48 : i32
    %add3A_2753 = vector.broadcast %add3A_2752 : i32 to vector<16xi32>
    %add3A_2754 = arith.addi %get3A_2662, %add3A_2753 : vector<16xi32>
    %gather3A_2755 = tpu.vector_load_idx %arg14[%add3A_2754] : memref<160xf32, #tpu.memory_space<vmem>>[vector<16xi32>], vector<16xf32>,
    %mul3A_2756 = arith.mulf %exp3A_2751, %gather3A_2755 : vector<16xf32>
    %gt3A_2757 = arith.cmpf ogt, %mul3A_2756, %select_n3A_2745 : vector<16xf32>
    %select_n3A_2758 = arith.select %gt3A_2757, %mul3A_2756, %select_n3A_2745 : vector<16xi1>, vector<16xf32>
    %jit3A_2759 = arith.constant 3 : i32
    %broadcast_in_dim3A_2760 = vector.broadcast %jit3A_2759 : i32 to vector<16xi32>
    %select_n3A_2761 = arith.select %gt3A_2757, %broadcast_in_dim3A_2760, %select_n3A_2748 : vector<16xi1>, vector<16xi32>
    %add3A_2762 = arith.addf %add3A_2749, %mul3A_2756 : vector<16xf32>
    %sub3A_2763 = arith.subf %gather3A_2688, %max3A_2717 : vector<16xf32>
    %exp3A_2764 = math.exp %sub3A_2763 : vector<16xf32>
    %add3A_2765 = arith.constant 64 : i32
    %add3A_2766 = vector.broadcast %add3A_2765 : i32 to vector<16xi32>
    %add3A_2767 = arith.addi %get3A_2662, %add3A_2766 : vector<16xi32>
    %gather3A_2768 = tpu.vector_load_idx %arg14[%add3A_2767] : memref<160xf32, #tpu.memory_space<vmem>>[vector<16xi32>], vector<16xf32>,
    %mul3A_2769 = arith.mulf %exp3A_2764, %gather3A_2768 : vector<16xf32>
    %gt3A_2770 = arith.cmpf ogt, %mul3A_2769, %select_n3A_2758 : vector<16xf32>
    %select_n3A_2771 = arith.select %gt3A_2770, %mul3A_2769, %select_n3A_2758 : vector<16xi1>, vector<16xf32>
    %jit3A_2772 = arith.constant 4 : i32
    %broadcast_in_dim3A_2773 = vector.broadcast %jit3A_2772 : i32 to vector<16xi32>
    %select_n3A_2774 = arith.select %gt3A_2770, %broadcast_in_dim3A_2773, %select_n3A_2761 : vector<16xi1>, vector<16xi32>
    %add3A_2775 = arith.addf %add3A_2762, %mul3A_2769 : vector<16xf32>
    %sub3A_2776 = arith.subf %gather3A_2692, %max3A_2717 : vector<16xf32>
    %exp3A_2777 = math.exp %sub3A_2776 : vector<16xf32>
    %add3A_2778 = arith.constant 80 : i32
    %add3A_2779 = vector.broadcast %add3A_2778 : i32 to vector<16xi32>
    %add3A_2780 = arith.addi %get3A_2662, %add3A_2779 : vector<16xi32>
    %gather3A_2781 = tpu.vector_load_idx %arg14[%add3A_2780] : memref<160xf32, #tpu.memory_space<vmem>>[vector<16xi32>], vector<16xf32>,
    %mul3A_2782 = arith.mulf %exp3A_2777, %gather3A_2781 : vector<16xf32>
    %gt3A_2783 = arith.cmpf ogt, %mul3A_2782, %select_n3A_2771 : vector<16xf32>
    %select_n3A_2784 = arith.select %gt3A_2783, %mul3A_2782, %select_n3A_2771 : vector<16xi1>, vector<16xf32>
    %jit3A_2785 = arith.constant 5 : i32
    %broadcast_in_dim3A_2786 = vector.broadcast %jit3A_2785 : i32 to vector<16xi32>
    %select_n3A_2787 = arith.select %gt3A_2783, %broadcast_in_dim3A_2786, %select_n3A_2774 : vector<16xi1>, vector<16xi32>
    %add3A_2788 = arith.addf %add3A_2775, %mul3A_2782 : vector<16xf32>
    %sub3A_2789 = arith.subf %gather3A_2696, %max3A_2717 : vector<16xf32>
    %exp3A_2790 = math.exp %sub3A_2789 : vector<16xf32>
    %add3A_2791 = arith.constant 96 : i32
    %add3A_2792 = vector.broadcast %add3A_2791 : i32 to vector<16xi32>
    %add3A_2793 = arith.addi %get3A_2662, %add3A_2792 : vector<16xi32>
    %gather3A_2794 = tpu.vector_load_idx %arg14[%add3A_2793] : memref<160xf32, #tpu.memory_space<vmem>>[vector<16xi32>], vector<16xf32>,
    %mul3A_2795 = arith.mulf %exp3A_2790, %gather3A_2794 : vector<16xf32>
    %gt3A_2796 = arith.cmpf ogt, %mul3A_2795, %select_n3A_2784 : vector<16xf32>
    %select_n3A_2797 = arith.select %gt3A_2796, %mul3A_2795, %select_n3A_2784 : vector<16xi1>, vector<16xf32>
    %jit3A_2798 = arith.constant 6 : i32
    %broadcast_in_dim3A_2799 = vector.broadcast %jit3A_2798 : i32 to vector<16xi32>
    %select_n3A_2800 = arith.select %gt3A_2796, %broadcast_in_dim3A_2799, %select_n3A_2787 : vector<16xi1>, vector<16xi32>
    %add3A_2801 = arith.addf %add3A_2788, %mul3A_2795 : vector<16xf32>
    %sub3A_2802 = arith.subf %gather3A_2700, %max3A_2717 : vector<16xf32>
    %exp3A_2803 = math.exp %sub3A_2802 : vector<16xf32>
    %add3A_2804 = arith.constant 112 : i32
    %add3A_2805 = vector.broadcast %add3A_2804 : i32 to vector<16xi32>
    %add3A_2806 = arith.addi %get3A_2662, %add3A_2805 : vector<16xi32>
    %gather3A_2807 = tpu.vector_load_idx %arg14[%add3A_2806] : memref<160xf32, #tpu.memory_space<vmem>>[vector<16xi32>], vector<16xf32>,
    %mul3A_2808 = arith.mulf %exp3A_2803, %gather3A_2807 : vector<16xf32>
    %gt3A_2809 = arith.cmpf ogt, %mul3A_2808, %select_n3A_2797 : vector<16xf32>
    %select_n3A_2810 = arith.select %gt3A_2809, %mul3A_2808, %select_n3A_2797 : vector<16xi1>, vector<16xf32>
    %jit3A_2811 = arith.constant 7 : i32
    %broadcast_in_dim3A_2812 = vector.broadcast %jit3A_2811 : i32 to vector<16xi32>
    %select_n3A_2813 = arith.select %gt3A_2809, %broadcast_in_dim3A_2812, %select_n3A_2800 : vector<16xi1>, vector<16xi32>
    %add3A_2814 = arith.addf %add3A_2801, %mul3A_2808 : vector<16xf32>
    %sub3A_2815 = arith.subf %gather3A_2704, %max3A_2717 : vector<16xf32>
    %exp3A_2816 = math.exp %sub3A_2815 : vector<16xf32>
    %add3A_2817 = arith.constant 128 : i32
    %add3A_2818 = vector.broadcast %add3A_2817 : i32 to vector<16xi32>
    %add3A_2819 = arith.addi %get3A_2662, %add3A_2818 : vector<16xi32>
    %gather3A_2820 = tpu.vector_load_idx %arg14[%add3A_2819] : memref<160xf32, #tpu.memory_space<vmem>>[vector<16xi32>], vector<16xf32>,
    %mul3A_2821 = arith.mulf %exp3A_2816, %gather3A_2820 : vector<16xf32>
    %gt3A_2822 = arith.cmpf ogt, %mul3A_2821, %select_n3A_2810 : vector<16xf32>
    %select_n3A_2823 = arith.select %gt3A_2822, %mul3A_2821, %select_n3A_2810 : vector<16xi1>, vector<16xf32>
    %jit3A_2824 = arith.constant 8 : i32
    %broadcast_in_dim3A_2825 = vector.broadcast %jit3A_2824 : i32 to vector<16xi32>
    %select_n3A_2826 = arith.select %gt3A_2822, %broadcast_in_dim3A_2825, %select_n3A_2813 : vector<16xi1>, vector<16xi32>
    %add3A_2827 = arith.addf %add3A_2814, %mul3A_2821 : vector<16xf32>
    %sub3A_2828 = arith.subf %gather3A_2708, %max3A_2717 : vector<16xf32>
    %exp3A_2829 = math.exp %sub3A_2828 : vector<16xf32>
    %add3A_2830 = arith.constant 144 : i32
    %add3A_2831 = vector.broadcast %add3A_2830 : i32 to vector<16xi32>
    %add3A_2832 = arith.addi %get3A_2662, %add3A_2831 : vector<16xi32>
    %gather3A_2833 = tpu.vector_load_idx %arg14[%add3A_2832] : memref<160xf32, #tpu.memory_space<vmem>>[vector<16xi32>], vector<16xf32>,
    %mul3A_2834 = arith.mulf %exp3A_2829, %gather3A_2833 : vector<16xf32>
    %gt3A_2835 = arith.cmpf ogt, %mul3A_2834, %select_n3A_2823 : vector<16xf32>
    %select_n3A_2836 = arith.select %gt3A_2835, %mul3A_2834, %select_n3A_2823 : vector<16xi1>, vector<16xf32>
    %jit3A_2837 = arith.constant 9 : i32
    %broadcast_in_dim3A_2838 = vector.broadcast %jit3A_2837 : i32 to vector<16xi32>
    %select_n3A_2839 = arith.select %gt3A_2835, %broadcast_in_dim3A_2838, %select_n3A_2826 : vector<16xi1>, vector<16xi32>
    %add3A_2840 = arith.addf %add3A_2827, %mul3A_2834 : vector<16xf32>
    %div3A_2841 = arith.divf %select_n3A_2836, %add3A_2840 : vector<16xf32>
    %gather3A_2842 = tpu.vector_load_idx %arg15[%select_n3A_2839] : memref<16xf32, #tpu.memory_space<vmem>>[vector<16xi32>], vector<16xf32>,
    %gt3A_2843 = arith.cmpf ogt, %div3A_2841, %gather3A_2842 : vector<16xf32>
    %add3A_2844 = arith.constant 10 : i32
    %add3A_2845 = vector.broadcast %add3A_2844 : i32 to vector<16xi32>
    %add3A_2846 = arith.addi %mul3A_2668, %add3A_2845 : vector<16xi32>
    %gather3A_2847 = tpu.vector_load_idx %arg8[%add3A_2846] : memref<2688xf32, #tpu.memory_space<vmem>>[vector<16xi32>], vector<16xf32>,
    %add3A_2848 = arith.constant 11 : i32
    %add3A_2849 = vector.broadcast %add3A_2848 : i32 to vector<16xi32>
    %add3A_2850 = arith.addi %mul3A_2668, %add3A_2849 : vector<16xi32>
    %gather3A_2851 = tpu.vector_load_idx %arg8[%add3A_2850] : memref<2688xf32, #tpu.memory_space<vmem>>[vector<16xi32>], vector<16xf32>,
    %add3A_2852 = arith.constant 12 : i32
    %add3A_2853 = vector.broadcast %add3A_2852 : i32 to vector<16xi32>
    %add3A_2854 = arith.addi %mul3A_2668, %add3A_2853 : vector<16xi32>
    %gather3A_2855 = tpu.vector_load_idx %arg8[%add3A_2854] : memref<2688xf32, #tpu.memory_space<vmem>>[vector<16xi32>], vector<16xf32>,
    %add3A_2856 = arith.constant 13 : i32
    %add3A_2857 = vector.broadcast %add3A_2856 : i32 to vector<16xi32>
    %add3A_2858 = arith.addi %mul3A_2668, %add3A_2857 : vector<16xi32>
    %gather3A_2859 = tpu.vector_load_idx %arg8[%add3A_2858] : memref<2688xf32, #tpu.memory_space<vmem>>[vector<16xi32>], vector<16xf32>,
    %add3A_2860 = arith.constant 14 : i32
    %add3A_2861 = vector.broadcast %add3A_2860 : i32 to vector<16xi32>
    %add3A_2862 = arith.addi %mul3A_2668, %add3A_2861 : vector<16xi32>
    %gather3A_2863 = tpu.vector_load_idx %arg8[%add3A_2862] : memref<2688xf32, #tpu.memory_space<vmem>>[vector<16xi32>], vector<16xf32>,
    %add3A_2864 = arith.constant 15 : i32
    %add3A_2865 = vector.broadcast %add3A_2864 : i32 to vector<16xi32>
    %add3A_2866 = arith.addi %mul3A_2668, %add3A_2865 : vector<16xi32>
    %gather3A_2867 = tpu.vector_load_idx %arg8[%add3A_2866] : memref<2688xf32, #tpu.memory_space<vmem>>[vector<16xi32>], vector<16xf32>,
    %add3A_2868 = arith.constant 16 : i32
    %add3A_2869 = vector.broadcast %add3A_2868 : i32 to vector<16xi32>
    %add3A_2870 = arith.addi %mul3A_2668, %add3A_2869 : vector<16xi32>
    %gather3A_2871 = tpu.vector_load_idx %arg8[%add3A_2870] : memref<2688xf32, #tpu.memory_space<vmem>>[vector<16xi32>], vector<16xf32>,
    %add3A_2872 = arith.constant 17 : i32
    %add3A_2873 = vector.broadcast %add3A_2872 : i32 to vector<16xi32>
    %add3A_2874 = arith.addi %mul3A_2668, %add3A_2873 : vector<16xi32>
    %gather3A_2875 = tpu.vector_load_idx %arg8[%add3A_2874] : memref<2688xf32, #tpu.memory_space<vmem>>[vector<16xi32>], vector<16xf32>,
    %add3A_2876 = arith.constant 18 : i32
    %add3A_2877 = vector.broadcast %add3A_2876 : i32 to vector<16xi32>
    %add3A_2878 = arith.addi %mul3A_2668, %add3A_2877 : vector<16xi32>
    %gather3A_2879 = tpu.vector_load_idx %arg8[%add3A_2878] : memref<2688xf32, #tpu.memory_space<vmem>>[vector<16xi32>], vector<16xf32>,
    %add3A_2880 = arith.constant 19 : i32
    %add3A_2881 = vector.broadcast %add3A_2880 : i32 to vector<16xi32>
    %add3A_2882 = arith.addi %mul3A_2668, %add3A_2881 : vector<16xi32>
    %gather3A_2883 = tpu.vector_load_idx %arg8[%add3A_2882] : memref<2688xf32, #tpu.memory_space<vmem>>[vector<16xi32>], vector<16xf32>,
    %max3A_2884 = arith.maximumf %gather3A_2847, %gather3A_2851 : vector<16xf32>
    %max3A_2885 = arith.maximumf %max3A_2884, %gather3A_2855 : vector<16xf32>
    %max3A_2886 = arith.maximumf %max3A_2885, %gather3A_2859 : vector<16xf32>
    %max3A_2887 = arith.maximumf %max3A_2886, %gather3A_2863 : vector<16xf32>
    %max3A_2888 = arith.maximumf %max3A_2887, %gather3A_2867 : vector<16xf32>
    %max3A_2889 = arith.maximumf %max3A_2888, %gather3A_2871 : vector<16xf32>
    %max3A_2890 = arith.maximumf %max3A_2889, %gather3A_2875 : vector<16xf32>
    %max3A_2891 = arith.maximumf %max3A_2890, %gather3A_2879 : vector<16xf32>
    %max3A_2892 = arith.maximumf %max3A_2891, %gather3A_2883 : vector<16xf32>
    %sub3A_2893 = arith.subf %gather3A_2847, %max3A_2892 : vector<16xf32>
    %exp3A_2894 = math.exp %sub3A_2893 : vector<16xf32>
    %sub3A_2895 = arith.subf %gather3A_2851, %max3A_2892 : vector<16xf32>
    %exp3A_2896 = math.exp %sub3A_2895 : vector<16xf32>
    %add3A_2897 = arith.addf %exp3A_2894, %exp3A_2896 : vector<16xf32>
    %sub3A_2898 = arith.subf %gather3A_2855, %max3A_2892 : vector<16xf32>
    %exp3A_2899 = math.exp %sub3A_2898 : vector<16xf32>
    %add3A_2900 = arith.addf %add3A_2897, %exp3A_2899 : vector<16xf32>
    %sub3A_2901 = arith.subf %gather3A_2859, %max3A_2892 : vector<16xf32>
    %exp3A_2902 = math.exp %sub3A_2901 : vector<16xf32>
    %add3A_2903 = arith.addf %add3A_2900, %exp3A_2902 : vector<16xf32>
    %sub3A_2904 = arith.subf %gather3A_2863, %max3A_2892 : vector<16xf32>
    %exp3A_2905 = math.exp %sub3A_2904 : vector<16xf32>
    %add3A_2906 = arith.addf %add3A_2903, %exp3A_2905 : vector<16xf32>
    %sub3A_2907 = arith.subf %gather3A_2867, %max3A_2892 : vector<16xf32>
    %exp3A_2908 = math.exp %sub3A_2907 : vector<16xf32>
    %add3A_2909 = arith.addf %add3A_2906, %exp3A_2908 : vector<16xf32>
    %sub3A_2910 = arith.subf %gather3A_2871, %max3A_2892 : vector<16xf32>
    %exp3A_2911 = math.exp %sub3A_2910 : vector<16xf32>
    %add3A_2912 = arith.addf %add3A_2909, %exp3A_2911 : vector<16xf32>
    %sub3A_2913 = arith.subf %gather3A_2875, %max3A_2892 : vector<16xf32>
    %exp3A_2914 = math.exp %sub3A_2913 : vector<16xf32>
    %add3A_2915 = arith.addf %add3A_2912, %exp3A_2914 : vector<16xf32>
    %sub3A_2916 = arith.subf %gather3A_2879, %max3A_2892 : vector<16xf32>
    %exp3A_2917 = math.exp %sub3A_2916 : vector<16xf32>
    %add3A_2918 = arith.addf %add3A_2915, %exp3A_2917 : vector<16xf32>
    %sub3A_2919 = arith.subf %gather3A_2883, %max3A_2892 : vector<16xf32>
    %exp3A_2920 = math.exp %sub3A_2919 : vector<16xf32>
    %add3A_2921 = arith.addf %add3A_2918, %exp3A_2920 : vector<16xf32>
    %add3A_2922 = arith.constant 10 : i32
    %add3A_2923 = vector.broadcast %add3A_2922 : i32 to vector<16xi32>
    %add3A_2924 = arith.addi %mul3A_2668, %add3A_2923 : vector<16xi32>
    %add3A_2925 = arith.addi %add3A_2924, %select_n3A_2839 : vector<16xi32>
    %gather3A_2926 = tpu.vector_load_idx %arg8[%add3A_2925] : memref<2688xf32, #tpu.memory_space<vmem>>[vector<16xi32>], vector<16xf32>,
    %bitcast3A_2927 = vector.bitcast %add3A_2921 : vector<16xf32> to vector<16xi32>
    %convert_element_type3A_2928 = arith.sitofp %bitcast3A_2927 : vector<16xi32> to vector<16xf32>
    %mul3A_2929 = arith.constant 8.26295832E-8 : f32
    %mul3A_2930 = vector.broadcast %mul3A_2929 : f32 to vector<16xf32>
    %mul3A_2931 = arith.mulf %convert_element_type3A_2928, %mul3A_2930 : vector<16xf32>
    %sub3A_2932 = arith.constant 87.9899673 : f32
    %sub3A_2933 = vector.broadcast %sub3A_2932 : f32 to vector<16xf32>
    %sub3A_2934 = arith.subf %mul3A_2931, %sub3A_2933 : vector<16xf32>
    %neg3A_2935 = arith.constant 0.000000e+00 : f32
    %neg3A_2936 = vector.broadcast %neg3A_2935 : f32 to vector<16xf32>
    %neg3A_2937 = arith.subf %neg3A_2936, %sub3A_2934 : vector<16xf32>
    %exp3A_2938 = math.exp %neg3A_2937 : vector<16xf32>
    %mul3A_2939 = arith.mulf %add3A_2921, %exp3A_2938 : vector<16xf32>
    %add3A_2940 = arith.addf %sub3A_2934, %mul3A_2939 : vector<16xf32>
    %sub3A_2941 = arith.constant 1.000000e+00 : f32
    %sub3A_2942 = vector.broadcast %sub3A_2941 : f32 to vector<16xf32>
    %sub3A_2943 = arith.subf %add3A_2940, %sub3A_2942 : vector<16xf32>
    %add3A_2944 = arith.addf %max3A_2892, %sub3A_2943 : vector<16xf32>
    %sub3A_2945 = arith.subf %add3A_2944, %gather3A_2926 : vector<16xf32>
    %jit3A_2946 = arith.constant 0.000000e+00 : f32
    %broadcast_in_dim3A_2947 = vector.broadcast %jit3A_2946 : f32 to vector<16xf32>
    %select_n3A_2948 = arith.select %gt3A_2843, %sub3A_2945, %broadcast_in_dim3A_2947 : vector<16xi1>, vector<16xf32>
    %add3A_2949 = arith.addf %add3A_2660, %select_n3A_2948 : vector<16xf32>
    %get3A_2950 = arith.constant 112 : index
    %get3A_2951 = tpu.vector_load %arg9[%get3A_2950] {strides = array<i32>} : memref<128xi32, #tpu.memory_space<vmem>>, vector<16xi32>,
    %add3A_2952 = arith.constant 112 : i32
    %add3A_2953 = vector.broadcast %add3A_2952 : i32 to vector<16xi32>
    %add3A_2954 = arith.addi %add3A_2953, %iota3A : vector<16xi32>
    %mul3A_2955 = arith.constant 21 : i32
    %mul3A_2956 = vector.broadcast %mul3A_2955 : i32 to vector<16xi32>
    %mul3A_2957 = arith.muli %add3A_2954, %mul3A_2956 : vector<16xi32>
    %add3A_2958 = arith.constant 0 : i32
    %add3A_2959 = vector.broadcast %add3A_2958 : i32 to vector<16xi32>
    %add3A_2960 = arith.addi %mul3A_2957, %add3A_2959 : vector<16xi32>
    %gather3A_2961 = tpu.vector_load_idx %arg8[%add3A_2960] : memref<2688xf32, #tpu.memory_space<vmem>>[vector<16xi32>], vector<16xf32>,
    %add3A_2962 = arith.constant 1 : i32
    %add3A_2963 = vector.broadcast %add3A_2962 : i32 to vector<16xi32>
    %add3A_2964 = arith.addi %mul3A_2957, %add3A_2963 : vector<16xi32>
    %gather3A_2965 = tpu.vector_load_idx %arg8[%add3A_2964] : memref<2688xf32, #tpu.memory_space<vmem>>[vector<16xi32>], vector<16xf32>,
    %add3A_2966 = arith.constant 2 : i32
    %add3A_2967 = vector.broadcast %add3A_2966 : i32 to vector<16xi32>
    %add3A_2968 = arith.addi %mul3A_2957, %add3A_2967 : vector<16xi32>
    %gather3A_2969 = tpu.vector_load_idx %arg8[%add3A_2968] : memref<2688xf32, #tpu.memory_space<vmem>>[vector<16xi32>], vector<16xf32>,
    %add3A_2970 = arith.constant 3 : i32
    %add3A_2971 = vector.broadcast %add3A_2970 : i32 to vector<16xi32>
    %add3A_2972 = arith.addi %mul3A_2957, %add3A_2971 : vector<16xi32>
    %gather3A_2973 = tpu.vector_load_idx %arg8[%add3A_2972] : memref<2688xf32, #tpu.memory_space<vmem>>[vector<16xi32>], vector<16xf32>,
    %add3A_2974 = arith.constant 4 : i32
    %add3A_2975 = vector.broadcast %add3A_2974 : i32 to vector<16xi32>
    %add3A_2976 = arith.addi %mul3A_2957, %add3A_2975 : vector<16xi32>
    %gather3A_2977 = tpu.vector_load_idx %arg8[%add3A_2976] : memref<2688xf32, #tpu.memory_space<vmem>>[vector<16xi32>], vector<16xf32>,
    %add3A_2978 = arith.constant 5 : i32
    %add3A_2979 = vector.broadcast %add3A_2978 : i32 to vector<16xi32>
    %add3A_2980 = arith.addi %mul3A_2957, %add3A_2979 : vector<16xi32>
    %gather3A_2981 = tpu.vector_load_idx %arg8[%add3A_2980] : memref<2688xf32, #tpu.memory_space<vmem>>[vector<16xi32>], vector<16xf32>,
    %add3A_2982 = arith.constant 6 : i32
    %add3A_2983 = vector.broadcast %add3A_2982 : i32 to vector<16xi32>
    %add3A_2984 = arith.addi %mul3A_2957, %add3A_2983 : vector<16xi32>
    %gather3A_2985 = tpu.vector_load_idx %arg8[%add3A_2984] : memref<2688xf32, #tpu.memory_space<vmem>>[vector<16xi32>], vector<16xf32>,
    %add3A_2986 = arith.constant 7 : i32
    %add3A_2987 = vector.broadcast %add3A_2986 : i32 to vector<16xi32>
    %add3A_2988 = arith.addi %mul3A_2957, %add3A_2987 : vector<16xi32>
    %gather3A_2989 = tpu.vector_load_idx %arg8[%add3A_2988] : memref<2688xf32, #tpu.memory_space<vmem>>[vector<16xi32>], vector<16xf32>,
    %add3A_2990 = arith.constant 8 : i32
    %add3A_2991 = vector.broadcast %add3A_2990 : i32 to vector<16xi32>
    %add3A_2992 = arith.addi %mul3A_2957, %add3A_2991 : vector<16xi32>
    %gather3A_2993 = tpu.vector_load_idx %arg8[%add3A_2992] : memref<2688xf32, #tpu.memory_space<vmem>>[vector<16xi32>], vector<16xf32>,
    %add3A_2994 = arith.constant 9 : i32
    %add3A_2995 = vector.broadcast %add3A_2994 : i32 to vector<16xi32>
    %add3A_2996 = arith.addi %mul3A_2957, %add3A_2995 : vector<16xi32>
    %gather3A_2997 = tpu.vector_load_idx %arg8[%add3A_2996] : memref<2688xf32, #tpu.memory_space<vmem>>[vector<16xi32>], vector<16xf32>,
    %max3A_2998 = arith.maximumf %gather3A_2961, %gather3A_2965 : vector<16xf32>
    %max3A_2999 = arith.maximumf %max3A_2998, %gather3A_2969 : vector<16xf32>
    %max3A_3000 = arith.maximumf %max3A_2999, %gather3A_2973 : vector<16xf32>
    %max3A_3001 = arith.maximumf %max3A_3000, %gather3A_2977 : vector<16xf32>
    %max3A_3002 = arith.maximumf %max3A_3001, %gather3A_2981 : vector<16xf32>
    %max3A_3003 = arith.maximumf %max3A_3002, %gather3A_2985 : vector<16xf32>
    %max3A_3004 = arith.maximumf %max3A_3003, %gather3A_2989 : vector<16xf32>
    %max3A_3005 = arith.maximumf %max3A_3004, %gather3A_2993 : vector<16xf32>
    %max3A_3006 = arith.maximumf %max3A_3005, %gather3A_2997 : vector<16xf32>
    %sub3A_3007 = arith.subf %gather3A_2961, %max3A_3006 : vector<16xf32>
    %exp3A_3008 = math.exp %sub3A_3007 : vector<16xf32>
    %gather3A_3009 = tpu.vector_load_idx %arg14[%get3A_2951] : memref<160xf32, #tpu.memory_space<vmem>>[vector<16xi32>], vector<16xf32>,
    %mul3A_3010 = arith.mulf %exp3A_3008, %gather3A_3009 : vector<16xf32>
    %broadcast_in_dim3A_3011 = arith.constant 0 : i32
    %broadcast_in_dim3A_3012 = vector.broadcast %broadcast_in_dim3A_3011 : i32 to vector<16xi32>
    %sub3A_3013 = arith.subf %gather3A_2965, %max3A_3006 : vector<16xf32>
    %exp3A_3014 = math.exp %sub3A_3013 : vector<16xf32>
    %add3A_3015 = arith.constant 16 : i32
    %add3A_3016 = vector.broadcast %add3A_3015 : i32 to vector<16xi32>
    %add3A_3017 = arith.addi %get3A_2951, %add3A_3016 : vector<16xi32>
    %gather3A_3018 = tpu.vector_load_idx %arg14[%add3A_3017] : memref<160xf32, #tpu.memory_space<vmem>>[vector<16xi32>], vector<16xf32>,
    %mul3A_3019 = arith.mulf %exp3A_3014, %gather3A_3018 : vector<16xf32>
    %gt3A_3020 = arith.cmpf ogt, %mul3A_3019, %mul3A_3010 : vector<16xf32>
    %select_n3A_3021 = arith.select %gt3A_3020, %mul3A_3019, %mul3A_3010 : vector<16xi1>, vector<16xf32>
    %jit3A_3022 = arith.constant 1 : i32
    %broadcast_in_dim3A_3023 = vector.broadcast %jit3A_3022 : i32 to vector<16xi32>
    %select_n3A_3024 = arith.select %gt3A_3020, %broadcast_in_dim3A_3023, %broadcast_in_dim3A_3012 : vector<16xi1>, vector<16xi32>
    %add3A_3025 = arith.addf %mul3A_3010, %mul3A_3019 : vector<16xf32>
    %sub3A_3026 = arith.subf %gather3A_2969, %max3A_3006 : vector<16xf32>
    %exp3A_3027 = math.exp %sub3A_3026 : vector<16xf32>
    %add3A_3028 = arith.constant 32 : i32
    %add3A_3029 = vector.broadcast %add3A_3028 : i32 to vector<16xi32>
    %add3A_3030 = arith.addi %get3A_2951, %add3A_3029 : vector<16xi32>
    %gather3A_3031 = tpu.vector_load_idx %arg14[%add3A_3030] : memref<160xf32, #tpu.memory_space<vmem>>[vector<16xi32>], vector<16xf32>,
    %mul3A_3032 = arith.mulf %exp3A_3027, %gather3A_3031 : vector<16xf32>
    %gt3A_3033 = arith.cmpf ogt, %mul3A_3032, %select_n3A_3021 : vector<16xf32>
    %select_n3A_3034 = arith.select %gt3A_3033, %mul3A_3032, %select_n3A_3021 : vector<16xi1>, vector<16xf32>
    %jit3A_3035 = arith.constant 2 : i32
    %broadcast_in_dim3A_3036 = vector.broadcast %jit3A_3035 : i32 to vector<16xi32>
    %select_n3A_3037 = arith.select %gt3A_3033, %broadcast_in_dim3A_3036, %select_n3A_3024 : vector<16xi1>, vector<16xi32>
    %add3A_3038 = arith.addf %add3A_3025, %mul3A_3032 : vector<16xf32>
    %sub3A_3039 = arith.subf %gather3A_2973, %max3A_3006 : vector<16xf32>
    %exp3A_3040 = math.exp %sub3A_3039 : vector<16xf32>
    %add3A_3041 = arith.constant 48 : i32
    %add3A_3042 = vector.broadcast %add3A_3041 : i32 to vector<16xi32>
    %add3A_3043 = arith.addi %get3A_2951, %add3A_3042 : vector<16xi32>
    %gather3A_3044 = tpu.vector_load_idx %arg14[%add3A_3043] : memref<160xf32, #tpu.memory_space<vmem>>[vector<16xi32>], vector<16xf32>,
    %mul3A_3045 = arith.mulf %exp3A_3040, %gather3A_3044 : vector<16xf32>
    %gt3A_3046 = arith.cmpf ogt, %mul3A_3045, %select_n3A_3034 : vector<16xf32>
    %select_n3A_3047 = arith.select %gt3A_3046, %mul3A_3045, %select_n3A_3034 : vector<16xi1>, vector<16xf32>
    %jit3A_3048 = arith.constant 3 : i32
    %broadcast_in_dim3A_3049 = vector.broadcast %jit3A_3048 : i32 to vector<16xi32>
    %select_n3A_3050 = arith.select %gt3A_3046, %broadcast_in_dim3A_3049, %select_n3A_3037 : vector<16xi1>, vector<16xi32>
    %add3A_3051 = arith.addf %add3A_3038, %mul3A_3045 : vector<16xf32>
    %sub3A_3052 = arith.subf %gather3A_2977, %max3A_3006 : vector<16xf32>
    %exp3A_3053 = math.exp %sub3A_3052 : vector<16xf32>
    %add3A_3054 = arith.constant 64 : i32
    %add3A_3055 = vector.broadcast %add3A_3054 : i32 to vector<16xi32>
    %add3A_3056 = arith.addi %get3A_2951, %add3A_3055 : vector<16xi32>
    %gather3A_3057 = tpu.vector_load_idx %arg14[%add3A_3056] : memref<160xf32, #tpu.memory_space<vmem>>[vector<16xi32>], vector<16xf32>,
    %mul3A_3058 = arith.mulf %exp3A_3053, %gather3A_3057 : vector<16xf32>
    %gt3A_3059 = arith.cmpf ogt, %mul3A_3058, %select_n3A_3047 : vector<16xf32>
    %select_n3A_3060 = arith.select %gt3A_3059, %mul3A_3058, %select_n3A_3047 : vector<16xi1>, vector<16xf32>
    %jit3A_3061 = arith.constant 4 : i32
    %broadcast_in_dim3A_3062 = vector.broadcast %jit3A_3061 : i32 to vector<16xi32>
    %select_n3A_3063 = arith.select %gt3A_3059, %broadcast_in_dim3A_3062, %select_n3A_3050 : vector<16xi1>, vector<16xi32>
    %add3A_3064 = arith.addf %add3A_3051, %mul3A_3058 : vector<16xf32>
    %sub3A_3065 = arith.subf %gather3A_2981, %max3A_3006 : vector<16xf32>
    %exp3A_3066 = math.exp %sub3A_3065 : vector<16xf32>
    %add3A_3067 = arith.constant 80 : i32
    %add3A_3068 = vector.broadcast %add3A_3067 : i32 to vector<16xi32>
    %add3A_3069 = arith.addi %get3A_2951, %add3A_3068 : vector<16xi32>
    %gather3A_3070 = tpu.vector_load_idx %arg14[%add3A_3069] : memref<160xf32, #tpu.memory_space<vmem>>[vector<16xi32>], vector<16xf32>,
    %mul3A_3071 = arith.mulf %exp3A_3066, %gather3A_3070 : vector<16xf32>
    %gt3A_3072 = arith.cmpf ogt, %mul3A_3071, %select_n3A_3060 : vector<16xf32>
    %select_n3A_3073 = arith.select %gt3A_3072, %mul3A_3071, %select_n3A_3060 : vector<16xi1>, vector<16xf32>
    %jit3A_3074 = arith.constant 5 : i32
    %broadcast_in_dim3A_3075 = vector.broadcast %jit3A_3074 : i32 to vector<16xi32>
    %select_n3A_3076 = arith.select %gt3A_3072, %broadcast_in_dim3A_3075, %select_n3A_3063 : vector<16xi1>, vector<16xi32>
    %add3A_3077 = arith.addf %add3A_3064, %mul3A_3071 : vector<16xf32>
    %sub3A_3078 = arith.subf %gather3A_2985, %max3A_3006 : vector<16xf32>
    %exp3A_3079 = math.exp %sub3A_3078 : vector<16xf32>
    %add3A_3080 = arith.constant 96 : i32
    %add3A_3081 = vector.broadcast %add3A_3080 : i32 to vector<16xi32>
    %add3A_3082 = arith.addi %get3A_2951, %add3A_3081 : vector<16xi32>
    %gather3A_3083 = tpu.vector_load_idx %arg14[%add3A_3082] : memref<160xf32, #tpu.memory_space<vmem>>[vector<16xi32>], vector<16xf32>,
    %mul3A_3084 = arith.mulf %exp3A_3079, %gather3A_3083 : vector<16xf32>
    %gt3A_3085 = arith.cmpf ogt, %mul3A_3084, %select_n3A_3073 : vector<16xf32>
    %select_n3A_3086 = arith.select %gt3A_3085, %mul3A_3084, %select_n3A_3073 : vector<16xi1>, vector<16xf32>
    %jit3A_3087 = arith.constant 6 : i32
    %broadcast_in_dim3A_3088 = vector.broadcast %jit3A_3087 : i32 to vector<16xi32>
    %select_n3A_3089 = arith.select %gt3A_3085, %broadcast_in_dim3A_3088, %select_n3A_3076 : vector<16xi1>, vector<16xi32>
    %add3A_3090 = arith.addf %add3A_3077, %mul3A_3084 : vector<16xf32>
    %sub3A_3091 = arith.subf %gather3A_2989, %max3A_3006 : vector<16xf32>
    %exp3A_3092 = math.exp %sub3A_3091 : vector<16xf32>
    %add3A_3093 = arith.constant 112 : i32
    %add3A_3094 = vector.broadcast %add3A_3093 : i32 to vector<16xi32>
    %add3A_3095 = arith.addi %get3A_2951, %add3A_3094 : vector<16xi32>
    %gather3A_3096 = tpu.vector_load_idx %arg14[%add3A_3095] : memref<160xf32, #tpu.memory_space<vmem>>[vector<16xi32>], vector<16xf32>,
    %mul3A_3097 = arith.mulf %exp3A_3092, %gather3A_3096 : vector<16xf32>
    %gt3A_3098 = arith.cmpf ogt, %mul3A_3097, %select_n3A_3086 : vector<16xf32>
    %select_n3A_3099 = arith.select %gt3A_3098, %mul3A_3097, %select_n3A_3086 : vector<16xi1>, vector<16xf32>
    %jit3A_3100 = arith.constant 7 : i32
    %broadcast_in_dim3A_3101 = vector.broadcast %jit3A_3100 : i32 to vector<16xi32>
    %select_n3A_3102 = arith.select %gt3A_3098, %broadcast_in_dim3A_3101, %select_n3A_3089 : vector<16xi1>, vector<16xi32>
    %add3A_3103 = arith.addf %add3A_3090, %mul3A_3097 : vector<16xf32>
    %sub3A_3104 = arith.subf %gather3A_2993, %max3A_3006 : vector<16xf32>
    %exp3A_3105 = math.exp %sub3A_3104 : vector<16xf32>
    %add3A_3106 = arith.constant 128 : i32
    %add3A_3107 = vector.broadcast %add3A_3106 : i32 to vector<16xi32>
    %add3A_3108 = arith.addi %get3A_2951, %add3A_3107 : vector<16xi32>
    %gather3A_3109 = tpu.vector_load_idx %arg14[%add3A_3108] : memref<160xf32, #tpu.memory_space<vmem>>[vector<16xi32>], vector<16xf32>,
    %mul3A_3110 = arith.mulf %exp3A_3105, %gather3A_3109 : vector<16xf32>
    %gt3A_3111 = arith.cmpf ogt, %mul3A_3110, %select_n3A_3099 : vector<16xf32>
    %select_n3A_3112 = arith.select %gt3A_3111, %mul3A_3110, %select_n3A_3099 : vector<16xi1>, vector<16xf32>
    %jit3A_3113 = arith.constant 8 : i32
    %broadcast_in_dim3A_3114 = vector.broadcast %jit3A_3113 : i32 to vector<16xi32>
    %select_n3A_3115 = arith.select %gt3A_3111, %broadcast_in_dim3A_3114, %select_n3A_3102 : vector<16xi1>, vector<16xi32>
    %add3A_3116 = arith.addf %add3A_3103, %mul3A_3110 : vector<16xf32>
    %sub3A_3117 = arith.subf %gather3A_2997, %max3A_3006 : vector<16xf32>
    %exp3A_3118 = math.exp %sub3A_3117 : vector<16xf32>
    %add3A_3119 = arith.constant 144 : i32
    %add3A_3120 = vector.broadcast %add3A_3119 : i32 to vector<16xi32>
    %add3A_3121 = arith.addi %get3A_2951, %add3A_3120 : vector<16xi32>
    %gather3A_3122 = tpu.vector_load_idx %arg14[%add3A_3121] : memref<160xf32, #tpu.memory_space<vmem>>[vector<16xi32>], vector<16xf32>,
    %mul3A_3123 = arith.mulf %exp3A_3118, %gather3A_3122 : vector<16xf32>
    %gt3A_3124 = arith.cmpf ogt, %mul3A_3123, %select_n3A_3112 : vector<16xf32>
    %select_n3A_3125 = arith.select %gt3A_3124, %mul3A_3123, %select_n3A_3112 : vector<16xi1>, vector<16xf32>
    %jit3A_3126 = arith.constant 9 : i32
    %broadcast_in_dim3A_3127 = vector.broadcast %jit3A_3126 : i32 to vector<16xi32>
    %select_n3A_3128 = arith.select %gt3A_3124, %broadcast_in_dim3A_3127, %select_n3A_3115 : vector<16xi1>, vector<16xi32>
    %add3A_3129 = arith.addf %add3A_3116, %mul3A_3123 : vector<16xf32>
    %div3A_3130 = arith.divf %select_n3A_3125, %add3A_3129 : vector<16xf32>
    %gather3A_3131 = tpu.vector_load_idx %arg15[%select_n3A_3128] : memref<16xf32, #tpu.memory_space<vmem>>[vector<16xi32>], vector<16xf32>,
    %gt3A_3132 = arith.cmpf ogt, %div3A_3130, %gather3A_3131 : vector<16xf32>
    %add3A_3133 = arith.constant 10 : i32
    %add3A_3134 = vector.broadcast %add3A_3133 : i32 to vector<16xi32>
    %add3A_3135 = arith.addi %mul3A_2957, %add3A_3134 : vector<16xi32>
    %gather3A_3136 = tpu.vector_load_idx %arg8[%add3A_3135] : memref<2688xf32, #tpu.memory_space<vmem>>[vector<16xi32>], vector<16xf32>,
    %add3A_3137 = arith.constant 11 : i32
    %add3A_3138 = vector.broadcast %add3A_3137 : i32 to vector<16xi32>
    %add3A_3139 = arith.addi %mul3A_2957, %add3A_3138 : vector<16xi32>
    %gather3A_3140 = tpu.vector_load_idx %arg8[%add3A_3139] : memref<2688xf32, #tpu.memory_space<vmem>>[vector<16xi32>], vector<16xf32>,
    %add3A_3141 = arith.constant 12 : i32
    %add3A_3142 = vector.broadcast %add3A_3141 : i32 to vector<16xi32>
    %add3A_3143 = arith.addi %mul3A_2957, %add3A_3142 : vector<16xi32>
    %gather3A_3144 = tpu.vector_load_idx %arg8[%add3A_3143] : memref<2688xf32, #tpu.memory_space<vmem>>[vector<16xi32>], vector<16xf32>,
    %add3A_3145 = arith.constant 13 : i32
    %add3A_3146 = vector.broadcast %add3A_3145 : i32 to vector<16xi32>
    %add3A_3147 = arith.addi %mul3A_2957, %add3A_3146 : vector<16xi32>
    %gather3A_3148 = tpu.vector_load_idx %arg8[%add3A_3147] : memref<2688xf32, #tpu.memory_space<vmem>>[vector<16xi32>], vector<16xf32>,
    %add3A_3149 = arith.constant 14 : i32
    %add3A_3150 = vector.broadcast %add3A_3149 : i32 to vector<16xi32>
    %add3A_3151 = arith.addi %mul3A_2957, %add3A_3150 : vector<16xi32>
    %gather3A_3152 = tpu.vector_load_idx %arg8[%add3A_3151] : memref<2688xf32, #tpu.memory_space<vmem>>[vector<16xi32>], vector<16xf32>,
    %add3A_3153 = arith.constant 15 : i32
    %add3A_3154 = vector.broadcast %add3A_3153 : i32 to vector<16xi32>
    %add3A_3155 = arith.addi %mul3A_2957, %add3A_3154 : vector<16xi32>
    %gather3A_3156 = tpu.vector_load_idx %arg8[%add3A_3155] : memref<2688xf32, #tpu.memory_space<vmem>>[vector<16xi32>], vector<16xf32>,
    %add3A_3157 = arith.constant 16 : i32
    %add3A_3158 = vector.broadcast %add3A_3157 : i32 to vector<16xi32>
    %add3A_3159 = arith.addi %mul3A_2957, %add3A_3158 : vector<16xi32>
    %gather3A_3160 = tpu.vector_load_idx %arg8[%add3A_3159] : memref<2688xf32, #tpu.memory_space<vmem>>[vector<16xi32>], vector<16xf32>,
    %add3A_3161 = arith.constant 17 : i32
    %add3A_3162 = vector.broadcast %add3A_3161 : i32 to vector<16xi32>
    %add3A_3163 = arith.addi %mul3A_2957, %add3A_3162 : vector<16xi32>
    %gather3A_3164 = tpu.vector_load_idx %arg8[%add3A_3163] : memref<2688xf32, #tpu.memory_space<vmem>>[vector<16xi32>], vector<16xf32>,
    %add3A_3165 = arith.constant 18 : i32
    %add3A_3166 = vector.broadcast %add3A_3165 : i32 to vector<16xi32>
    %add3A_3167 = arith.addi %mul3A_2957, %add3A_3166 : vector<16xi32>
    %gather3A_3168 = tpu.vector_load_idx %arg8[%add3A_3167] : memref<2688xf32, #tpu.memory_space<vmem>>[vector<16xi32>], vector<16xf32>,
    %add3A_3169 = arith.constant 19 : i32
    %add3A_3170 = vector.broadcast %add3A_3169 : i32 to vector<16xi32>
    %add3A_3171 = arith.addi %mul3A_2957, %add3A_3170 : vector<16xi32>
    %gather3A_3172 = tpu.vector_load_idx %arg8[%add3A_3171] : memref<2688xf32, #tpu.memory_space<vmem>>[vector<16xi32>], vector<16xf32>,
    %max3A_3173 = arith.maximumf %gather3A_3136, %gather3A_3140 : vector<16xf32>
    %max3A_3174 = arith.maximumf %max3A_3173, %gather3A_3144 : vector<16xf32>
    %max3A_3175 = arith.maximumf %max3A_3174, %gather3A_3148 : vector<16xf32>
    %max3A_3176 = arith.maximumf %max3A_3175, %gather3A_3152 : vector<16xf32>
    %max3A_3177 = arith.maximumf %max3A_3176, %gather3A_3156 : vector<16xf32>
    %max3A_3178 = arith.maximumf %max3A_3177, %gather3A_3160 : vector<16xf32>
    %max3A_3179 = arith.maximumf %max3A_3178, %gather3A_3164 : vector<16xf32>
    %max3A_3180 = arith.maximumf %max3A_3179, %gather3A_3168 : vector<16xf32>
    %max3A_3181 = arith.maximumf %max3A_3180, %gather3A_3172 : vector<16xf32>
    %sub3A_3182 = arith.subf %gather3A_3136, %max3A_3181 : vector<16xf32>
    %exp3A_3183 = math.exp %sub3A_3182 : vector<16xf32>
    %sub3A_3184 = arith.subf %gather3A_3140, %max3A_3181 : vector<16xf32>
    %exp3A_3185 = math.exp %sub3A_3184 : vector<16xf32>
    %add3A_3186 = arith.addf %exp3A_3183, %exp3A_3185 : vector<16xf32>
    %sub3A_3187 = arith.subf %gather3A_3144, %max3A_3181 : vector<16xf32>
    %exp3A_3188 = math.exp %sub3A_3187 : vector<16xf32>
    %add3A_3189 = arith.addf %add3A_3186, %exp3A_3188 : vector<16xf32>
    %sub3A_3190 = arith.subf %gather3A_3148, %max3A_3181 : vector<16xf32>
    %exp3A_3191 = math.exp %sub3A_3190 : vector<16xf32>
    %add3A_3192 = arith.addf %add3A_3189, %exp3A_3191 : vector<16xf32>
    %sub3A_3193 = arith.subf %gather3A_3152, %max3A_3181 : vector<16xf32>
    %exp3A_3194 = math.exp %sub3A_3193 : vector<16xf32>
    %add3A_3195 = arith.addf %add3A_3192, %exp3A_3194 : vector<16xf32>
    %sub3A_3196 = arith.subf %gather3A_3156, %max3A_3181 : vector<16xf32>
    %exp3A_3197 = math.exp %sub3A_3196 : vector<16xf32>
    %add3A_3198 = arith.addf %add3A_3195, %exp3A_3197 : vector<16xf32>
    %sub3A_3199 = arith.subf %gather3A_3160, %max3A_3181 : vector<16xf32>
    %exp3A_3200 = math.exp %sub3A_3199 : vector<16xf32>
    %add3A_3201 = arith.addf %add3A_3198, %exp3A_3200 : vector<16xf32>
    %sub3A_3202 = arith.subf %gather3A_3164, %max3A_3181 : vector<16xf32>
    %exp3A_3203 = math.exp %sub3A_3202 : vector<16xf32>
    %add3A_3204 = arith.addf %add3A_3201, %exp3A_3203 : vector<16xf32>
    %sub3A_3205 = arith.subf %gather3A_3168, %max3A_3181 : vector<16xf32>
    %exp3A_3206 = math.exp %sub3A_3205 : vector<16xf32>
    %add3A_3207 = arith.addf %add3A_3204, %exp3A_3206 : vector<16xf32>
    %sub3A_3208 = arith.subf %gather3A_3172, %max3A_3181 : vector<16xf32>
    %exp3A_3209 = math.exp %sub3A_3208 : vector<16xf32>
    %add3A_3210 = arith.addf %add3A_3207, %exp3A_3209 : vector<16xf32>
    %add3A_3211 = arith.constant 10 : i32
    %add3A_3212 = vector.broadcast %add3A_3211 : i32 to vector<16xi32>
    %add3A_3213 = arith.addi %mul3A_2957, %add3A_3212 : vector<16xi32>
    %add3A_3214 = arith.addi %add3A_3213, %select_n3A_3128 : vector<16xi32>
    %gather3A_3215 = tpu.vector_load_idx %arg8[%add3A_3214] : memref<2688xf32, #tpu.memory_space<vmem>>[vector<16xi32>], vector<16xf32>,
    %bitcast3A_3216 = vector.bitcast %add3A_3210 : vector<16xf32> to vector<16xi32>
    %convert_element_type3A_3217 = arith.sitofp %bitcast3A_3216 : vector<16xi32> to vector<16xf32>
    %mul3A_3218 = arith.constant 8.26295832E-8 : f32
    %mul3A_3219 = vector.broadcast %mul3A_3218 : f32 to vector<16xf32>
    %mul3A_3220 = arith.mulf %convert_element_type3A_3217, %mul3A_3219 : vector<16xf32>
    %sub3A_3221 = arith.constant 87.9899673 : f32
    %sub3A_3222 = vector.broadcast %sub3A_3221 : f32 to vector<16xf32>
    %sub3A_3223 = arith.subf %mul3A_3220, %sub3A_3222 : vector<16xf32>
    %neg3A_3224 = arith.constant 0.000000e+00 : f32
    %neg3A_3225 = vector.broadcast %neg3A_3224 : f32 to vector<16xf32>
    %neg3A_3226 = arith.subf %neg3A_3225, %sub3A_3223 : vector<16xf32>
    %exp3A_3227 = math.exp %neg3A_3226 : vector<16xf32>
    %mul3A_3228 = arith.mulf %add3A_3210, %exp3A_3227 : vector<16xf32>
    %add3A_3229 = arith.addf %sub3A_3223, %mul3A_3228 : vector<16xf32>
    %sub3A_3230 = arith.constant 1.000000e+00 : f32
    %sub3A_3231 = vector.broadcast %sub3A_3230 : f32 to vector<16xf32>
    %sub3A_3232 = arith.subf %add3A_3229, %sub3A_3231 : vector<16xf32>
    %add3A_3233 = arith.addf %max3A_3181, %sub3A_3232 : vector<16xf32>
    %sub3A_3234 = arith.subf %add3A_3233, %gather3A_3215 : vector<16xf32>
    %jit3A_3235 = arith.constant 0.000000e+00 : f32
    %broadcast_in_dim3A_3236 = vector.broadcast %jit3A_3235 : f32 to vector<16xf32>
    %select_n3A_3237 = arith.select %gt3A_3132, %sub3A_3234, %broadcast_in_dim3A_3236 : vector<16xi1>, vector<16xf32>
    %add3A_3238 = arith.addf %add3A_2949, %select_n3A_3237 : vector<16xf32>
    %swap3A_3239 = arith.constant 0 : index
    %swap3A_3240 = tpu.vector_load %arg16[%swap3A_3239] {strides = array<i32>} : memref<16xf32, #tpu.memory_space<vmem>>, vector<16xf32>,
    tpu.vector_store %arg16[%swap3A_3239], %add3A_3238 {strides = array<i32>} : memref<16xf32, #tpu.memory_space<vmem>>, vector<16xf32>,
    "tpu.region"() ({
      %run_scoped3A = tpu.sem_alloc : memref<!tpu.dma_semaphore, #tpu.memory_space<semaphore_mem>>
      %dma_start3A_3241 = arith.constant 0 : i32
      %dma_start3A_3242 = tpu.memref_slice %arg7[%add3A, %dma_start3A_3241] : memref<32x16xf32, #tpu.memory_space<hbm>> -> memref<1x16xf32, #tpu.memory_space<hbm>>
      %dma_start3A_3243 = tpu.memref_squeeze %dma_start3A_3242 : memref<1x16xf32, #tpu.memory_space<hbm>> -> memref<16xf32, #tpu.memory_space<hbm>>
      %dma_start3A_3244 = arith.constant 0 : i32
      %dma_start3A_3245 = tpu.memref_slice %arg7[%add3A, %dma_start3A_3244] : memref<32x16xf32, #tpu.memory_space<hbm>> -> memref<1x16xf32, #tpu.memory_space<hbm>>
      %dma_start3A_3246 = tpu.memref_squeeze %dma_start3A_3245 : memref<1x16xf32, #tpu.memory_space<hbm>> -> memref<16xf32, #tpu.memory_space<hbm>>
      tpu.enqueue_dma source(%arg16 : memref<16xf32, #tpu.memory_space<vmem>>) target(%dma_start3A_3246 : memref<16xf32, #tpu.memory_space<hbm>>) target_semaphore(%run_scoped3A : memref<!tpu.dma_semaphore, #tpu.memory_space<semaphore_mem>>)
      %dma_wait3A_3247 = arith.constant 0 : i32
      %dma_wait3A_3248 = tpu.memref_slice %arg7[%add3A, %dma_wait3A_3247] : memref<32x16xf32, #tpu.memory_space<hbm>> -> memref<1x16xf32, #tpu.memory_space<hbm>>
      %dma_wait3A_3249 = tpu.memref_squeeze %dma_wait3A_3248 : memref<1x16xf32, #tpu.memory_space<hbm>> -> memref<16xf32, #tpu.memory_space<hbm>>
      %dma_wait3A_3250 = arith.constant 0 : i32
      %dma_wait3A_3251 = tpu.memref_slice %arg7[%add3A, %dma_wait3A_3250] : memref<32x16xf32, #tpu.memory_space<hbm>> -> memref<1x16xf32, #tpu.memory_space<hbm>>
      %dma_wait3A_3252 = tpu.memref_squeeze %dma_wait3A_3251 : memref<1x16xf32, #tpu.memory_space<hbm>> -> memref<16xf32, #tpu.memory_space<hbm>>
      tpu.wait_dma2 semaphore(%run_scoped3A : memref<!tpu.dma_semaphore, #tpu.memory_space<semaphore_mem>>) src(%arg16 : memref<16xf32, #tpu.memory_space<vmem>>) dst(%dma_wait3A_3252 : memref<16xf32, #tpu.memory_space<hbm>>)
      tpu.yield
    }) : () -> ()
    return
  }
}

</mosaic_0001>

<sc_bundles>
// kernel: kernel.3.cloned.1.call-start
scs
__scs_entry_jumppad:
0x0: {  	(pc) =	sbr.rel $0x88, $3  }
0x1: {  	(tag) =	ssettag $0x0;
	lr =	simm.s32 $0x1  }
0x2: {  	[smem:$0x3F9B] =	sst lr;
	_ =	strace $0xD0000000  }
0x3: {  	_ = 	snop  }
0x4: {  	_ = 	snop  }
0x5: {  	_ = 	snop  }
0x6: {  	_ = 	snop  }
0x7: {  	_ = 	snop  }
__scs_overlays_trampoline_lowered:
0x8: {  	[smem:$0x3FAA] =	sst s0  }
0x9: {  	[smem:$0x3FAB] =	sst s1  }
0xa: {  	[smem:$0x3FAC] =	sst s2  }
0xb: {  	[smem:$0x3FAD] =	sst s3  }
0xc: {  	[smem:$0x3FAE] =	sst s4  }
0xd: {  	[smem:$0x3FAF] =	sst s5  }
0xe: {  	[smem:$0x3FB0] =	sst s6  }
0xf: {  	[smem:$0x3FB1] =	sst s7  }
0x10: {  	[smem:$0x3FB2] =	sst s8  }
0x11: {  	[smem:$0x3FB3] =	sst s9;
	s0 =	simm.s32 @!p0 $0x0  }
0x12: {  	s1 =	sld [smem:$0x3F99];
	s0 =	simm.s32 @p0 $0x1  }
0x13: {  	[smem:$0x3FB4] =	sst s0;
	s0 =	simm.s32 @!p1 $0x0  }
0x14: {  	s2 =	sld [smem:$0x3F98];
	s0 =	simm.s32 @p1 $0x1  }
0x15: {  	[smem:$0x3FB5] =	sst s0;
	s0 =	simm.s32 @!p2 $0x0  }
0x16: {  	s3 =	sld [smem:$0x3FDB];
	s0 =	simm.s32 @p2 $0x1  }
0x17: {  	s4 =	simm.s32 $0x1BF5;
	[smem:$0x3FB7] =	sst s0  }
0x18: {  	s0 =	sld [smem:$0x3F9A];
	_ =	swait.ge [sflag:s4], $0x0  }
0x19: {  	s7 =	sld [smem:$0x3F9B]  }
0x1a: {  	s8 =	sadd.s32 $0xFFFFE003, lr  }
0x1b: {  	s9 =	sadd.s32 $0xFFFFFEF7, lr;
	s5 =	simm.s32 $0xFFFFFFFF;
	p2 =	slt.u32 s8, $0xFFFFF086  }
0x1c: {  	p1 =	slt.u32 s9, $0xF7A;
	s5 =	simm.s32 @!p2 $0x0  }
0x1d: {  	s5 =	simm.s32 @p1 $0x1;
	p0 =	seq.s32 s7, s2  }
0x1e: {  	s7 =	smul.u32 @!p0 $0xF7A, s2;
	p2 =	seq.s32 @!p0 s5, $0x0  }
0x1f: {  	s9 =	smul.u32 $0xF7A, s1;
	s8 =	simm.s32 @!p0 $0x1BF5;
	p2 =	por !p2, p0  }
0x20: {  	[sflag:s8] =	ssyncset.s32 @!p0 $0xFFFFF086;
	s6 =	sadd.s32 @!p0 s3, s7;
	s7 =	simm.s32 @!p0 $0x108  }
0x21: {  	s3 =	sadd.s32 s3, s9;
	s6 =	sadd.s32 @!p0 $0x88, s6;
	s7 =	simm.s32 @p2 $0x1082  }
0x22: {  	[simem:s7], [sflag:s8] =	dma.local @!p0 [hbm:s6], $0xF7A  }
0x23: {  	s9 =	sor.u32 $0xD0000000, s2;
	s6 =	simm.s32 $0x108;
	_ =	swait.ge @!p0 [sflag:s8], $0x0  }
0x24: {  	s3 =	sadd.s32 $0x88, s3;
	s6 =	simm.s32 @!p1 $0x1082;
	[sflag:s4] =	ssyncset.s32 $0xFFFFF086  }
0x25: {  	[simem:s6], [sflag:s4] =	dma.local [hbm:s3], $0xF7A  }
0x26: {  	[smem:$0x3F9B] =	sst s1;
	(tag) =	ssettag s2;
	_ =	strace s9  }
0x27: {  	s1 =	sld [smem:$0x3FAB]  }
0x28: {  	s2 =	sld [smem:$0x3FAC]  }
0x29: {  	s4 =	sld [smem:$0x3FAE]  }
0x2a: {  	p0 =	seq.s32 s5, $0x0;
	s5 =	sld [smem:$0x3FAF]  }
0x2b: {  	s6 =	sld [smem:$0x3FB0]  }
0x2c: {  	s7 =	sld [smem:$0x3FB1]  }
0x2d: {  	s3 =	simm.s32 $0x108;
	s8 =	sld [smem:$0x3FB2]  }
0x2e: {  	s3 =	simm.s32 @!p0 $0x1082;
	s9 =	sld [smem:$0x3FB3]  }
0x2f: {  	lr =	sadd.s32 s0, s3;
	s0 =	sld [smem:$0x3FAA]  }
0x30: {  	s3 =	sld [smem:$0x3FAD]  }
0x31: {  	[smem:$0x3FB6] =	sst s10  }
0x32: {  	s10 =	sld [smem:$0x3FB4];
	_ =	sdelay $0x3  }
0x33: {  	p0 =	seq.s32 s10, $0x1;
	s10 =	sld [smem:$0x3FB6];
	_ =	sdelay $0x3  }
0x34: {  	[smem:$0x3FB6] =	sst s10  }
0x35: {  	s10 =	sld [smem:$0x3FB5];
	_ =	sdelay $0x3  }
0x36: {  	p1 =	seq.s32 s10, $0x1;
	s10 =	sld [smem:$0x3FB6];
	_ =	sdelay $0x3  }
0x37: {  	[smem:$0x3FB6] =	sst s10  }
0x38: {  	s10 =	sld [smem:$0x3FB7]  }
0x39: {  	_ = 	snop;
	(pc) =	sbr.ind lr, $3  }
0x3a: {  	_ = 	snop  }
0x3b: {  	_ = 	snop  }
0x3c: {  	p2 =	seq.s32 s10, $0x1;
	s10 =	sld [smem:$0x3FB6]  }
0x3d: {  	_ =	shalt  }
0x3e: {  	_ =	shalt  }
0x3f: {  	_ =	shalt  }
0x40: {  	_ =	shalt  }
0x41: {  	_ =	shalt  }
0x42: {  	_ =	shalt  }
0x43: {  	_ =	shalt  }
0x44: {  	_ =	shalt  }
0x45: {  	_ =	shalt  }
0x46: {  	_ =	shalt  }
0x47: {  	_ =	shalt  }
0x48: {  	_ =	shalt  }
0x49: {  	_ =	shalt  }
0x4a: {  	_ =	shalt  }
0x4b: {  	_ =	shalt  }
0x4c: {  	_ =	shalt  }
0x4d: {  	_ =	shalt  }
0x4e: {  	_ =	shalt  }
0x4f: {  	_ =	shalt  }
0x50: {  	_ =	shalt  }
0x51: {  	_ =	shalt  }
0x52: {  	_ =	shalt  }
0x53: {  	_ =	shalt  }
0x54: {  	_ =	shalt  }
0x55: {  	_ =	shalt  }
0x56: {  	_ =	shalt  }
0x57: {  	_ =	shalt  }
0x58: {  	_ =	shalt  }
0x59: {  	_ =	shalt  }
0x5a: {  	_ =	shalt  }
0x5b: {  	_ =	shalt  }
0x5c: {  	_ =	shalt  }
0x5d: {  	_ =	shalt  }
0x5e: {  	_ =	shalt  }
0x5f: {  	_ =	shalt  }
0x60: {  	_ =	shalt  }
0x61: {  	_ =	shalt  }
0x62: {  	_ =	shalt  }
0x63: {  	_ =	shalt  }
0x64: {  	_ =	shalt  }
0x65: {  	_ =	shalt  }
0x66: {  	_ =	shalt  }
0x67: {  	_ =	shalt  }
0x68: {  	_ =	shalt  }
0x69: {  	_ =	shalt  }
0x6a: {  	_ =	shalt  }
0x6b: {  	_ =	shalt  }
0x6c: {  	_ =	shalt  }
0x6d: {  	_ =	shalt  }
0x6e: {  	_ =	shalt  }
0x6f: {  	_ =	shalt  }
0x70: {  	_ =	shalt  }
0x71: {  	_ =	shalt  }
0x72: {  	_ =	shalt  }
0x73: {  	_ =	shalt  }
0x74: {  	_ =	shalt  }
0x75: {  	_ =	shalt  }
0x76: {  	_ =	shalt  }
0x77: {  	_ =	shalt  }
0x78: {  	_ =	shalt  }
0x79: {  	_ =	shalt  }
0x7a: {  	_ =	shalt  }
0x7b: {  	_ =	shalt  }
0x7c: {  	_ =	shalt  }
0x7d: {  	_ =	shalt  }
0x7e: {  	_ =	shalt  }
0x7f: {  	_ =	shalt  }
0x80: {  	_ =	shalt  }
0x81: {  	_ =	shalt  }
0x82: {  	_ =	shalt  }
0x83: {  	_ =	shalt  }
0x84: {  	_ =	shalt  }
0x85: {  	_ =	shalt  }
0x86: {  	_ =	shalt  }
0x87: {  	_ =	shalt  }
.Lfunc_end0:
.L_simem_size_0:
called_computation_lowered:
.L_overlay_start_0:
0x88: {  	s2 =	sld [smem:$0x3FD9]  }
0x89: {  	s3 =	sld [smem:$0x3FFE];
	_ =	sdelay $0x1  }
0x8a: {  	s1 =	srdreg.scid  }
0x8b: {  	s0 =	sand.u32 $0x1, s1  }
0x8c: {  	s17 =	sshll.u32 s0, $0xA;
	s2 =	sadd.s32 s3, s2  }
0x8d: {  	s2 =	sadd.s32 s2, s17  }
0x8e: {  	[smem:$0x3FC2] =	sst s2  }
0x8f: {  	_ = 	snop  }
0x90: {  	s2 =	sld [smem:$0x3FC7]  }
0x91: {  	s18 =	sld [smem:$0x3FC6]  }
0x92: {  	s4 =	sld [smem:$0x3FC5]  }
0x93: {  	s5 =	sld [smem:$0x3FC4];
	(tm) =	ssettm $0x1  }
0x94: {  	s6 =	sld [smem:$0x3FFB];
	_ =	sdelay $0x3  }
0x95: {  	_ =	strace s6  }
0x96: {  	s6 =	sld [smem:$0x3FFC];
	_ =	sdelay $0x3  }
0x97: {  	_ =	strace s6  }
0x98: {  	s6 =	sld [smem:$0x3FFD];
	_ =	sdelay $0x3  }
0x99: {  	_ =	strace s6  }
0x9a: {  	_ =	strace $0x8FFFFFFF  }
0x9b: {  	s19 =	sld [smem:$0x3FDB];
	_ =	sdelay $0x1  }
0x9c: {  	s7 =	simm.s32 $_scs_section_size  }
0x9d: {  	s8 =	simm.s32 $_size__tile_overlayer_lowered;
	s9 =	simm.s32 $_tile_overlayer_lowered  }
0x9e: {  	s22 =	simm.s32 $0x1BFF;
	s21 =	sshll.u32 s9, $0x1;
	s6 =	sadd.s32 s7, s19  }
0x9f: {  	s10 =	simm.s32 $0x0;
	s20 =	sshll.u32 s8, $0x1;
	s8 =	sadd.s32 s21, s6  }
0xa0: {  	[timem:s10], [sflag:s22] =	dma.local [hbm:s8], s20  }
0xa1: {  	_ =	swait.ge [sflag:s22], s20  }
0xa2: {  	s7 =	ssub.s32 $0x0, s20;
	[sflag:s22] =	ssyncset.done $0x0  }
0xa3: {  	[sflag:s22] =	ssyncadd.s32 s7;
	_ =	sdelay $0x1  }
0xa4: {  	s23 =	simm.s32 $0x1B8B  }
0xa5: {  	_ =	swait.ge [sflag:s23], $0x1  }
0xa6: {  	[sflag:s23] =	ssyncset.done $0x0  }
0xa7: {  	s25 =	simm.s32 $0x1B8E;
	s24 =	sld [smem:$0x3FFE];
	[sflag:s23] =	ssyncadd.s32 $0xFFFFFFFF  }
0xa8: {  	s26 =	simm.s32 $execute0_lowered;
	[smem:$0x3FD2] =	sst s25  }
0xa9: {  	s8 =	sshll.u32 s26, $0x1;
	_ =	strace $0x80000046;
	[dreg:$0x1] =	wrdreg $0xFFFFFFFF  }
0xaa: {  	s28 =	simm.s32 $_size_execute0_lowered;
	s6 =	sadd.s32 s6, s8;
	[dreg:$0x0] =	wrdreg $0x0  }
0xab: {  	s8 =	sshll.u32 s28, $0x1;
	[dreg:$0x2] =	wrdreg s6  }
0xac: {  	[dreg:$0x3] =	wrdreg s8  }
0xad: {  	[dreg:$0x4] =	wrdreg $0xC0  }
0xae: {  	_ =	task [dreg:s10], $0x5FFFF  }
0xaf: {  	[dreg:$0x1] =	wrdreg $0xFFFFFFFF  }
0xb0: {  	[dreg:$0x0] =	wrdreg $0x60  }
0xb1: {  	[dreg:$0x2] =	wrdreg s24  }
0xb2: {  	[dreg:$0x3] =	wrdreg s2  }
0xb3: {  	[dreg:$0x4] =	wrdreg s18  }
0xb4: {  	[dreg:$0x5] =	wrdreg s4  }
0xb5: {  	[dreg:$0x6] =	wrdreg s5  }
0xb6: {  	[dreg:$0x7] =	wrdreg $0x9  }
0xb7: {  	_ =	task.clear_ibuf [dreg:s10], $0x8FFFF;
	_ =	strace $0x90000046  }
0xb8: {  	s29 =	simm.s32 $0x9;
	_ =	strace $0x80000048  }
0xb9: {  	_ =	swait.ge [sflag:s29], $0x1  }
0xba: {  	[sflag:s29] =	ssyncadd.s32 $0xFFFFFFFF  }
0xbb: {  	_ =	strace $0x90000048  }
0xbc: {  	_ =	sfence  }
0xbd: {  	s30 =	sld [smem:$0x0];
	_ =	sdelay $0x2  }
0xbe: {  	s31 =	sshll.u32 s1, $0xD;
	s1 =	sshrl.u32 s1, $0x2  }
0xbf: {  	s3 =	sand.u32 $0x4000, s31;
	s1 =	sadd.s32 s1, s30  }
0xc0: {  	s0 =	sor.u32 s3, s0;
	s1 =	sshll.u32 s1, $0x11  }
0xc1: {  	s0 =	sor.u32 s1, s0  }
0xc2: {  	s0 =	sadd.s32 $0x8F2B, s0  }
0xc3: {  	[sflag:s0] =	ssyncadd.remote.s32 $0x1  }
0xc4: {  	_ =	sfence.sel $0xFFFF  }
0xc5: {  	[dreg:$0x0] =	wrdreg $0xFFFFFFFF;
	(pc) =	sbr.abs _section_cstart, $3  }
0xc6: {  	[dreg:$0x1] =	wrdreg $0xFFFFFFFF  }
0xc7: {  	_ =	task.clear_ibuf [dreg:s10], $0x2FFFF;
	_ =	strace $0x9FFFFFFF  }
0xc8: {  	(tm) =	ssettm $0x7FFFFFFF  }
0xc9: {  	_ =	shalt  }
tec
execute0_lowered:
.L_overlay_start_1:
0x0: {  	(tag) =	ssettag $0x1  }
0x1: {  	vm0 =	vmmov $0x1  }
0x2: {  	v0 =	vimm.s32 $0x0;
	v56 =	vimm.s32 $0x76543210;
	v1 =	vimm.s32 $0x83828180  }
0x3: {  	v2 =	vimm.s32 $0x87868584;
	vm4 =	vcmask $0x1F00;
	vm1 =	vcmask $0xF00  }
0x4: {  	vm5 =	vcmask $0x1F10;
	vm6 =	vcmask $0x300;
	vm7 =	vcmask $0x704  }
0x5: {  	v3 =	vimm.s32 $0x189;
	v4 =	vimm.s32 $0x209;
	v5 =	vimm.s32 $0x289  }
0x6: {  	v6 =	vimm.s32 $0x309;
	v7 =	vimm.s32 $0x389;
	v8 =	vimm.s32 $0x409  }
0x7: {  	v9 =	vimm.s32 $0x489;
	vm8 =	vcmask $0xB08;
	vm9 =	vcmask $0xF0C  }
0x8: {  	vm10 =	vcmask $0x1310;
	vm11 =	vcmask $0x1714;
	vm12 =	vcmask $0x1B18  }
0x9: {  	vm13 =	vcmask $0x1F1C;
	vm14 =	vcmask $0x2320;
	v63 =	vlaneseq.u32  }
0xa: {  	v0 =	vsel vm0, $0xFFFFFFFF, v0;
	v1 =	vunpack.c.0.s8.s32 v1;
	v2 =	vunpack.c.0.s8.s32 v2  }
0xb: {  	v3 =	vsel vm6, $0x180, v3;
	v4 =	vsel vm6, $0x200, v4;
	v5 =	vsel vm6, $0x280, v5  }
0xc: {  	v6 =	vsel vm6, $0x300, v6;
	v7 =	vsel vm6, $0x380, v7;
	v8 =	vsel vm6, $0x400, v8  }
0xd: {  	v9 =	vsel vm6, $0x480, v9;
	[tilespmem:$0x1FC20] =	vst v0;
	v0 =	vunpack.c.l.s4.s8 v56;
	v3 =	vsel vm7, $0x181, v3  }
0xe: {  	v4 =	vsel vm7, $0x201, v4;
	v5 =	vsel vm7, $0x281, v5;
	v6 =	vsel vm7, $0x301, v6  }
0xf: {  	v7 =	vsel vm7, $0x381, v7;
	v8 =	vsel vm7, $0x401, v8;
	v9 =	vsel vm7, $0x481, v9  }
0x10: {  	v1 =	vnsel vm1, $0x89, v1;
	v3 =	vsel vm8, $0x182, v3;
	v4 =	vsel vm8, $0x202, v4  }
0x11: {  	v5 =	vsel vm8, $0x282, v5;
	v6 =	vsel vm8, $0x302, v6;
	v7 =	vsel vm8, $0x382, v7  }
0x12: {  	v8 =	vsel vm8, $0x402, v8;
	v9 =	vsel vm8, $0x482, v9;
	v0 =	vunpack.c.0.s8.s32 v0  }
0x13: {  	v3 =	vsel vm9, $0x183, v3;
	v4 =	vsel vm9, $0x203, v4;
	v5 =	vsel vm9, $0x283, v5  }
0x14: {  	v6 =	vsel vm9, $0x303, v6;
	v7 =	vsel vm9, $0x383, v7;
	v8 =	vsel vm9, $0x403, v8  }
0x15: {  	v9 =	vsel vm9, $0x483, v9;
	v3 =	vsel vm10, $0x184, v3;
	v4 =	vsel vm10, $0x204, v4  }
0x16: {  	v5 =	vsel vm10, $0x284, v5;
	v6 =	vsel vm10, $0x304, v6;
	v7 =	vsel vm10, $0x384, v7  }
0x17: {  	v8 =	vsel vm10, $0x404, v8;
	v9 =	vsel vm10, $0x484, v9;
	v0 =	vand.u32 $0xF, v0  }
0x18: {  	v3 =	vsel vm11, $0x185, v3;
	v4 =	vsel vm11, $0x205, v4;
	v5 =	vsel vm11, $0x285, v5  }
0x19: {  	v6 =	vsel vm11, $0x305, v6;
	v7 =	vsel vm11, $0x385, v7;
	v8 =	vsel vm11, $0x405, v8  }
0x1a: {  	v9 =	vsel vm11, $0x485, v9;
	v0 =	vnsel vm4, $0x9, v0;
	v3 =	vsel vm12, $0x186, v3  }
0x1b: {  	v4 =	vsel vm12, $0x206, v4;
	v3 =	vsel vm13, $0x187, v3;
	v0 =	vsel vm14, $0x8, v0  }
0x1c: {  	v5 =	vsel vm12, $0x286, v5;
	v4 =	vsel vm13, $0x207, v4;
	[tilespmem:$0x1FC30] =	vst v0;
	v60 =	vsel vm14, $0x188, v3  }
0x1d: {  	v6 =	vsel vm12, $0x306, v6;
	v5 =	vsel vm13, $0x287, v5;
	v61 =	vsel vm14, $0x208, v4;
	[tilespmem:$0x1FC50] =	vst v60  }
0x1e: {  	v7 =	vsel vm12, $0x386, v7;
	v6 =	vsel vm13, $0x307, v6;
	v62 =	vsel vm14, $0x288, v5;
	[tilespmem:$0x1FC60] =	vst v61  }
0x1f: {  	v8 =	vsel vm12, $0x406, v8;
	v7 =	vsel vm13, $0x387, v7;
	v4 =	vsel vm14, $0x308, v6;
	[tilespmem:$0x1FC70] =	vst v62  }
0x20: {  	v9 =	vsel vm12, $0x486, v9;
	v8 =	vsel vm13, $0x407, v8;
	v5 =	vsel vm14, $0x388, v7;
	[tilespmem:$0x1FC80] =	vst v4  }
0x21: {  	v1 =	vsel vm5, v2, v1;
	v10 =	vsel vm13, $0x487, v9;
	v6 =	vsel vm14, $0x408, v8;
	[tilespmem:$0x1FC90] =	vst v5  }
0x22: {  	v58 =	vsel vm14, $0x88, v1;
	v9 =	vmul.u32 $0x15, v63;
	v7 =	vsel vm14, $0x488, v10;
	[tilespmem:$0x1FCA0] =	vst v6  }
0x23: {  	v0 =	vand.u32 $0xFF, v58;
	[tilespmem:$0x1FCB0] =	vst v7  }
0x24: {  	[tilespmem:$0x1FCC0] =	vst v0;
	v12 =	vadd.s32 $0x1, v9  }
0x25: {  	v13 =	vadd.s32 $0x2, v9;
	[tilespmem:$0x1FCD0] =	vst v12  }
0x26: {  	v14 =	vadd.s32 $0x3, v9;
	[tilespmem:$0x1FCE0] =	vst v13  }
0x27: {  	v15 =	vadd.s32 $0x4, v9;
	[tilespmem:$0x1FCF0] =	vst v14  }
0x28: {  	v16 =	vadd.s32 $0x5, v9;
	[tilespmem:$0x1FD00] =	vst v15  }
0x29: {  	v17 =	vadd.s32 $0x6, v9;
	[tilespmem:$0x1FD10] =	vst v16  }
0x2a: {  	v18 =	vadd.s32 $0x7, v9;
	[tilespmem:$0x1FD20] =	vst v17  }
0x2b: {  	v19 =	vadd.s32 $0x8, v9;
	[tilespmem:$0x1FD30] =	vst v18  }
0x2c: {  	v20 =	vadd.s32 $0x9, v9;
	[tilespmem:$0x1FD40] =	vst v19  }
0x2d: {  	v21 =	vadd.s32 $0xA, v9;
	[tilespmem:$0x1FD50] =	vst v20  }
0x2e: {  	v22 =	vadd.s32 $0xB, v9;
	[tilespmem:$0x1FD60] =	vst v21  }
0x2f: {  	v23 =	vadd.s32 $0xC, v9;
	[tilespmem:$0x1FD70] =	vst v22  }
0x30: {  	v24 =	vadd.s32 $0xD, v9;
	[tilespmem:$0x1FD80] =	vst v23  }
0x31: {  	v25 =	vadd.s32 $0xE, v9;
	[tilespmem:$0x1FD90] =	vst v24  }
0x32: {  	v26 =	vadd.s32 $0xF, v9;
	[tilespmem:$0x1FDA0] =	vst v25  }
0x33: {  	v27 =	vadd.s32 $0x10, v9;
	[tilespmem:$0x1FDB0] =	vst v26  }
0x34: {  	v28 =	vadd.s32 $0x11, v9;
	[tilespmem:$0x1FDC0] =	vst v27  }
0x35: {  	v29 =	vadd.s32 $0x12, v9;
	[tilespmem:$0x1FDD0] =	vst v28  }
0x36: {  	v30 =	vadd.s32 $0x13, v9;
	[tilespmem:$0x1FDE0] =	vst v29  }
0x37: {  	v31 =	vadd.s32 $0x150, v9;
	[tilespmem:$0x1FDF0] =	vst v30  }
0x38: {  	v32 =	vadd.s32 $0x151, v9;
	[tilespmem:$0x1FE00] =	vst v31  }
0x39: {  	v34 =	vadd.s32 $0x152, v9;
	[tilespmem:$0x1FE10] =	vst v32  }
0x3a: {  	v35 =	vadd.s32 $0x153, v9;
	[tilespmem:$0x1FE20] =	vst v34  }
0x3b: {  	v36 =	vadd.s32 $0x154, v9;
	[tilespmem:$0x1FE30] =	vst v35  }
0x3c: {  	v37 =	vadd.s32 $0x155, v9;
	[tilespmem:$0x1FE40] =	vst v36  }
0x3d: {  	v38 =	vadd.s32 $0x156, v9;
	[tilespmem:$0x1FE50] =	vst v37  }
0x3e: {  	v39 =	vadd.s32 $0x157, v9;
	[tilespmem:$0x1FE60] =	vst v38  }
0x3f: {  	v40 =	vadd.s32 $0x158, v9;
	[tilespmem:$0x1FE70] =	vst v39  }
0x40: {  	v57 =	vimm.s32 $0x109;
	v41 =	vadd.s32 $0x159, v9;
	[tilespmem:$0x1FE80] =	vst v40  }
0x41: {  	v2 =	vsel vm6, $0x100, v57;
	v42 =	vadd.s32 $0x15A, v9;
	[tilespmem:$0x1FE90] =	vst v41  }
0x42: {  	v2 =	vsel vm7, $0x101, v2;
	v43 =	vadd.s32 $0x15B, v9;
	[tilespmem:$0x1FEA0] =	vst v42  }
0x43: {  	v2 =	vsel vm8, $0x102, v2;
	v44 =	vadd.s32 $0x15C, v9;
	[tilespmem:$0x1FEB0] =	vst v43  }
0x44: {  	v2 =	vsel vm9, $0x103, v2;
	v45 =	vadd.s32 $0x15D, v9;
	[tilespmem:$0x1FEC0] =	vst v44  }
0x45: {  	s6 =	rddreg [dreg:$0x0];
	v2 =	vsel vm10, $0x104, v2;
	v46 =	vadd.s32 $0x15E, v9;
	[tilespmem:$0x1FED0] =	vst v45  }
0x46: {  	s7 =	rddreg [dreg:$0x1];
	v2 =	vsel vm11, $0x105, v2;
	v47 =	vadd.s32 $0x15F, v9;
	[tilespmem:$0x1FEE0] =	vst v46  }
0x47: {  	s0 =	rddreg [dreg:$0x2];
	v2 =	vsel vm12, $0x106, v2;
	v48 =	vadd.s32 $0x160, v9;
	[tilespmem:$0x1FEF0] =	vst v47  }
0x48: {  	s1 =	rddreg [dreg:$0x3];
	v49 =	vadd.s32 $0x161, v9;
	v2 =	vsel vm13, $0x107, v2;
	[tilespmem:$0x1FF00] =	vst v48  }
0x49: {  	s3 =	rddreg [dreg:$0x4];
	s5 =	simm.s32 $0x0;
	[tilespmem:$0x1FF10] =	vst v49;
	v59 =	vsel vm14, $0x108, v2  }
0x4a: {  	[smem:$0x7FF] =	sst s5;
	v50 =	vadd.s32 $0x162, v9;
	[tilespmem:$0x1FC40] =	vst v59  }
0x4b: {  	s2 =	rddreg [dreg:$0x5];
	v51 =	vadd.s32 $0x163, v9;
	_ =	strace $0x80000047;
	[tilespmem:$0x1FF20] =	vst v50  }
0x4c: {  	v52 =	vadd.s32 $0x2A0, v9;
	[tilespmem:$0x1FF30] =	vst v51  }
0x4d: {  	v53 =	vadd.s32 $0x2A1, v9;
	[tilespmem:$0x1FF40] =	vst v52  }
0x4e: {  	v54 =	vadd.s32 $0x2A2, v9;
	[tilespmem:$0x1FF50] =	vst v53  }
0x4f: {  	v55 =	vadd.s32 $0x2A3, v9;
	[tilespmem:$0x1FF60] =	vst v54  }
0x50: {  	s8 =	srdreg.scid;
	v56 =	vadd.s32 $0x2A4, v9;
	[tilespmem:$0x1FF70] =	vst v55  }
0x51: {  	s4 =	stileid.u32;
	s13 =	simm.s32 $0xA80;
	s14 =	simm.s32 $0x1;
	v57 =	vadd.s32 $0x2A5, v9;
	[tilespmem:$0x1FF80] =	vst v56  }
0x52: {  	s15 =	simm.s32 $0x1B00;
	s16 =	simm.s32 $0x1C00;
	s17 =	simm.s32 $0x1D00;
	v58 =	vadd.s32 $0x2A6, v9;
	[tilespmem:$0x1FF90] =	vst v57  }
0x53: {  	s18 =	simm.s32 $0x1D80;
	s8 =	sand.u32 $0x1, s8;
	s9 =	sshll.u32 s4, $0x1;
	v59 =	vadd.s32 $0x2A7, v9;
	[tilespmem:$0x1FFA0] =	vst v58  }
0x54: {  	s19 =	simm.s32 $0x2;
	s9 =	sor.u32 s8, s9;
	s8 =	ssub.s32 $0x2, s8;
	v60 =	vadd.s32 $0x2A8, v9;
	[tilespmem:$0x1FFB0] =	vst v59  }
0x55: {  	s10 =	sshll.u32 s9, $0x4;
	s9 =	smul.u32 $0x150, s9;
	s12 =	sshrl.u32 s8, $0x1;
	v61 =	vadd.s32 $0x2A9, v9;
	[tilespmem:$0x1FFC0] =	vst v60  }
0x56: {  	vm15 =	vmmov $0x3ff;
	s11 =	sadd.s32 s10, s6;
	s12 =	ssub.s32 s8, s12;
	s7 =	sadd.s32 s7, s10;
	v63 =	vimm.s32 $0x0;
	v62 =	vadd.s32 $0x2AA, v9;
	[tilespmem:$0x1FFD0] =	vst v61  }
0x57: {  	s10 =	simm.s32 $0xB00;
	s6 =	sadd.s32 s6, s9;
	s8 =	sadd.s32 $0x2A00, s11;
	v0 =	vsel vm15, $0xFFFFFFFF, v63;
	[tilespmem:$0x1FFE0] =	vst v62  }
0x58: {  	v33 =	vimm.f32 $1.000000000e+00;
	s9 =	smax.u32 s12, $0x1;
	s11 =	simm.s32 $0xF00;
	s12 =	simm.s32 $0x1300;
	[tilespmem:$0x1FFF0] =	vst v0  }
.LBB2_1:
0x59: {  	[tilespmem:s10], [sflag:$0x1] =	stream.linear.gather [hbm4b:s0+s5], $0x3E8, $0x38;
	[tilespmem:$0x1E00] =	vst v63  }
0x5a: {  	_ = 	snop  }
0x5b: {  	[tilespmem:s11], [sflag:$0x1] =	stream.linear.gather [hbm4b:s1+s5], $0x3E8, $0x38;
	[tilespmem:$0x1E00] =	vst v63  }
0x5c: {  	_ = 	snop  }
0x5d: {  	[tilespmem:s12], [sflag:$0x1] =	stream.linear.gather [hbm4b:s3+s5], $0x500, $0x38;
	[tilespmem:$0x1E00] =	vst v63  }
0x5e: {  	_ = 	snop  }
0x5f: {  	[tilespmem:s5], [sflag:$0x1] =	stream.linear.gather [hbm4b:s6+s5], $0xA80, $0x38;
	[tilespmem:$0x1E00] =	vst v63  }
0x60: {  	_ = 	snop  }
0x61: {  	v0 =	vimm.f32 $0.0e+00;
	[tilespmem:s13], [sflag:$0x1] =	stream.linear.gather [hbm4b:s7+s5], $0x80, $0x38;
	[tilespmem:$0x1E00] =	vst v63  }
0x62: {  	[tilespmem:$0x1B00] =	vst v0  }
0x63: {  	[tilespmem:$0x1B10] =	vst v0  }
0x64: {  	[tilespmem:$0x1B20] =	vst v0  }
0x65: {  	[tilespmem:$0x1B30] =	vst v0  }
0x66: {  	[tilespmem:$0x1B40] =	vst v0  }
0x67: {  	[tilespmem:$0x1B50] =	vst v0  }
0x68: {  	[tilespmem:$0x1B60] =	vst v0  }
0x69: {  	[tilespmem:$0x1B70] =	vst v0  }
0x6a: {  	[tilespmem:$0x1B80] =	vst v0  }
0x6b: {  	[tilespmem:$0x1B90] =	vst v0  }
0x6c: {  	[tilespmem:$0x1BA0] =	vst v0  }
0x6d: {  	_ =	swait.ge [sflag:s14], $0x3E8  }
0x6e: {  	[sflag:s14] =	ssyncset.done $0x0  }
0x6f: {  	[sflag:s14] =	ssyncadd.s32 $0xFFFFFC18  }
0x70: {  	_ =	swait.ge [sflag:s14], $0x3E8  }
0x71: {  	[sflag:s14] =	ssyncset.done $0x0  }
0x72: {  	[sflag:s14] =	ssyncadd.s32 $0xFFFFFC18  }
0x73: {  	v29 =	vld [tilespmem:$0xB00]  }
0x74: {  	v1 =	vld [tilespmem:$0xF00];
	_ =	sdelay $0x3  }
0x75: {  	v0 =	vshll.u32 v29, $0x4  }
0x76: {  	v0 =	vadd.s32 v1, v0;
	_ =	sdelay $0x4  }
0x77: {  	[tilespmem:v0+s15+$0x0] =	vst.idx.add.f32.msk $0xffff, v33  }
0x78: {  	v0 =	vld [tilespmem:$0xB10]  }
0x79: {  	v30 =	vld [tilespmem:$0xF10];
	_ =	sdelay $0x3  }
0x7a: {  	v0 =	vshll.u32 v0, $0x4  }
0x7b: {  	v0 =	vadd.s32 v30, v0;
	_ =	sdelay $0x4  }
0x7c: {  	[tilespmem:v0+s15+$0x0] =	vst.idx.add.f32.msk $0xffff, v33  }
0x7d: {  	v0 =	vld [tilespmem:$0xB20]  }
0x7e: {  	v31 =	vld [tilespmem:$0xF20];
	_ =	sdelay $0x3  }
0x7f: {  	v0 =	vshll.u32 v0, $0x4  }
0x80: {  	v0 =	vadd.s32 v31, v0;
	_ =	sdelay $0x4  }
0x81: {  	[tilespmem:v0+s15+$0x0] =	vst.idx.add.f32.msk $0xffff, v33  }
0x82: {  	v0 =	vld [tilespmem:$0xB30]  }
0x83: {  	v32 =	vld [tilespmem:$0xF30];
	_ =	sdelay $0x3  }
0x84: {  	v0 =	vshll.u32 v0, $0x4  }
0x85: {  	v0 =	vadd.s32 v32, v0;
	_ =	sdelay $0x4  }
0x86: {  	[tilespmem:v0+s15+$0x0] =	vst.idx.add.f32.msk $0xffff, v33  }
0x87: {  	v0 =	vld [tilespmem:$0xB40]  }
0x88: {  	v34 =	vld [tilespmem:$0xF40];
	_ =	sdelay $0x3  }
0x89: {  	v0 =	vshll.u32 v0, $0x4  }
0x8a: {  	v0 =	vadd.s32 v34, v0;
	_ =	sdelay $0x4  }
0x8b: {  	[tilespmem:v0+s15+$0x0] =	vst.idx.add.f32.msk $0xffff, v33  }
0x8c: {  	v0 =	vld [tilespmem:$0xB50]  }
0x8d: {  	v35 =	vld [tilespmem:$0xF50];
	_ =	sdelay $0x3  }
0x8e: {  	v0 =	vshll.u32 v0, $0x4  }
0x8f: {  	v0 =	vadd.s32 v35, v0;
	_ =	sdelay $0x4  }
0x90: {  	[tilespmem:v0+s15+$0x0] =	vst.idx.add.f32.msk $0xffff, v33  }
0x91: {  	v0 =	vld [tilespmem:$0xB60]  }
0x92: {  	v36 =	vld [tilespmem:$0xF60];
	_ =	sdelay $0x3  }
0x93: {  	v0 =	vshll.u32 v0, $0x4  }
0x94: {  	v0 =	vadd.s32 v36, v0;
	_ =	sdelay $0x4  }
0x95: {  	[tilespmem:v0+s15+$0x0] =	vst.idx.add.f32.msk $0xffff, v33  }
0x96: {  	v0 =	vld [tilespmem:$0xB70]  }
0x97: {  	v37 =	vld [tilespmem:$0xF70];
	_ =	sdelay $0x3  }
0x98: {  	v0 =	vshll.u32 v0, $0x4  }
0x99: {  	v0 =	vadd.s32 v37, v0;
	_ =	sdelay $0x4  }
0x9a: {  	[tilespmem:v0+s15+$0x0] =	vst.idx.add.f32.msk $0xffff, v33  }
0x9b: {  	v0 =	vld [tilespmem:$0xB80]  }
0x9c: {  	v38 =	vld [tilespmem:$0xF80];
	_ =	sdelay $0x3  }
0x9d: {  	v0 =	vshll.u32 v0, $0x4  }
0x9e: {  	v0 =	vadd.s32 v38, v0;
	_ =	sdelay $0x4  }
0x9f: {  	[tilespmem:v0+s15+$0x0] =	vst.idx.add.f32.msk $0xffff, v33  }
0xa0: {  	v0 =	vld [tilespmem:$0xB90]  }
0xa1: {  	v39 =	vld [tilespmem:$0xF90];
	_ =	sdelay $0x3  }
0xa2: {  	v0 =	vshll.u32 v0, $0x4  }
0xa3: {  	v0 =	vadd.s32 v39, v0;
	_ =	sdelay $0x4  }
0xa4: {  	[tilespmem:v0+s15+$0x0] =	vst.idx.add.f32.msk $0xffff, v33  }
0xa5: {  	v0 =	vld [tilespmem:$0xBA0]  }
0xa6: {  	v40 =	vld [tilespmem:$0xFA0];
	_ =	sdelay $0x3  }
0xa7: {  	v0 =	vshll.u32 v0, $0x4  }
0xa8: {  	v0 =	vadd.s32 v40, v0;
	_ =	sdelay $0x4  }
0xa9: {  	[tilespmem:v0+s15+$0x0] =	vst.idx.add.f32.msk $0xffff, v33  }
0xaa: {  	v0 =	vld [tilespmem:$0xBB0]  }
0xab: {  	v41 =	vld [tilespmem:$0xFB0];
	_ =	sdelay $0x3  }
0xac: {  	v0 =	vshll.u32 v0, $0x4  }
0xad: {  	v0 =	vadd.s32 v41, v0;
	_ =	sdelay $0x4  }
0xae: {  	[tilespmem:v0+s15+$0x0] =	vst.idx.add.f32.msk $0xffff, v33  }
0xaf: {  	v0 =	vld [tilespmem:$0xBC0]  }
0xb0: {  	v42 =	vld [tilespmem:$0xFC0];
	_ =	sdelay $0x3  }
0xb1: {  	v0 =	vshll.u32 v0, $0x4  }
0xb2: {  	v0 =	vadd.s32 v42, v0;
	_ =	sdelay $0x4  }
0xb3: {  	[tilespmem:v0+s15+$0x0] =	vst.idx.add.f32.msk $0xffff, v33  }
0xb4: {  	v0 =	vld [tilespmem:$0xBD0]  }
0xb5: {  	v43 =	vld [tilespmem:$0xFD0];
	_ =	sdelay $0x3  }
0xb6: {  	v0 =	vshll.u32 v0, $0x4  }
0xb7: {  	v0 =	vadd.s32 v43, v0;
	_ =	sdelay $0x4  }
0xb8: {  	[tilespmem:v0+s15+$0x0] =	vst.idx.add.f32.msk $0xffff, v33  }
0xb9: {  	v0 =	vld [tilespmem:$0xBE0]  }
0xba: {  	v44 =	vld [tilespmem:$0xFE0];
	_ =	sdelay $0x3  }
0xbb: {  	v0 =	vshll.u32 v0, $0x4  }
0xbc: {  	v0 =	vadd.s32 v44, v0;
	_ =	sdelay $0x4  }
0xbd: {  	[tilespmem:v0+s15+$0x0] =	vst.idx.add.f32.msk $0xffff, v33  }
0xbe: {  	v0 =	vld [tilespmem:$0xBF0]  }
0xbf: {  	v45 =	vld [tilespmem:$0xFF0];
	_ =	sdelay $0x3  }
0xc0: {  	v0 =	vshll.u32 v0, $0x4  }
0xc1: {  	v0 =	vadd.s32 v45, v0;
	_ =	sdelay $0x4  }
0xc2: {  	[tilespmem:v0+s15+$0x0] =	vst.idx.add.f32.msk $0xffff, v33  }
0xc3: {  	v0 =	vld [tilespmem:$0xC00]  }
0xc4: {  	v46 =	vld [tilespmem:$0x1000];
	_ =	sdelay $0x3  }
0xc5: {  	v0 =	vshll.u32 v0, $0x4  }
0xc6: {  	v0 =	vadd.s32 v46, v0;
	_ =	sdelay $0x4  }
0xc7: {  	[tilespmem:v0+s15+$0x0] =	vst.idx.add.f32.msk $0xffff, v33  }
0xc8: {  	v0 =	vld [tilespmem:$0xC10]  }
0xc9: {  	v47 =	vld [tilespmem:$0x1010];
	_ =	sdelay $0x3  }
0xca: {  	v0 =	vshll.u32 v0, $0x4  }
0xcb: {  	v0 =	vadd.s32 v47, v0;
	_ =	sdelay $0x4  }
0xcc: {  	[tilespmem:v0+s15+$0x0] =	vst.idx.add.f32.msk $0xffff, v33  }
0xcd: {  	v0 =	vld [tilespmem:$0xC20]  }
0xce: {  	v48 =	vld [tilespmem:$0x1020];
	_ =	sdelay $0x3  }
0xcf: {  	v0 =	vshll.u32 v0, $0x4  }
0xd0: {  	v0 =	vadd.s32 v48, v0;
	_ =	sdelay $0x4  }
0xd1: {  	[tilespmem:v0+s15+$0x0] =	vst.idx.add.f32.msk $0xffff, v33  }
0xd2: {  	v0 =	vld [tilespmem:$0xC30]  }
0xd3: {  	v49 =	vld [tilespmem:$0x1030];
	_ =	sdelay $0x3  }
0xd4: {  	v0 =	vshll.u32 v0, $0x4  }
0xd5: {  	v0 =	vadd.s32 v49, v0;
	_ =	sdelay $0x4  }
0xd6: {  	[tilespmem:v0+s15+$0x0] =	vst.idx.add.f32.msk $0xffff, v33  }
0xd7: {  	v0 =	vld [tilespmem:$0xC40]  }
0xd8: {  	v50 =	vld [tilespmem:$0x1040];
	_ =	sdelay $0x3  }
0xd9: {  	v0 =	vshll.u32 v0, $0x4  }
0xda: {  	v0 =	vadd.s32 v50, v0;
	_ =	sdelay $0x4  }
0xdb: {  	[tilespmem:v0+s15+$0x0] =	vst.idx.add.f32.msk $0xffff, v33  }
0xdc: {  	v0 =	vld [tilespmem:$0xC50]  }
0xdd: {  	v51 =	vld [tilespmem:$0x1050];
	_ =	sdelay $0x3  }
0xde: {  	v0 =	vshll.u32 v0, $0x4  }
0xdf: {  	v0 =	vadd.s32 v51, v0;
	_ =	sdelay $0x4  }
0xe0: {  	[tilespmem:v0+s15+$0x0] =	vst.idx.add.f32.msk $0xffff, v33  }
0xe1: {  	v0 =	vld [tilespmem:$0xC60]  }
0xe2: {  	v52 =	vld [tilespmem:$0x1060];
	_ =	sdelay $0x3  }
0xe3: {  	v0 =	vshll.u32 v0, $0x4  }
0xe4: {  	v0 =	vadd.s32 v52, v0;
	_ =	sdelay $0x4  }
0xe5: {  	[tilespmem:v0+s15+$0x0] =	vst.idx.add.f32.msk $0xffff, v33  }
0xe6: {  	v0 =	vld [tilespmem:$0xC70]  }
0xe7: {  	v53 =	vld [tilespmem:$0x1070];
	_ =	sdelay $0x3  }
0xe8: {  	v0 =	vshll.u32 v0, $0x4  }
0xe9: {  	v0 =	vadd.s32 v53, v0;
	_ =	sdelay $0x4  }
0xea: {  	[tilespmem:v0+s15+$0x0] =	vst.idx.add.f32.msk $0xffff, v33  }
0xeb: {  	v0 =	vld [tilespmem:$0xC80]  }
0xec: {  	v54 =	vld [tilespmem:$0x1080];
	_ =	sdelay $0x3  }
0xed: {  	v0 =	vshll.u32 v0, $0x4  }
0xee: {  	v0 =	vadd.s32 v54, v0;
	_ =	sdelay $0x4  }
0xef: {  	[tilespmem:v0+s15+$0x0] =	vst.idx.add.f32.msk $0xffff, v33  }
0xf0: {  	v0 =	vld [tilespmem:$0xC90]  }
0xf1: {  	v55 =	vld [tilespmem:$0x1090];
	_ =	sdelay $0x3  }
0xf2: {  	v0 =	vshll.u32 v0, $0x4  }
0xf3: {  	v0 =	vadd.s32 v55, v0;
	_ =	sdelay $0x4  }
0xf4: {  	[tilespmem:v0+s15+$0x0] =	vst.idx.add.f32.msk $0xffff, v33  }
0xf5: {  	v0 =	vld [tilespmem:$0xCA0]  }
0xf6: {  	v56 =	vld [tilespmem:$0x10A0];
	_ =	sdelay $0x3  }
0xf7: {  	v0 =	vshll.u32 v0, $0x4  }
0xf8: {  	v0 =	vadd.s32 v56, v0;
	_ =	sdelay $0x4  }
0xf9: {  	[tilespmem:v0+s15+$0x0] =	vst.idx.add.f32.msk $0xffff, v33  }
0xfa: {  	v0 =	vld [tilespmem:$0xCB0]  }
0xfb: {  	v57 =	vld [tilespmem:$0x10B0];
	_ =	sdelay $0x3  }
0xfc: {  	v0 =	vshll.u32 v0, $0x4  }
0xfd: {  	v0 =	vadd.s32 v57, v0;
	_ =	sdelay $0x4  }
0xfe: {  	[tilespmem:v0+s15+$0x0] =	vst.idx.add.f32.msk $0xffff, v33  }
0xff: {  	v0 =	vld [tilespmem:$0xCC0]  }
0x100: {  	v58 =	vld [tilespmem:$0x10C0];
	_ =	sdelay $0x3  }
0x101: {  	v0 =	vshll.u32 v0, $0x4  }
0x102: {  	v0 =	vadd.s32 v58, v0;
	_ =	sdelay $0x4  }
0x103: {  	[tilespmem:v0+s15+$0x0] =	vst.idx.add.f32.msk $0xffff, v33  }
0x104: {  	v0 =	vld [tilespmem:$0xCD0]  }
0x105: {  	v59 =	vld [tilespmem:$0x10D0];
	_ =	sdelay $0x3  }
0x106: {  	v0 =	vshll.u32 v0, $0x4  }
0x107: {  	v0 =	vadd.s32 v59, v0;
	_ =	sdelay $0x4  }
0x108: {  	[tilespmem:v0+s15+$0x0] =	vst.idx.add.f32.msk $0xffff, v33  }
0x109: {  	v0 =	vld [tilespmem:$0xCE0]  }
0x10a: {  	v60 =	vld [tilespmem:$0x10E0];
	_ =	sdelay $0x3  }
0x10b: {  	v0 =	vshll.u32 v0, $0x4  }
0x10c: {  	v0 =	vadd.s32 v60, v0;
	_ =	sdelay $0x4  }
0x10d: {  	[tilespmem:v0+s15+$0x0] =	vst.idx.add.f32.msk $0xffff, v33  }
0x10e: {  	v0 =	vld [tilespmem:$0xCF0]  }
0x10f: {  	v61 =	vld [tilespmem:$0x10F0];
	_ =	sdelay $0x3  }
0x110: {  	v0 =	vshll.u32 v0, $0x4  }
0x111: {  	v0 =	vadd.s32 v61, v0;
	_ =	sdelay $0x4  }
0x112: {  	[tilespmem:v0+s15+$0x0] =	vst.idx.add.f32.msk $0xffff, v33  }
0x113: {  	v0 =	vld [tilespmem:$0xD00]  }
0x114: {  	v62 =	vld [tilespmem:$0x1100];
	_ =	sdelay $0x3  }
0x115: {  	v0 =	vshll.u32 v0, $0x4  }
0x116: {  	v0 =	vadd.s32 v62, v0;
	_ =	sdelay $0x4  }
0x117: {  	[tilespmem:v0+s15+$0x0] =	vst.idx.add.f32.msk $0xffff, v33  }
0x118: {  	v0 =	vld [tilespmem:$0xD10]  }
0x119: {  	v63 =	vld [tilespmem:$0x1110];
	_ =	sdelay $0x3  }
0x11a: {  	v0 =	vshll.u32 v0, $0x4  }
0x11b: {  	v0 =	vadd.s32 v63, v0;
	_ =	sdelay $0x4  }
0x11c: {  	[tilespmem:v0+s15+$0x0] =	vst.idx.add.f32.msk $0xffff, v33  }
0x11d: {  	v0 =	vld [tilespmem:$0xD20]  }
0x11e: {  	v4 =	vld [tilespmem:$0x1120];
	_ =	sdelay $0x3  }
0x11f: {  	v0 =	vshll.u32 v0, $0x4  }
0x120: {  	v0 =	vadd.s32 v4, v0;
	_ =	sdelay $0x4  }
0x121: {  	[tilespmem:v0+s15+$0x0] =	vst.idx.add.f32.msk $0xffff, v33  }
0x122: {  	v0 =	vld [tilespmem:$0xD30]  }
0x123: {  	v5 =	vld [tilespmem:$0x1130];
	_ =	sdelay $0x3  }
0x124: {  	v0 =	vshll.u32 v0, $0x4  }
0x125: {  	v0 =	vadd.s32 v5, v0;
	_ =	sdelay $0x4  }
0x126: {  	[tilespmem:v0+s15+$0x0] =	vst.idx.add.f32.msk $0xffff, v33  }
0x127: {  	v0 =	vld [tilespmem:$0xD40]  }
0x128: {  	v6 =	vld [tilespmem:$0x1140];
	_ =	sdelay $0x3  }
0x129: {  	v0 =	vshll.u32 v0, $0x4  }
0x12a: {  	v0 =	vadd.s32 v6, v0;
	_ =	sdelay $0x4  }
0x12b: {  	[tilespmem:v0+s15+$0x0] =	vst.idx.add.f32.msk $0xffff, v33  }
0x12c: {  	v0 =	vld [tilespmem:$0xD50]  }
0x12d: {  	v7 =	vld [tilespmem:$0x1150];
	_ =	sdelay $0x3  }
0x12e: {  	v0 =	vshll.u32 v0, $0x4  }
0x12f: {  	v0 =	vadd.s32 v7, v0;
	_ =	sdelay $0x4  }
0x130: {  	[tilespmem:v0+s15+$0x0] =	vst.idx.add.f32.msk $0xffff, v33  }
0x131: {  	v0 =	vld [tilespmem:$0xD60]  }
0x132: {  	v12 =	vld [tilespmem:$0x1160];
	_ =	sdelay $0x3  }
0x133: {  	v0 =	vshll.u32 v0, $0x4  }
0x134: {  	v0 =	vadd.s32 v12, v0;
	_ =	sdelay $0x4  }
0x135: {  	[tilespmem:v0+s15+$0x0] =	vst.idx.add.f32.msk $0xffff, v33  }
0x136: {  	v0 =	vld [tilespmem:$0xD70]  }
0x137: {  	v13 =	vld [tilespmem:$0x1170];
	_ =	sdelay $0x3  }
0x138: {  	v0 =	vshll.u32 v0, $0x4  }
0x139: {  	v0 =	vadd.s32 v13, v0;
	_ =	sdelay $0x4  }
0x13a: {  	[tilespmem:v0+s15+$0x0] =	vst.idx.add.f32.msk $0xffff, v33  }
0x13b: {  	v0 =	vld [tilespmem:$0xD80]  }
0x13c: {  	v14 =	vld [tilespmem:$0x1180];
	_ =	sdelay $0x3  }
0x13d: {  	v0 =	vshll.u32 v0, $0x4  }
0x13e: {  	v0 =	vadd.s32 v14, v0;
	_ =	sdelay $0x4  }
0x13f: {  	[tilespmem:v0+s15+$0x0] =	vst.idx.add.f32.msk $0xffff, v33  }
0x140: {  	v0 =	vld [tilespmem:$0xD90]  }
0x141: {  	v15 =	vld [tilespmem:$0x1190];
	_ =	sdelay $0x3  }
0x142: {  	v0 =	vshll.u32 v0, $0x4  }
0x143: {  	v0 =	vadd.s32 v15, v0;
	_ =	sdelay $0x4  }
0x144: {  	[tilespmem:v0+s15+$0x0] =	vst.idx.add.f32.msk $0xffff, v33  }
0x145: {  	v0 =	vld [tilespmem:$0xDA0]  }
0x146: {  	v16 =	vld [tilespmem:$0x11A0];
	_ =	sdelay $0x3  }
0x147: {  	v0 =	vshll.u32 v0, $0x4  }
0x148: {  	v0 =	vadd.s32 v16, v0;
	_ =	sdelay $0x4  }
0x149: {  	[tilespmem:v0+s15+$0x0] =	vst.idx.add.f32.msk $0xffff, v33  }
0x14a: {  	v0 =	vld [tilespmem:$0xDB0]  }
0x14b: {  	v17 =	vld [tilespmem:$0x11B0];
	_ =	sdelay $0x3  }
0x14c: {  	v0 =	vshll.u32 v0, $0x4  }
0x14d: {  	v0 =	vadd.s32 v17, v0;
	_ =	sdelay $0x4  }
0x14e: {  	[tilespmem:v0+s15+$0x0] =	vst.idx.add.f32.msk $0xffff, v33  }
0x14f: {  	v0 =	vld [tilespmem:$0xDC0]  }
0x150: {  	v18 =	vld [tilespmem:$0x11C0];
	_ =	sdelay $0x3  }
0x151: {  	v0 =	vshll.u32 v0, $0x4  }
0x152: {  	v0 =	vadd.s32 v18, v0;
	_ =	sdelay $0x4  }
0x153: {  	[tilespmem:v0+s15+$0x0] =	vst.idx.add.f32.msk $0xffff, v33  }
0x154: {  	v0 =	vld [tilespmem:$0xDD0]  }
0x155: {  	v19 =	vld [tilespmem:$0x11D0];
	_ =	sdelay $0x3  }
0x156: {  	v0 =	vshll.u32 v0, $0x4  }
0x157: {  	v0 =	vadd.s32 v19, v0;
	_ =	sdelay $0x4  }
0x158: {  	[tilespmem:v0+s15+$0x0] =	vst.idx.add.f32.msk $0xffff, v33  }
0x159: {  	v0 =	vld [tilespmem:$0xDE0]  }
0x15a: {  	v20 =	vld [tilespmem:$0x11E0];
	_ =	sdelay $0x3  }
0x15b: {  	v0 =	vshll.u32 v0, $0x4  }
0x15c: {  	v0 =	vadd.s32 v20, v0;
	_ =	sdelay $0x4  }
0x15d: {  	[tilespmem:v0+s15+$0x0] =	vst.idx.add.f32.msk $0xffff, v33  }
0x15e: {  	v0 =	vld [tilespmem:$0xDF0]  }
0x15f: {  	v21 =	vld [tilespmem:$0x11F0];
	_ =	sdelay $0x3  }
0x160: {  	v0 =	vshll.u32 v0, $0x4  }
0x161: {  	v0 =	vadd.s32 v21, v0;
	_ =	sdelay $0x4  }
0x162: {  	[tilespmem:v0+s15+$0x0] =	vst.idx.add.f32.msk $0xffff, v33  }
0x163: {  	v0 =	vld [tilespmem:$0xE00]  }
0x164: {  	v22 =	vld [tilespmem:$0x1200];
	_ =	sdelay $0x3  }
0x165: {  	v0 =	vshll.u32 v0, $0x4  }
0x166: {  	v0 =	vadd.s32 v22, v0;
	_ =	sdelay $0x4  }
0x167: {  	[tilespmem:v0+s15+$0x0] =	vst.idx.add.f32.msk $0xffff, v33  }
0x168: {  	v0 =	vld [tilespmem:$0xE10]  }
0x169: {  	v23 =	vld [tilespmem:$0x1210];
	_ =	sdelay $0x3  }
0x16a: {  	v0 =	vshll.u32 v0, $0x4  }
0x16b: {  	v0 =	vadd.s32 v23, v0;
	_ =	sdelay $0x4  }
0x16c: {  	[tilespmem:v0+s15+$0x0] =	vst.idx.add.f32.msk $0xffff, v33  }
0x16d: {  	v0 =	vld [tilespmem:$0xE20]  }
0x16e: {  	v24 =	vld [tilespmem:$0x1220];
	_ =	sdelay $0x3  }
0x16f: {  	v0 =	vshll.u32 v0, $0x4  }
0x170: {  	v0 =	vadd.s32 v24, v0;
	_ =	sdelay $0x4  }
0x171: {  	[tilespmem:v0+s15+$0x0] =	vst.idx.add.f32.msk $0xffff, v33  }
0x172: {  	v0 =	vld [tilespmem:$0xE30]  }
0x173: {  	v25 =	vld [tilespmem:$0x1230];
	_ =	sdelay $0x3  }
0x174: {  	v0 =	vshll.u32 v0, $0x4  }
0x175: {  	v0 =	vadd.s32 v25, v0;
	_ =	sdelay $0x4  }
0x176: {  	[tilespmem:v0+s15+$0x0] =	vst.idx.add.f32.msk $0xffff, v33  }
0x177: {  	v0 =	vld [tilespmem:$0xE40]  }
0x178: {  	v26 =	vld [tilespmem:$0x1240];
	_ =	sdelay $0x3  }
0x179: {  	v0 =	vshll.u32 v0, $0x4  }
0x17a: {  	v0 =	vadd.s32 v26, v0;
	_ =	sdelay $0x4  }
0x17b: {  	[tilespmem:v0+s15+$0x0] =	vst.idx.add.f32.msk $0xffff, v33  }
0x17c: {  	v0 =	vld [tilespmem:$0xE50]  }
0x17d: {  	v27 =	vld [tilespmem:$0x1250];
	_ =	sdelay $0x3  }
0x17e: {  	v0 =	vshll.u32 v0, $0x4  }
0x17f: {  	v0 =	vadd.s32 v27, v0;
	_ =	sdelay $0x4  }
0x180: {  	[tilespmem:v0+s15+$0x0] =	vst.idx.add.f32.msk $0xffff, v33  }
0x181: {  	v0 =	vld [tilespmem:$0xE60]  }
0x182: {  	v28 =	vld [tilespmem:$0x1260];
	_ =	sdelay $0x3  }
0x183: {  	v0 =	vshll.u32 v0, $0x4  }
0x184: {  	v0 =	vadd.s32 v28, v0;
	_ =	sdelay $0x4  }
0x185: {  	[tilespmem:v0+s15+$0x0] =	vst.idx.add.f32.msk $0xffff, v33  }
0x186: {  	v0 =	vld [tilespmem:$0xE70]  }
0x187: {  	v29 =	vld [tilespmem:$0x1270];
	_ =	sdelay $0x3  }
0x188: {  	v0 =	vshll.u32 v0, $0x4  }
0x189: {  	v0 =	vadd.s32 v29, v0;
	_ =	sdelay $0x4  }
0x18a: {  	[tilespmem:v0+s15+$0x0] =	vst.idx.add.f32.msk $0xffff, v33  }
0x18b: {  	v0 =	vld [tilespmem:$0xE80]  }
0x18c: {  	v30 =	vld [tilespmem:$0x1280];
	_ =	sdelay $0x3  }
0x18d: {  	v0 =	vshll.u32 v0, $0x4  }
0x18e: {  	v0 =	vadd.s32 v30, v0;
	_ =	sdelay $0x4  }
0x18f: {  	[tilespmem:v0+s15+$0x0] =	vst.idx.add.f32.msk $0xffff, v33  }
0x190: {  	v0 =	vld [tilespmem:$0xE90]  }
0x191: {  	v31 =	vld [tilespmem:$0x1290];
	_ =	sdelay $0x3  }
0x192: {  	v0 =	vshll.u32 v0, $0x4  }
0x193: {  	v0 =	vadd.s32 v31, v0;
	_ =	sdelay $0x4  }
0x194: {  	[tilespmem:v0+s15+$0x0] =	vst.idx.add.f32.msk $0xffff, v33  }
0x195: {  	v0 =	vld [tilespmem:$0xEA0]  }
0x196: {  	v32 =	vld [tilespmem:$0x12A0];
	_ =	sdelay $0x3  }
0x197: {  	v0 =	vshll.u32 v0, $0x4  }
0x198: {  	v0 =	vadd.s32 v32, v0;
	_ =	sdelay $0x4  }
0x199: {  	[tilespmem:v0+s15+$0x0] =	vst.idx.add.f32.msk $0xffff, v33  }
0x19a: {  	v0 =	vld [tilespmem:$0xEB0]  }
0x19b: {  	v34 =	vld [tilespmem:$0x12B0];
	_ =	sdelay $0x3  }
0x19c: {  	v0 =	vshll.u32 v0, $0x4  }
0x19d: {  	v0 =	vadd.s32 v34, v0;
	_ =	sdelay $0x4  }
0x19e: {  	[tilespmem:v0+s15+$0x0] =	vst.idx.add.f32.msk $0xffff, v33  }
0x19f: {  	v0 =	vld [tilespmem:$0xEC0]  }
0x1a0: {  	v35 =	vld [tilespmem:$0x12C0];
	_ =	sdelay $0x3  }
0x1a1: {  	v0 =	vshll.u32 v0, $0x4  }
0x1a2: {  	v0 =	vadd.s32 v35, v0;
	_ =	sdelay $0x4  }
0x1a3: {  	[tilespmem:v0+s15+$0x0] =	vst.idx.add.f32.msk $0xffff, v33  }
0x1a4: {  	v0 =	vld [tilespmem:$0xED0]  }
0x1a5: {  	v36 =	vld [tilespmem:$0x12D0];
	_ =	sdelay $0x3  }
0x1a6: {  	v0 =	vshll.u32 v0, $0x4  }
0x1a7: {  	v0 =	vadd.s32 v36, v0;
	_ =	sdelay $0x4  }
0x1a8: {  	[tilespmem:v0+s15+$0x0] =	vst.idx.add.f32.msk $0xffff, v33  }
0x1a9: {  	v0 =	vld [tilespmem:$0xEE0]  }
0x1aa: {  	v37 =	vld [tilespmem:$0x12E0];
	_ =	sdelay $0x3  }
0x1ab: {  	v0 =	vshll.u32 v0, $0x4  }
0x1ac: {  	v0 =	vadd.s32 v37, v0;
	_ =	sdelay $0x4  }
0x1ad: {  	[tilespmem:v0+s15+$0x0] =	vst.idx.add.f32.msk $0xff, v33  }
0x1ae: {  	v0 =	vld [tilespmem:$0x1B00]  }
0x1af: {  	v38 =	vld [tilespmem:$0x1B10];
	_ =	sdelay $0x1  }
0x1b0: {  	v2 =	vld [tilespmem:$0x1B20];
	_ =	sdelay $0x1  }
0x1b1: {  	v3 =	vld [tilespmem:$0x1B30]  }
0x1b2: {  	v4 =	vadd.f32 v38, v0  }
0x1b3: {  	v5 =	vld [tilespmem:$0x1B40]  }
0x1b4: {  	v4 =	vadd.f32 v2, v4  }
0x1b5: {  	v6 =	vld [tilespmem:$0x1B50]  }
0x1b6: {  	v4 =	vadd.f32 v3, v4  }
0x1b7: {  	v7 =	vld [tilespmem:$0x1B60]  }
0x1b8: {  	v4 =	vadd.f32 v5, v4  }
0x1b9: {  	v8 =	vld [tilespmem:$0x1B70]  }
0x1ba: {  	v4 =	vadd.f32 v6, v4  }
0x1bb: {  	v10 =	vld [tilespmem:$0x1B80]  }
0x1bc: {  	v4 =	vadd.f32 v7, v4  }
0x1bd: {  	v11 =	vld [tilespmem:$0x1B90]  }
0x1be: {  	v4 =	vadd.f32 v8, v4  }
0x1bf: {  	v12 =	vld [tilespmem:$0x1BA0]  }
0x1c0: {  	v4 =	vadd.f32 v10, v4;
	_ =	sdelay $0x1  }
0x1c1: {  	v4 =	vadd.f32 v11, v4;
	_ =	sdelay $0x1  }
0x1c2: {  	v4 =	vadd.f32 v12, v4;
	_ =	sdelay $0x1  }
0x1c3: {  	v4 =	vmul.f32 $1.000000050e-03, v4;
	_ =	sdelay $0x1  }
0x1c4: {  	v13 =	vadd.f32 v4, v12;
	_ =	sdelay $0x1  }
0x1c5: {  	v4 =	vmul.f32 v13, v4;
	_ =	sdelay $0x1  }
0x1c6: {  	v13 =	vadd.f32 v4, v0;
	_ =	sdelay $0x1  }
0x1c7: {  	v14 =	vadd.f32 v4, v38;
	(xrf2) =	vadd.scan.msk.f32 $0xffff, v13  }
0x1c8: {  	(xrf2) =	vadd.scan.msk.f32 $0xffff, v0  }
0x1c9: {  	v15 =	vadd.f32 v4, v2;
	(xrf2) =	vadd.scan.msk.f32 $0xffff, v14  }
0x1ca: {  	(xrf2) =	vadd.scan.msk.f32 $0xffff, v38  }
0x1cb: {  	v16 =	vadd.f32 v4, v3;
	(xrf2) =	vadd.scan.msk.f32 $0xffff, v15  }
0x1cc: {  	(xrf2) =	vadd.scan.msk.f32 $0xffff, v2  }
0x1cd: {  	v17 =	vadd.f32 v4, v5;
	(xrf2) =	vadd.scan.msk.f32 $0xffff, v16  }
0x1ce: {  	(xrf2) =	vadd.scan.msk.f32 $0xffff, v3  }
0x1cf: {  	v18 =	vadd.f32 v4, v6;
	(xrf2) =	vadd.scan.msk.f32 $0xffff, v17  }
0x1d0: {  	(xrf2) =	vadd.scan.msk.f32 $0xffff, v5  }
0x1d1: {  	v40 =	vadd.f32 v4, v7;
	v39, _, _ =	vpop (xrf2);
	(xrf2) =	vadd.scan.msk.f32 $0xffff, v18  }
0x1d2: {  	v19, _, _ =	vpop (xrf2);
	(xrf2) =	vadd.scan.msk.f32 $0xffff, v6  }
0x1d3: {  	v3 =	vadd.f32 v4, v8;
	v41, _, _ =	vpop (xrf2);
	(xrf2) =	vadd.scan.msk.f32 $0xffff, v40  }
0x1d4: {  	v20, _, _ =	vpop (xrf2);
	(xrf2) =	vadd.scan.msk.f32 $0xffff, v7  }
0x1d5: {  	v43 =	vadd.f32 v4, v10;
	v42, _, _ =	vpop (xrf2);
	(xrf2) =	vadd.scan.msk.f32 $0xffff, v3  }
0x1d6: {  	v21, _, _ =	vpop (xrf2);
	(xrf2) =	vadd.scan.msk.f32 $0xffff, v8  }
0x1d7: {  	v44 =	vadd.f32 v4, v11;
	v8, _, _ =	vpop (xrf2);
	(xrf2) =	vadd.scan.msk.f32 $0xffff, v43  }
0x1d8: {  	v25 =	vld [tilespmem:$0x1FC20];
	v45, _, _ =	vpop (xrf2);
	(xrf2) =	vadd.scan.msk.f32 $0xffff, v10  }
0x1d9: {  	v10, _, _ =	vpop (xrf2);
	(xrf2) =	vadd.scan.msk.f32 $0xffff, v44  }
0x1da: {  	v22, _, _ =	vpop (xrf2);
	(xrf2) =	vadd.scan.msk.f32 $0xffff, v11  }
0x1db: {  	v11, _, _ =	vpop (xrf2);
	(xrf2) =	vadd.scan.msk.f32 $0xffff, v12  }
0x1dc: {  	v19 =	vbroadcast v19, $0xF;
	v46, _, _ =	vpop (xrf2)  }
0x1dd: {  	vm0 =	vnez.u8 v25;
	v20 =	vbroadcast v20, $0xF;
	v23, _, _ =	vpop (xrf2)  }
0x1de: {  	vm1 =	vcmask $0x32C;
	v19 =	vnsel vm0, $0x0, v19;
	v21 =	vbroadcast v21, $0xF;
	v24, _, _ =	vpop (xrf2)  }
0x1df: {  	vm13 =	vcmask $0x72C;
	v19 =	vsel vm1, v19, v20;
	v4 =	vbroadcast v45, $0xF;
	v47, _, _ =	vpop (xrf2)  }
0x1e0: {  	vm14 =	vcmask $0xB2C;
	v19 =	vsel vm13, v19, v21;
	v49 =	vbroadcast v22, $0xF;
	v48, _, _ =	vpop (xrf2)  }
0x1e1: {  	vm15 =	vcmask $0xF2C;
	v4 =	vsel vm14, v19, v4;
	v12 =	vbroadcast v46, $0xF;
	v50, _, _ =	vpop (xrf2)  }
0x1e2: {  	vm4 =	vcmask $0x132C;
	v4 =	vsel vm15, v4, v49;
	v52 =	vbroadcast v24, $0xF;
	v51, _, _ =	vpop (xrf2)  }
0x1e3: {  	vm5 =	vcmask $0x172C;
	v4 =	vsel vm4, v4, v12;
	v54 =	vbroadcast v48, $0xF;
	v53, _, _ =	vpop (xrf2)  }
0x1e4: {  	vm6 =	vcmask $0x1B2C;
	v4 =	vsel vm5, v4, v52;
	v19 =	vbroadcast v51, $0xF;
	v55, _, _ =	vpop (xrf2)  }
0x1e5: {  	vm7 =	vcmask $0x1F2C;
	v4 =	vsel vm6, v4, v54;
	v56 =	vbroadcast v55, $0xF;
	v57, _, _ =	vpop (xrf2)  }
0x1e6: {  	vm8 =	vcmask $0x232C;
	v4 =	vsel vm7, v4, v19;
	v58 =	vbroadcast v57, $0xF  }
0x1e7: {  	vm9 =	vcmask $0x272C;
	v4 =	vsel vm8, v4, v56  }
0x1e8: {  	v4 =	vsel vm9, v4, v58  }
0x1e9: {  	(xrf0) =	vmax.scan.msk.f32 $0xffff, v4;
	_ =	sdelay $0x5  }
0x1ea: {  	v59, _, _ =	vpop (xrf0)  }
0x1eb: {  	v12 =	vbroadcast v59, $0xF;
	_ =	sdelay $0x1  }
0x1ec: {  	(erf) = vrcp.f32 v12;
	_ =	sdelay $0x8  }
0x1ed: {  	v12 =	vpop (erf)  }
0x1ee: {  	v4 =	vmul.f32 v12, v4;
	_ =	sdelay $0x1  }
0x1ef: {  	v12 =	vsub.f32 $2.000000000e+00, v4;
	_ =	sdelay $0x1  }
0x1f0: {  	(erf) = vrcp.f32 v12;
	_ =	sdelay $0x7  }
0x1f1: {  	v4 =	vmul.f32 $9.499999880e-01, v4  }
0x1f2: {  	v12 =	vpop (erf)  }
0x1f3: {  	v4 =	vmul.f32 v12, v4;
	_ =	sdelay $0x1  }
0x1f4: {  	[tilespmem:$0x1D00] =	vst v4  }
0x1f5: {  	_ =	swait.ge [sflag:s14], $0x500  }
0x1f6: {  	v62 =	vld [tilespmem:$0x1FFF0];
	_ =	sdelay $0x1  }
0x1f7: {  	v5 =	vbroadcast v39, $0xF;
	v20 =	vld [tilespmem:$0x1FC30]  }
0x1f8: {  	v6 =	vbroadcast v41, $0xF  }
0x1f9: {  	vm10 =	vcmask $0x328;
	vm12 =	vcmask $0x728;
	v5 =	vnsel vm0, $0x3F800000, v5  }
0x1fa: {  	v7 =	vbroadcast v42, $0xF;
	v60 =	vsel vm10, v5, v6;
	vm11 =	vnez.u8 v62  }
0x1fb: {  	v61 =	vbroadcast v8, $0xF;
	vm13 =	vcmask $0xB28;
	v6 =	vnsel vm11, $0x3F800000, v13  }
0x1fc: {  	v63 =	vbroadcast v10, $0xF;
	v4 =	vsel vm12, v60, v7;
	(erf) = vrcp.f32 v6  }
0x1fd: {  	vm14 =	vcmask $0xF28;
	v12 =	vbroadcast v11, $0xF;
	v4 =	vsel vm13, v4, v61;
	[sflag:s14] =	ssyncset.done $0x0  }
0x1fe: {  	vm15 =	vcmask $0x1328;
	v4 =	vsel vm14, v4, v63;
	[sflag:s14] =	ssyncadd.s32 $0xFFFFFB00;
	v13 =	vbroadcast v23, $0xF  }
0x1ff: {  	vm4 =	vcmask $0x1728;
	v19 =	vbroadcast v47, $0xF;
	v4 =	vsel vm15, v4, v12;
	v7 =	vld.idx.msk [tilespmem:v20+s12+$0x0], $0xffff  }
0x200: {  	vm5 =	vcmask $0x1B28;
	v21 =	vbroadcast v50, $0xF;
	v4 =	vsel vm4, v4, v13  }
0x201: {  	vm6 =	vcmask $0x1F28;
	v22 =	vbroadcast v53, $0xF;
	v25 =	vld [tilespmem:$0x1FCC0];
	v4 =	vsel vm5, v4, v19  }
0x202: {  	vm7 =	vcmask $0x2328;
	v4 =	vsel vm6, v4, v21  }
0x203: {  	v4 =	vsel vm7, v4, v22  }
0x204: {  	v5 =	vmul.f32 v4, v7  }
0x205: {  	v24 =	vnsel vm11, $0x3F800000, v14;
	v23 =	vpop (erf)  }
0x206: {  	(erf) = vrcp.f32 v24;
	v5 =	vmul.f32 v5, v23;
	_ =	sdelay $0x1  }
0x207: {  	[tilespmem:$0x1C00] =	vst v5  }
0x208: {  	v5 =	vld.idx.msk [tilespmem:v25+s12+$0x0], $0xffff;
	_ =	sdelay $0x1  }
0x209: {  	v28 =	vld [tilespmem:$0x1FC40];
	_ =	sdelay $0x2  }
0x20a: {  	v5 =	vmul.f32 v4, v5  }
0x20b: {  	v27 =	vnsel vm11, $0x3F800000, v15;
	v26 =	vpop (erf)  }
0x20c: {  	(erf) = vrcp.f32 v27;
	v5 =	vmul.f32 v5, v26;
	_ =	sdelay $0x1  }
0x20d: {  	[tilespmem:$0x1C10] =	vst v5  }
0x20e: {  	v5 =	vld.idx.msk [tilespmem:v28+s12+$0x0], $0xffff;
	_ =	sdelay $0x1  }
0x20f: {  	v31 =	vld [tilespmem:$0x1FC50];
	_ =	sdelay $0x2  }
0x210: {  	v5 =	vmul.f32 v4, v5  }
0x211: {  	v30 =	vnsel vm11, $0x3F800000, v16;
	v29 =	vpop (erf)  }
0x212: {  	(erf) = vrcp.f32 v30;
	v5 =	vmul.f32 v5, v29;
	_ =	sdelay $0x1  }
0x213: {  	[tilespmem:$0x1C20] =	vst v5  }
0x214: {  	v5 =	vld.idx.msk [tilespmem:v31+s12+$0x0], $0xffff;
	_ =	sdelay $0x1  }
0x215: {  	v35 =	vld [tilespmem:$0x1FC60];
	_ =	sdelay $0x2  }
0x216: {  	v5 =	vmul.f32 v4, v5  }
0x217: {  	v34 =	vnsel vm11, $0x3F800000, v17;
	v32 =	vpop (erf)  }
0x218: {  	(erf) = vrcp.f32 v34;
	v5 =	vmul.f32 v5, v32;
	_ =	sdelay $0x1  }
0x219: {  	[tilespmem:$0x1C30] =	vst v5  }
0x21a: {  	v5 =	vld.idx.msk [tilespmem:v35+s12+$0x0], $0xffff;
	_ =	sdelay $0x1  }
0x21b: {  	v38 =	vld [tilespmem:$0x1FC70];
	_ =	sdelay $0x2  }
0x21c: {  	v5 =	vmul.f32 v4, v5  }
0x21d: {  	v37 =	vnsel vm11, $0x3F800000, v18;
	v36 =	vpop (erf)  }
0x21e: {  	(erf) = vrcp.f32 v37;
	v5 =	vmul.f32 v5, v36;
	_ =	sdelay $0x1  }
0x21f: {  	[tilespmem:$0x1C40] =	vst v5  }
0x220: {  	v5 =	vld.idx.msk [tilespmem:v38+s12+$0x0], $0xffff;
	_ =	sdelay $0x1  }
0x221: {  	v1 =	vnsel vm11, $0x3F800000, v40;
	v40 =	vld [tilespmem:$0x1FC80];
	_ =	sdelay $0x2  }
0x222: {  	v5 =	vmul.f32 v4, v5  }
0x223: {  	v39 =	vpop (erf)  }
0x224: {  	(erf) = vrcp.f32 v1;
	v5 =	vmul.f32 v5, v39;
	_ =	sdelay $0x1  }
0x225: {  	[tilespmem:$0x1C50] =	vst v5  }
0x226: {  	v1 =	vld.idx.msk [tilespmem:v40+s12+$0x0], $0xffff;
	_ =	sdelay $0x1  }
0x227: {  	v42 =	vld [tilespmem:$0x1FC90];
	_ =	sdelay $0x2  }
0x228: {  	v1 =	vmul.f32 v4, v1  }
0x229: {  	v3 =	vnsel vm11, $0x3F800000, v3;
	v41 =	vpop (erf)  }
0x22a: {  	(erf) = vrcp.f32 v3;
	v1 =	vmul.f32 v1, v41;
	_ =	sdelay $0x1  }
0x22b: {  	[tilespmem:$0x1C60] =	vst v1  }
0x22c: {  	v1 =	vld.idx.msk [tilespmem:v42+s12+$0x0], $0xffff;
	_ =	sdelay $0x1  }
0x22d: {  	v2 =	vnsel vm11, $0x3F800000, v43;
	v43 =	vld [tilespmem:$0x1FCA0];
	_ =	sdelay $0x2  }
0x22e: {  	v1 =	vmul.f32 v1, v4  }
0x22f: {  	v3 =	vpop (erf)  }
0x230: {  	(erf) = vrcp.f32 v2;
	v1 =	vmul.f32 v1, v3;
	_ =	sdelay $0x1  }
0x231: {  	[tilespmem:$0x1C70] =	vst v1  }
0x232: {  	v1 =	vld.idx.msk [tilespmem:v43+s12+$0x0], $0xffff;
	_ =	sdelay $0x1  }
0x233: {  	v0 =	vnsel vm11, $0x3F800000, v44;
	v44 =	vld [tilespmem:$0x1FCB0];
	_ =	sdelay $0x2  }
0x234: {  	v1 =	vmul.f32 v1, v4  }
0x235: {  	v2 =	vpop (erf)  }
0x236: {  	(erf) = vrcp.f32 v0;
	v1 =	vmul.f32 v1, v2;
	_ =	sdelay $0x1  }
0x237: {  	[tilespmem:$0x1C80] =	vst v1  }
0x238: {  	v0 =	vld.idx.msk [tilespmem:v44+s12+$0x0], $0xffff;
	_ =	sdelay $0x4  }
0x239: {  	v0 =	vmul.f32 v0, v4  }
0x23a: {  	v45 =	vpop (erf)  }
0x23b: {  	v0 =	vmul.f32 v0, v45;
	_ =	sdelay $0x1  }
0x23c: {  	[tilespmem:$0x1C90] =	vst v0  }
0x23d: {  	_ =	swait.ge [sflag:s14], $0xA80  }
0x23e: {  	[sflag:s14] =	ssyncset.done $0x0  }
0x23f: {  	[sflag:s14] =	ssyncadd.s32 $0xFFFFF580  }
0x240: {  	_ =	swait.ge [sflag:s14], $0x80  }
0x241: {  	v47 =	vld [tilespmem:$0x1FCD0]  }
0x242: {  	v48 =	vld [tilespmem:$0x1FCE0]  }
0x243: {  	v49 =	vld [tilespmem:$0x1FCF0]  }
0x244: {  	v10 =	vld [tilespmem:$0x1FD40]  }
0x245: {  	v50 =	vld [tilespmem:$0x1FD00]  }
0x246: {  	v51 =	vld [tilespmem:$0x1FD10]  }
0x247: {  	v52 =	vld [tilespmem:$0x1FD20]  }
0x248: {  	[sflag:s14] =	ssyncset.done $0x0;
	v8 =	vld [tilespmem:$0x1FD30]  }
0x249: {  	v25 =	vld [tilespmem:$0x1FD60];
	[sflag:s14] =	ssyncadd.s32 $0xFFFFFF80  }
0x24a: {  	v46 =	vld.idx.msk [tilespmem:v9+s5+$0x0], $0xffff  }
0x24b: {  	v1 =	vld.idx.msk [tilespmem:v47+s5+$0x0], $0xffff  }
0x24c: {  	v11 =	vld.idx.msk [tilespmem:v10+s5+$0x0], $0xffff  }
0x24d: {  	v10 =	vld [tilespmem:$0x1FD50]  }
0x24e: {  	v2 =	vld.idx.msk [tilespmem:v48+s5+$0x0], $0xffff  }
0x24f: {  	v3 =	vld.idx.msk [tilespmem:v49+s5+$0x0], $0xffff  }
0x250: {  	v4 =	vld.idx.msk [tilespmem:v50+s5+$0x0], $0xffff  }
0x251: {  	v5 =	vld.idx.msk [tilespmem:v51+s5+$0x0], $0xffff  }
0x252: {  	v6 =	vld.idx.msk [tilespmem:v52+s5+$0x0], $0xffff;
	v53 =	vmax.f32 v46, v1  }
0x253: {  	v8 =	vld.idx.msk [tilespmem:v8+s5+$0x0], $0xffff;
	v7 =	vmax.f32 v53, v2  }
0x254: {  	v42 =	vld [tilespmem:$0x1FD70];
	v7 =	vmax.f32 v7, v3  }
0x255: {  	v54 =	vld.idx.msk [tilespmem:v10+s5+$0x0], $0xffff;
	v7 =	vmax.f32 v7, v4  }
0x256: {  	v49 =	vld [tilespmem:$0x1FD90];
	v7 =	vmax.f32 v7, v5  }
0x257: {  	v51 =	vld [tilespmem:$0x1FDA0];
	v7 =	vmax.f32 v7, v6  }
0x258: {  	v7 =	vmax.f32 v7, v8  }
0x259: {  	v10 =	vld [tilespmem:$0xA80];
	v7 =	vmax.f32 v7, v11  }
0x25a: {  	v55 =	vmax.f32 v7, v54  }
0x25b: {  	v0 =	vsub.f32 v46, v55  }
0x25c: {  	v41 =	vld.idx.msk [tilespmem:v25+s5+$0x0], $0xffff;
	v1 =	vsub.f32 v1, v55  }
0x25d: {  	v43 =	vld.idx.msk [tilespmem:v42+s5+$0x0], $0xffff;
	v0 =	vmul.f32 $1.442695020e+00, v0  }
0x25e: {  	v50 =	vld.idx.msk [tilespmem:v49+s5+$0x0], $0xffff;
	v56 =	vadd.s32 $0x10, v10;
	v2 =	vsub.f32 v2, v55;
	v1 =	vmul.f32 $1.442695020e+00, v1  }
0x25f: {  	v52 =	vld.idx.msk [tilespmem:v51+s5+$0x0], $0xffff;
	v59 =	vadd.s32 $0x40, v10;
	v61 =	vadd.s32 $0x50, v10;
	(erf) = vpow2.f32 v0  }
0x260: {  	v3 =	vsub.f32 v3, v55;
	v46 =	vld [tilespmem:$0x1FD80];
	v2 =	vmul.f32 $1.442695020e+00, v2;
	(erf) = vpow2.f32 v1  }
0x261: {  	v57 =	vadd.s32 $0x20, v10;
	v63 =	vadd.s32 $0x60, v10;
	v40 =	vsub.f32 v54, v55;
	v54 =	vld [tilespmem:$0x1FDB0]  }
0x262: {  	v4 =	vsub.f32 v4, v55;
	v3 =	vmul.f32 $1.442695020e+00, v3;
	v60 =	vld.idx.msk [tilespmem:v10+s16+$0x0], $0xffff;
	(erf) = vpow2.f32 v2  }
0x263: {  	v58 =	vadd.s32 $0x30, v10;
	v21 =	vadd.s32 $0x70, v10;
	v0 =	vld.idx.msk [tilespmem:v56+s16+$0x0], $0xffff  }
0x264: {  	v5 =	vsub.f32 v5, v55;
	v62 =	vmul.f32 $1.442695020e+00, v4;
	v23 =	vld.idx.msk [tilespmem:v59+s16+$0x0], $0xffff;
	(erf) = vpow2.f32 v3  }
0x265: {  	v15 =	vld.idx.msk [tilespmem:v61+s16+$0x0], $0xffff  }
0x266: {  	v6 =	vsub.f32 v6, v55;
	v5 =	vmul.f32 $1.442695020e+00, v5;
	v30 =	vld.idx.msk [tilespmem:v63+s16+$0x0], $0xffff;
	(erf) = vpow2.f32 v62  }
0x267: {  	v22 =	vadd.s32 $0x80, v10;
	v31 =	vsub.f32 v8, v55;
	v1 =	vld.idx.msk [tilespmem:v57+s16+$0x0], $0xffff  }
0x268: {  	v27 =	vadd.s32 $0x90, v10;
	v29 =	vmul.f32 $1.442695020e+00, v6;
	v32 =	vld.idx.msk [tilespmem:v21+s16+$0x0], $0xffff;
	(erf) = vpow2.f32 v5;
	v28 =	vpop (erf)  }
0x269: {  	v35 =	vsub.f32 v11, v55;
	v4 =	vmul.f32 $1.442695020e+00, v31;
	v2 =	vld.idx.msk [tilespmem:v58+s16+$0x0], $0xffff;
	v10 =	vpop (erf);
	v8 =	vmul.f32 v28, v60  }
0x26a: {  	v56 =	vld [tilespmem:$0x1FDC0];
	(erf) = vpow2.f32 v29;
	v10 =	vmul.f32 v10, v0  }
0x26b: {  	v39 =	vmul.f32 $1.442695020e+00, v35;
	v60 =	vld [tilespmem:$0x1FDD0];
	v34 =	vpop (erf)  }
0x26c: {  	v62 =	vld [tilespmem:$0x1FDE0];
	(erf) = vpow2.f32 v4;
	v7 =	vmul.f32 v34, v1;
	v36 =	vadd.f32 v10, v8  }
0x26d: {  	v45 =	vmul.f32 $1.442695020e+00, v40;
	v29 =	vld [tilespmem:$0x1FDF0];
	v38 =	vpop (erf)  }
0x26e: {  	v47 =	vld.idx.msk [tilespmem:v46+s5+$0x0], $0xffff;
	(erf) = vpow2.f32 v39;
	v6 =	vmul.f32 v2, v38;
	v44 =	vadd.f32 v36, v7  }
0x26f: {  	v11 =	vld.idx.msk [tilespmem:v22+s16+$0x0], $0xffff;
	v48 =	vpop (erf)  }
0x270: {  	v37 =	vld.idx.msk [tilespmem:v27+s16+$0x0], $0xffff;
	(erf) = vpow2.f32 v45;
	v5 =	vmul.f32 v23, v48;
	v2 =	vadd.f32 v44, v6  }
0x271: {  	v55 =	vld.idx.msk [tilespmem:v54+s5+$0x0], $0xffff;
	v53 =	vpop (erf)  }
0x272: {  	v58 =	vmax.f32 v41, v43;
	v57 =	vld.idx.msk [tilespmem:v56+s5+$0x0], $0xffff;
	v4 =	vmul.f32 v15, v53;
	v2 =	vadd.f32 v2, v5  }
0x273: {  	v61 =	vmax.f32 v58, v47;
	v21 =	vld.idx.msk [tilespmem:v60+s5+$0x0], $0xffff;
	v59 =	vpop (erf)  }
0x274: {  	v27 =	vmax.f32 v61, v50;
	v63 =	vld.idx.msk [tilespmem:v62+s5+$0x0], $0xffff;
	v3 =	vmul.f32 v30, v59;
	v2 =	vadd.f32 v2, v4  }
0x275: {  	v12 =	vmax.f32 v27, v52;
	v23 =	vld.idx.msk [tilespmem:v29+s5+$0x0], $0xffff;
	v28 =	vpop (erf)  }
0x276: {  	v31 =	vmax.f32 v12, v55;
	v30 =	vadd.f32 v2, v3;
	v2 =	vmul.f32 v32, v28  }
0x277: {  	v34 =	vmax.f32 v31, v57;
	v32 =	vpop (erf)  }
0x278: {  	v0 =	vmul.f32 v11, v32;
	v11 =	vmax.f32 v34, v21;
	v24 =	vadd.f32 v30, v2  }
0x279: {  	v35 =	vpop (erf);
	v11 =	vmax.f32 v11, v63  }
0x27a: {  	v31 =	vmul.f32 v37, v35;
	v36 =	vadd.f32 v24, v0;
	v24 =	vmax.f32 v11, v23  }
0x27b: {  	v37 =	vsub.f32 v41, v24  }
0x27c: {  	v38 =	vsub.f32 v43, v24;
	v11 =	vadd.f32 v36, v31  }
0x27d: {  	v1 =	vmul.f32 $1.442695020e+00, v37  }
0x27e: {  	(erf) = vrcp.f32 v11;
	v11 =	vmul.f32 $1.442695020e+00, v38  }
0x27f: {  	v39 =	vsub.f32 v47, v24;
	(erf) = vpow2.f32 v1  }
0x280: {  	(erf) = vpow2.f32 v11;
	v11 =	vsub.f32 v50, v24  }
0x281: {  	v40 =	vmul.f32 $1.442695020e+00, v39  }
0x282: {  	v41 =	vmul.f32 $1.442695020e+00, v11;
	v11 =	vsub.f32 v52, v24  }
0x283: {  	(erf) = vpow2.f32 v40  }
0x284: {  	v42 =	vmul.f32 $1.442695020e+00, v11;
	v11 =	vsub.f32 v55, v24  }
0x285: {  	(erf) = vpow2.f32 v41  }
0x286: {  	v44 =	vmul.f32 $1.442695020e+00, v11;
	v11 =	vsub.f32 v57, v24  }
0x287: {  	v43 =	vpop (erf);
	(erf) = vpow2.f32 v42  }
0x288: {  	v47 =	vmul.f32 $1.442695020e+00, v11;
	v11 =	vsub.f32 v21, v24  }
0x289: {  	v45 =	vpop (erf)  }
0x28a: {  	(erf) = vpow2.f32 v44;
	v46 =	vpop (erf);
	v49 =	vmul.f32 $1.442695020e+00, v11;
	v11 =	vsub.f32 v63, v24  }
0x28b: {  	v13 =	vadd.f32 v46, v45  }
0x28c: {  	v48 =	vpop (erf);
	(erf) = vpow2.f32 v47;
	v50 =	vmul.f32 $1.442695020e+00, v11;
	v11 =	vsub.f32 v23, v24  }
0x28d: {  	v13 =	vadd.f32 v13, v48  }
0x28e: {  	v51 =	vpop (erf)  }
0x28f: {  	v13 =	vadd.f32 v13, v51  }
0x290: {  	v52 =	vmul.f32 $1.442695020e+00, v11;
	v11 =	vpop (erf)  }
0x291: {  	v11 =	vadd.f32 v13, v11;
	_ =	sdelay $0x1  }
0x292: {  	v62 =	vld [tilespmem:$0x1FE40];
	v53 =	vpop (erf)  }
0x293: {  	v60 =	vld [tilespmem:$0x1FE30];
	v1 =	vadd.f32 v11, v53  }
0x294: {  	v55 =	vld [tilespmem:$0x1FE10];
	(erf) = vpow2.f32 v49;
	v11 =	vpop (erf)  }
0x295: {  	v1 =	vadd.f32 v1, v11;
	v11 =	vld [tilespmem:$0x1FE00]  }
0x296: {  	v57 =	vld [tilespmem:$0x1FE20];
	(erf) = vpow2.f32 v50  }
0x297: {  	v29 =	vld [tilespmem:$0x1FE60]  }
0x298: {  	v32 =	vld [tilespmem:$0x1FE70];
	(erf) = vpow2.f32 v52  }
0x299: {  	v23 =	vld [tilespmem:$0x1FE50]  }
0x29a: {  	v35 =	vld [tilespmem:$0x1FE80]  }
0x29b: {  	v37 =	vld [tilespmem:$0x1FE90]  }
0x29c: {  	v56 =	vld.idx.msk [tilespmem:v55+s5+$0x0], $0xffff  }
0x29d: {  	v54 =	vpop (erf);
	v11 =	vld.idx.msk [tilespmem:v11+s5+$0x0], $0xffff  }
0x29e: {  	v58 =	vld.idx.msk [tilespmem:v57+s5+$0x0], $0xffff;
	v1 =	vadd.f32 v1, v54  }
0x29f: {  	v61 =	vld.idx.msk [tilespmem:v60+s5+$0x0], $0xffff;
	v59 =	vpop (erf)  }
0x2a0: {  	v63 =	vld.idx.msk [tilespmem:v62+s5+$0x0], $0xffff;
	v1 =	vadd.f32 v1, v59  }
0x2a1: {  	v26 =	vld.idx.msk [tilespmem:v23+s5+$0x0], $0xffff;
	v22 =	vpop (erf)  }
0x2a2: {  	v28 =	vadd.f32 v1, v22;
	v1 =	vld.idx.msk [tilespmem:v29+s5+$0x0], $0xffff;
	v30 =	vmax.f32 v11, v56  }
0x2a3: {  	v34 =	vld.idx.msk [tilespmem:v32+s5+$0x0], $0xffff;
	v17 =	vmax.f32 v30, v58  }
0x2a4: {  	v36 =	vld.idx.msk [tilespmem:v35+s5+$0x0], $0xffff;
	v20 =	vcvt.s32.f32 v28;
	v17 =	vmax.f32 v17, v61  }
0x2a5: {  	v38 =	vld.idx.msk [tilespmem:v37+s5+$0x0], $0xffff;
	v17 =	vmax.f32 v17, v63  }
0x2a6: {  	v20 =	vmul.f32 $8.262958320e-08, v20;
	v17 =	vmax.f32 v17, v26  }
0x2a7: {  	v17 =	vmax.f32 v17, v1  }
0x2a8: {  	vm8 =	vgt.f32 v10, v8;
	[tilespmem:$0x1F940] =	vst v28;
	v28 =	vadd.f32 $-8.798996730e+01, v20;
	v17 =	vmax.f32 v17, v34  }
0x2a9: {  	v8 =	vsel vm8, v10, v8;
	v17 =	vmax.f32 v17, v36  }
0x2aa: {  	vm9 =	vgt.f32 v7, v8;
	v20 =	vsub.f32 $0.0e+00, v28;
	v17 =	vmax.f32 v17, v38  }
0x2ab: {  	v7 =	vsel vm9, v7, v8;
	v11 =	vsub.f32 v11, v17  }
0x2ac: {  	vm10 =	vgt.f32 v6, v7;
	v39 =	vld [tilespmem:$0xA90];
	v20 =	vmul.f32 $1.442695020e+00, v20  }
0x2ad: {  	v6 =	vsel vm10, v6, v7;
	v14 =	vsub.f32 v56, v17;
	v11 =	vmul.f32 $1.442695020e+00, v11  }
0x2ae: {  	vm2 =	vgt.f32 v5, v6;
	(erf) = vpow2.f32 v20  }
0x2af: {  	v13 =	vsub.f32 v58, v17;
	(erf) = vpow2.f32 v11;
	v11 =	vmul.f32 $1.442695020e+00, v14  }
0x2b0: {  	v5 =	vsel vm2, v5, v6;
	v40 =	vsub.f32 v61, v17  }
0x2b1: {  	v13 =	vmul.f32 $1.442695020e+00, v13;
	(erf) = vpow2.f32 v11;
	v11 =	vadd.s32 $0x10, v39  }
0x2b2: {  	vm3 =	vgt.f32 v4, v5;
	v41 =	vmul.f32 $1.442695020e+00, v40  }
0x2b3: {  	v10 =	vadd.s32 $0x20, v39;
	v42 =	vsub.f32 v63, v17;
	(erf) = vpow2.f32 v13  }
0x2b4: {  	v4 =	vsel vm3, v4, v5;
	v44 =	vadd.s32 $0x30, v39;
	(erf) = vpow2.f32 v41  }
0x2b5: {  	vm12 =	vgt.f32 v3, v4;
	[tilespmem:$0x1F960] =	vst v43;
	v43 =	vld.idx.msk [tilespmem:v39+s16+$0x0], $0xffff;
	v45 =	vimm.s32 $0x0;
	v14 =	vmul.f32 $1.442695020e+00, v42  }
0x2b6: {  	v3 =	vsel vm12, v3, v4;
	v46 =	vsel vm8, $0x1, v45;
	v8 =	vld.idx.msk [tilespmem:v11+s16+$0x0], $0xffff;
	v11 =	vsub.f32 v26, v17  }
0x2b7: {  	v49 =	vadd.s32 $0x40, v39;
	v1 =	vsub.f32 v1, v17;
	v47 =	vpop (erf);
	(erf) = vpow2.f32 v14  }
0x2b8: {  	v10 =	vld.idx.msk [tilespmem:v10+s16+$0x0], $0xffff;
	v54 =	vadd.s32 $0x60, v39;
	v59 =	vadd.s32 $0x70, v39;
	v11 =	vmul.f32 $1.442695020e+00, v11  }
0x2b9: {  	v51 =	vsub.f32 v34, v17;
	v55 =	vsub.f32 v36, v17;
	v1 =	vmul.f32 $1.442695020e+00, v1;
	v13 =	vld.idx.msk [tilespmem:v44+s16+$0x0], $0xffff;
	v48 =	vpop (erf)  }
0x2ba: {  	v50 =	vmul.f32 v48, v43;
	v52 =	vpop (erf);
	(erf) = vpow2.f32 v11;
	v11 =	vadd.s32 $0x50, v39  }
0x2bb: {  	v17 =	vsub.f32 v38, v17;
	v8 =	vmul.f32 v52, v8;
	(erf) = vpow2.f32 v1  }
0x2bc: {  	v57 =	vld.idx.msk [tilespmem:v49+s16+$0x0], $0xffff;
	v61 =	vadd.s32 $0x80, v39;
	v19 =	vmul.f32 $1.442695020e+00, v55;
	v14 =	vmul.f32 $1.442695020e+00, v51;
	v53 =	vpop (erf)  }
0x2bd: {  	v17 =	vmul.f32 $1.442695020e+00, v17;
	v10 =	vmul.f32 v53, v10;
	v58 =	vpop (erf);
	v56 =	vadd.f32 v8, v50  }
0x2be: {  	(erf) = vpow2.f32 v14;
	v13 =	vmul.f32 v13, v58;
	vm11 =	vgt.f32 v8, v50  }
0x2bf: {  	(erf) = vpow2.f32 v19;
	v7 =	vsel vm11, v8, v50;
	v60 =	vadd.f32 v56, v10;
	v11 =	vld.idx.msk [tilespmem:v11+s16+$0x0], $0xffff  }
0x2c0: {  	v63 =	vadd.s32 $0x90, v39;
	v1 =	vld.idx.msk [tilespmem:v54+s16+$0x0], $0xffff;
	v62 =	vpop (erf);
	(erf) = vpow2.f32 v17;
	vm13 =	vgt.f32 v10, v7  }
0x2c1: {  	v15 =	vmul.f32 v57, v62;
	v20 =	vsel vm13, v10, v7;
	v6 =	vadd.f32 v60, v13  }
0x2c2: {  	vm15 =	vgt.f32 v2, v3;
	v16 =	vsel vm9, $0x2, v46;
	vm14 =	vgt.f32 v13, v20  }
0x2c3: {  	v16 =	vsel vm10, $0x3, v16;
	v18 =	vld.idx.msk [tilespmem:v59+s16+$0x0], $0xffff;
	v4 =	vsel vm14, v13, v20;
	v12 =	vpop (erf);
	v6 =	vadd.f32 v6, v15  }
0x2c4: {  	v14 =	vld.idx.msk [tilespmem:v61+s16+$0x0], $0xffff;
	vm4 =	vgt.f32 v15, v4;
	v5 =	vmul.f32 v11, v12;
	v11 =	vsel vm2, $0x4, v16;
	v8 =	vpop (erf)  }
0x2c5: {  	v10 =	vld.idx.msk [tilespmem:v63+s16+$0x0], $0xffff;
	v4 =	vsel vm4, v15, v4;
	v1 =	vmul.f32 v1, v8;
	v8 =	vsel vm3, $0x5, v11  }
0x2c6: {  	v2 =	vsel vm15, v2, v3;
	v8 =	vsel vm12, $0x6, v8;
	vm8 =	vgt.f32 v5, v4  }
0x2c7: {  	v26 =	vimm.s32 $0x0;
	v21 =	vpop (erf);
	v6 =	vadd.f32 v6, v5;
	v4 =	vsel vm8, v5, v4  }
0x2c8: {  	v7 =	vmul.f32 v18, v21;
	v11 =	vpop (erf);
	v22 =	vsel vm15, $0x7, v8;
	vm9 =	vgt.f32 v1, v4  }
0x2c9: {  	v40 =	vld [tilespmem:$0x1FEC0];
	v6 =	vadd.f32 v6, v1;
	v11 =	vmul.f32 v14, v11;
	v8 =	vpop (erf);
	v1 =	vsel vm9, v1, v4  }
0x2ca: {  	v39 =	vld [tilespmem:$0x1FEB0];
	v35 =	vmul.f32 v10, v8;
	v8 =	vsel vm11, $0x1, v26;
	vm10 =	vgt.f32 v7, v1  }
0x2cb: {  	vm5 =	vgt.f32 v0, v2;
	v42 =	vld [tilespmem:$0x1FEE0];
	v23 =	vsel vm13, $0x2, v8;
	v1 =	vsel vm10, v7, v1  }
0x2cc: {  	v44 =	vld [tilespmem:$0x1FF00];
	v27 =	vsel vm5, $0x8, v22;
	v26 =	vsel vm14, $0x3, v23;
	vm11 =	vgt.f32 v11, v1  }
0x2cd: {  	v41 =	vld [tilespmem:$0x1FED0];
	v8 =	vsel vm5, v0, v2;
	v0 =	vsel vm4, $0x4, v26;
	v29 =	vsel vm11, v11, v1  }
0x2ce: {  	vm6 =	vgt.f32 v31, v8;
	v0 =	vsel vm8, $0x5, v0;
	[tilespmem:$0x1F970] =	vst v29;
	vm7 =	vgt.f32 v35, v29;
	v29 =	vld [tilespmem:$0x1FEA0]  }
0x2cf: {  	v43 =	vld [tilespmem:$0x1FEF0];
	v2 =	vsel vm6, $0x9, v27;
	v0 =	vsel vm9, $0x6, v0  }
0x2d0: {  	v10 =	vld [tilespmem:$0x1FF20];
	v0 =	vsel vm10, $0x7, v0  }
0x2d1: {  	v6 =	vadd.f32 v6, v7;
	[tilespmem:$0x1F950] =	vst v8;
	v8 =	vld [tilespmem:$0x1FF10];
	v0 =	vsel vm11, $0x8, v0  }
0x2d2: {  	v1 =	vld.idx.msk [tilespmem:v39+s5+$0x0], $0xffff;
	v3 =	vsel vm7, $0x9, v0  }
0x2d3: {  	v6 =	vadd.f32 v6, v11;
	v11 =	vld [tilespmem:$0x1FF30]  }
0x2d4: {  	v32 =	vld.idx.msk [tilespmem:v2+s17+$0x0], $0xffff  }
0x2d5: {  	v30 =	vadd.s32 v25, v2;
	v2 =	vld.idx.msk [tilespmem:v40+s5+$0x0], $0xffff  }
0x2d6: {  	v38 =	vld.idx.msk [tilespmem:v29+s5+$0x0], $0xffff  }
0x2d7: {  	v37 =	vld.idx.msk [tilespmem:v3+s17+$0x0], $0xffff  }
0x2d8: {  	[tilespmem:$0x1F9B0] =	vst v3;
	v3 =	vld.idx.msk [tilespmem:v41+s5+$0x0], $0xffff  }
0x2d9: {  	v4 =	vld.idx.msk [tilespmem:v42+s5+$0x0], $0xffff;
	v6 =	vadd.f32 v6, v35  }
0x2da: {  	v5 =	vld.idx.msk [tilespmem:v43+s5+$0x0], $0xffff  }
0x2db: {  	(erf) = vrcp.f32 v6;
	v6 =	vld.idx.msk [tilespmem:v44+s5+$0x0], $0xffff;
	v45 =	vmax.f32 v38, v1  }
0x2dc: {  	v8 =	vld.idx.msk [tilespmem:v8+s5+$0x0], $0xffff;
	v7 =	vmax.f32 v45, v2  }
0x2dd: {  	v10 =	vld.idx.msk [tilespmem:v10+s5+$0x0], $0xffff;
	v7 =	vmax.f32 v7, v3  }
0x2de: {  	v46 =	vld.idx.msk [tilespmem:v11+s5+$0x0], $0xffff;
	v7 =	vmax.f32 v7, v4  }
0x2df: {  	v7 =	vmax.f32 v7, v5  }
0x2e0: {  	v7 =	vmax.f32 v7, v6  }
0x2e1: {  	v7 =	vmax.f32 v7, v8  }
0x2e2: {  	v7 =	vmax.f32 v7, v10  }
0x2e3: {  	v12 =	vmax.f32 v7, v46  }
0x2e4: {  	v0 =	vsub.f32 v38, v12  }
0x2e5: {  	v1 =	vsub.f32 v1, v12  }
0x2e6: {  	v0 =	vmul.f32 $1.442695020e+00, v0  }
0x2e7: {  	v2 =	vsub.f32 v2, v12;
	v1 =	vmul.f32 $1.442695020e+00, v1  }
0x2e8: {  	(erf) = vpow2.f32 v0  }
0x2e9: {  	[tilespmem:$0x1F930] =	vst v47;
	v48 =	vsub.f32 v3, v12;
	v47 =	vmul.f32 $1.442695020e+00, v2;
	(erf) = vpow2.f32 v1;
	_ =	sdelay $0x1  }
0x2ea: {  	v50 =	vsub.f32 v4, v12;
	v49 =	vmul.f32 $1.442695020e+00, v48;
	(erf) = vpow2.f32 v47;
	_ =	sdelay $0x1  }
0x2eb: {  	v52 =	vsub.f32 v5, v12;
	v51 =	vmul.f32 $1.442695020e+00, v50;
	(erf) = vpow2.f32 v49;
	_ =	sdelay $0x1  }
0x2ec: {  	v36 =	vpop (erf);
	v54 =	vsub.f32 v6, v12;
	v53 =	vmul.f32 $1.442695020e+00, v52;
	(erf) = vpow2.f32 v51;
	_ =	sdelay $0x1  }
0x2ed: {  	v19 =	vld [tilespmem:$0x1FF60];
	v58 =	vsub.f32 v8, v12;
	v57 =	vmul.f32 $1.442695020e+00, v54;
	(erf) = vpow2.f32 v53;
	v55 =	vpop (erf)  }
0x2ee: {  	v11 =	vld [tilespmem:$0x1FFC0];
	v61 =	vsub.f32 v10, v12;
	v56 =	vpop (erf)  }
0x2ef: {  	v16 =	vld [tilespmem:$0x1FF40];
	v60 =	vmul.f32 $1.442695020e+00, v58;
	(erf) = vpow2.f32 v57;
	v2 =	vadd.f32 v56, v55  }
0x2f0: {  	v18 =	vld [tilespmem:$0x1FF50];
	v63 =	vsub.f32 v46, v12;
	v59 =	vpop (erf)  }
0x2f1: {  	v21 =	vld [tilespmem:$0x1FF70];
	v62 =	vmul.f32 $1.442695020e+00, v61;
	(erf) = vpow2.f32 v60;
	v2 =	vadd.f32 v2, v59  }
0x2f2: {  	v22 =	vld [tilespmem:$0x1FF80];
	v6 =	vpop (erf)  }
0x2f3: {  	v26 =	vld [tilespmem:$0x1FFA0];
	v7 =	vmul.f32 $1.442695020e+00, v63;
	(erf) = vpow2.f32 v62;
	v2 =	vadd.f32 v2, v6  }
0x2f4: {  	v25 =	vld [tilespmem:$0x1FF90];
	v13 =	vpop (erf)  }
0x2f5: {  	v34 =	vld.idx.msk [tilespmem:v30+s5+$0x0], $0xffff;
	(erf) = vpow2.f32 v7;
	v1 =	vadd.f32 v2, v13  }
0x2f6: {  	v30 =	vld.idx.msk [tilespmem:v11+s5+$0x0], $0xffff;
	v14 =	vpop (erf)  }
0x2f7: {  	v11 =	vld [tilespmem:$0x1FFD0];
	v0 =	vadd.f32 v1, v14  }
0x2f8: {  	v8 =	vld [tilespmem:$0x1FFB0];
	v15 =	vpop (erf)  }
0x2f9: {  	v3 =	vld.idx.msk [tilespmem:v18+s5+$0x0], $0xffff;
	v0 =	vadd.f32 v0, v15  }
0x2fa: {  	v1 =	vld.idx.msk [tilespmem:v16+s5+$0x0], $0xffff;
	v17 =	vpop (erf)  }
0x2fb: {  	v2 =	vld.idx.msk [tilespmem:v19+s5+$0x0], $0xffff;
	v0 =	vadd.f32 v0, v17  }
0x2fc: {  	v5 =	vld.idx.msk [tilespmem:v21+s5+$0x0], $0xffff;
	v20 =	vpop (erf)  }
0x2fd: {  	v4 =	vld.idx.msk [tilespmem:v22+s5+$0x0], $0xffff;
	v0 =	vadd.f32 v0, v20  }
0x2fe: {  	v7 =	vld.idx.msk [tilespmem:v25+s5+$0x0], $0xffff;
	v23 =	vpop (erf)  }
0x2ff: {  	v27 =	vmax.f32 v1, v3;
	v10 =	vadd.f32 v0, v23;
	v0 =	vld.idx.msk [tilespmem:v26+s5+$0x0], $0xffff  }
0x300: {  	v8 =	vld.idx.msk [tilespmem:v8+s5+$0x0], $0xffff;
	v6 =	vmax.f32 v27, v2  }
0x301: {  	v6 =	vmax.f32 v6, v5;
	[tilespmem:$0x1F9D0] =	vst v10;
	v10 =	vcvt.s32.f32 v10  }
0x302: {  	[tilespmem:$0x1F990] =	vst v32;
	v32 =	vld.idx.msk [tilespmem:v11+s5+$0x0], $0xffff;
	v6 =	vmax.f32 v6, v4  }
0x303: {  	v6 =	vmax.f32 v6, v7;
	v10 =	vmul.f32 $8.262958320e-08, v10  }
0x304: {  	v6 =	vmax.f32 v6, v0  }
0x305: {  	v10 =	vadd.f32 $-8.798996730e+01, v10;
	v6 =	vmax.f32 v6, v8  }
0x306: {  	v6 =	vmax.f32 v6, v30  }
0x307: {  	v42 =	vld [tilespmem:$0xAA0];
	[tilespmem:$0x1FA00] =	vst v10;
	v10 =	vsub.f32 $0.0e+00, v10;
	v6 =	vmax.f32 v6, v32  }
0x308: {  	v1 =	vsub.f32 v1, v6  }
0x309: {  	v10 =	vmul.f32 $1.442695020e+00, v10  }
0x30a: {  	v1 =	vmul.f32 $1.442695020e+00, v1  }
0x30b: {  	v3 =	vsub.f32 v3, v6;
	(erf) = vpow2.f32 v10  }
0x30c: {  	v48 =	vadd.s32 $0x50, v42;
	v43 =	vsub.f32 v2, v6;
	(erf) = vpow2.f32 v1  }
0x30d: {  	v44 =	vadd.s32 $0x10, v42;
	v3 =	vmul.f32 $1.442695020e+00, v3  }
0x30e: {  	v5 =	vsub.f32 v5, v6;
	v1 =	vmul.f32 $1.442695020e+00, v43  }
0x30f: {  	v45 =	vadd.s32 $0x20, v42;
	(erf) = vpow2.f32 v3  }
0x310: {  	v5 =	vmul.f32 $1.442695020e+00, v5;
	(erf) = vpow2.f32 v1  }
0x311: {  	[tilespmem:$0x1F9F0] =	vst v34;
	v34 =	vadd.s32 $0x2AC, v9;
	v54 =	vld.idx.msk [tilespmem:v48+s16+$0x0], $0xffff;
	v4 =	vsub.f32 v4, v6  }
0x312: {  	v46 =	vadd.s32 $0x30, v42;
	v38 =	vadd.s32 $0x2AD, v9;
	v2 =	vld.idx.msk [tilespmem:v44+s16+$0x0], $0xffff;
	(erf) = vpow2.f32 v5  }
0x313: {  	v50 =	vadd.s32 $0x70, v42;
	v7 =	vsub.f32 v7, v6;
	v4 =	vmul.f32 $1.442695020e+00, v4;
	v10 =	vld.idx.msk [tilespmem:v42+s16+$0x0], $0xffff  }
0x314: {  	v52 =	vadd.s32 $0x80, v42;
	v47 =	vadd.s32 $0x40, v42;
	v49 =	vadd.s32 $0x60, v42;
	v3 =	vld.idx.msk [tilespmem:v45+s16+$0x0], $0xffff;
	v11 =	vpop (erf)  }
0x315: {  	v0 =	vsub.f32 v0, v6;
	v7 =	vmul.f32 $1.442695020e+00, v7;
	[tilespmem:$0x1F9E0] =	vst v11;
	v51 =	vpop (erf);
	(erf) = vpow2.f32 v4;
	v11 =	vld [tilespmem:$0x1FFE0]  }
0x316: {  	v60 =	vld.idx.msk [tilespmem:v34+s5+$0x0], $0xffff;
	v55 =	vadd.s32 $0x2AF, v9;
	v56 =	vadd.s32 $0x2B0, v9;
	v8 =	vsub.f32 v8, v6  }
0x317: {  	v25 =	vadd.s32 $0x2AB, v9;
	v0 =	vmul.f32 $1.442695020e+00, v0;
	v1 =	vld.idx.msk [tilespmem:v46+s16+$0x0], $0xffff;
	(erf) = vpow2.f32 v7  }
0x318: {  	[tilespmem:$0x1F9A0] =	vst v37;
	v13 =	vld.idx.msk [tilespmem:v38+s5+$0x0], $0xffff;
	v37 =	vsub.f32 v30, v6;
	v8 =	vmul.f32 $1.442695020e+00, v8;
	v53 =	vpop (erf);
	v59 =	vmul.f32 v51, v10  }
0x319: {  	[tilespmem:$0x1F980] =	vst v36;
	v16 =	vld.idx.msk [tilespmem:v47+s16+$0x0], $0xffff;
	v15 =	vadd.s32 $0x90, v42;
	v58 =	vmul.f32 v53, v2;
	v36 =	vpop (erf);
	(erf) = vpow2.f32 v0  }
0x31a: {  	v26 =	vld.idx.msk [tilespmem:v50+s16+$0x0], $0xffff;
	v6 =	vsub.f32 v32, v6;
	v0 =	vmul.f32 $1.442695020e+00, v37;
	v41 =	vmul.f32 v36, v3  }
0x31b: {  	v30 =	vld.idx.msk [tilespmem:v55+s5+$0x0], $0xffff;
	(erf) = vpow2.f32 v8;
	v8 =	vadd.s32 $0x2AE, v9;
	v42 =	vpop (erf);
	v10 =	vadd.f32 v58, v59  }
0x31c: {  	v45 =	vmul.f32 v1, v42;
	v1 =	vld.idx.msk [tilespmem:v25+s5+$0x0], $0xffff  }
0x31d: {  	v57 =	vmul.f32 $1.442695020e+00, v6;
	(erf) = vpow2.f32 v0;
	v10 =	vadd.f32 v10, v41;
	v43 =	vld.idx.msk [tilespmem:v11+s5+$0x0], $0xffff  }
0x31e: {  	v61 =	vadd.s32 $0x2B1, v9;
	v63 =	vadd.s32 $0x2B2, v9;
	v5 =	vld.idx.msk [tilespmem:v49+s16+$0x0], $0xffff;
	v62 =	vpop (erf)  }
0x31f: {  	v32 =	vld.idx.msk [tilespmem:v56+s5+$0x0], $0xffff;
	v10 =	vadd.f32 v10, v45;
	(erf) = vpow2.f32 v57;
	v49 =	vmul.f32 v16, v62  }
0x320: {  	v23 =	vld.idx.msk [tilespmem:v8+s5+$0x0], $0xffff;
	v8 =	vadd.s32 $0x2B3, v9;
	v27 =	vpop (erf)  }
0x321: {  	v4 =	vld.idx.msk [tilespmem:v52+s16+$0x0], $0xffff;
	v51 =	vmul.f32 v54, v27;
	v10 =	vadd.f32 v10, v49  }
0x322: {  	v3 =	vld.idx.msk [tilespmem:v15+s16+$0x0], $0xffff;
	v36 =	vpop (erf);
	v34 =	vmax.f32 v43, v1  }
0x323: {  	v15 =	vld.idx.msk [tilespmem:v61+s5+$0x0], $0xffff;
	v46 =	vmul.f32 v5, v36;
	v7 =	vmax.f32 v34, v60;
	v10 =	vadd.f32 v10, v51  }
0x324: {  	v37 =	vld.idx.msk [tilespmem:v63+s5+$0x0], $0xffff;
	v38 =	vpop (erf);
	v7 =	vmax.f32 v7, v13  }
0x325: {  	v8 =	vld.idx.msk [tilespmem:v8+s5+$0x0], $0xffff;
	v26 =	vmul.f32 v26, v38;
	v7 =	vmax.f32 v7, v23;
	v10 =	vadd.f32 v10, v46  }
0x326: {  	v39 =	vpop (erf);
	v7 =	vmax.f32 v7, v30  }
0x327: {  	v52 =	vmul.f32 v4, v39;
	v7 =	vmax.f32 v7, v32;
	v10 =	vadd.f32 v10, v26  }
0x328: {  	v42 =	vpop (erf);
	v40 =	vmax.f32 v7, v15  }
0x329: {  	v27 =	vmul.f32 v3, v42;
	v4 =	vmax.f32 v40, v37;
	v10 =	vadd.f32 v10, v52  }
0x32a: {  	v25 =	vmax.f32 v4, v8  }
0x32b: {  	v43 =	vsub.f32 v43, v25;
	v44 =	vadd.f32 v10, v27  }
0x32c: {  	v1 =	vsub.f32 v1, v25  }
0x32d: {  	v3 =	vmul.f32 $1.442695020e+00, v43;
	(erf) = vrcp.f32 v44  }
0x32e: {  	v47 =	vsub.f32 v60, v25;
	v1 =	vmul.f32 $1.442695020e+00, v1  }
0x32f: {  	(erf) = vpow2.f32 v3  }
0x330: {  	v50 =	vsub.f32 v13, v25;
	v48 =	vmul.f32 $1.442695020e+00, v47;
	(erf) = vpow2.f32 v1;
	_ =	sdelay $0x1  }
0x331: {  	v0 =	vsub.f32 v23, v25;
	v53 =	vmul.f32 $1.442695020e+00, v50;
	(erf) = vpow2.f32 v48;
	_ =	sdelay $0x1  }
0x332: {  	v54 =	vsub.f32 v30, v25;
	v0 =	vmul.f32 $1.442695020e+00, v0;
	(erf) = vpow2.f32 v53;
	_ =	sdelay $0x1  }
0x333: {  	v57 =	vsub.f32 v32, v25;
	v56 =	vmul.f32 $1.442695020e+00, v54;
	v55 =	vpop (erf);
	(erf) = vpow2.f32 v0;
	_ =	sdelay $0x1  }
0x334: {  	v63 =	vsub.f32 v15, v25;
	v62 =	vmul.f32 $1.442695020e+00, v57;
	v60 =	vpop (erf);
	(erf) = vpow2.f32 v56  }
0x335: {  	v13 =	vsub.f32 v37, v25;
	v61 =	vpop (erf)  }
0x336: {  	v7 =	vmul.f32 $1.442695020e+00, v63;
	(erf) = vpow2.f32 v62;
	v2 =	vadd.f32 v61, v60  }
0x337: {  	v15 =	vsub.f32 v8, v25;
	v6 =	vpop (erf)  }
0x338: {  	v14 =	vmul.f32 $1.442695020e+00, v13;
	(erf) = vpow2.f32 v7;
	v2 =	vadd.f32 v2, v6  }
0x339: {  	v16 =	vpop (erf)  }
0x33a: {  	v17 =	vmul.f32 $1.442695020e+00, v15;
	(erf) = vpow2.f32 v14;
	v2 =	vadd.f32 v2, v16  }
0x33b: {  	v19 =	vadd.s32 $0x3F0, v9;
	v18 =	vpop (erf)  }
0x33c: {  	v20 =	vadd.s32 $0x3F1, v9;
	(erf) = vpow2.f32 v17;
	v1 =	vadd.f32 v2, v18  }
0x33d: {  	v22 =	vadd.s32 $0x3F2, v9;
	v21 =	vpop (erf)  }
0x33e: {  	v23 =	vadd.s32 $0x3F3, v9;
	v1 =	vadd.f32 v1, v21  }
0x33f: {  	v32 =	vadd.s32 $0x3F4, v9;
	v30 =	vpop (erf)  }
0x340: {  	v34 =	vadd.s32 $0x3F5, v9;
	v3 =	vld.idx.msk [tilespmem:v19+s5+$0x0], $0xffff;
	v1 =	vadd.f32 v1, v30  }
0x341: {  	v8 =	vadd.s32 $0x3F6, v9;
	v0 =	vld.idx.msk [tilespmem:v20+s5+$0x0], $0xffff;
	v36 =	vpop (erf)  }
0x342: {  	v4 =	vld.idx.msk [tilespmem:v22+s5+$0x0], $0xffff;
	v37 =	vadd.s32 $0x3F7, v9;
	v1 =	vadd.f32 v1, v36  }
0x343: {  	v38 =	vadd.s32 $0x3F8, v9;
	v2 =	vld.idx.msk [tilespmem:v23+s5+$0x0], $0xffff;
	v10 =	vpop (erf)  }
0x344: {  	v6 =	vld.idx.msk [tilespmem:v32+s5+$0x0], $0xffff;
	v1 =	vadd.f32 v1, v10;
	v10 =	vadd.s32 $0x3F9, v9  }
0x345: {  	v5 =	vld.idx.msk [tilespmem:v34+s5+$0x0], $0xffff;
	v39 =	vpop (erf)  }
0x346: {  	v40 =	vld.idx.msk [tilespmem:v8+s5+$0x0], $0xffff;
	v8 =	vmax.f32 v3, v0;
	v11 =	vadd.f32 v1, v39  }
0x347: {  	v7 =	vld.idx.msk [tilespmem:v37+s5+$0x0], $0xffff;
	v8 =	vmax.f32 v8, v4  }
0x348: {  	v13 =	vld.idx.msk [tilespmem:v38+s5+$0x0], $0xffff;
	v8 =	vmax.f32 v8, v2;
	v14 =	vcvt.s32.f32 v11  }
0x349: {  	v8 =	vmax.f32 v8, v6;
	v10 =	vld.idx.msk [tilespmem:v10+s5+$0x0], $0xffff  }
0x34a: {  	v8 =	vmax.f32 v8, v5;
	v14 =	vmul.f32 $8.262958320e-08, v14  }
0x34b: {  	v8 =	vmax.f32 v8, v40  }
0x34c: {  	v42 =	vld [tilespmem:$0xAB0];
	v8 =	vmax.f32 v8, v7;
	v32 =	vadd.f32 $-8.798996730e+01, v14  }
0x34d: {  	v8 =	vmax.f32 v8, v13  }
0x34e: {  	v14 =	vsub.f32 $0.0e+00, v32;
	v8 =	vmax.f32 v8, v10  }
0x34f: {  	v3 =	vsub.f32 v3, v8  }
0x350: {  	v0 =	vsub.f32 v0, v8;
	v14 =	vmul.f32 $1.442695020e+00, v14  }
0x351: {  	v54 =	vadd.s32 $0x50, v42;
	v53 =	vadd.s32 $0x40, v42;
	v3 =	vmul.f32 $1.442695020e+00, v3  }
0x352: {  	v43 =	vsub.f32 v4, v8;
	v0 =	vmul.f32 $1.442695020e+00, v0;
	(erf) = vpow2.f32 v14  }
0x353: {  	v60 =	vadd.s32 $0x70, v42;
	v2 =	vsub.f32 v2, v8;
	(erf) = vpow2.f32 v3  }
0x354: {  	v44 =	vadd.s32 $0x10, v42;
	v3 =	vmul.f32 $1.442695020e+00, v43;
	(erf) = vpow2.f32 v0  }
0x355: {  	v50 =	vadd.s32 $0x30, v42;
	v48 =	vld.idx.msk [tilespmem:v42+s16+$0x0], $0xffff;
	v2 =	vmul.f32 $1.442695020e+00, v2  }
0x356: {  	v47 =	vadd.s32 $0x20, v42;
	v63 =	vld.idx.msk [tilespmem:v54+s16+$0x0], $0xffff;
	v6 =	vsub.f32 v6, v8;
	(erf) = vpow2.f32 v3  }
0x357: {  	v34 =	vadd.s32 $0x3FD, v9;
	v22 =	vadd.s32 $0x3FC, v9;
	v16 =	vld.idx.msk [tilespmem:v53+s16+$0x0], $0xffff;
	(erf) = vpow2.f32 v2  }
0x358: {  	[tilespmem:$0x1F9C0] =	vst v55;
	v56 =	vadd.s32 $0x60, v42;
	v17 =	vld.idx.msk [tilespmem:v60+s16+$0x0], $0xffff;
	v5 =	vsub.f32 v5, v8;
	v55 =	vmul.f32 $1.442695020e+00, v6  }
0x359: {  	v61 =	vadd.s32 $0x80, v42;
	v1 =	vsub.f32 v40, v8;
	v7 =	vsub.f32 v7, v8;
	v0 =	vld.idx.msk [tilespmem:v44+s16+$0x0], $0xffff  }
0x35a: {  	v5 =	vmul.f32 $1.442695020e+00, v5;
	v3 =	vld.idx.msk [tilespmem:v50+s16+$0x0], $0xffff;
	v50 =	vadd.s32 $0x402, v9;
	(erf) = vpow2.f32 v55  }
0x35b: {  	[tilespmem:$0x1FA10] =	vst v11;
	v4 =	vld.idx.msk [tilespmem:v47+s16+$0x0], $0xffff;
	v30 =	vsub.f32 v13, v8;
	v8 =	vsub.f32 v10, v8;
	v1 =	vmul.f32 $1.442695020e+00, v1;
	v11 =	vpop (erf)  }
0x35c: {  	v21 =	vadd.s32 $0x3FB, v9;
	v13 =	vld.idx.msk [tilespmem:v34+s5+$0x0], $0xffff;
	v7 =	vmul.f32 $1.442695020e+00, v7;
	v57 =	vpop (erf);
	(erf) = vpow2.f32 v5  }
0x35d: {  	v43 =	vmul.f32 $1.442695020e+00, v8;
	v8 =	vld.idx.msk [tilespmem:v22+s5+$0x0], $0xffff;
	[tilespmem:$0x1FA20] =	vst v11;
	v11 =	vadd.s32 $0x3FA, v9;
	v38 =	vmul.f32 v57, v48;
	v62 =	vpop (erf)  }
0x35e: {  	v36 =	vadd.s32 $0x3FE, v9;
	v2 =	vld.idx.msk [tilespmem:v61+s16+$0x0], $0xffff;
	(erf) = vpow2.f32 v1;
	v39 =	vmul.f32 v62, v0  }
0x35f: {  	v15 =	vadd.s32 $0x90, v42;
	v40 =	vadd.s32 $0x3FF, v9;
	v34 =	vld.idx.msk [tilespmem:v50+s5+$0x0], $0xffff;
	v1 =	vmul.f32 $1.442695020e+00, v30;
	v23 =	vpop (erf)  }
0x360: {  	v5 =	vld.idx.msk [tilespmem:v56+s16+$0x0], $0xffff;
	(erf) = vpow2.f32 v7;
	v48 =	vmul.f32 v23, v4;
	v37 =	vpop (erf);
	v14 =	vadd.f32 v39, v38  }
0x361: {  	v44 =	vadd.s32 $0x401, v9;
	v56 =	vmul.f32 v3, v37;
	v3 =	vld.idx.msk [tilespmem:v21+s5+$0x0], $0xffff  }
0x362: {  	v42 =	vor.u32 $0x400, v9;
	(erf) = vpow2.f32 v1;
	v10 =	vld.idx.msk [tilespmem:v11+s5+$0x0], $0xffff;
	v14 =	vadd.f32 v14, v48  }
0x363: {  	v60 =	vadd.s32 $0x403, v9;
	v57 =	vld.idx.msk [tilespmem:v36+s5+$0x0], $0xffff;
	v47 =	vpop (erf)  }
0x364: {  	v62 =	vld.idx.msk [tilespmem:v40+s5+$0x0], $0xffff;
	(erf) = vpow2.f32 v43;
	v53 =	vmul.f32 v16, v47;
	v14 =	vadd.f32 v14, v56  }
0x365: {  	v4 =	vld.idx.msk [tilespmem:v15+s16+$0x0], $0xffff;
	v61 =	vpop (erf)  }
0x366: {  	[tilespmem:$0x1FB40] =	vst v11;
	v15 =	vld.idx.msk [tilespmem:v44+s5+$0x0], $0xffff;
	v14 =	vadd.f32 v14, v53;
	v11 =	vmul.f32 v63, v61  }
0x367: {  	v63 =	vld.idx.msk [tilespmem:v42+s5+$0x0], $0xffff;
	v23 =	vmax.f32 v10, v3;
	v30 =	vpop (erf)  }
0x368: {  	v6 =	vmax.f32 v23, v8;
	[tilespmem:$0x1FA40] =	vst v11;
	v14 =	vadd.f32 v14, v11;
	v11 =	vmul.f32 v5, v30  }
0x369: {  	v7 =	vld.idx.msk [tilespmem:v60+s5+$0x0], $0xffff;
	v36 =	vpop (erf);
	v6 =	vmax.f32 v6, v13  }
0x36a: {  	v6 =	vmax.f32 v6, v57;
	[tilespmem:$0x1FA60] =	vst v11;
	v14 =	vadd.f32 v14, v11;
	v11 =	vmul.f32 v17, v36  }
0x36b: {  	v37 =	vpop (erf);
	v6 =	vmax.f32 v6, v62  }
0x36c: {  	v6 =	vmax.f32 v6, v63;
	[tilespmem:$0x1FA80] =	vst v11;
	v14 =	vadd.f32 v14, v11;
	v11 =	vmul.f32 v2, v37  }
0x36d: {  	v42 =	vpop (erf);
	v40 =	vmax.f32 v6, v15  }
0x36e: {  	v4 =	vmul.f32 v4, v42;
	v2 =	vmax.f32 v40, v34;
	v14 =	vadd.f32 v14, v11  }
0x36f: {  	v21 =	vmax.f32 v2, v7  }
0x370: {  	[tilespmem:$0x1FAA0] =	vst v4;
	v2 =	vsub.f32 v10, v21;
	v4 =	vadd.f32 v14, v4  }
0x371: {  	v3 =	vsub.f32 v3, v21  }
0x372: {  	v2 =	vmul.f32 $1.442695020e+00, v2;
	(erf) = vrcp.f32 v4  }
0x373: {  	v43 =	vsub.f32 v8, v21;
	v3 =	vmul.f32 $1.442695020e+00, v3  }
0x374: {  	(erf) = vpow2.f32 v2  }
0x375: {  	v47 =	vsub.f32 v13, v21;
	v44 =	vmul.f32 $1.442695020e+00, v43;
	(erf) = vpow2.f32 v3;
	_ =	sdelay $0x1  }
0x376: {  	v1 =	vsub.f32 v57, v21;
	v50 =	vmul.f32 $1.442695020e+00, v47;
	(erf) = vpow2.f32 v44;
	_ =	sdelay $0x1  }
0x377: {  	v54 =	vsub.f32 v62, v21;
	v1 =	vmul.f32 $1.442695020e+00, v1;
	(erf) = vpow2.f32 v50;
	_ =	sdelay $0x1  }
0x378: {  	v0 =	vsub.f32 v63, v21;
	v57 =	vmul.f32 $1.442695020e+00, v54;
	v55 =	vpop (erf);
	(erf) = vpow2.f32 v1;
	_ =	sdelay $0x1  }
0x379: {  	v62 =	vsub.f32 v15, v21;
	v0 =	vmul.f32 $1.442695020e+00, v0;
	v60 =	vpop (erf);
	(erf) = vpow2.f32 v57  }
0x37a: {  	v6 =	vsub.f32 v34, v21;
	v61 =	vpop (erf)  }
0x37b: {  	v4 =	vmul.f32 $1.442695020e+00, v62;
	(erf) = vpow2.f32 v0;
	v2 =	vadd.f32 v61, v60  }
0x37c: {  	v14 =	vsub.f32 v7, v21;
	v63 =	vpop (erf)  }
0x37d: {  	v13 =	vmul.f32 $1.442695020e+00, v6;
	(erf) = vpow2.f32 v4;
	v2 =	vadd.f32 v2, v63  }
0x37e: {  	v15 =	vpop (erf)  }
0x37f: {  	v16 =	vmul.f32 $1.442695020e+00, v14;
	(erf) = vpow2.f32 v13;
	v2 =	vadd.f32 v2, v15  }
0x380: {  	v18 =	vadd.s32 $0x540, v9;
	v17 =	vpop (erf)  }
0x381: {  	v19 =	vadd.s32 $0x541, v9;
	(erf) = vpow2.f32 v16;
	v1 =	vadd.f32 v2, v17  }
0x382: {  	v22 =	vadd.s32 $0x542, v9;
	v20 =	vpop (erf)  }
0x383: {  	v23 =	vadd.s32 $0x543, v9;
	v1 =	vadd.f32 v1, v20  }
0x384: {  	v34 =	vadd.s32 $0x544, v9;
	v30 =	vpop (erf)  }
0x385: {  	v36 =	vadd.s32 $0x545, v9;
	v3 =	vld.idx.msk [tilespmem:v18+s5+$0x0], $0xffff;
	v1 =	vadd.f32 v1, v30  }
0x386: {  	v8 =	vadd.s32 $0x546, v9;
	v0 =	vld.idx.msk [tilespmem:v19+s5+$0x0], $0xffff;
	v37 =	vpop (erf)  }
0x387: {  	v40 =	vadd.s32 $0x547, v9;
	v4 =	vld.idx.msk [tilespmem:v22+s5+$0x0], $0xffff;
	v1 =	vadd.f32 v1, v37  }
0x388: {  	v42 =	vadd.s32 $0x548, v9;
	v2 =	vld.idx.msk [tilespmem:v23+s5+$0x0], $0xffff;
	v10 =	vpop (erf)  }
0x389: {  	v6 =	vld.idx.msk [tilespmem:v34+s5+$0x0], $0xffff;
	v1 =	vadd.f32 v1, v10;
	v10 =	vadd.s32 $0x549, v9  }
0x38a: {  	v5 =	vld.idx.msk [tilespmem:v36+s5+$0x0], $0xffff;
	v43 =	vpop (erf)  }
0x38b: {  	[tilespmem:$0x1FA90] =	vst v11;
	v44 =	vld.idx.msk [tilespmem:v8+s5+$0x0], $0xffff;
	v8 =	vmax.f32 v3, v0;
	v11 =	vadd.f32 v1, v43  }
0x38c: {  	v7 =	vld.idx.msk [tilespmem:v40+s5+$0x0], $0xffff;
	v8 =	vmax.f32 v8, v4  }
0x38d: {  	v13 =	vld.idx.msk [tilespmem:v42+s5+$0x0], $0xffff;
	v8 =	vmax.f32 v8, v2;
	v14 =	vcvt.s32.f32 v11  }
0x38e: {  	v8 =	vmax.f32 v8, v6;
	v10 =	vld.idx.msk [tilespmem:v10+s5+$0x0], $0xffff  }
0x38f: {  	v8 =	vmax.f32 v8, v5;
	v14 =	vmul.f32 $8.262958320e-08, v14  }
0x390: {  	v47 =	vld [tilespmem:$0xAC0];
	v8 =	vmax.f32 v8, v44  }
0x391: {  	v8 =	vmax.f32 v8, v7;
	[tilespmem:$0x1FB50] =	vst v11;
	v11 =	vadd.f32 $-8.798996730e+01, v14  }
0x392: {  	v8 =	vmax.f32 v8, v13  }
0x393: {  	v14 =	vsub.f32 $0.0e+00, v11;
	v8 =	vmax.f32 v8, v10  }
0x394: {  	v3 =	vsub.f32 v3, v8  }
0x395: {  	v60 =	vadd.s32 $0x30, v47;
	v0 =	vsub.f32 v0, v8;
	v14 =	vmul.f32 $1.442695020e+00, v14  }
0x396: {  	v3 =	vmul.f32 $1.442695020e+00, v3  }
0x397: {  	v50 =	vsub.f32 v4, v8;
	v0 =	vmul.f32 $1.442695020e+00, v0;
	(erf) = vpow2.f32 v14  }
0x398: {  	v54 =	vadd.s32 $0x10, v47;
	(erf) = vpow2.f32 v3  }
0x399: {  	v2 =	vsub.f32 v2, v8;
	v3 =	vmul.f32 $1.442695020e+00, v50;
	(erf) = vpow2.f32 v0  }
0x39a: {  	[tilespmem:$0x1FB80] =	vst v55;
	v55 =	vadd.s32 $0x20, v47;
	v40 =	vld.idx.msk [tilespmem:v60+s16+$0x0], $0xffff;
	v60 =	vadd.s32 $0x54C, v9  }
0x39b: {  	v6 =	vsub.f32 v6, v8;
	v2 =	vmul.f32 $1.442695020e+00, v2;
	(erf) = vpow2.f32 v3  }
0x39c: {  	v61 =	vadd.s32 $0x40, v47  }
0x39d: {  	v36 =	vadd.s32 $0x70, v47;
	v57 =	vld.idx.msk [tilespmem:v47+s16+$0x0], $0xffff;
	v63 =	vmul.f32 $1.442695020e+00, v6;
	(erf) = vpow2.f32 v2  }
0x39e: {  	v62 =	vadd.s32 $0x50, v47;
	v15 =	vadd.s32 $0x90, v47;
	v5 =	vsub.f32 v5, v8;
	v0 =	vld.idx.msk [tilespmem:v54+s16+$0x0], $0xffff  }
0x39f: {  	v16 =	vld.idx.msk [tilespmem:v60+s5+$0x0], $0xffff;
	v30 =	vadd.s32 $0x60, v47;
	v1 =	vsub.f32 v44, v8;
	(erf) = vpow2.f32 v63  }
0x3a0: {  	[tilespmem:$0x1FB70] =	vst v11;
	v4 =	vld.idx.msk [tilespmem:v55+s16+$0x0], $0xffff;
	v7 =	vsub.f32 v7, v8;
	v5 =	vmul.f32 $1.442695020e+00, v5;
	v54 =	vadd.s32 $0x54B, v9;
	v11 =	vpop (erf)  }
0x3a1: {  	v43 =	vld.idx.msk [tilespmem:v61+s16+$0x0], $0xffff;
	v13 =	vsub.f32 v13, v8;
	v1 =	vmul.f32 $1.442695020e+00, v1;
	[tilespmem:$0x1FB60] =	vst v11;
	v34 =	vpop (erf);
	v11 =	vadd.s32 $0x54A, v9  }
0x3a2: {  	v8 =	vsub.f32 v10, v8;
	v55 =	vmul.f32 $1.442695020e+00, v7;
	v7 =	vld.idx.msk [tilespmem:v36+s16+$0x0], $0xffff;
	(erf) = vpow2.f32 v5;
	v50 =	vpop (erf)  }
0x3a3: {  	v37 =	vmul.f32 v34, v57;
	v50 =	vmul.f32 v50, v0;
	v0 =	vld.idx.msk [tilespmem:v62+s16+$0x0], $0xffff;
	v62 =	vadd.s32 $0x54D, v9  }
0x3a4: {  	v42 =	vadd.s32 $0x80, v47;
	v5 =	vld.idx.msk [tilespmem:v30+s16+$0x0], $0xffff;
	v30 =	vadd.s32 $0x54E, v9;
	(erf) = vpow2.f32 v1;
	v57 =	vpop (erf)  }
0x3a5: {  	v8 =	vmul.f32 $1.442695020e+00, v8;
	v10 =	vld.idx.msk [tilespmem:v54+s5+$0x0], $0xffff;
	v61 =	vmul.f32 v57, v4;
	v34 =	vadd.f32 v50, v37  }
0x3a6: {  	v63 =	vmul.f32 $1.442695020e+00, v13;
	(erf) = vpow2.f32 v55;
	[tilespmem:$0x1FA30] =	vst v37;
	v36 =	vpop (erf);
	v37 =	vadd.s32 $0x54F, v9;
	v47 =	vld.idx.msk [tilespmem:v11+s5+$0x0], $0xffff  }
0x3a7: {  	v6 =	vld.idx.msk [tilespmem:v15+s16+$0x0], $0xffff;
	v54 =	vadd.s32 $0x550, v9;
	v44 =	vmul.f32 v40, v36;
	v15 =	vadd.f32 v34, v61  }
0x3a8: {  	v60 =	vadd.s32 $0x552, v9;
	(erf) = vpow2.f32 v63;
	v57 =	vadd.s32 $0x551, v9;
	v55 =	vpop (erf);
	v3 =	vld.idx.msk [tilespmem:v62+s5+$0x0], $0xffff  }
0x3a9: {  	(erf) = vpow2.f32 v8;
	v40 =	vmul.f32 v43, v55;
	v13 =	vld.idx.msk [tilespmem:v30+s5+$0x0], $0xffff;
	v8 =	vadd.f32 v15, v44  }
0x3aa: {  	v1 =	vld.idx.msk [tilespmem:v42+s16+$0x0], $0xffff;
	[tilespmem:$0x1FA50] =	vst v61;
	v61 =	vadd.s32 $0x553, v9  }
0x3ab: {  	v17 =	vld.idx.msk [tilespmem:v37+s5+$0x0], $0xffff;
	v62 =	vpop (erf);
	v63 =	vadd.f32 v8, v40;
	v8 =	vmax.f32 v47, v10  }
0x3ac: {  	v4 =	vld.idx.msk [tilespmem:v54+s5+$0x0], $0xffff;
	v30 =	vmul.f32 v0, v62;
	v8 =	vmax.f32 v8, v16  }
0x3ad: {  	[tilespmem:$0x1FB90] =	vst v11;
	v22 =	vld.idx.msk [tilespmem:v57+s5+$0x0], $0xffff;
	v23 =	vpop (erf);
	v8 =	vmax.f32 v8, v3  }
0x3ae: {  	v34 =	vld.idx.msk [tilespmem:v60+s5+$0x0], $0xffff;
	v11 =	vmul.f32 v5, v23;
	v0 =	vadd.f32 v63, v30;
	v8 =	vmax.f32 v8, v13  }
0x3af: {  	v14 =	vld.idx.msk [tilespmem:v61+s5+$0x0], $0xffff;
	v36 =	vpop (erf)  }
0x3b0: {  	v15 =	vmul.f32 v7, v36;
	v0 =	vadd.f32 v0, v11;
	v37 =	vmax.f32 v8, v17  }
0x3b1: {  	v7 =	vmax.f32 v37, v4;
	v8 =	vpop (erf)  }
0x3b2: {  	v0 =	vadd.f32 v0, v15;
	v42 =	vmax.f32 v7, v22;
	v8 =	vmul.f32 v1, v8  }
0x3b3: {  	v1 =	vmax.f32 v42, v34;
	v43 =	vpop (erf)  }
0x3b4: {  	v6 =	vmul.f32 v6, v43;
	v54 =	vmax.f32 v1, v14;
	v0 =	vadd.f32 v0, v8  }
0x3b5: {  	v1 =	vsub.f32 v47, v54  }
0x3b6: {  	[tilespmem:$0x1FA70] =	vst v44;
	v44 =	vsub.f32 v10, v54;
	v0 =	vadd.f32 v0, v6  }
0x3b7: {  	v1 =	vmul.f32 $1.442695020e+00, v1  }
0x3b8: {  	v55 =	vsub.f32 v16, v54;
	v47 =	vmul.f32 $1.442695020e+00, v44;
	(erf) = vrcp.f32 v0  }
0x3b9: {  	(erf) = vpow2.f32 v1  }
0x3ba: {  	v60 =	vsub.f32 v3, v54;
	v57 =	vmul.f32 $1.442695020e+00, v55;
	(erf) = vpow2.f32 v47;
	_ =	sdelay $0x1  }
0x3bb: {  	v62 =	vsub.f32 v13, v54;
	v61 =	vmul.f32 $1.442695020e+00, v60;
	(erf) = vpow2.f32 v57;
	_ =	sdelay $0x1  }
0x3bc: {  	[tilespmem:$0x1FAF0] =	vst v6;
	v63 =	vmul.f32 $1.442695020e+00, v62;
	v6 =	vsub.f32 v17, v54;
	(erf) = vpow2.f32 v61;
	_ =	sdelay $0x1  }
0x3bd: {  	v13 =	vsub.f32 v4, v54;
	v7 =	vmul.f32 $1.442695020e+00, v6;
	(erf) = vpow2.f32 v63  }
0x3be: {  	[tilespmem:$0x1FAC0] =	vst v15;
	v15 =	vpop (erf)  }
0x3bf: {  	v19 =	vsub.f32 v22, v54;
	v17 =	vmul.f32 $1.442695020e+00, v13;
	v16 =	vpop (erf);
	(erf) = vpow2.f32 v7  }
0x3c0: {  	v23 =	vsub.f32 v34, v54;
	v20 =	vpop (erf)  }
0x3c1: {  	v22 =	vmul.f32 $1.442695020e+00, v19;
	(erf) = vpow2.f32 v17;
	v2 =	vadd.f32 v20, v16  }
0x3c2: {  	v37 =	vsub.f32 v14, v54;
	v34 =	vpop (erf)  }
0x3c3: {  	v36 =	vmul.f32 $1.442695020e+00, v23;
	(erf) = vpow2.f32 v22;
	v2 =	vadd.f32 v2, v34  }
0x3c4: {  	v42 =	vpop (erf)  }
0x3c5: {  	v43 =	vmul.f32 $1.442695020e+00, v37;
	(erf) = vpow2.f32 v36;
	v2 =	vadd.f32 v2, v42  }
0x3c6: {  	v55 =	vadd.s32 $0x691, v9;
	v44 =	vpop (erf)  }
0x3c7: {  	v47 =	vadd.s32 $0x690, v9;
	(erf) = vpow2.f32 v43;
	v1 =	vadd.f32 v2, v44  }
0x3c8: {  	v60 =	vadd.s32 $0x692, v9;
	v57 =	vpop (erf)  }
0x3c9: {  	v61 =	vadd.s32 $0x693, v9;
	v1 =	vadd.f32 v1, v57  }
0x3ca: {  	v63 =	vadd.s32 $0x694, v9;
	v62 =	vpop (erf)  }
0x3cb: {  	v0 =	vld.idx.msk [tilespmem:v55+s5+$0x0], $0xffff;
	v16 =	vadd.s32 $0x695, v9;
	v1 =	vadd.f32 v1, v62  }
0x3cc: {  	[tilespmem:$0x1FAE0] =	vst v8;
	v8 =	vadd.s32 $0x696, v9;
	v3 =	vld.idx.msk [tilespmem:v47+s5+$0x0], $0xffff;
	v17 =	vpop (erf)  }
0x3cd: {  	v18 =	vadd.s32 $0x697, v9;
	v4 =	vld.idx.msk [tilespmem:v60+s5+$0x0], $0xffff;
	v1 =	vadd.f32 v1, v17  }
0x3ce: {  	v19 =	vadd.s32 $0x698, v9;
	v2 =	vld.idx.msk [tilespmem:v61+s5+$0x0], $0xffff;
	v10 =	vpop (erf)  }
0x3cf: {  	v6 =	vld.idx.msk [tilespmem:v63+s5+$0x0], $0xffff;
	v1 =	vadd.f32 v1, v10;
	v10 =	vadd.s32 $0x699, v9  }
0x3d0: {  	v5 =	vld.idx.msk [tilespmem:v16+s5+$0x0], $0xffff;
	v20 =	vpop (erf)  }
0x3d1: {  	[tilespmem:$0x1FAB0] =	vst v11;
	v11 =	vadd.f32 v1, v20;
	v1 =	vld.idx.msk [tilespmem:v8+s5+$0x0], $0xffff;
	v8 =	vmax.f32 v3, v0  }
0x3d2: {  	v7 =	vld.idx.msk [tilespmem:v18+s5+$0x0], $0xffff;
	v8 =	vmax.f32 v8, v4  }
0x3d3: {  	v13 =	vld.idx.msk [tilespmem:v19+s5+$0x0], $0xffff;
	v8 =	vmax.f32 v8, v2;
	v14 =	vcvt.s32.f32 v11  }
0x3d4: {  	v10 =	vld.idx.msk [tilespmem:v10+s5+$0x0], $0xffff;
	v8 =	vmax.f32 v8, v6  }
0x3d5: {  	v14 =	vmul.f32 $8.262958320e-08, v14;
	v8 =	vmax.f32 v8, v5  }
0x3d6: {  	v8 =	vmax.f32 v8, v1  }
0x3d7: {  	[tilespmem:$0x1FBA0] =	vst v11;
	v11 =	vadd.f32 $-8.798996730e+01, v14;
	v8 =	vmax.f32 v8, v7  }
0x3d8: {  	v8 =	vmax.f32 v8, v13  }
0x3d9: {  	[tilespmem:$0x1FBF0] =	vst v15;
	v15 =	vld [tilespmem:$0xAD0];
	v8 =	vmax.f32 v8, v10;
	v14 =	vsub.f32 $0.0e+00, v11  }
0x3da: {  	v3 =	vsub.f32 v3, v8  }
0x3db: {  	v14 =	vmul.f32 $1.442695020e+00, v14  }
0x3dc: {  	v3 =	vmul.f32 $1.442695020e+00, v3  }
0x3dd: {  	v0 =	vsub.f32 v0, v8;
	(erf) = vpow2.f32 v14  }
0x3de: {  	v23 =	vadd.s32 $0x10, v15;
	v34 =	vadd.s32 $0x20, v15;
	(erf) = vpow2.f32 v3  }
0x3df: {  	v37 =	vadd.s32 $0x30, v15;
	v22 =	vsub.f32 v4, v8;
	v0 =	vmul.f32 $1.442695020e+00, v0  }
0x3e0: {  	v43 =	vadd.s32 $0x50, v15;
	v55 =	vadd.s32 $0x60, v15;
	v60 =	vadd.s32 $0x70, v15  }
0x3e1: {  	v2 =	vsub.f32 v2, v8;
	v3 =	vmul.f32 $1.442695020e+00, v22;
	(erf) = vpow2.f32 v0  }
0x3e2: {  	v63 =	vadd.s32 $0x80, v15;
	v42 =	vadd.s32 $0x40, v15;
	v36 =	vld.idx.msk [tilespmem:v15+s16+$0x0], $0xffff;
	v15 =	vadd.s32 $0x90, v15  }
0x3e3: {  	v6 =	vsub.f32 v6, v8;
	v2 =	vmul.f32 $1.442695020e+00, v2;
	(erf) = vpow2.f32 v3  }
0x3e4: {  	v4 =	vld.idx.msk [tilespmem:v34+s16+$0x0], $0xffff;
	v34 =	vadd.s32 $0x69B, v9  }
0x3e5: {  	v62 =	vld.idx.msk [tilespmem:v37+s16+$0x0], $0xffff;
	[tilespmem:$0x1FBD0] =	vst v11;
	v11 =	vadd.s32 $0x69A, v9;
	v44 =	vmul.f32 $1.442695020e+00, v6;
	(erf) = vpow2.f32 v2  }
0x3e6: {  	v5 =	vsub.f32 v5, v8;
	v0 =	vld.idx.msk [tilespmem:v23+s16+$0x0], $0xffff;
	v47 =	vpop (erf)  }
0x3e7: {  	v14 =	vld.idx.msk [tilespmem:v42+s16+$0x0], $0xffff;
	v42 =	vadd.s32 $0x69C, v9;
	v57 =	vpop (erf);
	(erf) = vpow2.f32 v44  }
0x3e8: {  	v1 =	vsub.f32 v1, v8;
	v7 =	vsub.f32 v7, v8;
	v5 =	vmul.f32 $1.442695020e+00, v5;
	v6 =	vld.idx.msk [tilespmem:v15+s16+$0x0], $0xffff  }
0x3e9: {  	v13 =	vsub.f32 v13, v8;
	v8 =	vsub.f32 v10, v8;
	v10 =	vld.idx.msk [tilespmem:v34+s5+$0x0], $0xffff  }
0x3ea: {  	v1 =	vmul.f32 $1.442695020e+00, v1;
	v2 =	vld.idx.msk [tilespmem:v11+s5+$0x0], $0xffff;
	v23 =	vpop (erf);
	(erf) = vpow2.f32 v5  }
0x3eb: {  	v61 =	vmul.f32 v57, v36;
	v20 =	vmul.f32 v23, v0;
	v0 =	vld.idx.msk [tilespmem:v43+s16+$0x0], $0xffff;
	v43 =	vadd.s32 $0x69D, v9  }
0x3ec: {  	v34 =	vld.idx.msk [tilespmem:v42+s5+$0x0], $0xffff;
	[tilespmem:$0x1FBB0] =	vst v47;
	v47 =	vadd.s32 $0x69E, v9;
	v36 =	vmul.f32 $1.442695020e+00, v7;
	v37 =	vpop (erf);
	(erf) = vpow2.f32 v1  }
0x3ed: {  	v8 =	vmul.f32 $1.442695020e+00, v8;
	v5 =	vld.idx.msk [tilespmem:v55+s16+$0x0], $0xffff;
	v18 =	vmul.f32 v37, v4;
	v55 =	vadd.f32 v20, v61  }
0x3ee: {  	v44 =	vmul.f32 $1.442695020e+00, v13;
	v7 =	vld.idx.msk [tilespmem:v60+s16+$0x0], $0xffff;
	v60 =	vadd.s32 $0x69F, v9;
	(erf) = vpow2.f32 v36;
	v57 =	vpop (erf)  }
0x3ef: {  	v1 =	vld.idx.msk [tilespmem:v63+s16+$0x0], $0xffff;
	[tilespmem:$0x1FAD0] =	vst v61;
	v19 =	vmul.f32 v62, v57;
	v61 =	vadd.s32 $0x6A0, v9;
	v15 =	vadd.f32 v55, v18  }
0x3f0: {  	v42 =	vadd.s32 $0x6A2, v9;
	v63 =	vadd.s32 $0x6A1, v9;
	(erf) = vpow2.f32 v44;
	v3 =	vld.idx.msk [tilespmem:v43+s5+$0x0], $0xffff;
	v62 =	vpop (erf)  }
0x3f1: {  	v13 =	vld.idx.msk [tilespmem:v47+s5+$0x0], $0xffff;
	(erf) = vpow2.f32 v8;
	v8 =	vadd.f32 v15, v19;
	v17 =	vmul.f32 v14, v62  }
0x3f2: {  	v43 =	vadd.s32 $0x6A3, v9  }
0x3f3: {  	v36 =	vld.idx.msk [tilespmem:v60+s5+$0x0], $0xffff;
	v44 =	vpop (erf);
	v47 =	vadd.f32 v8, v17;
	v8 =	vmax.f32 v2, v10  }
0x3f4: {  	v4 =	vld.idx.msk [tilespmem:v61+s5+$0x0], $0xffff;
	v23 =	vmul.f32 v0, v44;
	v8 =	vmax.f32 v8, v34  }
0x3f5: {  	v37 =	vld.idx.msk [tilespmem:v63+s5+$0x0], $0xffff;
	v55 =	vpop (erf);
	v8 =	vmax.f32 v8, v3  }
0x3f6: {  	v22 =	vmul.f32 v5, v55;
	v5 =	vld.idx.msk [tilespmem:v42+s5+$0x0], $0xffff;
	v0 =	vadd.f32 v47, v23;
	v8 =	vmax.f32 v8, v13  }
0x3f7: {  	v14 =	vld.idx.msk [tilespmem:v43+s5+$0x0], $0xffff;
	v57 =	vpop (erf)  }
0x3f8: {  	[tilespmem:$0x1FBC0] =	vst v11;
	v11 =	vmul.f32 v7, v57;
	v0 =	vadd.f32 v0, v22;
	v60 =	vmax.f32 v8, v36  }
0x3f9: {  	v7 =	vmax.f32 v60, v4;
	v8 =	vpop (erf)  }
0x3fa: {  	v0 =	vadd.f32 v0, v11;
	v61 =	vmax.f32 v7, v37;
	v8 =	vmul.f32 v1, v8  }
0x3fb: {  	v1 =	vmax.f32 v61, v5;
	v62 =	vpop (erf)  }
0x3fc: {  	v6 =	vmul.f32 v6, v62;
	v15 =	vmax.f32 v1, v14;
	v0 =	vadd.f32 v0, v8  }
0x3fd: {  	v1 =	vsub.f32 v2, v15  }
0x3fe: {  	v63 =	vsub.f32 v10, v15;
	v0 =	vadd.f32 v0, v6  }
0x3ff: {  	v1 =	vmul.f32 $1.442695020e+00, v1  }
0x400: {  	v7 =	vsub.f32 v34, v15;
	[tilespmem:$0x1FB30] =	vst v6;
	v6 =	vmul.f32 $1.442695020e+00, v63;
	(erf) = vrcp.f32 v0  }
0x401: {  	(erf) = vpow2.f32 v1  }
0x402: {  	v34 =	vsub.f32 v3, v15;
	v16 =	vmul.f32 $1.442695020e+00, v7;
	(erf) = vpow2.f32 v6;
	_ =	sdelay $0x1  }
0x403: {  	v43 =	vsub.f32 v13, v15;
	v42 =	vmul.f32 $1.442695020e+00, v34;
	(erf) = vpow2.f32 v16;
	_ =	sdelay $0x1  }
0x404: {  	v47 =	vsub.f32 v36, v15;
	v44 =	vmul.f32 $1.442695020e+00, v43;
	(erf) = vpow2.f32 v42;
	_ =	sdelay $0x1  }
0x405: {  	v57 =	vsub.f32 v4, v15;
	v55 =	vmul.f32 $1.442695020e+00, v47;
	(erf) = vpow2.f32 v44  }
0x406: {  	v60 =	vpop (erf)  }
0x407: {  	v62 =	vmul.f32 $1.442695020e+00, v57;
	v63 =	vsub.f32 v37, v15;
	v61 =	vpop (erf);
	(erf) = vpow2.f32 v55  }
0x408: {  	v13 =	vsub.f32 v5, v15;
	v6 =	vpop (erf)  }
0x409: {  	v7 =	vmul.f32 $1.442695020e+00, v63;
	(erf) = vpow2.f32 v62;
	v2 =	vadd.f32 v6, v61  }
0x40a: {  	v36 =	vsub.f32 v14, v15;
	v16 =	vpop (erf)  }
0x40b: {  	v34 =	vmul.f32 $1.442695020e+00, v13;
	(erf) = vpow2.f32 v7;
	v2 =	vadd.f32 v2, v16  }
0x40c: {  	v37 =	vpop (erf)  }
0x40d: {  	v42 =	vmul.f32 $1.442695020e+00, v36;
	(erf) = vpow2.f32 v34;
	v2 =	vadd.f32 v2, v37  }
0x40e: {  	v47 =	vadd.s32 $0x7E1, v9;
	v43 =	vpop (erf)  }
0x40f: {  	v44 =	vadd.s32 $0x7E0, v9;
	(erf) = vpow2.f32 v42;
	v1 =	vadd.f32 v2, v43  }
0x410: {  	v57 =	vadd.s32 $0x7E2, v9;
	v55 =	vpop (erf)  }
0x411: {  	[tilespmem:$0x1FC00] =	vst v60;
	v60 =	vadd.s32 $0x7E3, v9;
	v1 =	vadd.f32 v1, v55  }
0x412: {  	v62 =	vadd.s32 $0x7E4, v9;
	v61 =	vpop (erf)  }
0x413: {  	v63 =	vadd.s32 $0x7E5, v9;
	v0 =	vld.idx.msk [tilespmem:v47+s5+$0x0], $0xffff;
	v1 =	vadd.f32 v1, v61  }
0x414: {  	[tilespmem:$0x1FB20] =	vst v8;
	v8 =	vadd.s32 $0x7E6, v9;
	v3 =	vld.idx.msk [tilespmem:v44+s5+$0x0], $0xffff;
	v16 =	vpop (erf)  }
0x415: {  	v4 =	vld.idx.msk [tilespmem:v57+s5+$0x0], $0xffff;
	v34 =	vadd.s32 $0x7E7, v9;
	v1 =	vadd.f32 v1, v16  }
0x416: {  	v42 =	vadd.s32 $0x7E8, v9;
	v2 =	vld.idx.msk [tilespmem:v60+s5+$0x0], $0xffff;
	v10 =	vpop (erf)  }
0x417: {  	v6 =	vld.idx.msk [tilespmem:v62+s5+$0x0], $0xffff;
	v1 =	vadd.f32 v1, v10;
	v10 =	vadd.s32 $0x7E9, v9  }
0x418: {  	v5 =	vld.idx.msk [tilespmem:v63+s5+$0x0], $0xffff;
	v43 =	vpop (erf)  }
0x419: {  	v37 =	vadd.f32 v1, v43;
	v1 =	vld.idx.msk [tilespmem:v8+s5+$0x0], $0xffff;
	v8 =	vmax.f32 v3, v0  }
0x41a: {  	v7 =	vld.idx.msk [tilespmem:v34+s5+$0x0], $0xffff;
	v8 =	vmax.f32 v8, v4  }
0x41b: {  	[tilespmem:$0x1FB10] =	vst v11;
	v11 =	vld.idx.msk [tilespmem:v42+s5+$0x0], $0xffff;
	v8 =	vmax.f32 v8, v2;
	v44 =	vcvt.s32.f32 v37  }
0x41c: {  	v10 =	vld.idx.msk [tilespmem:v10+s5+$0x0], $0xffff;
	v8 =	vmax.f32 v8, v6  }
0x41d: {  	v13 =	vmul.f32 $8.262958320e-08, v44;
	v8 =	vmax.f32 v8, v5  }
0x41e: {  	v8 =	vmax.f32 v8, v1  }
0x41f: {  	v36 =	vadd.f32 $-8.798996730e+01, v13;
	v8 =	vmax.f32 v8, v7  }
0x420: {  	v8 =	vmax.f32 v8, v11  }
0x421: {  	v8 =	vmax.f32 v8, v10;
	v13 =	vsub.f32 $0.0e+00, v36  }
0x422: {  	v34 =	vld [tilespmem:$0xAE0];
	v3 =	vsub.f32 v3, v8  }
0x423: {  	v13 =	vmul.f32 $1.442695020e+00, v13  }
0x424: {  	v0 =	vsub.f32 v0, v8;
	v3 =	vmul.f32 $1.442695020e+00, v3  }
0x425: {  	(erf) = vpow2.f32 v13  }
0x426: {  	v0 =	vmul.f32 $1.442695020e+00, v0;
	(erf) = vpow2.f32 v3  }
0x427: {  	v57 =	vadd.s32 $0x20, v34  }
0x428: {  	v55 =	vadd.s32 $0x10, v34;
	v47 =	vsub.f32 v4, v8;
	(erf) = vpow2.f32 v0;
	_ =	sdelay $0x1  }
0x429: {  	v42 =	vadd.s32 $0x30, v34;
	v2 =	vsub.f32 v2, v8;
	v3 =	vmul.f32 $1.442695020e+00, v47  }
0x42a: {  	v60 =	vadd.s32 $0x40, v34;
	v63 =	vadd.s32 $0x50, v34;
	v6 =	vsub.f32 v6, v8  }
0x42b: {  	v4 =	vld.idx.msk [tilespmem:v57+s16+$0x0], $0xffff;
	v5 =	vsub.f32 v5, v8;
	v2 =	vmul.f32 $1.442695020e+00, v2;
	(erf) = vpow2.f32 v3  }
0x42c: {  	v57 =	vadd.s32 $0x70, v34;
	v43 =	vmul.f32 $1.442695020e+00, v6;
	v47 =	vadd.s32 $0x60, v34;
	v0 =	vld.idx.msk [tilespmem:v55+s16+$0x0], $0xffff  }
0x42d: {  	v16 =	vld.idx.msk [tilespmem:v34+s16+$0x0], $0xffff;
	v3 =	vadd.s32 $0x80, v34;
	v34 =	vadd.s32 $0x90, v34;
	(erf) = vpow2.f32 v2;
	v44 =	vpop (erf)  }
0x42e: {  	v1 =	vsub.f32 v1, v8;
	v61 =	vpop (erf);
	(erf) = vpow2.f32 v43  }
0x42f: {  	v60 =	vld.idx.msk [tilespmem:v60+s16+$0x0], $0xffff;
	v5 =	vmul.f32 $1.442695020e+00, v5  }
0x430: {  	v7 =	vsub.f32 v7, v8;
	v1 =	vmul.f32 $1.442695020e+00, v1;
	v55 =	vadd.s32 $0x7EB, v9;
	v2 =	vld.idx.msk [tilespmem:v42+s16+$0x0], $0xffff;
	v62 =	vpop (erf)  }
0x431: {  	(erf) = vpow2.f32 v5;
	v13 =	vmul.f32 v62, v0;
	v0 =	vld.idx.msk [tilespmem:v63+s16+$0x0], $0xffff;
	v63 =	vadd.s32 $0x7EA, v9  }
0x432: {  	v6 =	vld.idx.msk [tilespmem:v34+s16+$0x0], $0xffff;
	[tilespmem:$0x1FBE0] =	vst v44;
	v44 =	vadd.s32 $0x7EC, v9;
	v14 =	vmul.f32 v61, v16;
	v16 =	vmul.f32 $1.442695020e+00, v7  }
0x433: {  	v61 =	vsub.f32 v11, v8;
	(erf) = vpow2.f32 v1;
	v1 =	vld.idx.msk [tilespmem:v3+s16+$0x0], $0xffff;
	v3 =	vadd.s32 $0x7ED, v9  }
0x434: {  	v34 =	vadd.s32 $0x7EE, v9;
	v5 =	vld.idx.msk [tilespmem:v47+s16+$0x0], $0xffff;
	v8 =	vsub.f32 v10, v8;
	v11 =	vpop (erf)  }
0x435: {  	v10 =	vld.idx.msk [tilespmem:v55+s5+$0x0], $0xffff;
	v11 =	vmul.f32 v11, v4;
	(erf) = vpow2.f32 v16;
	v16 =	vadd.f32 v13, v14  }
0x436: {  	v47 =	vadd.s32 $0x7EF, v9;
	v62 =	vmul.f32 $1.442695020e+00, v61;
	v42 =	vpop (erf);
	v4 =	vld.idx.msk [tilespmem:v63+s5+$0x0], $0xffff  }
0x437: {  	v8 =	vmul.f32 $1.442695020e+00, v8;
	v7 =	vmul.f32 v2, v42;
	v44 =	vld.idx.msk [tilespmem:v44+s5+$0x0], $0xffff;
	v55 =	vadd.f32 v16, v11;
	v61 =	vpop (erf)  }
0x438: {  	v2 =	vadd.s32 $0x7F0, v9;
	(erf) = vpow2.f32 v62;
	v60 =	vmul.f32 v60, v61;
	v61 =	vld.idx.msk [tilespmem:v3+s5+$0x0], $0xffff  }
0x439: {  	v62 =	vadd.s32 $0x7F1, v9;
	(erf) = vpow2.f32 v8;
	v8 =	vadd.f32 v55, v7  }
0x43a: {  	v55 =	vld.idx.msk [tilespmem:v34+s5+$0x0], $0xffff;
	v34 =	vadd.s32 $0x7F3, v9;
	v3 =	vadd.s32 $0x7F2, v9;
	v43 =	vpop (erf)  }
0x43b: {  	v42 =	vld.idx.msk [tilespmem:v47+s5+$0x0], $0xffff;
	v47 =	vmul.f32 v0, v43;
	v16 =	vadd.f32 v8, v60;
	v8 =	vmax.f32 v4, v10  }
0x43c: {  	v57 =	vld.idx.msk [tilespmem:v57+s16+$0x0], $0xffff;
	v43 =	vmax.f32 v8, v44  }
0x43d: {  	v2 =	vld.idx.msk [tilespmem:v2+s5+$0x0], $0xffff;
	v0 =	vadd.f32 v16, v47;
	v16 =	vmax.f32 v43, v61  }
0x43e: {  	v62 =	vld.idx.msk [tilespmem:v62+s5+$0x0], $0xffff;
	v8 =	vpop (erf)  }
0x43f: {  	v3 =	vld.idx.msk [tilespmem:v3+s5+$0x0], $0xffff;
	v8 =	vmul.f32 v5, v8  }
0x440: {  	v43 =	vld.idx.msk [tilespmem:v34+s5+$0x0], $0xffff;
	v5 =	vmax.f32 v16, v55;
	v16 =	vpop (erf)  }
0x441: {  	v5 =	vmax.f32 v5, v42;
	v0 =	vadd.f32 v0, v8;
	v34 =	vmul.f32 v57, v16  }
0x442: {  	v57 =	vmax.f32 v5, v2;
	v16 =	vpop (erf)  }
0x443: {  	v5 =	vmul.f32 v1, v16;
	v57 =	vmax.f32 v57, v62;
	v0 =	vadd.f32 v0, v34  }
0x444: {  	v16 =	vpop (erf);
	v1 =	vmax.f32 v57, v3  }
0x445: {  	v6 =	vmul.f32 v6, v16;
	v16 =	vadd.f32 v0, v5;
	v0 =	vmax.f32 v1, v43  }
0x446: {  	v1 =	vsub.f32 v4, v0  }
0x447: {  	v10 =	vsub.f32 v10, v0;
	v57 =	vadd.f32 v16, v6  }
0x448: {  	v1 =	vmul.f32 $1.442695020e+00, v1  }
0x449: {  	v16 =	vmul.f32 $1.442695020e+00, v10;
	v10 =	vsub.f32 v44, v0;
	(erf) = vrcp.f32 v57  }
0x44a: {  	(erf) = vpow2.f32 v1  }
0x44b: {  	v57 =	vmul.f32 $1.442695020e+00, v10;
	(erf) = vpow2.f32 v16;
	v16 =	vsub.f32 v61, v0;
	_ =	sdelay $0x1  }
0x44c: {  	(erf) = vpow2.f32 v57;
	v57 =	vsub.f32 v55, v0;
	v44 =	vmul.f32 $1.442695020e+00, v16;
	_ =	sdelay $0x1  }
0x44d: {  	v16 =	vsub.f32 v42, v0;
	v61 =	vmul.f32 $1.442695020e+00, v57;
	(erf) = vpow2.f32 v44;
	_ =	sdelay $0x1  }
0x44e: {  	v42 =	vmul.f32 $1.442695020e+00, v16;
	(erf) = vpow2.f32 v61  }
0x44f: {  	v44 =	vpop (erf)  }
0x450: {  	v2 =	vsub.f32 v2, v0;
	(erf) = vpow2.f32 v42;
	v61 =	vpop (erf)  }
0x451: {  	v57 =	vsub.f32 v62, v0;
	v16 =	vsub.f32 v3, v0;
	v10 =	vpop (erf)  }
0x452: {  	vm12 =	vgt.f32 v58, v59;
	v55 =	vmul.f32 $1.442695020e+00, v2;
	v4 =	vadd.f32 v10, v61  }
0x453: {  	v62 =	vmul.f32 $1.442695020e+00, v57;
	v2 =	vmul.f32 $1.442695020e+00, v16;
	[tilespmem:$0x1FC10] =	vst v44;
	v44 =	vsel vm12, v58, v59;
	v42 =	vpop (erf)  }
0x454: {  	(erf) = vpow2.f32 v55;
	v55 =	vsub.f32 v43, v0;
	v3 =	vadd.f32 v4, v42  }
0x455: {  	vm13 =	vgt.f32 v41, v44;
	(erf) = vpow2.f32 v62;
	v62 =	vadd.s32 $0x931, v9;
	v10 =	vpop (erf)  }
0x456: {  	v1 =	vsel vm13, v41, v44;
	v61 =	vadd.s32 $0x930, v9;
	v3 =	vadd.f32 v3, v10  }
0x457: {  	v44 =	vadd.s32 $0x935, v9;
	v57 =	vmul.f32 $1.442695020e+00, v55;
	vm14 =	vgt.f32 v45, v1;
	v58 =	vpop (erf)  }
0x458: {  	v55 =	vadd.s32 $0x934, v9;
	(erf) = vpow2.f32 v2;
	v3 =	vadd.f32 v3, v58  }
0x459: {  	v1 =	vsel vm14, v45, v1;
	(erf) = vpow2.f32 v57;
	v57 =	vimm.s32 $0x0;
	v59 =	vpop (erf)  }
0x45a: {  	v58 =	vsel vm12, $0x1, v57;
	v2 =	vadd.f32 v3, v59;
	v3 =	vld.idx.msk [tilespmem:v62+s5+$0x0], $0xffff;
	v62 =	vadd.s32 $0x938, v9  }
0x45b: {  	vm15 =	vgt.f32 v49, v1;
	v4 =	vld.idx.msk [tilespmem:v61+s5+$0x0], $0xffff;
	v42 =	vsel vm13, $0x2, v58  }
0x45c: {  	v1 =	vsel vm15, v49, v1;
	v49 =	vadd.s32 $0x932, v9;
	v44 =	vld.idx.msk [tilespmem:v44+s5+$0x0], $0xffff;
	v42 =	vsel vm14, $0x3, v42  }
0x45d: {  	v45 =	vadd.s32 $0x936, v9;
	vm8 =	vgt.f32 v51, v1;
	v43 =	vld.idx.msk [tilespmem:v55+s5+$0x0], $0xffff;
	v10 =	vpop (erf);
	v61 =	vsel vm15, $0x4, v42  }
0x45e: {  	v2 =	vadd.f32 v2, v10;
	v10 =	vadd.s32 $0x933, v9;
	v41 =	vsel vm8, $0x5, v61;
	v61 =	vld [tilespmem:$0x1F930]  }
0x45f: {  	v1 =	vsel vm8, v51, v1;
	v51 =	vpop (erf);
	v42 =	vld.idx.msk [tilespmem:v62+s5+$0x0], $0xffff  }
0x460: {  	vm9 =	vgt.f32 v46, v1;
	v2 =	vadd.f32 v2, v51;
	v62 =	vld [tilespmem:$0x1F940]  }
0x461: {  	v1 =	vsel vm9, v46, v1;
	v46 =	vld.idx.msk [tilespmem:v49+s5+$0x0], $0xffff;
	v49 =	vadd.s32 $0x937, v9;
	v59 =	vpop (erf)  }
0x462: {  	v45 =	vld.idx.msk [tilespmem:v45+s5+$0x0], $0xffff;
	vm10 =	vgt.f32 v26, v1;
	v2 =	vadd.f32 v2, v59  }
0x463: {  	v1 =	vsel vm10, v26, v1;
	v57 =	vpop (erf);
	v10 =	vld.idx.msk [tilespmem:v10+s5+$0x0], $0xffff  }
0x464: {  	v55 =	vadd.s32 $0x939, v9;
	vm11 =	vgt.f32 v52, v1;
	v16 =	vadd.f32 v2, v57;
	v57 =	vld [tilespmem:$0x1F950]  }
0x465: {  	v1 =	vsel vm11, v52, v1;
	v52 =	vmul.f32 v61, v62;
	v61 =	vld [tilespmem:$0x1F960]  }
0x466: {  	v58 =	vsel vm9, $0x6, v41;
	vm12 =	vgt.f32 v27, v1;
	v59 =	vmax.f32 v4, v3;
	v49 =	vld.idx.msk [tilespmem:v49+s5+$0x0], $0xffff  }
0x467: {  	v41 =	vmax.f32 v59, v46;
	v2 =	vsel vm10, $0x7, v58;
	v52 =	vadd.f32 v52, v28;
	v28 =	vld [tilespmem:$0x1F970]  }
0x468: {  	v2 =	vsel vm11, $0x8, v2;
	v51 =	vcvt.s32.f32 v16;
	v41 =	vmax.f32 v41, v10  }
0x469: {  	v58 =	vsel vm12, $0x9, v2;
	v2 =	vld.idx.msk [tilespmem:v55+s5+$0x0], $0xffff;
	v41 =	vmax.f32 v41, v43;
	v59 =	vsel vm6, v31, v57  }
0x46a: {  	v41 =	vmax.f32 v41, v44;
	v55 =	vmul.f32 v59, v61;
	v61 =	vld [tilespmem:$0x1F980]  }
0x46b: {  	v51 =	vmul.f32 $8.262958320e-08, v51;
	v62 =	vmax.f32 v41, v45  }
0x46c: {  	v57 =	vld [tilespmem:$0x1F9B0];
	v31 =	vsel vm7, v35, v28;
	v35 =	vmax.f32 v62, v49  }
0x46d: {  	v41 =	vadd.f32 $-8.798996730e+01, v51;
	v51 =	vmax.f32 v35, v42;
	v35 =	vld [tilespmem:$0x1F9A0];
	_ =	sdelay $0x1  }
0x46e: {  	v52 =	vadd.f32 $-1.000000000e+00, v52;
	v62 =	vmul.f32 v31, v61;
	v31 =	vsub.f32 $0.0e+00, v41  }
0x46f: {  	v28 =	vld [tilespmem:$0x1F990]  }
0x470: {  	v24 =	vadd.f32 v52, v24;
	v52 =	vadd.s32 v29, v57;
	v57 =	vmul.f32 $1.442695020e+00, v31;
	v31 =	vld [tilespmem:$0x1F9E0]  }
0x471: {  	vm8 =	vgt.f32 v62, v35;
	v62 =	vld [tilespmem:$0x1F9D0]  }
0x472: {  	v51 =	vmax.f32 v51, v2  }
0x473: {  	v29 =	vld [tilespmem:$0x1FA00];
	v4 =	vsub.f32 v4, v51;
	v3 =	vsub.f32 v3, v51  }
0x474: {  	v1 =	vsel vm12, v27, v1;
	v59 =	vld [tilespmem:$0x1F9C0]  }
0x475: {  	v61 =	vld [tilespmem:$0xAF0];
	v46 =	vsub.f32 v46, v51;
	v4 =	vmul.f32 $1.442695020e+00, v4;
	v27 =	vmul.f32 $1.442695020e+00, v3  }
0x476: {  	vm7 =	vgt.f32 v55, v28;
	v28 =	vld [tilespmem:$0x1F9F0];
	(erf) = vpow2.f32 v57;
	v35 =	vmul.f32 v31, v62  }
0x477: {  	v26 =	vimm.s32 $0x0;
	v55 =	vld.idx.msk [tilespmem:v58+s17+$0x0], $0xffff;
	(erf) = vpow2.f32 v4;
	v31 =	vmul.f32 $1.442695020e+00, v46  }
0x478: {  	v10 =	vsub.f32 v10, v51;
	(erf) = vpow2.f32 v27;
	v3 =	vadd.f32 v35, v29;
	v29 =	vld [tilespmem:$0x1FA10]  }
0x479: {  	v1 =	vmul.f32 v1, v59;
	v43 =	vsub.f32 v43, v51;
	(erf) = vpow2.f32 v31;
	v31 =	vld [tilespmem:$0x1FA20]  }
0x47a: {  	v49 =	vsub.f32 v49, v51;
	v10 =	vmul.f32 $1.442695020e+00, v10;
	v62 =	vadd.s32 $0x20, v61;
	v35 =	vld.idx.msk [tilespmem:v52+s5+$0x0], $0xffff  }
0x47b: {  	v57 =	vadd.s32 $0x10, v61;
	v59 =	vsub.f32 v24, v28;
	v3 =	vadd.f32 $-1.000000000e+00, v3  }
0x47c: {  	v28 =	vadd.s32 $0x30, v61;
	(erf) = vpow2.f32 v10;
	v10 =	vmul.f32 $1.442695020e+00, v43  }
0x47d: {  	vm13 =	vgt.f32 v1, v55;
	v55 =	vadd.s32 $0x40, v61;
	v52 =	vld.idx.msk [tilespmem:v61+s16+$0x0], $0xffff;
	v3 =	vadd.f32 v3, v12  }
0x47e: {  	v1 =	vsel vm13, $0xFFFFFFFF, v26;
	v43 =	vadd.s32 $0x50, v61;
	v12 =	vmul.f32 v31, v29  }
0x47f: {  	[tilespmem:$0x1FB00] =	vst v1;
	v4 =	vld.idx.msk [tilespmem:v62+s16+$0x0], $0xffff;
	v62 =	vadd.s32 $0x70, v61;
	v1 =	vsub.f32 v3, v35;
	v35 =	vsub.f32 v44, v51  }
0x480: {  	(erf) = vpow2.f32 v10;
	v10 =	vpop (erf);
	v3 =	vld.idx.msk [tilespmem:v57+s16+$0x0], $0xffff;
	v44 =	vadd.s32 $0x60, v61;
	v57 =	vadd.f32 v12, v32  }
0x481: {  	v29 =	vpop (erf);
	v12 =	vld.idx.msk [tilespmem:v28+s16+$0x0], $0xffff;
	v28 =	vsub.f32 v45, v51;
	v32 =	vadd.s32 $0x80, v61;
	v24 =	vmul.f32 $1.442695020e+00, v35  }
0x482: {  	v42 =	vsub.f32 v42, v51;
	v45 =	vmul.f32 v29, v52;
	v52 =	vld.idx.msk [tilespmem:v55+s16+$0x0], $0xffff;
	v55 =	vadd.s32 $0x90, v61  }
0x483: {  	v26 =	vmul.f32 $1.442695020e+00, v28;
	v28 =	vadd.s32 $0x93B, v9;
	(erf) = vpow2.f32 v24;
	v24 =	vld.idx.msk [tilespmem:v43+s16+$0x0], $0xffff  }
0x484: {  	v2 =	vsub.f32 v2, v51;
	v27 =	vpop (erf);
	v29 =	vmul.f32 $1.442695020e+00, v49;
	v43 =	vld.idx.msk [tilespmem:v62+s16+$0x0], $0xffff;
	v62 =	vadd.s32 $0x93C, v9  }
0x485: {  	v31 =	vpop (erf);
	v46 =	vmul.f32 v27, v3;
	v44 =	vld.idx.msk [tilespmem:v44+s16+$0x0], $0xffff;
	v3 =	vadd.s32 $0x93A, v9;
	(erf) = vpow2.f32 v26  }
0x486: {  	v49 =	vmul.f32 v31, v4;
	(erf) = vpow2.f32 v29;
	v4 =	vld.idx.msk [tilespmem:v32+s16+$0x0], $0xffff;
	v32 =	vadd.s32 $0x93D, v9  }
0x487: {  	v26 =	vmul.f32 $1.442695020e+00, v42;
	v27 =	vpop (erf);
	v42 =	vld.idx.msk [tilespmem:v55+s16+$0x0], $0xffff;
	v55 =	vadd.s32 $0x93E, v9;
	v61 =	vadd.f32 v46, v45  }
0x488: {  	v2 =	vmul.f32 $1.442695020e+00, v2;
	v51 =	vmul.f32 v12, v27;
	v27 =	vadd.s32 $0x940, v9;
	v12 =	vld.idx.msk [tilespmem:v28+s5+$0x0], $0xffff  }
0x489: {  	v31 =	vadd.s32 $0x93F, v9;
	(erf) = vpow2.f32 v26;
	v28 =	vadd.f32 v61, v49;
	v61 =	vld.idx.msk [tilespmem:v62+s5+$0x0], $0xffff  }
0x48a: {  	(erf) = vpow2.f32 v2;
	v2 =	vadd.f32 $-1.000000000e+00, v57;
	v62 =	vadd.s32 $0x941, v9;
	v29 =	vld.idx.msk [tilespmem:v3+s5+$0x0], $0xffff  }
0x48b: {  	vm9 =	vgt.f32 v39, v38;
	v32 =	vld.idx.msk [tilespmem:v32+s5+$0x0], $0xffff  }
0x48c: {  	v35 =	vpop (erf);
	v2 =	vadd.f32 v2, v25;
	v25 =	vsel vm9, v39, v38;
	v55 =	vld.idx.msk [tilespmem:v55+s5+$0x0], $0xffff  }
0x48d: {  	v52 =	vmul.f32 v52, v35;
	v57 =	vadd.s32 $0x942, v9;
	vm10 =	vgt.f32 v48, v25;
	v27 =	vld.idx.msk [tilespmem:v27+s5+$0x0], $0xffff;
	v26 =	vpop (erf)  }
0x48e: {  	v35 =	vadd.f32 v28, v51;
	v25 =	vsel vm10, v48, v25;
	v39 =	vmul.f32 v24, v26;
	v24 =	vld.idx.msk [tilespmem:v31+s5+$0x0], $0xffff;
	v31 =	vpop (erf)  }
0x48f: {  	v28 =	vadd.s32 $0x943, v9;
	vm12 =	vgt.f32 v56, v25;
	v48 =	vmul.f32 v44, v31;
	v31 =	vld.idx.msk [tilespmem:v62+s5+$0x0], $0xffff;
	v62 =	vpop (erf)  }
0x490: {  	v25 =	vsel vm12, v56, v25;
	v38 =	vmax.f32 v29, v12;
	v56 =	vmul.f32 v43, v62;
	v43 =	vld [tilespmem:$0x1FA30]  }
0x491: {  	v26 =	vadd.f32 v35, v52;
	v35 =	vmax.f32 v38, v61  }
0x492: {  	v35 =	vmax.f32 v35, v32  }
0x493: {  	v35 =	vmax.f32 v35, v55  }
0x494: {  	v44 =	vld.idx.msk [tilespmem:v57+s5+$0x0], $0xffff;
	vm15 =	vgt.f32 v53, v25;
	v26 =	vadd.f32 v26, v39;
	v35 =	vmax.f32 v35, v24  }
0x495: {  	v38 =	vld.idx.msk [tilespmem:v28+s5+$0x0], $0xffff;
	v28 =	vpop (erf);
	v57 =	vsel vm15, v53, v25;
	v35 =	vmax.f32 v35, v27;
	vm13 =	vgt.f32 v50, v43  }
0x496: {  	v53 =	vmul.f32 v4, v28;
	v4 =	vmax.f32 v35, v31;
	v35 =	vsel vm13, v50, v43;
	v43 =	vld [tilespmem:$0x1FA40];
	_ =	sdelay $0x1  }
0x497: {  	v26 =	vadd.f32 v26, v48;
	_ =	sdelay $0x1  }
0x498: {  	v62 =	vpop (erf);
	v25 =	vadd.f32 v26, v56  }
0x499: {  	v50 =	vmul.f32 v42, v62;
	v4 =	vmax.f32 v4, v44;
	vm5 =	vgt.f32 v43, v57  }
0x49a: {  	v62 =	vadd.f32 v25, v53;
	v25 =	vmax.f32 v4, v38;
	v4 =	vsel vm5, v43, v57;
	v43 =	vld [tilespmem:$0x1FA50]  }
0x49b: {  	v57 =	vld [tilespmem:$0x1FFE0];
	_ =	sdelay $0x2  }
0x49c: {  	v10 =	vmul.f32 v10, v16  }
0x49d: {  	v26 =	vadd.f32 v62, v50;
	v62 =	vld [tilespmem:$0x1FA60]  }
0x49e: {  	v10 =	vadd.f32 v10, v41;
	vm14 =	vgt.f32 v43, v35;
	v42 =	vadd.s32 v57, v58;
	v57 =	vld [tilespmem:$0x1FA80]  }
0x49f: {  	v29 =	vsub.f32 v29, v25;
	v35 =	vsel vm14, v43, v35;
	v43 =	vld [tilespmem:$0x1FA70]  }
0x4a0: {  	v10 =	vadd.f32 $-1.000000000e+00, v10;
	v12 =	vsub.f32 v12, v25  }
0x4a1: {  	v28 =	vnsel vm7, $0x0, v59;
	v24 =	vsub.f32 v24, v25;
	v29 =	vmul.f32 $1.442695020e+00, v29  }
0x4a2: {  	(erf) = vrcp.f32 v26;
	v12 =	vmul.f32 $1.442695020e+00, v12;
	vm11 =	vgt.f32 v62, v4  }
0x4a3: {  	(erf) = vpow2.f32 v29;
	v4 =	vsel vm11, v62, v4;
	v58 =	vsub.f32 v61, v25;
	v61 =	vld [tilespmem:$0x1FA90]  }
0x4a4: {  	v62 =	vsub.f32 v32, v25;
	vm6 =	vgt.f32 v57, v4;
	vm2 =	vgt.f32 v43, v35  }
0x4a5: {  	v29 =	vmul.f32 $1.442695020e+00, v58;
	v4 =	vsel vm6, v57, v4;
	v57 =	vld [tilespmem:$0x1FAB0];
	v26 =	vsel vm2, v43, v35  }
0x4a6: {  	(erf) = vpow2.f32 v12;
	v58 =	vmul.f32 $1.442695020e+00, v62;
	v12 =	vld.idx.msk [tilespmem:v42+s5+$0x0], $0xffff;
	vm3 =	vgt.f32 v40, v26  }
0x4a7: {  	v24 =	vmul.f32 $1.442695020e+00, v24;
	(erf) = vpow2.f32 v29;
	v43 =	vld [tilespmem:$0x1FAA0];
	v26 =	vsel vm3, v40, v26  }
0x4a8: {  	(erf) = vpow2.f32 v58;
	vm4 =	vgt.f32 v61, v4;
	v35 =	vld [tilespmem:$0x1FAD0];
	vm1 =	vgt.f32 v30, v26  }
0x4a9: {  	v58 =	vsub.f32 v55, v25;
	v4 =	vsel vm4, v61, v4;
	v26 =	vsel vm1, v30, v26  }
0x4aa: {  	v61 =	vimm.s32 $0x0;
	v40 =	vnsel vm8, $0x0, v1;
	vm0 =	vgt.f32 v57, v26  }
0x4ab: {  	v62 =	vsel vm9, $0x1, v61;
	v61 =	vsel vm13, $0x1, v61;
	v59 =	vsel vm0, v57, v26;
	v26 =	vld [tilespmem:$0x1FAC0]  }
0x4ac: {  	v2 =	vsub.f32 v2, v12;
	v29 =	vsel vm10, $0x2, v62;
	v62 =	vmul.f32 $1.442695020e+00, v58  }
0x4ad: {  	v12 =	vsel vm12, $0x3, v29;
	vm8 =	vgt.f32 v43, v4;
	vm9 =	vgt.f32 v20, v35  }
0x4ae: {  	v42 =	vld [tilespmem:$0x1FAE0];
	v1 =	vpop (erf);
	v12 =	vsel vm15, $0x4, v12;
	(erf) = vpow2.f32 v62;
	v62 =	vsub.f32 v31, v25  }
0x4af: {  	v31 =	vsub.f32 v44, v25;
	v30 =	vsel vm8, v43, v4;
	v20 =	vsel vm9, v20, v35  }
0x4b0: {  	v43 =	vpop (erf);
	v12 =	vsel vm5, $0x5, v12;
	v35 =	vimm.s32 $0x0;
	vm7 =	vgt.f32 v26, v59  }
0x4b1: {  	(erf) = vpow2.f32 v24;
	vm15 =	vgt.f32 v18, v20;
	v57 =	vpop (erf);
	v4 =	vsel vm7, v26, v59;
	v59 =	vld [tilespmem:$0x1FAF0]  }
0x4b2: {  	v20 =	vsel vm15, v18, v20;
	v26 =	vadd.f32 v57, v43;
	v43 =	vsub.f32 v27, v25  }
0x4b3: {  	v12 =	vsel vm11, $0x6, v12;
	vm13 =	vgt.f32 v19, v20;
	vm10 =	vgt.f32 v42, v4  }
0x4b4: {  	v55 =	vpop (erf);
	v4 =	vsel vm10, v42, v4;
	v42 =	vsel vm13, v19, v20;
	v19 =	vmul.f32 $1.442695020e+00, v43  }
0x4b5: {  	v32 =	vmul.f32 $1.442695020e+00, v31;
	v57 =	vsel vm14, $0x2, v61;
	v20 =	vadd.f32 v26, v55  }
0x4b6: {  	v58 =	vpop (erf);
	v61 =	vsel vm2, $0x3, v57;
	(erf) = vpow2.f32 v19;
	vm5 =	vgt.f32 v59, v4  }
0x4b7: {  	v18 =	vsel vm5, v59, v4;
	v59 =	vadd.f32 v20, v58;
	v20 =	vmul.f32 $1.442695020e+00, v62  }
0x4b8: {  	v44 =	vsel vm9, $0x1, v35;
	v43 =	vsub.f32 v38, v25;
	v19 =	vsel vm3, $0x4, v61  }
0x4b9: {  	vm12 =	vgt.f32 v17, v42;
	v19 =	vsel vm1, $0x5, v19;
	(erf) = vpow2.f32 v20  }
0x4ba: {  	v24 =	vmul.f32 $1.442695020e+00, v43;
	v4 =	vsel vm12, v17, v42;
	v19 =	vsel vm0, $0x6, v19  }
0x4bb: {  	v29 =	vld [tilespmem:$0x1FB00];
	vm0 =	vgt.f32 v13, v14;
	v42 =	vpop (erf);
	v19 =	vsel vm7, $0x7, v19;
	(erf) = vpow2.f32 v32  }
0x4bc: {  	v12 =	vsel vm6, $0x7, v12;
	v13 =	vsel vm0, v13, v14;
	v19 =	vsel vm10, $0x8, v19  }
0x4bd: {  	v55 =	vpop (erf);
	v14 =	vadd.f32 v59, v42;
	vm10 =	vgt.f32 v11, v13;
	(erf) = vpow2.f32 v24  }
0x4be: {  	v12 =	vsel vm4, $0x8, v12;
	v58 =	vsel vm15, $0x2, v44;
	v11 =	vsel vm10, v11, v13  }
0x4bf: {  	v57 =	vadd.f32 v14, v55;
	v14 =	vsel vm13, $0x3, v58;
	vm13 =	vgt.f32 v7, v11  }
0x4c0: {  	v12 =	vsel vm8, $0x9, v12;
	vm14 =	vnez.u8 v29;
	v7 =	vsel vm13, v7, v11;
	v59 =	vpop (erf)  }
0x4c1: {  	vm9 =	vgt.f32 v23, v4;
	vm15 =	vgt.f32 v60, v7;
	v11 =	vadd.f32 v57, v59  }
0x4c2: {  	v62 =	vld [tilespmem:$0x1FB10];
	v4 =	vsel vm9, v23, v4;
	v23 =	vsel vm0, $0x1, v35;
	v7 =	vsel vm15, v60, v7;
	v17 =	vpop (erf)  }
0x4c3: {  	vm11 =	vgt.f32 v22, v4;
	vm8 =	vgt.f32 v47, v7;
	v11 =	vadd.f32 v11, v17  }
0x4c4: {  	v4 =	vsel vm11, v22, v4;
	v61 =	vsel vm12, $0x4, v14;
	v7 =	vsel vm8, v47, v7;
	v22 =	vpop (erf)  }
0x4c5: {  	v14 =	vsel vm10, $0x2, v23;
	vm10 =	vgt.f32 v8, v7;
	v11 =	vadd.f32 v11, v22  }
0x4c6: {  	v2 =	vnsel vm14, $0x0, v2;
	v19 =	vsel vm5, $0x9, v19;
	v7 =	vsel vm10, v8, v7;
	v8 =	vpop (erf)  }
0x4c7: {  	vm14 =	vgt.f32 v62, v4;
	v13 =	vsel vm9, $0x5, v61;
	v8 =	vadd.f32 v11, v8  }
0x4c8: {  	v14 =	vsel vm13, $0x3, v14;
	vm13 =	vgt.f32 v46, v45;
	v13 =	vsel vm11, $0x6, v13  }
0x4c9: {  	vm11 =	vgt.f32 v34, v7;
	v11 =	vsel vm15, $0x4, v14;
	v26 =	vcvt.s32.f32 v8  }
0x4ca: {  	v20 =	vld [tilespmem:$0x1FB20];
	v27 =	vsel vm13, v46, v45;
	v7 =	vsel vm11, v34, v7;
	v11 =	vsel vm8, $0x5, v11  }
0x4cb: {  	v31 =	vld [tilespmem:$0x1FB40];
	vm12 =	vgt.f32 v5, v7;
	v11 =	vsel vm10, $0x6, v11;
	v14 =	vmul.f32 $8.262958320e-08, v26  }
0x4cc: {  	v38 =	vld [tilespmem:$0x1FB60];
	v5 =	vsel vm12, v5, v7;
	vm15 =	vgt.f32 v49, v27;
	v11 =	vsel vm11, $0x7, v11  }
0x4cd: {  	v24 =	vld [tilespmem:$0x1FB30];
	v7 =	vsel vm15, v49, v27;
	v29 =	vsel vm12, $0x8, v11;
	v11 =	vadd.f32 $-8.798996730e+01, v14  }
0x4ce: {  	v4 =	vsel vm14, v62, v4;
	v32 =	vsel vm13, $0x1, v35;
	v35 =	vld [tilespmem:$0x1FB50];
	vm4 =	vgt.f32 v51, v7  }
0x4cf: {  	vm7 =	vgt.f32 v20, v4;
	v7 =	vsel vm4, v51, v7;
	v34 =	vsub.f32 $0.0e+00, v11  }
0x4d0: {  	v43 =	vld [tilespmem:$0x1FB70];
	v13 =	vsel vm14, $0x7, v13;
	v4 =	vsel vm7, v20, v4;
	vm5 =	vgt.f32 v52, v7  }
0x4d1: {  	v46 =	vld [tilespmem:$0x1FB90];
	v13 =	vsel vm7, $0x8, v13;
	v7 =	vsel vm5, v52, v7;
	v20 =	vmul.f32 $1.442695020e+00, v34  }
0x4d2: {  	vm9 =	vgt.f32 v24, v4;
	v47 =	vld [tilespmem:$0x1FBA0];
	v14 =	vadd.s32 v31, v12;
	vm6 =	vgt.f32 v39, v7  }
0x4d3: {  	v22 =	vmul.f32 v38, v35;
	v49 =	vld [tilespmem:$0x1FBC0];
	v7 =	vsel vm6, v39, v7;
	(erf) = vpow2.f32 v20  }
0x4d4: {  	v4 =	vsel vm9, v24, v4;
	v13 =	vsel vm9, $0x9, v13;
	v51 =	vld [tilespmem:$0x1FBD0];
	vm7 =	vgt.f32 v48, v7  }
0x4d5: {  	v22 =	vadd.f32 v22, v43;
	v17 =	vsel vm15, $0x2, v32;
	v7 =	vsel vm7, v48, v7;
	v48 =	vld [tilespmem:$0x1FBB0]  }
0x4d6: {  	v23 =	vadd.s32 v46, v19;
	vm14 =	vgt.f32 v6, v5;
	v17 =	vsel vm4, $0x3, v17;
	v52 =	vld [tilespmem:$0x1FBE0]  }
0x4d7: {  	v5 =	vsel vm14, v6, v5;
	v44 =	vadd.f32 $-1.000000000e+00, v22;
	v17 =	vsel vm5, $0x4, v17;
	v14 =	vld.idx.msk [tilespmem:v14+s5+$0x0], $0xffff  }
0x4d8: {  	v6 =	vsel vm14, $0x9, v29;
	v17 =	vsel vm6, $0x5, v17;
	vm8 =	vgt.f32 v56, v7  }
0x4d9: {  	v62 =	vld [tilespmem:$0x1FC10];
	v24 =	vadd.s32 v49, v13;
	v17 =	vsel vm7, $0x6, v17;
	v7 =	vsel vm8, v56, v7  }
0x4da: {  	v45 =	vld [tilespmem:$0x1FB80];
	v20 =	vadd.f32 v44, v21;
	vm9 =	vgt.f32 v53, v7;
	v21 =	vmul.f32 v48, v47  }
0x4db: {  	v59 =	vld [tilespmem:$0x1FBF0];
	v17 =	vsel vm8, $0x7, v17;
	v7 =	vsel vm9, v53, v7;
	v53 =	vadd.s32 v63, v6  }
0x4dc: {  	v19 =	vld.idx.msk [tilespmem:v19+s17+$0x0], $0xffff;
	v14 =	vsub.f32 v20, v14;
	v20 =	vadd.f32 v21, v51;
	v21 =	vmul.f32 v52, v37;
	v58 =	vpop (erf)  }
0x4dd: {  	v12 =	vld.idx.msk [tilespmem:v12+s17+$0x0], $0xffff;
	v17 =	vsel vm9, $0x8, v17;
	vm10 =	vgt.f32 v50, v7;
	v8 =	vmul.f32 v58, v8  }
0x4de: {  	v0 =	vadd.f32 v10, v0;
	v23 =	vld.idx.msk [tilespmem:v23+s5+$0x0], $0xffff;
	v17 =	vsel vm10, $0x9, v17;
	v21 =	vadd.f32 v21, v36  }
0x4df: {  	v3 =	vadd.s32 v3, v17;
	v20 =	vadd.f32 $-1.000000000e+00, v20;
	v8 =	vadd.f32 v8, v11;
	v11 =	vld [tilespmem:$0x1FC00]  }
0x4e0: {  	v42 =	vadd.f32 v40, v28;
	v18 =	vmul.f32 v18, v59;
	v22 =	vmul.f32 v30, v45;
	v55 =	vld.idx.msk [tilespmem:v24+s5+$0x0], $0xffff  }
0x4e1: {  	v13 =	vld.idx.msk [tilespmem:v13+s17+$0x0], $0xffff;
	v56 =	vadd.f32 v20, v54;
	v57 =	vadd.f32 $-1.000000000e+00, v21  }
0x4e2: {  	v2 =	vadd.f32 v2, v42;
	vm12 =	vgt.f32 v18, v19;
	vm11 =	vgt.f32 v22, v12;
	v60 =	vld.idx.msk [tilespmem:v53+s5+$0x0], $0xffff  }
0x4e3: {  	v6 =	vld.idx.msk [tilespmem:v6+s17+$0x0], $0xffff;
	v14 =	vnsel vm11, $0x0, v14;
	v12 =	vsub.f32 v56, v23;
	v15 =	vadd.f32 v57, v15  }
0x4e4: {  	v7 =	vsel vm10, v50, v7;
	v2 =	vadd.f32 v14, v2;
	v3 =	vld.idx.msk [tilespmem:v3+s5+$0x0], $0xffff;
	v4 =	vmul.f32 v4, v11  }
0x4e5: {  	v61 =	vld.idx.msk [tilespmem:v17+s17+$0x0], $0xffff;
	v10 =	vnsel vm12, $0x0, v12;
	v8 =	vadd.f32 $-1.000000000e+00, v8;
	v11 =	vsub.f32 v15, v55  }
0x4e6: {  	v2 =	vadd.f32 v10, v2;
	vm13 =	vgt.f32 v4, v13;
	v4 =	vmul.f32 v5, v62  }
0x4e7: {  	v0 =	vsub.f32 v0, v60;
	v63 =	vadd.f32 v8, v25;
	v8 =	vnsel vm13, $0x0, v11  }
0x4e8: {  	v1 =	vmul.f32 v7, v1;
	vm14 =	vgt.f32 v4, v6;
	v2 =	vadd.f32 v8, v2  }
0x4e9: {  	v3 =	vsub.f32 v63, v3;
	v0 =	vnsel vm14, $0x0, v0  }
0x4ea: {  	vm15 =	vgt.f32 v1, v61;
	v0 =	vadd.f32 v0, v2  }
0x4eb: {  	v1 =	vnsel vm15, $0x0, v3  }
0x4ec: {  	v0 =	vadd.f32 v1, v0  }
0x4ed: {  	p0 =	sne.s32 s9, $0x1  }
.Ltmp0:
0x4ee: {  	[tilespmem:$0x1D80] =	vst v0;
	(pc) =	sbr.rel @p0 .LBB2_1-.Ltmp0, $4  }
0x4ef: {  	[hbm4b:s8+s5] =	stream.linear.scatter [tilespmem:s18], [sflag:$0x2], $0x80, $0x38;
	[tilespmem:$0x1E00] =	vst v63  }
0x4f0: {  	_ =	swait.ge [sflag:s19], $0x80  }
0x4f1: {  	[sflag:s19] =	ssyncset.done $0x0  }
0x4f2: {  	s9 =	sadd.s32 $0xFFFFFFFF, s9;
	[sflag:s19] =	ssyncadd.s32 $0xFFFFFF80  }
0x4f3: {  	_ =	sfence.sel $0x180000  }
0x4f4: {  	[bflag:$0x0] =	sbarrier.arrive $0xFFFF  }
0x4f5: {  	p0 =	sne.s32 s4, $0x0;
	_ =	strace $0x90000047  }
0x4f6: {  	s0 =	sadd.s32 @!p0 $0x100000, s2;
	[bflag:$0x2] =	sbarrier.arrive $0xFFFF  }
0x4f7: {  	[sflag:s0] =	ssyncadd.tile.s32 @!p0 $0x1;
	_ =	shalt  }
.Lfunc_end2:
_tile_overlayer_lowered:
.L_overlay_start_2:
0x4f8: {  	(tag) =	ssettag $0x2  }
0x4f9: {  	s0 =	rddreg [dreg:$0x0];
	s2 =	stileid.u32  }
0x4fa: {  	s1 =	rddreg [dreg:$0x1];
	p0 =	sne.s32 s2, $0x0  }
0x4fb: {  	s3 =	rddreg [dreg:$0x2];
	[bflag:$0x3] =	sbarrier.arrive $0xFFFF;
	s2 =	simm.s32 @!p0 $0x1C02  }
0x4fc: {  	[timem:s3], [sflag:s2] =	dma.local @!p0 [hbm:s0], s1  }
0x4fd: {  	s0 =	simm.s32 @!p0 $0x2  }
0x4fe: {  	_ =	swait.ge @!p0 [sflag:s0], s1  }
0x4ff: {  	s1 =	ssub.s32 @!p0 $0x0, s1;
	[sflag:s0] =	ssyncset.done @!p0 $0x0  }
0x500: {  	[sflag:s0] =	ssyncadd.s32 @!p0 s1  }
0x501: {  	[bflag:$0x3] =	sbarrier.arrive $0xFFFF  }
0x502: {  	_ =	shalt  }

</sc_bundles>
